<compile_context>
chip_gen: v7x
topology: tpu7x:2x2x1
jax: 0.10.2.dev20260603
libtpu: 0.0.44.dev20260713+nightly
codegen_flags: <defaults>
</compile_context>

<pallas_src>
import functools

import jax
import jax.numpy as jnp
from jax import lax
from jax.experimental import pallas as pl
from jax.experimental.pallas import tpu as pltpu
from jax.experimental.pallas import tpu_sc as plsc

N = 10000
E = 320000
H = 128

CH = 128
NC, NS = 2, 16
NW = NC * NS
NPAD = 10240
ROWS_PER_SUB = NPAD // NS
EPS = E // NS
NKS = EPS // CH
REMS = EPS - NKS * CH
EPW = E // NW
NKW = EPW // CH
REMW = EPW - NKW * CH

_F32 = jnp.float32
_sds = jax.ShapeDtypeStruct



_MESH = plsc.VectorSubcoreMesh(core_axis_name="c", subcore_axis_name="s")


@functools.partial(
    pl.kernel,
    out_type=(_sds((E, H), _F32), _sds((2, NPAD, H), _F32)),
    mesh=_MESH,
    scratch_types=[
        pltpu.VMEM((CH,), jnp.int32), pltpu.VMEM((CH,), jnp.int32),
        pltpu.VMEM((CH,), jnp.int32), pltpu.VMEM((CH,), jnp.int32),
        pltpu.VMEM((CH,), jnp.int32), pltpu.VMEM((CH,), jnp.int32),
        pltpu.VMEM((CH, H), _F32), pltpu.VMEM((CH, H), _F32),
        pltpu.VMEM_SHARED((NPAD, H), _F32),
        pltpu.VMEM((REMW,), jnp.int32),
        pltpu.SemaphoreType.DMA, pltpu.SemaphoreType.DMA,
        pltpu.SemaphoreType.DMA, pltpu.SemaphoreType.DMA,
        pltpu.SemaphoreType.DMA, pltpu.SemaphoreType.DMA,
        pltpu.SemaphoreType.DMA, pltpu.SemaphoreType.DMA,
    ],
)
def _edge_messages(a_hbm, ps_hbm, pr_hbm, s_hbm, r_hbm, idx2_hbm, zeros_hbm,
                   m_hbm, part_hbm,
                   sidx0, ridx0, sidx1, ridx1, kidx0, kidx1, ab0, ab1,
                   accum, kidxr,
                   semA0, semA1, semG0, semG1, semW0, semW1, semS0, semS1):
    c = lax.axis_index("c")
    sid = lax.axis_index("s")
    w = sid * NC + c
    base_w = w * EPW
    bufs = ((sidx0, ridx0, kidx0, ab0, semA0, semG0, semW0, semS0),
            (sidx1, ridx1, kidx1, ab1, semA1, semG1, semW1, semS1))

    pltpu.sync_copy(zeros_hbm.at[pl.ds(sid * ROWS_PER_SUB, ROWS_PER_SUB)],
                    accum.at[pl.ds(sid * ROWS_PER_SUB, ROWS_PER_SUB)])
    plsc.subcore_barrier()

    def issue_in(k, B):
        sidx, ridx, kidx, ab, semA = B[0], B[1], B[2], B[3], B[4]
        base = base_w + k * CH
        pltpu.async_copy(s_hbm.at[pl.ds(base, CH)], sidx, semA)
        pltpu.async_copy(r_hbm.at[pl.ds(base, CH)], ridx, semA)
        pltpu.async_copy(idx2_hbm.at[pl.ds(c * E + base, CH)], kidx, semA)
        pltpu.async_copy(a_hbm.at[pl.ds(base, CH)], ab, semA)

    def wait_in(k, B):
        sidx, ridx, kidx, ab, semA = B[0], B[1], B[2], B[3], B[4]
        base = base_w + k * CH
        pltpu.make_async_copy(s_hbm.at[pl.ds(base, CH)], sidx, semA).wait()
        pltpu.make_async_copy(r_hbm.at[pl.ds(base, CH)], ridx, semA).wait()
        pltpu.make_async_copy(
            idx2_hbm.at[pl.ds(c * E + base, CH)], kidx, semA).wait()
        pltpu.make_async_copy(a_hbm.at[pl.ds(base, CH)], ab, semA).wait()

    def relu(ab):
        def row(rr, _):
            for j in range(H // 16):
                sl = pl.ds(j * 16, 16)
                ab[rr, sl] = jnp.maximum(ab[rr, sl], 0.0)
            return 0
        lax.fori_loop(0, CH, row, 0)

    def process(k, B, issue_next):
        sidx, ridx, kidx, ab, semA, semG, semW, semS = B
        base = base_w + k * CH
        wait_in(k, B)
        pltpu.async_copy(ps_hbm.at[sidx], ab, semG, add=True)
        pltpu.async_copy(pr_hbm.at[ridx], ab, semG, add=True)
        pltpu.make_async_copy(ps_hbm.at[sidx], ab, semG).wait()
        pltpu.make_async_copy(pr_hbm.at[ridx], ab, semG).wait()
        relu(ab)
        pltpu.async_copy(ab, m_hbm.at[pl.ds(base, CH)], semW)
        pltpu.async_copy(ab, accum.at[kidx], semS, add=True)
        if issue_next:
            pltpu.make_async_copy(ab, m_hbm.at[pl.ds(base, CH)], semW).wait()
            pltpu.make_async_copy(ab, accum.at[kidx], semS).wait()
            issue_in(k + 2, B)

    issue_in(0, bufs[0])
    issue_in(1, bufs[1])

    def pair(p, _):
        for b, B in enumerate(bufs):
            process(2 * p + b, B, True)
        return 0

    lax.fori_loop(0, NKW // 2 - 1, pair, 0)
    for b, B in enumerate(bufs):
        k = NKW - 2 + b
        process(k, B, False)
        pltpu.make_async_copy(
            B[3], m_hbm.at[pl.ds(base_w + k * CH, CH)], B[6]).wait()
        pltpu.make_async_copy(B[3], accum.at[B[2]], B[7]).wait()

    base = base_w + NKW * CH
    sidx, ridx, kidx, ab, semA, semG, semW, semS = bufs[0]
    pltpu.sync_copy(s_hbm.at[pl.ds(base, REMW)], sidx.at[pl.ds(0, REMW)])
    pltpu.sync_copy(r_hbm.at[pl.ds(base, REMW)], ridx.at[pl.ds(0, REMW)])
    pltpu.sync_copy(idx2_hbm.at[pl.ds(c * E + base, REMW)], kidxr)
    pltpu.sync_copy(a_hbm.at[pl.ds(base, REMW)], ab.at[pl.ds(0, REMW)])
    pltpu.async_copy(ps_hbm.at[sidx.at[pl.ds(0, REMW)]],
                     ab.at[pl.ds(0, REMW)], semA, add=True).wait()
    pltpu.async_copy(pr_hbm.at[ridx.at[pl.ds(0, REMW)]],
                     ab.at[pl.ds(0, REMW)], semG, add=True).wait()

    def rrow(rr, _):
        for j in range(H // 16):
            sl = pl.ds(j * 16, 16)
            ab[rr, sl] = jnp.maximum(ab[rr, sl], 0.0)
        return 0

    lax.fori_loop(0, REMW, rrow, 0)
    pltpu.sync_copy(ab.at[pl.ds(0, REMW)], m_hbm.at[pl.ds(base, REMW)])
    pltpu.async_copy(ab.at[pl.ds(0, REMW)], accum.at[kidxr], semS,
                     add=True).wait()

    plsc.subcore_barrier()
    pltpu.sync_copy(accum.at[pl.ds(sid * ROWS_PER_SUB, ROWS_PER_SUB)],
                    part_hbm.at[c, pl.ds(sid * ROWS_PER_SUB, ROWS_PER_SUB)])


@functools.partial(
    pl.kernel,
    out_type=_sds((2, NPAD, H), _F32),
    mesh=_MESH,
    scratch_types=[
        pltpu.VMEM((CH,), jnp.int32), pltpu.VMEM((CH,), jnp.int32),
        pltpu.VMEM((CH, H), _F32), pltpu.VMEM((CH, H), _F32),
        pltpu.VMEM_SHARED((NPAD, H), _F32),
        pltpu.VMEM((REMW,), jnp.int32), pltpu.VMEM((REMW, H), _F32),
        pltpu.SemaphoreType.DMA, pltpu.SemaphoreType.DMA,
        pltpu.SemaphoreType.DMA, pltpu.SemaphoreType.DMA,
    ],
)
def _segment_sums(m_hbm, idx2_hbm, part_hbm, out_hbm,
                  idx0, idx1, rb0, rb1, accum, idxr, rowsr,
                  semI0, semI1, semS0, semS1):
    c = lax.axis_index("c")
    sid = lax.axis_index("s")

    pltpu.sync_copy(part_hbm.at[c, pl.ds(sid * ROWS_PER_SUB, ROWS_PER_SUB)],
                    accum.at[pl.ds(sid * ROWS_PER_SUB, ROWS_PER_SUB)])
    plsc.subcore_barrier()

    base_t = (sid * NC + (1 - c)) * EPW
    bufs = ((idx0, rb0, semI0, semS0), (idx1, rb1, semI1, semS1))

    def issue_in(k, B):
        idxv, rows, semI, _ = B
        base = base_t + k * CH
        pltpu.async_copy(idx2_hbm.at[pl.ds(c * E + base, CH)], idxv, semI)
        pltpu.async_copy(m_hbm.at[pl.ds(base, CH)], rows, semI)

    def process(k, B, issue_next):
        idxv, rows, semI, semS = B
        base = base_t + k * CH
        pltpu.make_async_copy(
            idx2_hbm.at[pl.ds(c * E + base, CH)], idxv, semI).wait()
        pltpu.make_async_copy(m_hbm.at[pl.ds(base, CH)], rows, semI).wait()
        pltpu.async_copy(rows, accum.at[idxv], semS, add=True)
        if issue_next:
            pltpu.make_async_copy(rows, accum.at[idxv], semS).wait()
            issue_in(k + 2, B)

    issue_in(0, bufs[0])
    issue_in(1, bufs[1])

    def pair(p, _):
        for b, B in enumerate(bufs):
            process(2 * p + b, B, True)
        return 0

    lax.fori_loop(0, NKW // 2 - 1, pair, 0)
    for b, B in enumerate(bufs):
        k = NKW - 2 + b
        process(k, B, False)
        pltpu.make_async_copy(B[1], accum.at[B[0]], B[3]).wait()

    base = base_t + NKW * CH
    semS = bufs[0][3]
    pltpu.sync_copy(idx2_hbm.at[pl.ds(c * E + base, REMW)], idxr)
    pltpu.sync_copy(m_hbm.at[pl.ds(base, REMW)], rowsr)
    pltpu.async_copy(rowsr, accum.at[idxr], semS, add=True).wait()

    plsc.subcore_barrier()
    pltpu.sync_copy(accum.at[pl.ds(sid * ROWS_PER_SUB, ROWS_PER_SUB)],
                    out_hbm.at[c, pl.ds(sid * ROWS_PER_SUB, ROWS_PER_SUB)])



def _dot(a, b):
    return jnp.dot(a.astype(jnp.bfloat16), b.astype(jnp.bfloat16),
                   preferred_element_type=_F32)


_BN = 1000
_GN = N // _BN
_BE = 4000
_GE = E // _BE

_full = lambda shape: pl.BlockSpec(shape, lambda i: tuple(0 for _ in shape))


def _prep_body(nf, wen, ben, wes, wer, nemb, ps, pr):
    nb = _dot(nf[...], wen[...]) + ben[...]
    nemb[...] = nb
    ps[...] = _dot(nb, wes[...])
    pr[...] = _dot(nb, wer[...])


def _k_prep(nf, wen, ben, wes, wer):
    return pl.pallas_call(
        _prep_body,
        grid=(_GN,),
        in_specs=[pl.BlockSpec((_BN, H), lambda i: (i, 0)),
                  _full((H, H)), _full((1, H)), _full((H, H)), _full((H, H))],
        out_specs=[pl.BlockSpec((_BN, H), lambda i: (i, 0))] * 3,
        out_shape=[_sds((N, H), _F32)] * 3,
    )(nf, wen, ben, wes, wer)


def _a0_body(ef, wee, bee, we0e, be0, a0):
    emb = _dot(ef[...], wee[...]) + bee[...]
    a0[...] = _dot(emb, we0e[...]) + be0[...]


def _k_a0(ef, wee, bee, we0e, be0):
    return pl.pallas_call(
        _a0_body,
        grid=(_GE,),
        in_specs=[pl.BlockSpec((_BE, H), lambda i: (i, 0)),
                  _full((H, H)), _full((1, H)), _full((H, H)), _full((1, H))],
        out_specs=pl.BlockSpec((_BE, H), lambda i: (i, 0)),
        out_shape=_sds((E, H), _F32),
    )(ef, wee, bee, we0e, be0)


def _a1_body(m0, glob1, we1e, we1g, be1, a1):
    a1[...] = (_dot(m0[...], we1e[...]) + _dot(glob1[...], we1g[...])
               + be1[...])


def _k_a1(m0, glob1, we1e, we1g, be1):
    return pl.pallas_call(
        _a1_body,
        grid=(_GE,),
        in_specs=[pl.BlockSpec((_BE, H), lambda i: (i, 0)),
                  _full((1, H)), _full((H, H)), _full((H, H)), _full((1, H))],
        out_specs=pl.BlockSpec((_BE, H), lambda i: (i, 0)),
        out_shape=_sds((E, H), _F32),
    )(m0, glob1, we1e, we1g, be1)


def _node0_body(nemb, sr, wnn, wns, wnr, bn, wes, wer,
                nodes1, ps1, pr1, nagg, eagg):
    sent = sr[0]
    recv = sr[1]
    x = (_dot(nemb[...], wnn[...]) + _dot(sent, wns[...])
         + _dot(recv, wnr[...]) + bn[...])
    x = jnp.maximum(x, 0.0)
    nodes1[...] = x
    ps1[...] = _dot(x, wes[...])
    pr1[...] = _dot(x, wer[...])
    pn = jnp.sum(x, axis=0, keepdims=True)
    pe = jnp.sum(sent, axis=0, keepdims=True)

    @pl.when(pl.program_id(0) == 0)
    def _():
        nagg[...] = pn
        eagg[...] = pe

    @pl.when(pl.program_id(0) != 0)
    def _():
        nagg[...] += pn
        eagg[...] += pe


def _k_node0(nemb, sr, wnn, wns, wnr, bn, wes, wer):
    return pl.pallas_call(
        _node0_body,
        grid=(_GN,),
        in_specs=[pl.BlockSpec((_BN, H), lambda i: (i, 0)),
                  pl.BlockSpec((2, _BN, H), lambda i: (0, i, 0)),
                  _full((H, H)), _full((H, H)), _full((H, H)), _full((1, H)),
                  _full((H, H)), _full((H, H))],
        out_specs=[pl.BlockSpec((_BN, H), lambda i: (i, 0))] * 3
        + [pl.BlockSpec((1, H), lambda i: (0, 0))] * 2,
        out_shape=[_sds((N, H), _F32)] * 3 + [_sds((1, H), _F32)] * 2,
    )(nemb, sr, wnn, wns, wnr, bn, wes, wer)


def _glob1_body(nagg, eagg, wga, wgb, bg, glob1):
    glob1[...] = jnp.maximum(
        _dot(nagg[...], wga[...]) + _dot(eagg[...], wgb[...]) + bg[...], 0.0)


def _k_glob1(nagg, eagg, wga, wgb, bg):
    return pl.pallas_call(
        _glob1_body,
        out_shape=_sds((1, H), _F32),
    )(nagg, eagg, wga, wgb, bg)


def _node1_body(nodes1, sr, glob1, wnn, wns, wnr, wng, bn, nagg, eagg):
    sent = sr[0]
    recv = sr[1]
    grow = _dot(glob1[...], wng[...]) + bn[...]
    x = (_dot(nodes1[...], wnn[...]) + _dot(sent, wns[...])
         + _dot(recv, wnr[...]) + grow)
    x = jnp.maximum(x, 0.0)
    pn = jnp.sum(x, axis=0, keepdims=True)
    pe = jnp.sum(sent, axis=0, keepdims=True)

    @pl.when(pl.program_id(0) == 0)
    def _():
        nagg[...] = pn
        eagg[...] = pe

    @pl.when(pl.program_id(0) != 0)
    def _():
        nagg[...] += pn
        eagg[...] += pe


def _k_node1(nodes1, sr, glob1, wnn, wns, wnr, wng, bn):
    return pl.pallas_call(
        _node1_body,
        grid=(_GN,),
        in_specs=[pl.BlockSpec((_BN, H), lambda i: (i, 0)),
                  pl.BlockSpec((2, _BN, H), lambda i: (0, i, 0)),
                  _full((1, H)),
                  _full((H, H)), _full((H, H)), _full((H, H)), _full((H, H)),
                  _full((1, H))],
        out_specs=[pl.BlockSpec((1, H), lambda i: (0, 0))] * 2,
        out_shape=[_sds((1, H), _F32)] * 2,
    )(nodes1, sr, glob1, wnn, wns, wnr, wng, bn)


def _final_body(nagg, eagg, glob1, wga, wgb, wgc, bg, wdec_row, bdec, out):
    glob2 = jnp.maximum(
        _dot(nagg[...], wga[...]) + _dot(eagg[...], wgb[...])
        + _dot(glob1[...], wgc[...]) + bg[...], 0.0)
    out[...] = (jnp.sum(glob2 * wdec_row[...], axis=1, keepdims=True)
                + bdec[...])


def _k_final(nagg, eagg, glob1, wga, wgb, wgc, bg, wdec_row, bdec):
    return pl.pallas_call(
        _final_body,
        out_shape=_sds((1, 1), _F32),
    )(nagg, eagg, glob1, wga, wgb, wgc, bg, wdec_row, bdec)



def kernel(node_feats, edge_feats, senders, receivers, W_en, b_en, W_ee, b_ee,
           W_e0, b_e0, W_n0, b_n0, W_g0, b_g0,
           W_e1, b_e1, W_n1, b_n1, W_g1, b_g1,
           W_dec, b_dec):
    row = lambda b: b.reshape(1, -1)
    idx2 = jnp.concatenate([senders, receivers])
    zerosN = jnp.zeros((NPAD, H), _F32)

    we0e, we0s, we0r = W_e0[0:H], W_e0[H:2 * H], W_e0[2 * H:3 * H]
    wn0n, wn0s, wn0r = W_n0[0:H], W_n0[H:2 * H], W_n0[2 * H:3 * H]
    wg0a, wg0b = W_g0[0:H], W_g0[H:2 * H]
    we1e, we1s, we1r, we1g = W_e1[0:H], W_e1[H:2 * H], W_e1[2 * H:3 * H], W_e1[3 * H:4 * H]
    wn1n, wn1s, wn1r, wn1g = W_n1[0:H], W_n1[H:2 * H], W_n1[2 * H:3 * H], W_n1[3 * H:4 * H]
    wg1a, wg1b, wg1c = W_g1[0:H], W_g1[H:2 * H], W_g1[2 * H:3 * H]

    nemb, ps0, pr0 = _k_prep(node_feats, W_en, row(b_en), we0s, we0r)
    ef_pad = jnp.pad(edge_feats, ((0, 0), (0, H - 16)))
    wee_pad = jnp.pad(W_ee, ((0, H - 16), (0, 0)))
    a0 = _k_a0(ef_pad, wee_pad, row(b_ee), we0e, row(b_e0))
    m0, part0 = _edge_messages(a0, ps0, pr0, senders, receivers, idx2, zerosN)
    sr0 = _segment_sums(m0, idx2, part0)
    nodes1, ps1, pr1, nagg1, eagg1 = _k_node0(
        nemb, sr0, wn0n, wn0s, wn0r, row(b_n0), we1s, we1r)
    glob1 = _k_glob1(nagg1, eagg1, wg0a, wg0b, row(b_g0))
    a1 = _k_a1(m0, glob1, we1e, we1g, row(b_e1))
    m1, part1 = _edge_messages(a1, ps1, pr1, senders, receivers, idx2, zerosN)
    sr1 = _segment_sums(m1, idx2, part1)
    nagg2, eagg2 = _k_node1(
        nodes1, sr1, glob1, wn1n, wn1s, wn1r, wn1g, row(b_n1))
    return _k_final(nagg2, eagg2, glob1, wg1a, wg1b, wg1c, row(b_g1),
                    W_dec.reshape(1, H), row(b_dec))

# --- scband reference (transcript-rebuilt; emitter-appended) ---
"""Pipeline reference for scband-gnn-24257975287915 (READ-ONLY COPY).

The authoritative reference and input builder live on the scoring server;
editing this copy changes nothing except your own understanding.
"""

import jax, jax.numpy as jnp
import numpy as np

N = 10000
E = 320000
D_FEAT = 128
D_EDGE = 16
LATENT = 128
HIDDEN = 128
NUM_OUT = 1


def _w(key, fan_in, fan_out):
    return (jax.random.normal(key, (fan_in, fan_out), jnp.float32) / np.sqrt(fan_in)).astype(jnp.float32)


def setup_inputs(seed: int = 0) -> dict:
    key = jax.random.key(seed)
    ks = jax.random.split(key, 16)
    inp = {}
    inp['node_feats'] = jax.random.normal(ks[0], (N, D_FEAT), jnp.float32)
    inp['edge_feats'] = jax.random.normal(ks[1], (E, D_EDGE), jnp.float32)
    inp['senders'] = jax.random.randint(ks[2], (E,), 0, N, jnp.int32)
    inp['receivers'] = jax.random.randint(ks[3], (E,), 0, N, jnp.int32)
    inp['W_en'] = _w(ks[4], D_FEAT, LATENT); inp['b_en'] = jnp.zeros((LATENT,), jnp.float32)
    inp['W_ee'] = _w(ks[5], D_EDGE, LATENT); inp['b_ee'] = jnp.zeros((LATENT,), jnp.float32)
    # message-passing step 0 (global dim = NUM_OUT since globals start as zeros[1, num_outputs])
    inp['W_e0'] = _w(ks[6], 3 * LATENT + NUM_OUT, HIDDEN); inp['b_e0'] = jnp.zeros((HIDDEN,), jnp.float32)
    inp['W_n0'] = _w(ks[7], LATENT + 2 * HIDDEN + NUM_OUT, HIDDEN); inp['b_n0'] = jnp.zeros((HIDDEN,), jnp.float32)
    inp['W_g0'] = _w(ks[8], 2 * HIDDEN + NUM_OUT, HIDDEN); inp['b_g0'] = jnp.zeros((HIDDEN,), jnp.float32)
    # message-passing step 1 (global dim = HIDDEN after first global update)
    inp['W_e1'] = _w(ks[9], 4 * HIDDEN, HIDDEN); inp['b_e1'] = jnp.zeros((HIDDEN,), jnp.float32)
    inp['W_n1'] = _w(ks[10], 4 * HIDDEN, HIDDEN); inp['b_n1'] = jnp.zeros((HIDDEN,), jnp.float32)
    inp['W_g1'] = _w(ks[11], 3 * HIDDEN, HIDDEN); inp['b_g1'] = jnp.zeros((HIDDEN,), jnp.float32)
    inp['W_dec'] = _w(ks[12], HIDDEN, NUM_OUT); inp['b_dec'] = jnp.zeros((NUM_OUT,), jnp.float32)
    return inp


def reference(node_feats, edge_feats, senders, receivers, W_en, b_en, W_ee, b_ee,
              W_e0, b_e0, W_n0, b_n0, W_g0, b_g0,
              W_e1, b_e1, W_n1, b_n1, W_g1, b_g1,
              W_dec, b_dec):
    # Embedder (jraph.GraphMapFeatures with Dense embeds for nodes and edges)
    nodes = node_feats @ W_en + b_en
    edges = edge_feats @ W_ee + b_ee
    # globals initialized to zeros[n_graphs=1, num_outputs]
    glob = jnp.zeros((1, NUM_OUT), jnp.float32)
    steps = ((W_e0, b_e0, W_n0, b_n0, W_g0, b_g0),
             (W_e1, b_e1, W_n1, b_n1, W_g1, b_g1))
    for (We, be, Wn, bn, Wg, bg) in steps:
        # jraph.GraphNetwork: update_edge_fn(edges, sent_attrs, received_attrs, globals)
        g_e = jnp.broadcast_to(glob, (edges.shape[0], glob.shape[-1]))
        edge_in = jnp.concatenate([edges, nodes[senders], nodes[receivers], g_e], axis=-1)
        edges = jax.nn.relu(edge_in @ We + be)  # MLP hidden_dims=(128,), relu, no norm, no dropout (eval)
        # update_node_fn(nodes, sum of outgoing edges, sum of incoming edges, globals)
        sent = jax.ops.segment_sum(edges, senders, num_segments=nodes.shape[0])
        recv = jax.ops.segment_sum(edges, receivers, num_segments=nodes.shape[0])
        g_n = jnp.broadcast_to(glob, (nodes.shape[0], glob.shape[-1]))
        node_in = jnp.concatenate([nodes, sent, recv, g_n], axis=-1)
        nodes = jax.nn.relu(node_in @ Wn + bn)
        # update_global_fn(sum of nodes, sum of edges, globals) -- single graph
        node_agg = jnp.sum(nodes, axis=0, keepdims=True)
        edge_agg = jnp.sum(edges, axis=0, keepdims=True)
        glob_in = jnp.concatenate([node_agg, edge_agg, glob], axis=-1)
        glob = jax.nn.relu(glob_in @ Wg + bg)
    # Decoder on globals
    return glob @ W_dec + b_dec

if __name__ == "__main__":
    import jax
    _d = setup_inputs()
    print(jax.jit(kernel)(*tuple(_d.values())))

</pallas_src>

<mosaic_0001>
#map = affine_map<(d0, d1) -> (0, 0)>
#map1 = affine_map<(d0, d1) -> (0)>
#map2 = affine_map<(d0, d1) -> (0, 0, 0)>
module attributes {stable_mosaic.version = 14 : i64} {
  func.func @_segment_sums(%arg0: i32, %arg1: i32, %arg2: memref<320000x128xf32, #tpu.memory_space<hbm>>, %arg3: memref<640000xi32, #tpu.memory_space<hbm>>, %arg4: memref<2x10240x128xf32, #tpu.memory_space<hbm>>, %arg5: memref<2x10240x128xf32, #tpu.memory_space<hbm>>, %arg6: memref<128xi32, #tpu.memory_space<vmem>>, %arg7: memref<128xi32, #tpu.memory_space<vmem>>, %arg8: memref<128x128xf32, #tpu.memory_space<vmem>>, %arg9: memref<128x128xf32, #tpu.memory_space<vmem>>, %arg10: memref<10240x128xf32, #tpu.memory_space<vmem_shared>>, %arg11: memref<16xi32, #tpu.memory_space<vmem>>, %arg12: memref<16x128xf32, #tpu.memory_space<vmem>>, %arg13: memref<!tpu.dma_semaphore, #tpu.memory_space<semaphore_mem>>, %arg14: memref<!tpu.dma_semaphore, #tpu.memory_space<semaphore_mem>>, %arg15: memref<!tpu.dma_semaphore, #tpu.memory_space<semaphore_mem>>, %arg16: memref<!tpu.dma_semaphore, #tpu.memory_space<semaphore_mem>>) attributes {dimension_semantics = [#tpu.dimension_semantics<core_parallel>, #tpu.dimension_semantics<subcore_parallel>], iteration_bounds = array<i64: 2, 16>, scalar_prefetch = 0 : i64, scratch_operands = 11 : i64, tpu.core_type = #tpu.core_type<sc_vector_subcore>, window_params = [{transform_indices = #map}, {transform_indices = #map1}, {transform_indices = #map2}, {transform_indices = #map2}]} {
    %mul3A = arith.constant 640 : i32
    %mul3A_0 = arith.muli %arg1, %mul3A : i32
    %mul3A_1 = arith.constant 640 : i32
    %mul3A_2 = arith.muli %arg1, %mul3A_1 : i32
    "tpu.region"() ({
      %run_scoped3A = tpu.sem_alloc : memref<!tpu.dma_semaphore, #tpu.memory_space<semaphore_mem>>
      %dma_start3A_84 = arith.constant 0 : i32
      %dma_start3A_85 = tpu.memref_slice %arg10[%mul3A_2, %dma_start3A_84] : memref<10240x128xf32, #tpu.memory_space<vmem_shared>> -> memref<640x128xf32, #tpu.memory_space<vmem_shared>>
      %dma_start3A_86 = arith.constant 0 : i32
      %dma_start3A_87 = tpu.memref_slice %arg4[%arg0, %mul3A_0, %dma_start3A_86] : memref<2x10240x128xf32, #tpu.memory_space<hbm>> -> memref<1x640x128xf32, #tpu.memory_space<hbm>>
      %dma_start3A_88 = tpu.memref_squeeze %dma_start3A_87 : memref<1x640x128xf32, #tpu.memory_space<hbm>> -> memref<640x128xf32, #tpu.memory_space<hbm>>
      tpu.enqueue_dma source(%dma_start3A_88 : memref<640x128xf32, #tpu.memory_space<hbm>>) target(%dma_start3A_85 : memref<640x128xf32, #tpu.memory_space<vmem_shared>>) target_semaphore(%run_scoped3A : memref<!tpu.dma_semaphore, #tpu.memory_space<semaphore_mem>>)
      %dma_wait3A_89 = arith.constant 0 : i32
      %dma_wait3A_90 = tpu.memref_slice %arg10[%mul3A_2, %dma_wait3A_89] : memref<10240x128xf32, #tpu.memory_space<vmem_shared>> -> memref<640x128xf32, #tpu.memory_space<vmem_shared>>
      %dma_wait3A_91 = arith.constant 0 : i32
      %dma_wait3A_92 = tpu.memref_slice %arg4[%arg0, %mul3A_0, %dma_wait3A_91] : memref<2x10240x128xf32, #tpu.memory_space<hbm>> -> memref<1x640x128xf32, #tpu.memory_space<hbm>>
      %dma_wait3A_93 = tpu.memref_squeeze %dma_wait3A_92 : memref<1x640x128xf32, #tpu.memory_space<hbm>> -> memref<640x128xf32, #tpu.memory_space<hbm>>
      tpu.wait_dma2 semaphore(%run_scoped3A : memref<!tpu.dma_semaphore, #tpu.memory_space<semaphore_mem>>) src(%dma_wait3A_93 : memref<640x128xf32, #tpu.memory_space<hbm>>) dst(%dma_wait3A_90 : memref<640x128xf32, #tpu.memory_space<vmem_shared>>)
      tpu.yield
    }) : () -> ()
    %barrier3A = arith.constant 0 : index
    tpu.barrier barrier_id(%barrier3A)
    %mul3A_3 = arith.constant 2 : i32
    %mul3A_4 = arith.muli %arg1, %mul3A_3 : i32
    %sub3A = arith.constant 1 : i32
    %sub3A_5 = arith.subi %sub3A, %arg0 : i32
    %add3A = arith.addi %mul3A_4, %sub3A_5 : i32
    %mul3A_6 = arith.constant 10000 : i32
    %mul3A_7 = arith.muli %add3A, %mul3A_6 : i32
    %add3A_8 = arith.constant 0 : i32
    %add3A_9 = arith.addi %mul3A_7, %add3A_8 : i32
    %mul3A_10 = arith.constant 320000 : i32
    %mul3A_11 = arith.muli %arg0, %mul3A_10 : i32
    %add3A_12 = arith.addi %mul3A_11, %add3A_9 : i32
    %dma_start3A = tpu.memref_slice %arg3[%add3A_12] : memref<640000xi32, #tpu.memory_space<hbm>> -> memref<128xi32, #tpu.memory_space<hbm>>
    %dma_start3A_13 = tpu.memref_slice %arg3[%add3A_12] : memref<640000xi32, #tpu.memory_space<hbm>> -> memref<128xi32, #tpu.memory_space<hbm>>
    tpu.enqueue_dma source(%dma_start3A_13 : memref<128xi32, #tpu.memory_space<hbm>>) target(%arg6 : memref<128xi32, #tpu.memory_space<vmem>>) target_semaphore(%arg13 : memref<!tpu.dma_semaphore, #tpu.memory_space<semaphore_mem>>)
    %dma_start3A_14 = arith.constant 0 : i32
    %dma_start3A_15 = tpu.memref_slice %arg2[%add3A_9, %dma_start3A_14] : memref<320000x128xf32, #tpu.memory_space<hbm>> -> memref<128x128xf32, #tpu.memory_space<hbm>>
    %dma_start3A_16 = arith.constant 0 : i32
    %dma_start3A_17 = tpu.memref_slice %arg2[%add3A_9, %dma_start3A_16] : memref<320000x128xf32, #tpu.memory_space<hbm>> -> memref<128x128xf32, #tpu.memory_space<hbm>>
    tpu.enqueue_dma source(%dma_start3A_17 : memref<128x128xf32, #tpu.memory_space<hbm>>) target(%arg8 : memref<128x128xf32, #tpu.memory_space<vmem>>) target_semaphore(%arg13 : memref<!tpu.dma_semaphore, #tpu.memory_space<semaphore_mem>>)
    %add3A_18 = arith.constant 128 : i32
    %add3A_19 = arith.addi %mul3A_7, %add3A_18 : i32
    %mul3A_20 = arith.constant 320000 : i32
    %mul3A_21 = arith.muli %arg0, %mul3A_20 : i32
    %add3A_22 = arith.addi %mul3A_21, %add3A_19 : i32
    %dma_start3A_23 = tpu.memref_slice %arg3[%add3A_22] : memref<640000xi32, #tpu.memory_space<hbm>> -> memref<128xi32, #tpu.memory_space<hbm>>
    %dma_start3A_24 = tpu.memref_slice %arg3[%add3A_22] : memref<640000xi32, #tpu.memory_space<hbm>> -> memref<128xi32, #tpu.memory_space<hbm>>
    tpu.enqueue_dma source(%dma_start3A_24 : memref<128xi32, #tpu.memory_space<hbm>>) target(%arg7 : memref<128xi32, #tpu.memory_space<vmem>>) target_semaphore(%arg14 : memref<!tpu.dma_semaphore, #tpu.memory_space<semaphore_mem>>)
    %dma_start3A_25 = arith.constant 0 : i32
    %dma_start3A_26 = tpu.memref_slice %arg2[%add3A_19, %dma_start3A_25] : memref<320000x128xf32, #tpu.memory_space<hbm>> -> memref<128x128xf32, #tpu.memory_space<hbm>>
    %dma_start3A_27 = arith.constant 0 : i32
    %dma_start3A_28 = tpu.memref_slice %arg2[%add3A_19, %dma_start3A_27] : memref<320000x128xf32, #tpu.memory_space<hbm>> -> memref<128x128xf32, #tpu.memory_space<hbm>>
    tpu.enqueue_dma source(%dma_start3A_28 : memref<128x128xf32, #tpu.memory_space<hbm>>) target(%arg9 : memref<128x128xf32, #tpu.memory_space<vmem>>) target_semaphore(%arg14 : memref<!tpu.dma_semaphore, #tpu.memory_space<semaphore_mem>>)
    %scan3A = arith.constant 0 : i32
    %scan3A_29 = arith.constant 0 : i32
    %scan3A_30 = arith.constant 38 : i32
    %scan3A_31 = arith.addi %scan3A_29, %scan3A_30 : i32
    %scan3A_32 = arith.constant 1 : i32
    %scan3A_33 = scf.for %scan3A_84 = %scan3A_29 to %scan3A_31 step %scan3A_32 iter_args(%scan3A_85 = %scan3A) -> (i32)  : i32 {
      %mul3A_86 = arith.constant 2 : i32
      %mul3A_87 = arith.muli %mul3A_86, %scan3A_84 : i32
      %add3A_88 = arith.constant 0 : i32
      %add3A_89 = arith.addi %mul3A_87, %add3A_88 : i32
      %mul3A_90 = arith.constant 128 : i32
      %mul3A_91 = arith.muli %add3A_89, %mul3A_90 : i32
      %add3A_92 = arith.addi %mul3A_7, %mul3A_91 : i32
      %mul3A_93 = arith.constant 320000 : i32
      %mul3A_94 = arith.muli %arg0, %mul3A_93 : i32
      %add3A_95 = arith.addi %mul3A_94, %add3A_92 : i32
      %dma_wait3A_96 = tpu.memref_slice %arg3[%add3A_95] : memref<640000xi32, #tpu.memory_space<hbm>> -> memref<128xi32, #tpu.memory_space<hbm>>
      %dma_wait3A_97 = tpu.memref_slice %arg3[%add3A_95] : memref<640000xi32, #tpu.memory_space<hbm>> -> memref<128xi32, #tpu.memory_space<hbm>>
      tpu.wait_dma2 semaphore(%arg13 : memref<!tpu.dma_semaphore, #tpu.memory_space<semaphore_mem>>) src(%dma_wait3A_97 : memref<128xi32, #tpu.memory_space<hbm>>) dst(%arg6 : memref<128xi32, #tpu.memory_space<vmem>>)
      %dma_wait3A_98 = arith.constant 0 : i32
      %dma_wait3A_99 = tpu.memref_slice %arg2[%add3A_92, %dma_wait3A_98] : memref<320000x128xf32, #tpu.memory_space<hbm>> -> memref<128x128xf32, #tpu.memory_space<hbm>>
      %dma_wait3A_100 = arith.constant 0 : i32
      %dma_wait3A_101 = tpu.memref_slice %arg2[%add3A_92, %dma_wait3A_100] : memref<320000x128xf32, #tpu.memory_space<hbm>> -> memref<128x128xf32, #tpu.memory_space<hbm>>
      tpu.wait_dma2 semaphore(%arg13 : memref<!tpu.dma_semaphore, #tpu.memory_space<semaphore_mem>>) src(%dma_wait3A_101 : memref<128x128xf32, #tpu.memory_space<hbm>>) dst(%arg8 : memref<128x128xf32, #tpu.memory_space<vmem>>)
      %dma_start3A_102 = arith.constant 0 : i32
      %dma_start3A_103 = arith.constant 0 : i32
      %dma_start3A_104 = tpu.memref_slice %arg10[%dma_start3A_102, %dma_start3A_103] : memref<10240x128xf32, #tpu.memory_space<vmem_shared>> -> memref<10240x128xf32, #tpu.memory_space<vmem_shared>>
      tpu.enqueue_indirect_dma source(%arg8 : memref<128x128xf32, #tpu.memory_space<vmem>>) target(%dma_start3A_104 : memref<10240x128xf32, #tpu.memory_space<vmem_shared>>) offsets(%arg6 : memref<128xi32, #tpu.memory_space<vmem>>) semaphore(%arg15 : memref<!tpu.dma_semaphore, #tpu.memory_space<semaphore_mem>>) {add = true}
      %dma_wait3A_105 = arith.constant 0 : i32
      %dma_wait3A_106 = arith.constant 0 : i32
      %dma_wait3A_107 = tpu.memref_slice %arg10[%dma_wait3A_105, %dma_wait3A_106] : memref<10240x128xf32, #tpu.memory_space<vmem_shared>> -> memref<10240x128xf32, #tpu.memory_space<vmem_shared>>
      tpu.wait_indirect_dma semaphore(%arg15 : memref<!tpu.dma_semaphore, #tpu.memory_space<semaphore_mem>>) src(%arg8 : memref<128x128xf32, #tpu.memory_space<vmem>>) dst(%dma_wait3A_107 : memref<10240x128xf32, #tpu.memory_space<vmem_shared>>)
      %add3A_108 = arith.constant 2 : i32
      %add3A_109 = arith.addi %add3A_89, %add3A_108 : i32
      %mul3A_110 = arith.constant 128 : i32
      %mul3A_111 = arith.muli %add3A_109, %mul3A_110 : i32
      %add3A_112 = arith.addi %mul3A_7, %mul3A_111 : i32
      %mul3A_113 = arith.constant 320000 : i32
      %mul3A_114 = arith.muli %arg0, %mul3A_113 : i32
      %add3A_115 = arith.addi %mul3A_114, %add3A_112 : i32
      %dma_start3A_116 = tpu.memref_slice %arg3[%add3A_115] : memref<640000xi32, #tpu.memory_space<hbm>> -> memref<128xi32, #tpu.memory_space<hbm>>
      %dma_start3A_117 = tpu.memref_slice %arg3[%add3A_115] : memref<640000xi32, #tpu.memory_space<hbm>> -> memref<128xi32, #tpu.memory_space<hbm>>
      tpu.enqueue_dma source(%dma_start3A_117 : memref<128xi32, #tpu.memory_space<hbm>>) target(%arg6 : memref<128xi32, #tpu.memory_space<vmem>>) target_semaphore(%arg13 : memref<!tpu.dma_semaphore, #tpu.memory_space<semaphore_mem>>)
      %dma_start3A_118 = arith.constant 0 : i32
      %dma_start3A_119 = tpu.memref_slice %arg2[%add3A_112, %dma_start3A_118] : memref<320000x128xf32, #tpu.memory_space<hbm>> -> memref<128x128xf32, #tpu.memory_space<hbm>>
      %dma_start3A_120 = arith.constant 0 : i32
      %dma_start3A_121 = tpu.memref_slice %arg2[%add3A_112, %dma_start3A_120] : memref<320000x128xf32, #tpu.memory_space<hbm>> -> memref<128x128xf32, #tpu.memory_space<hbm>>
      tpu.enqueue_dma source(%dma_start3A_121 : memref<128x128xf32, #tpu.memory_space<hbm>>) target(%arg8 : memref<128x128xf32, #tpu.memory_space<vmem>>) target_semaphore(%arg13 : memref<!tpu.dma_semaphore, #tpu.memory_space<semaphore_mem>>)
      %mul3A_122 = arith.constant 2 : i32
      %mul3A_123 = arith.muli %mul3A_122, %scan3A_84 : i32
      %add3A_124 = arith.constant 1 : i32
      %add3A_125 = arith.addi %mul3A_123, %add3A_124 : i32
      %mul3A_126 = arith.constant 128 : i32
      %mul3A_127 = arith.muli %add3A_125, %mul3A_126 : i32
      %add3A_128 = arith.addi %mul3A_7, %mul3A_127 : i32
      %mul3A_129 = arith.constant 320000 : i32
      %mul3A_130 = arith.muli %arg0, %mul3A_129 : i32
      %add3A_131 = arith.addi %mul3A_130, %add3A_128 : i32
      %dma_wait3A_132 = tpu.memref_slice %arg3[%add3A_131] : memref<640000xi32, #tpu.memory_space<hbm>> -> memref<128xi32, #tpu.memory_space<hbm>>
      %dma_wait3A_133 = tpu.memref_slice %arg3[%add3A_131] : memref<640000xi32, #tpu.memory_space<hbm>> -> memref<128xi32, #tpu.memory_space<hbm>>
      tpu.wait_dma2 semaphore(%arg14 : memref<!tpu.dma_semaphore, #tpu.memory_space<semaphore_mem>>) src(%dma_wait3A_133 : memref<128xi32, #tpu.memory_space<hbm>>) dst(%arg7 : memref<128xi32, #tpu.memory_space<vmem>>)
      %dma_wait3A_134 = arith.constant 0 : i32
      %dma_wait3A_135 = tpu.memref_slice %arg2[%add3A_128, %dma_wait3A_134] : memref<320000x128xf32, #tpu.memory_space<hbm>> -> memref<128x128xf32, #tpu.memory_space<hbm>>
      %dma_wait3A_136 = arith.constant 0 : i32
      %dma_wait3A_137 = tpu.memref_slice %arg2[%add3A_128, %dma_wait3A_136] : memref<320000x128xf32, #tpu.memory_space<hbm>> -> memref<128x128xf32, #tpu.memory_space<hbm>>
      tpu.wait_dma2 semaphore(%arg14 : memref<!tpu.dma_semaphore, #tpu.memory_space<semaphore_mem>>) src(%dma_wait3A_137 : memref<128x128xf32, #tpu.memory_space<hbm>>) dst(%arg9 : memref<128x128xf32, #tpu.memory_space<vmem>>)
      %dma_start3A_138 = arith.constant 0 : i32
      %dma_start3A_139 = arith.constant 0 : i32
      %dma_start3A_140 = tpu.memref_slice %arg10[%dma_start3A_138, %dma_start3A_139] : memref<10240x128xf32, #tpu.memory_space<vmem_shared>> -> memref<10240x128xf32, #tpu.memory_space<vmem_shared>>
      tpu.enqueue_indirect_dma source(%arg9 : memref<128x128xf32, #tpu.memory_space<vmem>>) target(%dma_start3A_140 : memref<10240x128xf32, #tpu.memory_space<vmem_shared>>) offsets(%arg7 : memref<128xi32, #tpu.memory_space<vmem>>) semaphore(%arg16 : memref<!tpu.dma_semaphore, #tpu.memory_space<semaphore_mem>>) {add = true}
      %dma_wait3A_141 = arith.constant 0 : i32
      %dma_wait3A_142 = arith.constant 0 : i32
      %dma_wait3A_143 = tpu.memref_slice %arg10[%dma_wait3A_141, %dma_wait3A_142] : memref<10240x128xf32, #tpu.memory_space<vmem_shared>> -> memref<10240x128xf32, #tpu.memory_space<vmem_shared>>
      tpu.wait_indirect_dma semaphore(%arg16 : memref<!tpu.dma_semaphore, #tpu.memory_space<semaphore_mem>>) src(%arg9 : memref<128x128xf32, #tpu.memory_space<vmem>>) dst(%dma_wait3A_143 : memref<10240x128xf32, #tpu.memory_space<vmem_shared>>)
      %add3A_144 = arith.constant 2 : i32
      %add3A_145 = arith.addi %add3A_125, %add3A_144 : i32
      %mul3A_146 = arith.constant 128 : i32
      %mul3A_147 = arith.muli %add3A_145, %mul3A_146 : i32
      %add3A_148 = arith.addi %mul3A_7, %mul3A_147 : i32
      %mul3A_149 = arith.constant 320000 : i32
      %mul3A_150 = arith.muli %arg0, %mul3A_149 : i32
      %add3A_151 = arith.addi %mul3A_150, %add3A_148 : i32
      %dma_start3A_152 = tpu.memref_slice %arg3[%add3A_151] : memref<640000xi32, #tpu.memory_space<hbm>> -> memref<128xi32, #tpu.memory_space<hbm>>
      %dma_start3A_153 = tpu.memref_slice %arg3[%add3A_151] : memref<640000xi32, #tpu.memory_space<hbm>> -> memref<128xi32, #tpu.memory_space<hbm>>
      tpu.enqueue_dma source(%dma_start3A_153 : memref<128xi32, #tpu.memory_space<hbm>>) target(%arg7 : memref<128xi32, #tpu.memory_space<vmem>>) target_semaphore(%arg14 : memref<!tpu.dma_semaphore, #tpu.memory_space<semaphore_mem>>)
      %dma_start3A_154 = arith.constant 0 : i32
      %dma_start3A_155 = tpu.memref_slice %arg2[%add3A_148, %dma_start3A_154] : memref<320000x128xf32, #tpu.memory_space<hbm>> -> memref<128x128xf32, #tpu.memory_space<hbm>>
      %dma_start3A_156 = arith.constant 0 : i32
      %dma_start3A_157 = tpu.memref_slice %arg2[%add3A_148, %dma_start3A_156] : memref<320000x128xf32, #tpu.memory_space<hbm>> -> memref<128x128xf32, #tpu.memory_space<hbm>>
      tpu.enqueue_dma source(%dma_start3A_157 : memref<128x128xf32, #tpu.memory_space<hbm>>) target(%arg9 : memref<128x128xf32, #tpu.memory_space<vmem>>) target_semaphore(%arg14 : memref<!tpu.dma_semaphore, #tpu.memory_space<semaphore_mem>>)
      %scan3A_158 = arith.constant 0 : i32
      scf.yield %scan3A_158 : i32
    }
    %scan3A_34 = arith.constant 38 : i32
    %add3A_35 = arith.constant 9728 : i32
    %add3A_36 = arith.addi %mul3A_7, %add3A_35 : i32
    %mul3A_37 = arith.constant 320000 : i32
    %mul3A_38 = arith.muli %arg0, %mul3A_37 : i32
    %add3A_39 = arith.addi %mul3A_38, %add3A_36 : i32
    %dma_wait3A = tpu.memref_slice %arg3[%add3A_39] : memref<640000xi32, #tpu.memory_space<hbm>> -> memref<128xi32, #tpu.memory_space<hbm>>
    %dma_wait3A_40 = tpu.memref_slice %arg3[%add3A_39] : memref<640000xi32, #tpu.memory_space<hbm>> -> memref<128xi32, #tpu.memory_space<hbm>>
    tpu.wait_dma2 semaphore(%arg13 : memref<!tpu.dma_semaphore, #tpu.memory_space<semaphore_mem>>) src(%dma_wait3A_40 : memref<128xi32, #tpu.memory_space<hbm>>) dst(%arg6 : memref<128xi32, #tpu.memory_space<vmem>>)
    %dma_wait3A_41 = arith.constant 0 : i32
    %dma_wait3A_42 = tpu.memref_slice %arg2[%add3A_36, %dma_wait3A_41] : memref<320000x128xf32, #tpu.memory_space<hbm>> -> memref<128x128xf32, #tpu.memory_space<hbm>>
    %dma_wait3A_43 = arith.constant 0 : i32
    %dma_wait3A_44 = tpu.memref_slice %arg2[%add3A_36, %dma_wait3A_43] : memref<320000x128xf32, #tpu.memory_space<hbm>> -> memref<128x128xf32, #tpu.memory_space<hbm>>
    tpu.wait_dma2 semaphore(%arg13 : memref<!tpu.dma_semaphore, #tpu.memory_space<semaphore_mem>>) src(%dma_wait3A_44 : memref<128x128xf32, #tpu.memory_space<hbm>>) dst(%arg8 : memref<128x128xf32, #tpu.memory_space<vmem>>)
    %dma_start3A_45 = arith.constant 0 : i32
    %dma_start3A_46 = arith.constant 0 : i32
    %dma_start3A_47 = tpu.memref_slice %arg10[%dma_start3A_45, %dma_start3A_46] : memref<10240x128xf32, #tpu.memory_space<vmem_shared>> -> memref<10240x128xf32, #tpu.memory_space<vmem_shared>>
    tpu.enqueue_indirect_dma source(%arg8 : memref<128x128xf32, #tpu.memory_space<vmem>>) target(%dma_start3A_47 : memref<10240x128xf32, #tpu.memory_space<vmem_shared>>) offsets(%arg6 : memref<128xi32, #tpu.memory_space<vmem>>) semaphore(%arg15 : memref<!tpu.dma_semaphore, #tpu.memory_space<semaphore_mem>>) {add = true}
    %dma_wait3A_48 = arith.constant 0 : i32
    %dma_wait3A_49 = arith.constant 0 : i32
    %dma_wait3A_50 = tpu.memref_slice %arg10[%dma_wait3A_48, %dma_wait3A_49] : memref<10240x128xf32, #tpu.memory_space<vmem_shared>> -> memref<10240x128xf32, #tpu.memory_space<vmem_shared>>
    tpu.wait_indirect_dma semaphore(%arg15 : memref<!tpu.dma_semaphore, #tpu.memory_space<semaphore_mem>>) src(%arg8 : memref<128x128xf32, #tpu.memory_space<vmem>>) dst(%dma_wait3A_50 : memref<10240x128xf32, #tpu.memory_space<vmem_shared>>)
    %add3A_51 = arith.constant 9856 : i32
    %add3A_52 = arith.addi %mul3A_7, %add3A_51 : i32
    %mul3A_53 = arith.constant 320000 : i32
    %mul3A_54 = arith.muli %arg0, %mul3A_53 : i32
    %add3A_55 = arith.addi %mul3A_54, %add3A_52 : i32
    %dma_wait3A_56 = tpu.memref_slice %arg3[%add3A_55] : memref<640000xi32, #tpu.memory_space<hbm>> -> memref<128xi32, #tpu.memory_space<hbm>>
    %dma_wait3A_57 = tpu.memref_slice %arg3[%add3A_55] : memref<640000xi32, #tpu.memory_space<hbm>> -> memref<128xi32, #tpu.memory_space<hbm>>
    tpu.wait_dma2 semaphore(%arg14 : memref<!tpu.dma_semaphore, #tpu.memory_space<semaphore_mem>>) src(%dma_wait3A_57 : memref<128xi32, #tpu.memory_space<hbm>>) dst(%arg7 : memref<128xi32, #tpu.memory_space<vmem>>)
    %dma_wait3A_58 = arith.constant 0 : i32
    %dma_wait3A_59 = tpu.memref_slice %arg2[%add3A_52, %dma_wait3A_58] : memref<320000x128xf32, #tpu.memory_space<hbm>> -> memref<128x128xf32, #tpu.memory_space<hbm>>
    %dma_wait3A_60 = arith.constant 0 : i32
    %dma_wait3A_61 = tpu.memref_slice %arg2[%add3A_52, %dma_wait3A_60] : memref<320000x128xf32, #tpu.memory_space<hbm>> -> memref<128x128xf32, #tpu.memory_space<hbm>>
    tpu.wait_dma2 semaphore(%arg14 : memref<!tpu.dma_semaphore, #tpu.memory_space<semaphore_mem>>) src(%dma_wait3A_61 : memref<128x128xf32, #tpu.memory_space<hbm>>) dst(%arg9 : memref<128x128xf32, #tpu.memory_space<vmem>>)
    %dma_start3A_62 = arith.constant 0 : i32
    %dma_start3A_63 = arith.constant 0 : i32
    %dma_start3A_64 = tpu.memref_slice %arg10[%dma_start3A_62, %dma_start3A_63] : memref<10240x128xf32, #tpu.memory_space<vmem_shared>> -> memref<10240x128xf32, #tpu.memory_space<vmem_shared>>
    tpu.enqueue_indirect_dma source(%arg9 : memref<128x128xf32, #tpu.memory_space<vmem>>) target(%dma_start3A_64 : memref<10240x128xf32, #tpu.memory_space<vmem_shared>>) offsets(%arg7 : memref<128xi32, #tpu.memory_space<vmem>>) semaphore(%arg16 : memref<!tpu.dma_semaphore, #tpu.memory_space<semaphore_mem>>) {add = true}
    %dma_wait3A_65 = arith.constant 0 : i32
    %dma_wait3A_66 = arith.constant 0 : i32
    %dma_wait3A_67 = tpu.memref_slice %arg10[%dma_wait3A_65, %dma_wait3A_66] : memref<10240x128xf32, #tpu.memory_space<vmem_shared>> -> memref<10240x128xf32, #tpu.memory_space<vmem_shared>>
    tpu.wait_indirect_dma semaphore(%arg16 : memref<!tpu.dma_semaphore, #tpu.memory_space<semaphore_mem>>) src(%arg9 : memref<128x128xf32, #tpu.memory_space<vmem>>) dst(%dma_wait3A_67 : memref<10240x128xf32, #tpu.memory_space<vmem_shared>>)
    %add3A_68 = arith.constant 9984 : i32
    %add3A_69 = arith.addi %mul3A_7, %add3A_68 : i32
    %mul3A_70 = arith.constant 320000 : i32
    %mul3A_71 = arith.muli %arg0, %mul3A_70 : i32
    %add3A_72 = arith.addi %mul3A_71, %add3A_69 : i32
    "tpu.region"() ({
      %run_scoped3A = tpu.sem_alloc : memref<!tpu.dma_semaphore, #tpu.memory_space<semaphore_mem>>
      %dma_start3A_84 = tpu.memref_slice %arg3[%add3A_72] : memref<640000xi32, #tpu.memory_space<hbm>> -> memref<16xi32, #tpu.memory_space<hbm>>
      %dma_start3A_85 = tpu.memref_slice %arg3[%add3A_72] : memref<640000xi32, #tpu.memory_space<hbm>> -> memref<16xi32, #tpu.memory_space<hbm>>
      tpu.enqueue_dma source(%dma_start3A_85 : memref<16xi32, #tpu.memory_space<hbm>>) target(%arg11 : memref<16xi32, #tpu.memory_space<vmem>>) target_semaphore(%run_scoped3A : memref<!tpu.dma_semaphore, #tpu.memory_space<semaphore_mem>>)
      %dma_wait3A_86 = tpu.memref_slice %arg3[%add3A_72] : memref<640000xi32, #tpu.memory_space<hbm>> -> memref<16xi32, #tpu.memory_space<hbm>>
      %dma_wait3A_87 = tpu.memref_slice %arg3[%add3A_72] : memref<640000xi32, #tpu.memory_space<hbm>> -> memref<16xi32, #tpu.memory_space<hbm>>
      tpu.wait_dma2 semaphore(%run_scoped3A : memref<!tpu.dma_semaphore, #tpu.memory_space<semaphore_mem>>) src(%dma_wait3A_87 : memref<16xi32, #tpu.memory_space<hbm>>) dst(%arg11 : memref<16xi32, #tpu.memory_space<vmem>>)
      tpu.yield
    }) : () -> ()
    "tpu.region"() ({
      %run_scoped3A = tpu.sem_alloc : memref<!tpu.dma_semaphore, #tpu.memory_space<semaphore_mem>>
      %dma_start3A_84 = arith.constant 0 : i32
      %dma_start3A_85 = tpu.memref_slice %arg2[%add3A_69, %dma_start3A_84] : memref<320000x128xf32, #tpu.memory_space<hbm>> -> memref<16x128xf32, #tpu.memory_space<hbm>>
      %dma_start3A_86 = arith.constant 0 : i32
      %dma_start3A_87 = tpu.memref_slice %arg2[%add3A_69, %dma_start3A_86] : memref<320000x128xf32, #tpu.memory_space<hbm>> -> memref<16x128xf32, #tpu.memory_space<hbm>>
      tpu.enqueue_dma source(%dma_start3A_87 : memref<16x128xf32, #tpu.memory_space<hbm>>) target(%arg12 : memref<16x128xf32, #tpu.memory_space<vmem>>) target_semaphore(%run_scoped3A : memref<!tpu.dma_semaphore, #tpu.memory_space<semaphore_mem>>)
      %dma_wait3A_88 = arith.constant 0 : i32
      %dma_wait3A_89 = tpu.memref_slice %arg2[%add3A_69, %dma_wait3A_88] : memref<320000x128xf32, #tpu.memory_space<hbm>> -> memref<16x128xf32, #tpu.memory_space<hbm>>
      %dma_wait3A_90 = arith.constant 0 : i32
      %dma_wait3A_91 = tpu.memref_slice %arg2[%add3A_69, %dma_wait3A_90] : memref<320000x128xf32, #tpu.memory_space<hbm>> -> memref<16x128xf32, #tpu.memory_space<hbm>>
      tpu.wait_dma2 semaphore(%run_scoped3A : memref<!tpu.dma_semaphore, #tpu.memory_space<semaphore_mem>>) src(%dma_wait3A_91 : memref<16x128xf32, #tpu.memory_space<hbm>>) dst(%arg12 : memref<16x128xf32, #tpu.memory_space<vmem>>)
      tpu.yield
    }) : () -> ()
    %dma_start3A_73 = arith.constant 0 : i32
    %dma_start3A_74 = arith.constant 0 : i32
    %dma_start3A_75 = tpu.memref_slice %arg10[%dma_start3A_73, %dma_start3A_74] : memref<10240x128xf32, #tpu.memory_space<vmem_shared>> -> memref<10240x128xf32, #tpu.memory_space<vmem_shared>>
    tpu.enqueue_indirect_dma source(%arg12 : memref<16x128xf32, #tpu.memory_space<vmem>>) target(%dma_start3A_75 : memref<10240x128xf32, #tpu.memory_space<vmem_shared>>) offsets(%arg11 : memref<16xi32, #tpu.memory_space<vmem>>) semaphore(%arg15 : memref<!tpu.dma_semaphore, #tpu.memory_space<semaphore_mem>>) {add = true}
    %dma_wait3A_76 = arith.constant 0 : i32
    %dma_wait3A_77 = arith.constant 0 : i32
    %dma_wait3A_78 = tpu.memref_slice %arg10[%dma_wait3A_76, %dma_wait3A_77] : memref<10240x128xf32, #tpu.memory_space<vmem_shared>> -> memref<10240x128xf32, #tpu.memory_space<vmem_shared>>
    tpu.wait_indirect_dma semaphore(%arg15 : memref<!tpu.dma_semaphore, #tpu.memory_space<semaphore_mem>>) src(%arg12 : memref<16x128xf32, #tpu.memory_space<vmem>>) dst(%dma_wait3A_78 : memref<10240x128xf32, #tpu.memory_space<vmem_shared>>)
    %barrier3A_79 = arith.constant 0 : index
    tpu.barrier barrier_id(%barrier3A_79)
    %mul3A_80 = arith.constant 640 : i32
    %mul3A_81 = arith.muli %arg1, %mul3A_80 : i32
    %mul3A_82 = arith.constant 640 : i32
    %mul3A_83 = arith.muli %arg1, %mul3A_82 : i32
    "tpu.region"() ({
      %run_scoped3A = tpu.sem_alloc : memref<!tpu.dma_semaphore, #tpu.memory_space<semaphore_mem>>
      %dma_start3A_84 = arith.constant 0 : i32
      %dma_start3A_85 = tpu.memref_slice %arg5[%arg0, %mul3A_83, %dma_start3A_84] : memref<2x10240x128xf32, #tpu.memory_space<hbm>> -> memref<1x640x128xf32, #tpu.memory_space<hbm>>
      %dma_start3A_86 = tpu.memref_squeeze %dma_start3A_85 : memref<1x640x128xf32, #tpu.memory_space<hbm>> -> memref<640x128xf32, #tpu.memory_space<hbm>>
      %dma_start3A_87 = arith.constant 0 : i32
      %dma_start3A_88 = tpu.memref_slice %arg10[%mul3A_81, %dma_start3A_87] : memref<10240x128xf32, #tpu.memory_space<vmem_shared>> -> memref<640x128xf32, #tpu.memory_space<vmem_shared>>
      tpu.enqueue_dma source(%dma_start3A_88 : memref<640x128xf32, #tpu.memory_space<vmem_shared>>) target(%dma_start3A_86 : memref<640x128xf32, #tpu.memory_space<hbm>>) target_semaphore(%run_scoped3A : memref<!tpu.dma_semaphore, #tpu.memory_space<semaphore_mem>>)
      %dma_wait3A_89 = arith.constant 0 : i32
      %dma_wait3A_90 = tpu.memref_slice %arg5[%arg0, %mul3A_83, %dma_wait3A_89] : memref<2x10240x128xf32, #tpu.memory_space<hbm>> -> memref<1x640x128xf32, #tpu.memory_space<hbm>>
      %dma_wait3A_91 = tpu.memref_squeeze %dma_wait3A_90 : memref<1x640x128xf32, #tpu.memory_space<hbm>> -> memref<640x128xf32, #tpu.memory_space<hbm>>
      %dma_wait3A_92 = arith.constant 0 : i32
      %dma_wait3A_93 = tpu.memref_slice %arg10[%mul3A_81, %dma_wait3A_92] : memref<10240x128xf32, #tpu.memory_space<vmem_shared>> -> memref<640x128xf32, #tpu.memory_space<vmem_shared>>
      tpu.wait_dma2 semaphore(%run_scoped3A : memref<!tpu.dma_semaphore, #tpu.memory_space<semaphore_mem>>) src(%dma_wait3A_93 : memref<640x128xf32, #tpu.memory_space<vmem_shared>>) dst(%dma_wait3A_91 : memref<640x128xf32, #tpu.memory_space<hbm>>)
      tpu.yield
    }) : () -> ()
    return
  }
}

#map = affine_map<(d0, d1) -> (0, 0)>
#map1 = affine_map<(d0, d1) -> (0)>
#map2 = affine_map<(d0, d1) -> (0, 0, 0)>
module attributes {stable_mosaic.version = 14 : i64} {
  func.func @_edge_messages(%arg0: i32, %arg1: i32, %arg2: memref<320000x128xf32, #tpu.memory_space<hbm>>, %arg3: memref<10000x128xf32, #tpu.memory_space<hbm>>, %arg4: memref<10000x128xf32, #tpu.memory_space<hbm>>, %arg5: memref<320000xi32, #tpu.memory_space<hbm>>, %arg6: memref<320000xi32, #tpu.memory_space<hbm>>, %arg7: memref<640000xi32, #tpu.memory_space<hbm>>, %arg8: memref<10240x128xf32, #tpu.memory_space<hbm>>, %arg9: memref<320000x128xf32, #tpu.memory_space<hbm>>, %arg10: memref<2x10240x128xf32, #tpu.memory_space<hbm>>, %arg11: memref<128xi32, #tpu.memory_space<vmem>>, %arg12: memref<128xi32, #tpu.memory_space<vmem>>, %arg13: memref<128xi32, #tpu.memory_space<vmem>>, %arg14: memref<128xi32, #tpu.memory_space<vmem>>, %arg15: memref<128xi32, #tpu.memory_space<vmem>>, %arg16: memref<128xi32, #tpu.memory_space<vmem>>, %arg17: memref<128x128xf32, #tpu.memory_space<vmem>>, %arg18: memref<128x128xf32, #tpu.memory_space<vmem>>, %arg19: memref<10240x128xf32, #tpu.memory_space<vmem_shared>>, %arg20: memref<16xi32, #tpu.memory_space<vmem>>, %arg21: memref<!tpu.dma_semaphore, #tpu.memory_space<semaphore_mem>>, %arg22: memref<!tpu.dma_semaphore, #tpu.memory_space<semaphore_mem>>, %arg23: memref<!tpu.dma_semaphore, #tpu.memory_space<semaphore_mem>>, %arg24: memref<!tpu.dma_semaphore, #tpu.memory_space<semaphore_mem>>, %arg25: memref<!tpu.dma_semaphore, #tpu.memory_space<semaphore_mem>>, %arg26: memref<!tpu.dma_semaphore, #tpu.memory_space<semaphore_mem>>, %arg27: memref<!tpu.dma_semaphore, #tpu.memory_space<semaphore_mem>>, %arg28: memref<!tpu.dma_semaphore, #tpu.memory_space<semaphore_mem>>) attributes {dimension_semantics = [#tpu.dimension_semantics<core_parallel>, #tpu.dimension_semantics<subcore_parallel>], iteration_bounds = array<i64: 2, 16>, scalar_prefetch = 0 : i64, scratch_operands = 18 : i64, tpu.core_type = #tpu.core_type<sc_vector_subcore>, window_params = [{transform_indices = #map}, {transform_indices = #map}, {transform_indices = #map}, {transform_indices = #map1}, {transform_indices = #map1}, {transform_indices = #map1}, {transform_indices = #map}, {transform_indices = #map}, {transform_indices = #map2}]} {
    %mul3A = arith.constant 2 : i32
    %mul3A_0 = arith.muli %arg1, %mul3A : i32
    %add3A = arith.addi %mul3A_0, %arg0 : i32
    %mul3A_1 = arith.constant 10000 : i32
    %mul3A_2 = arith.muli %add3A, %mul3A_1 : i32
    %mul3A_3 = arith.constant 640 : i32
    %mul3A_4 = arith.muli %arg1, %mul3A_3 : i32
    %mul3A_5 = arith.constant 640 : i32
    %mul3A_6 = arith.muli %arg1, %mul3A_5 : i32
    "tpu.region"() ({
      %run_scoped3A = tpu.sem_alloc : memref<!tpu.dma_semaphore, #tpu.memory_space<semaphore_mem>>
      %dma_start3A_206 = arith.constant 0 : i32
      %dma_start3A_207 = tpu.memref_slice %arg19[%mul3A_6, %dma_start3A_206] : memref<10240x128xf32, #tpu.memory_space<vmem_shared>> -> memref<640x128xf32, #tpu.memory_space<vmem_shared>>
      %dma_start3A_208 = arith.constant 0 : i32
      %dma_start3A_209 = tpu.memref_slice %arg8[%mul3A_4, %dma_start3A_208] : memref<10240x128xf32, #tpu.memory_space<hbm>> -> memref<640x128xf32, #tpu.memory_space<hbm>>
      tpu.enqueue_dma source(%dma_start3A_209 : memref<640x128xf32, #tpu.memory_space<hbm>>) target(%dma_start3A_207 : memref<640x128xf32, #tpu.memory_space<vmem_shared>>) target_semaphore(%run_scoped3A : memref<!tpu.dma_semaphore, #tpu.memory_space<semaphore_mem>>)
      %dma_wait3A_210 = arith.constant 0 : i32
      %dma_wait3A_211 = tpu.memref_slice %arg19[%mul3A_6, %dma_wait3A_210] : memref<10240x128xf32, #tpu.memory_space<vmem_shared>> -> memref<640x128xf32, #tpu.memory_space<vmem_shared>>
      %dma_wait3A_212 = arith.constant 0 : i32
      %dma_wait3A_213 = tpu.memref_slice %arg8[%mul3A_4, %dma_wait3A_212] : memref<10240x128xf32, #tpu.memory_space<hbm>> -> memref<640x128xf32, #tpu.memory_space<hbm>>
      tpu.wait_dma2 semaphore(%run_scoped3A : memref<!tpu.dma_semaphore, #tpu.memory_space<semaphore_mem>>) src(%dma_wait3A_213 : memref<640x128xf32, #tpu.memory_space<hbm>>) dst(%dma_wait3A_211 : memref<640x128xf32, #tpu.memory_space<vmem_shared>>)
      tpu.yield
    }) : () -> ()
    %barrier3A = arith.constant 0 : index
    tpu.barrier barrier_id(%barrier3A)
    %add3A_7 = arith.constant 0 : i32
    %add3A_8 = arith.addi %mul3A_2, %add3A_7 : i32
    %dma_start3A = tpu.memref_slice %arg5[%add3A_8] : memref<320000xi32, #tpu.memory_space<hbm>> -> memref<128xi32, #tpu.memory_space<hbm>>
    %dma_start3A_9 = tpu.memref_slice %arg5[%add3A_8] : memref<320000xi32, #tpu.memory_space<hbm>> -> memref<128xi32, #tpu.memory_space<hbm>>
    tpu.enqueue_dma source(%dma_start3A_9 : memref<128xi32, #tpu.memory_space<hbm>>) target(%arg11 : memref<128xi32, #tpu.memory_space<vmem>>) target_semaphore(%arg21 : memref<!tpu.dma_semaphore, #tpu.memory_space<semaphore_mem>>)
    %dma_start3A_10 = tpu.memref_slice %arg6[%add3A_8] : memref<320000xi32, #tpu.memory_space<hbm>> -> memref<128xi32, #tpu.memory_space<hbm>>
    %dma_start3A_11 = tpu.memref_slice %arg6[%add3A_8] : memref<320000xi32, #tpu.memory_space<hbm>> -> memref<128xi32, #tpu.memory_space<hbm>>
    tpu.enqueue_dma source(%dma_start3A_11 : memref<128xi32, #tpu.memory_space<hbm>>) target(%arg12 : memref<128xi32, #tpu.memory_space<vmem>>) target_semaphore(%arg21 : memref<!tpu.dma_semaphore, #tpu.memory_space<semaphore_mem>>)
    %mul3A_12 = arith.constant 320000 : i32
    %mul3A_13 = arith.muli %arg0, %mul3A_12 : i32
    %add3A_14 = arith.addi %mul3A_13, %add3A_8 : i32
    %dma_start3A_15 = tpu.memref_slice %arg7[%add3A_14] : memref<640000xi32, #tpu.memory_space<hbm>> -> memref<128xi32, #tpu.memory_space<hbm>>
    %dma_start3A_16 = tpu.memref_slice %arg7[%add3A_14] : memref<640000xi32, #tpu.memory_space<hbm>> -> memref<128xi32, #tpu.memory_space<hbm>>
    tpu.enqueue_dma source(%dma_start3A_16 : memref<128xi32, #tpu.memory_space<hbm>>) target(%arg15 : memref<128xi32, #tpu.memory_space<vmem>>) target_semaphore(%arg21 : memref<!tpu.dma_semaphore, #tpu.memory_space<semaphore_mem>>)
    %dma_start3A_17 = arith.constant 0 : i32
    %dma_start3A_18 = tpu.memref_slice %arg2[%add3A_8, %dma_start3A_17] : memref<320000x128xf32, #tpu.memory_space<hbm>> -> memref<128x128xf32, #tpu.memory_space<hbm>>
    %dma_start3A_19 = arith.constant 0 : i32
    %dma_start3A_20 = tpu.memref_slice %arg2[%add3A_8, %dma_start3A_19] : memref<320000x128xf32, #tpu.memory_space<hbm>> -> memref<128x128xf32, #tpu.memory_space<hbm>>
    tpu.enqueue_dma source(%dma_start3A_20 : memref<128x128xf32, #tpu.memory_space<hbm>>) target(%arg17 : memref<128x128xf32, #tpu.memory_space<vmem>>) target_semaphore(%arg21 : memref<!tpu.dma_semaphore, #tpu.memory_space<semaphore_mem>>)
    %add3A_21 = arith.constant 128 : i32
    %add3A_22 = arith.addi %mul3A_2, %add3A_21 : i32
    %dma_start3A_23 = tpu.memref_slice %arg5[%add3A_22] : memref<320000xi32, #tpu.memory_space<hbm>> -> memref<128xi32, #tpu.memory_space<hbm>>
    %dma_start3A_24 = tpu.memref_slice %arg5[%add3A_22] : memref<320000xi32, #tpu.memory_space<hbm>> -> memref<128xi32, #tpu.memory_space<hbm>>
    tpu.enqueue_dma source(%dma_start3A_24 : memref<128xi32, #tpu.memory_space<hbm>>) target(%arg13 : memref<128xi32, #tpu.memory_space<vmem>>) target_semaphore(%arg22 : memref<!tpu.dma_semaphore, #tpu.memory_space<semaphore_mem>>)
    %dma_start3A_25 = tpu.memref_slice %arg6[%add3A_22] : memref<320000xi32, #tpu.memory_space<hbm>> -> memref<128xi32, #tpu.memory_space<hbm>>
    %dma_start3A_26 = tpu.memref_slice %arg6[%add3A_22] : memref<320000xi32, #tpu.memory_space<hbm>> -> memref<128xi32, #tpu.memory_space<hbm>>
    tpu.enqueue_dma source(%dma_start3A_26 : memref<128xi32, #tpu.memory_space<hbm>>) target(%arg14 : memref<128xi32, #tpu.memory_space<vmem>>) target_semaphore(%arg22 : memref<!tpu.dma_semaphore, #tpu.memory_space<semaphore_mem>>)
    %mul3A_27 = arith.constant 320000 : i32
    %mul3A_28 = arith.muli %arg0, %mul3A_27 : i32
    %add3A_29 = arith.addi %mul3A_28, %add3A_22 : i32
    %dma_start3A_30 = tpu.memref_slice %arg7[%add3A_29] : memref<640000xi32, #tpu.memory_space<hbm>> -> memref<128xi32, #tpu.memory_space<hbm>>
    %dma_start3A_31 = tpu.memref_slice %arg7[%add3A_29] : memref<640000xi32, #tpu.memory_space<hbm>> -> memref<128xi32, #tpu.memory_space<hbm>>
    tpu.enqueue_dma source(%dma_start3A_31 : memref<128xi32, #tpu.memory_space<hbm>>) target(%arg16 : memref<128xi32, #tpu.memory_space<vmem>>) target_semaphore(%arg22 : memref<!tpu.dma_semaphore, #tpu.memory_space<semaphore_mem>>)
    %dma_start3A_32 = arith.constant 0 : i32
    %dma_start3A_33 = tpu.memref_slice %arg2[%add3A_22, %dma_start3A_32] : memref<320000x128xf32, #tpu.memory_space<hbm>> -> memref<128x128xf32, #tpu.memory_space<hbm>>
    %dma_start3A_34 = arith.constant 0 : i32
    %dma_start3A_35 = tpu.memref_slice %arg2[%add3A_22, %dma_start3A_34] : memref<320000x128xf32, #tpu.memory_space<hbm>> -> memref<128x128xf32, #tpu.memory_space<hbm>>
    tpu.enqueue_dma source(%dma_start3A_35 : memref<128x128xf32, #tpu.memory_space<hbm>>) target(%arg18 : memref<128x128xf32, #tpu.memory_space<vmem>>) target_semaphore(%arg22 : memref<!tpu.dma_semaphore, #tpu.memory_space<semaphore_mem>>)
    %scan3A = arith.constant 0 : i32
    %scan3A_36 = arith.constant 0 : i32
    %scan3A_37 = arith.constant 38 : i32
    %scan3A_38 = arith.addi %scan3A_36, %scan3A_37 : i32
    %scan3A_39 = arith.constant 1 : i32
    %scan3A_40 = scf.for %scan3A_206 = %scan3A_36 to %scan3A_38 step %scan3A_39 iter_args(%scan3A_207 = %scan3A) -> (i32)  : i32 {
      %mul3A_208 = arith.constant 2 : i32
      %mul3A_209 = arith.muli %mul3A_208, %scan3A_206 : i32
      %add3A_210 = arith.constant 0 : i32
      %add3A_211 = arith.addi %mul3A_209, %add3A_210 : i32
      %mul3A_212 = arith.constant 128 : i32
      %mul3A_213 = arith.muli %add3A_211, %mul3A_212 : i32
      %add3A_214 = arith.addi %mul3A_2, %mul3A_213 : i32
      %mul3A_215 = arith.constant 128 : i32
      %mul3A_216 = arith.muli %add3A_211, %mul3A_215 : i32
      %add3A_217 = arith.addi %mul3A_2, %mul3A_216 : i32
      %dma_wait3A_218 = tpu.memref_slice %arg5[%add3A_217] : memref<320000xi32, #tpu.memory_space<hbm>> -> memref<128xi32, #tpu.memory_space<hbm>>
      %dma_wait3A_219 = tpu.memref_slice %arg5[%add3A_217] : memref<320000xi32, #tpu.memory_space<hbm>> -> memref<128xi32, #tpu.memory_space<hbm>>
      tpu.wait_dma2 semaphore(%arg21 : memref<!tpu.dma_semaphore, #tpu.memory_space<semaphore_mem>>) src(%dma_wait3A_219 : memref<128xi32, #tpu.memory_space<hbm>>) dst(%arg11 : memref<128xi32, #tpu.memory_space<vmem>>)
      %dma_wait3A_220 = tpu.memref_slice %arg6[%add3A_217] : memref<320000xi32, #tpu.memory_space<hbm>> -> memref<128xi32, #tpu.memory_space<hbm>>
      %dma_wait3A_221 = tpu.memref_slice %arg6[%add3A_217] : memref<320000xi32, #tpu.memory_space<hbm>> -> memref<128xi32, #tpu.memory_space<hbm>>
      tpu.wait_dma2 semaphore(%arg21 : memref<!tpu.dma_semaphore, #tpu.memory_space<semaphore_mem>>) src(%dma_wait3A_221 : memref<128xi32, #tpu.memory_space<hbm>>) dst(%arg12 : memref<128xi32, #tpu.memory_space<vmem>>)
      %mul3A_222 = arith.constant 320000 : i32
      %mul3A_223 = arith.muli %arg0, %mul3A_222 : i32
      %add3A_224 = arith.addi %mul3A_223, %add3A_217 : i32
      %dma_wait3A_225 = tpu.memref_slice %arg7[%add3A_224] : memref<640000xi32, #tpu.memory_space<hbm>> -> memref<128xi32, #tpu.memory_space<hbm>>
      %dma_wait3A_226 = tpu.memref_slice %arg7[%add3A_224] : memref<640000xi32, #tpu.memory_space<hbm>> -> memref<128xi32, #tpu.memory_space<hbm>>
      tpu.wait_dma2 semaphore(%arg21 : memref<!tpu.dma_semaphore, #tpu.memory_space<semaphore_mem>>) src(%dma_wait3A_226 : memref<128xi32, #tpu.memory_space<hbm>>) dst(%arg15 : memref<128xi32, #tpu.memory_space<vmem>>)
      %dma_wait3A_227 = arith.constant 0 : i32
      %dma_wait3A_228 = tpu.memref_slice %arg2[%add3A_217, %dma_wait3A_227] : memref<320000x128xf32, #tpu.memory_space<hbm>> -> memref<128x128xf32, #tpu.memory_space<hbm>>
      %dma_wait3A_229 = arith.constant 0 : i32
      %dma_wait3A_230 = tpu.memref_slice %arg2[%add3A_217, %dma_wait3A_229] : memref<320000x128xf32, #tpu.memory_space<hbm>> -> memref<128x128xf32, #tpu.memory_space<hbm>>
      tpu.wait_dma2 semaphore(%arg21 : memref<!tpu.dma_semaphore, #tpu.memory_space<semaphore_mem>>) src(%dma_wait3A_230 : memref<128x128xf32, #tpu.memory_space<hbm>>) dst(%arg17 : memref<128x128xf32, #tpu.memory_space<vmem>>)
      %dma_start3A_231 = arith.constant 0 : i32
      %dma_start3A_232 = arith.constant 0 : i32
      %dma_start3A_233 = tpu.memref_slice %arg3[%dma_start3A_231, %dma_start3A_232] : memref<10000x128xf32, #tpu.memory_space<hbm>> -> memref<10000x128xf32, #tpu.memory_space<hbm>>
      tpu.enqueue_indirect_dma source(%dma_start3A_233 : memref<10000x128xf32, #tpu.memory_space<hbm>>) target(%arg17 : memref<128x128xf32, #tpu.memory_space<vmem>>) offsets(%arg11 : memref<128xi32, #tpu.memory_space<vmem>>) semaphore(%arg23 : memref<!tpu.dma_semaphore, #tpu.memory_space<semaphore_mem>>) {add = true}
      %dma_start3A_234 = arith.constant 0 : i32
      %dma_start3A_235 = arith.constant 0 : i32
      %dma_start3A_236 = tpu.memref_slice %arg4[%dma_start3A_234, %dma_start3A_235] : memref<10000x128xf32, #tpu.memory_space<hbm>> -> memref<10000x128xf32, #tpu.memory_space<hbm>>
      tpu.enqueue_indirect_dma source(%dma_start3A_236 : memref<10000x128xf32, #tpu.memory_space<hbm>>) target(%arg17 : memref<128x128xf32, #tpu.memory_space<vmem>>) offsets(%arg12 : memref<128xi32, #tpu.memory_space<vmem>>) semaphore(%arg23 : memref<!tpu.dma_semaphore, #tpu.memory_space<semaphore_mem>>) {add = true}
      %dma_wait3A_237 = arith.constant 0 : i32
      %dma_wait3A_238 = arith.constant 0 : i32
      %dma_wait3A_239 = tpu.memref_slice %arg3[%dma_wait3A_237, %dma_wait3A_238] : memref<10000x128xf32, #tpu.memory_space<hbm>> -> memref<10000x128xf32, #tpu.memory_space<hbm>>
      tpu.wait_indirect_dma semaphore(%arg23 : memref<!tpu.dma_semaphore, #tpu.memory_space<semaphore_mem>>) src(%dma_wait3A_239 : memref<10000x128xf32, #tpu.memory_space<hbm>>) dst(%arg17 : memref<128x128xf32, #tpu.memory_space<vmem>>)
      %dma_wait3A_240 = arith.constant 0 : i32
      %dma_wait3A_241 = arith.constant 0 : i32
      %dma_wait3A_242 = tpu.memref_slice %arg4[%dma_wait3A_240, %dma_wait3A_241] : memref<10000x128xf32, #tpu.memory_space<hbm>> -> memref<10000x128xf32, #tpu.memory_space<hbm>>
      tpu.wait_indirect_dma semaphore(%arg23 : memref<!tpu.dma_semaphore, #tpu.memory_space<semaphore_mem>>) src(%dma_wait3A_242 : memref<10000x128xf32, #tpu.memory_space<hbm>>) dst(%arg17 : memref<128x128xf32, #tpu.memory_space<vmem>>)
      %scan3A_243 = arith.constant 0 : i32
      %scan3A_244 = arith.constant 0 : i32
      %scan3A_245 = arith.constant 128 : i32
      %scan3A_246 = arith.addi %scan3A_244, %scan3A_245 : i32
      %scan3A_247 = arith.constant 1 : i32
      %scan3A_248 = scf.for %scan3A_357 = %scan3A_244 to %scan3A_246 step %scan3A_247 iter_args(%scan3A_358 = %scan3A_243) -> (i32)  : i32 {
        %get3A = arith.index_cast %scan3A_357 : i32 to index
        %get3A_359 = arith.constant 0 : index
        %get3A_360 = tpu.vector_load %arg17[%get3A, %get3A_359] {strides = array<i32>} : memref<128x128xf32, #tpu.memory_space<vmem>>, vector<1x16xf32>,
        %get3A_361 = vector.shape_cast %get3A_360 : vector<1x16xf32> to vector<16xf32>
        %max3A = arith.constant 0.000000e+00 : f32
        %max3A_362 = vector.broadcast %max3A : f32 to vector<16xf32>
        %max3A_363 = arith.maximumf %get3A_361, %max3A_362 : vector<16xf32>
        %swap3A = arith.index_cast %scan3A_357 : i32 to index
        %swap3A_364 = arith.constant 0 : index
        %swap3A_365 = tpu.vector_load %arg17[%swap3A, %swap3A_364] {strides = array<i32>} : memref<128x128xf32, #tpu.memory_space<vmem>>, vector<1x16xf32>,
        %swap3A_366 = vector.shape_cast %swap3A_365 : vector<1x16xf32> to vector<16xf32>
        %swap3A_367 = vector.shape_cast %max3A_363 : vector<16xf32> to vector<1x16xf32>
        tpu.vector_store %arg17[%swap3A, %swap3A_364], %swap3A_367 {strides = array<i32>} : memref<128x128xf32, #tpu.memory_space<vmem>>, vector<1x16xf32>,
        %get3A_368 = arith.index_cast %scan3A_357 : i32 to index
        %get3A_369 = arith.constant 16 : index
        %get3A_370 = tpu.vector_load %arg17[%get3A_368, %get3A_369] {strides = array<i32>} : memref<128x128xf32, #tpu.memory_space<vmem>>, vector<1x16xf32>,
        %get3A_371 = vector.shape_cast %get3A_370 : vector<1x16xf32> to vector<16xf32>
        %max3A_372 = arith.constant 0.000000e+00 : f32
        %max3A_373 = vector.broadcast %max3A_372 : f32 to vector<16xf32>
        %max3A_374 = arith.maximumf %get3A_371, %max3A_373 : vector<16xf32>
        %swap3A_375 = arith.index_cast %scan3A_357 : i32 to index
        %swap3A_376 = arith.constant 16 : index
        %swap3A_377 = tpu.vector_load %arg17[%swap3A_375, %swap3A_376] {strides = array<i32>} : memref<128x128xf32, #tpu.memory_space<vmem>>, vector<1x16xf32>,
        %swap3A_378 = vector.shape_cast %swap3A_377 : vector<1x16xf32> to vector<16xf32>
        %swap3A_379 = vector.shape_cast %max3A_374 : vector<16xf32> to vector<1x16xf32>
        tpu.vector_store %arg17[%swap3A_375, %swap3A_376], %swap3A_379 {strides = array<i32>} : memref<128x128xf32, #tpu.memory_space<vmem>>, vector<1x16xf32>,
        %get3A_380 = arith.index_cast %scan3A_357 : i32 to index
        %get3A_381 = arith.constant 32 : index
        %get3A_382 = tpu.vector_load %arg17[%get3A_380, %get3A_381] {strides = array<i32>} : memref<128x128xf32, #tpu.memory_space<vmem>>, vector<1x16xf32>,
        %get3A_383 = vector.shape_cast %get3A_382 : vector<1x16xf32> to vector<16xf32>
        %max3A_384 = arith.constant 0.000000e+00 : f32
        %max3A_385 = vector.broadcast %max3A_384 : f32 to vector<16xf32>
        %max3A_386 = arith.maximumf %get3A_383, %max3A_385 : vector<16xf32>
        %swap3A_387 = arith.index_cast %scan3A_357 : i32 to index
        %swap3A_388 = arith.constant 32 : index
        %swap3A_389 = tpu.vector_load %arg17[%swap3A_387, %swap3A_388] {strides = array<i32>} : memref<128x128xf32, #tpu.memory_space<vmem>>, vector<1x16xf32>,
        %swap3A_390 = vector.shape_cast %swap3A_389 : vector<1x16xf32> to vector<16xf32>
        %swap3A_391 = vector.shape_cast %max3A_386 : vector<16xf32> to vector<1x16xf32>
        tpu.vector_store %arg17[%swap3A_387, %swap3A_388], %swap3A_391 {strides = array<i32>} : memref<128x128xf32, #tpu.memory_space<vmem>>, vector<1x16xf32>,
        %get3A_392 = arith.index_cast %scan3A_357 : i32 to index
        %get3A_393 = arith.constant 48 : index
        %get3A_394 = tpu.vector_load %arg17[%get3A_392, %get3A_393] {strides = array<i32>} : memref<128x128xf32, #tpu.memory_space<vmem>>, vector<1x16xf32>,
        %get3A_395 = vector.shape_cast %get3A_394 : vector<1x16xf32> to vector<16xf32>
        %max3A_396 = arith.constant 0.000000e+00 : f32
        %max3A_397 = vector.broadcast %max3A_396 : f32 to vector<16xf32>
        %max3A_398 = arith.maximumf %get3A_395, %max3A_397 : vector<16xf32>
        %swap3A_399 = arith.index_cast %scan3A_357 : i32 to index
        %swap3A_400 = arith.constant 48 : index
        %swap3A_401 = tpu.vector_load %arg17[%swap3A_399, %swap3A_400] {strides = array<i32>} : memref<128x128xf32, #tpu.memory_space<vmem>>, vector<1x16xf32>,
        %swap3A_402 = vector.shape_cast %swap3A_401 : vector<1x16xf32> to vector<16xf32>
        %swap3A_403 = vector.shape_cast %max3A_398 : vector<16xf32> to vector<1x16xf32>
        tpu.vector_store %arg17[%swap3A_399, %swap3A_400], %swap3A_403 {strides = array<i32>} : memref<128x128xf32, #tpu.memory_space<vmem>>, vector<1x16xf32>,
        %get3A_404 = arith.index_cast %scan3A_357 : i32 to index
        %get3A_405 = arith.constant 64 : index
        %get3A_406 = tpu.vector_load %arg17[%get3A_404, %get3A_405] {strides = array<i32>} : memref<128x128xf32, #tpu.memory_space<vmem>>, vector<1x16xf32>,
        %get3A_407 = vector.shape_cast %get3A_406 : vector<1x16xf32> to vector<16xf32>
        %max3A_408 = arith.constant 0.000000e+00 : f32
        %max3A_409 = vector.broadcast %max3A_408 : f32 to vector<16xf32>
        %max3A_410 = arith.maximumf %get3A_407, %max3A_409 : vector<16xf32>
        %swap3A_411 = arith.index_cast %scan3A_357 : i32 to index
        %swap3A_412 = arith.constant 64 : index
        %swap3A_413 = tpu.vector_load %arg17[%swap3A_411, %swap3A_412] {strides = array<i32>} : memref<128x128xf32, #tpu.memory_space<vmem>>, vector<1x16xf32>,
        %swap3A_414 = vector.shape_cast %swap3A_413 : vector<1x16xf32> to vector<16xf32>
        %swap3A_415 = vector.shape_cast %max3A_410 : vector<16xf32> to vector<1x16xf32>
        tpu.vector_store %arg17[%swap3A_411, %swap3A_412], %swap3A_415 {strides = array<i32>} : memref<128x128xf32, #tpu.memory_space<vmem>>, vector<1x16xf32>,
        %get3A_416 = arith.index_cast %scan3A_357 : i32 to index
        %get3A_417 = arith.constant 80 : index
        %get3A_418 = tpu.vector_load %arg17[%get3A_416, %get3A_417] {strides = array<i32>} : memref<128x128xf32, #tpu.memory_space<vmem>>, vector<1x16xf32>,
        %get3A_419 = vector.shape_cast %get3A_418 : vector<1x16xf32> to vector<16xf32>
        %max3A_420 = arith.constant 0.000000e+00 : f32
        %max3A_421 = vector.broadcast %max3A_420 : f32 to vector<16xf32>
        %max3A_422 = arith.maximumf %get3A_419, %max3A_421 : vector<16xf32>
        %swap3A_423 = arith.index_cast %scan3A_357 : i32 to index
        %swap3A_424 = arith.constant 80 : index
        %swap3A_425 = tpu.vector_load %arg17[%swap3A_423, %swap3A_424] {strides = array<i32>} : memref<128x128xf32, #tpu.memory_space<vmem>>, vector<1x16xf32>,
        %swap3A_426 = vector.shape_cast %swap3A_425 : vector<1x16xf32> to vector<16xf32>
        %swap3A_427 = vector.shape_cast %max3A_422 : vector<16xf32> to vector<1x16xf32>
        tpu.vector_store %arg17[%swap3A_423, %swap3A_424], %swap3A_427 {strides = array<i32>} : memref<128x128xf32, #tpu.memory_space<vmem>>, vector<1x16xf32>,
        %get3A_428 = arith.index_cast %scan3A_357 : i32 to index
        %get3A_429 = arith.constant 96 : index
        %get3A_430 = tpu.vector_load %arg17[%get3A_428, %get3A_429] {strides = array<i32>} : memref<128x128xf32, #tpu.memory_space<vmem>>, vector<1x16xf32>,
        %get3A_431 = vector.shape_cast %get3A_430 : vector<1x16xf32> to vector<16xf32>
        %max3A_432 = arith.constant 0.000000e+00 : f32
        %max3A_433 = vector.broadcast %max3A_432 : f32 to vector<16xf32>
        %max3A_434 = arith.maximumf %get3A_431, %max3A_433 : vector<16xf32>
        %swap3A_435 = arith.index_cast %scan3A_357 : i32 to index
        %swap3A_436 = arith.constant 96 : index
        %swap3A_437 = tpu.vector_load %arg17[%swap3A_435, %swap3A_436] {strides = array<i32>} : memref<128x128xf32, #tpu.memory_space<vmem>>, vector<1x16xf32>,
        %swap3A_438 = vector.shape_cast %swap3A_437 : vector<1x16xf32> to vector<16xf32>
        %swap3A_439 = vector.shape_cast %max3A_434 : vector<16xf32> to vector<1x16xf32>
        tpu.vector_store %arg17[%swap3A_435, %swap3A_436], %swap3A_439 {strides = array<i32>} : memref<128x128xf32, #tpu.memory_space<vmem>>, vector<1x16xf32>,
        %get3A_440 = arith.index_cast %scan3A_357 : i32 to index
        %get3A_441 = arith.constant 112 : index
        %get3A_442 = tpu.vector_load %arg17[%get3A_440, %get3A_441] {strides = array<i32>} : memref<128x128xf32, #tpu.memory_space<vmem>>, vector<1x16xf32>,
        %get3A_443 = vector.shape_cast %get3A_442 : vector<1x16xf32> to vector<16xf32>
        %max3A_444 = arith.constant 0.000000e+00 : f32
        %max3A_445 = vector.broadcast %max3A_444 : f32 to vector<16xf32>
        %max3A_446 = arith.maximumf %get3A_443, %max3A_445 : vector<16xf32>
        %swap3A_447 = arith.index_cast %scan3A_357 : i32 to index
        %swap3A_448 = arith.constant 112 : index
        %swap3A_449 = tpu.vector_load %arg17[%swap3A_447, %swap3A_448] {strides = array<i32>} : memref<128x128xf32, #tpu.memory_space<vmem>>, vector<1x16xf32>,
        %swap3A_450 = vector.shape_cast %swap3A_449 : vector<1x16xf32> to vector<16xf32>
        %swap3A_451 = vector.shape_cast %max3A_446 : vector<16xf32> to vector<1x16xf32>
        tpu.vector_store %arg17[%swap3A_447, %swap3A_448], %swap3A_451 {strides = array<i32>} : memref<128x128xf32, #tpu.memory_space<vmem>>, vector<1x16xf32>,
        %scan3A_452 = arith.constant 0 : i32
        scf.yield %scan3A_452 : i32
      }
      %scan3A_249 = arith.constant 128 : i32
      %dma_start3A_250 = arith.constant 0 : i32
      %dma_start3A_251 = tpu.memref_slice %arg9[%add3A_214, %dma_start3A_250] : memref<320000x128xf32, #tpu.memory_space<hbm>> -> memref<128x128xf32, #tpu.memory_space<hbm>>
      %dma_start3A_252 = arith.constant 0 : i32
      %dma_start3A_253 = tpu.memref_slice %arg9[%add3A_214, %dma_start3A_252] : memref<320000x128xf32, #tpu.memory_space<hbm>> -> memref<128x128xf32, #tpu.memory_space<hbm>>
      tpu.enqueue_dma source(%arg17 : memref<128x128xf32, #tpu.memory_space<vmem>>) target(%dma_start3A_253 : memref<128x128xf32, #tpu.memory_space<hbm>>) target_semaphore(%arg25 : memref<!tpu.dma_semaphore, #tpu.memory_space<semaphore_mem>>)
      %dma_start3A_254 = arith.constant 0 : i32
      %dma_start3A_255 = arith.constant 0 : i32
      %dma_start3A_256 = tpu.memref_slice %arg19[%dma_start3A_254, %dma_start3A_255] : memref<10240x128xf32, #tpu.memory_space<vmem_shared>> -> memref<10240x128xf32, #tpu.memory_space<vmem_shared>>
      tpu.enqueue_indirect_dma source(%arg17 : memref<128x128xf32, #tpu.memory_space<vmem>>) target(%dma_start3A_256 : memref<10240x128xf32, #tpu.memory_space<vmem_shared>>) offsets(%arg15 : memref<128xi32, #tpu.memory_space<vmem>>) semaphore(%arg27 : memref<!tpu.dma_semaphore, #tpu.memory_space<semaphore_mem>>) {add = true}
      %dma_wait3A_257 = arith.constant 0 : i32
      %dma_wait3A_258 = tpu.memref_slice %arg9[%add3A_214, %dma_wait3A_257] : memref<320000x128xf32, #tpu.memory_space<hbm>> -> memref<128x128xf32, #tpu.memory_space<hbm>>
      %dma_wait3A_259 = arith.constant 0 : i32
      %dma_wait3A_260 = tpu.memref_slice %arg9[%add3A_214, %dma_wait3A_259] : memref<320000x128xf32, #tpu.memory_space<hbm>> -> memref<128x128xf32, #tpu.memory_space<hbm>>
      tpu.wait_dma2 semaphore(%arg25 : memref<!tpu.dma_semaphore, #tpu.memory_space<semaphore_mem>>) src(%arg17 : memref<128x128xf32, #tpu.memory_space<vmem>>) dst(%dma_wait3A_260 : memref<128x128xf32, #tpu.memory_space<hbm>>)
      %dma_wait3A_261 = arith.constant 0 : i32
      %dma_wait3A_262 = arith.constant 0 : i32
      %dma_wait3A_263 = tpu.memref_slice %arg19[%dma_wait3A_261, %dma_wait3A_262] : memref<10240x128xf32, #tpu.memory_space<vmem_shared>> -> memref<10240x128xf32, #tpu.memory_space<vmem_shared>>
      tpu.wait_indirect_dma semaphore(%arg27 : memref<!tpu.dma_semaphore, #tpu.memory_space<semaphore_mem>>) src(%arg17 : memref<128x128xf32, #tpu.memory_space<vmem>>) dst(%dma_wait3A_263 : memref<10240x128xf32, #tpu.memory_space<vmem_shared>>)
      %add3A_264 = arith.constant 2 : i32
      %add3A_265 = arith.addi %add3A_211, %add3A_264 : i32
      %mul3A_266 = arith.constant 128 : i32
      %mul3A_267 = arith.muli %add3A_265, %mul3A_266 : i32
      %add3A_268 = arith.addi %mul3A_2, %mul3A_267 : i32
      %dma_start3A_269 = tpu.memref_slice %arg5[%add3A_268] : memref<320000xi32, #tpu.memory_space<hbm>> -> memref<128xi32, #tpu.memory_space<hbm>>
      %dma_start3A_270 = tpu.memref_slice %arg5[%add3A_268] : memref<320000xi32, #tpu.memory_space<hbm>> -> memref<128xi32, #tpu.memory_space<hbm>>
      tpu.enqueue_dma source(%dma_start3A_270 : memref<128xi32, #tpu.memory_space<hbm>>) target(%arg11 : memref<128xi32, #tpu.memory_space<vmem>>) target_semaphore(%arg21 : memref<!tpu.dma_semaphore, #tpu.memory_space<semaphore_mem>>)
      %dma_start3A_271 = tpu.memref_slice %arg6[%add3A_268] : memref<320000xi32, #tpu.memory_space<hbm>> -> memref<128xi32, #tpu.memory_space<hbm>>
      %dma_start3A_272 = tpu.memref_slice %arg6[%add3A_268] : memref<320000xi32, #tpu.memory_space<hbm>> -> memref<128xi32, #tpu.memory_space<hbm>>
      tpu.enqueue_dma source(%dma_start3A_272 : memref<128xi32, #tpu.memory_space<hbm>>) target(%arg12 : memref<128xi32, #tpu.memory_space<vmem>>) target_semaphore(%arg21 : memref<!tpu.dma_semaphore, #tpu.memory_space<semaphore_mem>>)
      %mul3A_273 = arith.constant 320000 : i32
      %mul3A_274 = arith.muli %arg0, %mul3A_273 : i32
      %add3A_275 = arith.addi %mul3A_274, %add3A_268 : i32
      %dma_start3A_276 = tpu.memref_slice %arg7[%add3A_275] : memref<640000xi32, #tpu.memory_space<hbm>> -> memref<128xi32, #tpu.memory_space<hbm>>
      %dma_start3A_277 = tpu.memref_slice %arg7[%add3A_275] : memref<640000xi32, #tpu.memory_space<hbm>> -> memref<128xi32, #tpu.memory_space<hbm>>
      tpu.enqueue_dma source(%dma_start3A_277 : memref<128xi32, #tpu.memory_space<hbm>>) target(%arg15 : memref<128xi32, #tpu.memory_space<vmem>>) target_semaphore(%arg21 : memref<!tpu.dma_semaphore, #tpu.memory_space<semaphore_mem>>)
      %dma_start3A_278 = arith.constant 0 : i32
      %dma_start3A_279 = tpu.memref_slice %arg2[%add3A_268, %dma_start3A_278] : memref<320000x128xf32, #tpu.memory_space<hbm>> -> memref<128x128xf32, #tpu.memory_space<hbm>>
      %dma_start3A_280 = arith.constant 0 : i32
      %dma_start3A_281 = tpu.memref_slice %arg2[%add3A_268, %dma_start3A_280] : memref<320000x128xf32, #tpu.memory_space<hbm>> -> memref<128x128xf32, #tpu.memory_space<hbm>>
      tpu.enqueue_dma source(%dma_start3A_281 : memref<128x128xf32, #tpu.memory_space<hbm>>) target(%arg17 : memref<128x128xf32, #tpu.memory_space<vmem>>) target_semaphore(%arg21 : memref<!tpu.dma_semaphore, #tpu.memory_space<semaphore_mem>>)
      %mul3A_282 = arith.constant 2 : i32
      %mul3A_283 = arith.muli %mul3A_282, %scan3A_206 : i32
      %add3A_284 = arith.constant 1 : i32
      %add3A_285 = arith.addi %mul3A_283, %add3A_284 : i32
      %mul3A_286 = arith.constant 128 : i32
      %mul3A_287 = arith.muli %add3A_285, %mul3A_286 : i32
      %add3A_288 = arith.addi %mul3A_2, %mul3A_287 : i32
      %mul3A_289 = arith.constant 128 : i32
      %mul3A_290 = arith.muli %add3A_285, %mul3A_289 : i32
      %add3A_291 = arith.addi %mul3A_2, %mul3A_290 : i32
      %dma_wait3A_292 = tpu.memref_slice %arg5[%add3A_291] : memref<320000xi32, #tpu.memory_space<hbm>> -> memref<128xi32, #tpu.memory_space<hbm>>
      %dma_wait3A_293 = tpu.memref_slice %arg5[%add3A_291] : memref<320000xi32, #tpu.memory_space<hbm>> -> memref<128xi32, #tpu.memory_space<hbm>>
      tpu.wait_dma2 semaphore(%arg22 : memref<!tpu.dma_semaphore, #tpu.memory_space<semaphore_mem>>) src(%dma_wait3A_293 : memref<128xi32, #tpu.memory_space<hbm>>) dst(%arg13 : memref<128xi32, #tpu.memory_space<vmem>>)
      %dma_wait3A_294 = tpu.memref_slice %arg6[%add3A_291] : memref<320000xi32, #tpu.memory_space<hbm>> -> memref<128xi32, #tpu.memory_space<hbm>>
      %dma_wait3A_295 = tpu.memref_slice %arg6[%add3A_291] : memref<320000xi32, #tpu.memory_space<hbm>> -> memref<128xi32, #tpu.memory_space<hbm>>
      tpu.wait_dma2 semaphore(%arg22 : memref<!tpu.dma_semaphore, #tpu.memory_space<semaphore_mem>>) src(%dma_wait3A_295 : memref<128xi32, #tpu.memory_space<hbm>>) dst(%arg14 : memref<128xi32, #tpu.memory_space<vmem>>)
      %mul3A_296 = arith.constant 320000 : i32
      %mul3A_297 = arith.muli %arg0, %mul3A_296 : i32
      %add3A_298 = arith.addi %mul3A_297, %add3A_291 : i32
      %dma_wait3A_299 = tpu.memref_slice %arg7[%add3A_298] : memref<640000xi32, #tpu.memory_space<hbm>> -> memref<128xi32, #tpu.memory_space<hbm>>
      %dma_wait3A_300 = tpu.memref_slice %arg7[%add3A_298] : memref<640000xi32, #tpu.memory_space<hbm>> -> memref<128xi32, #tpu.memory_space<hbm>>
      tpu.wait_dma2 semaphore(%arg22 : memref<!tpu.dma_semaphore, #tpu.memory_space<semaphore_mem>>) src(%dma_wait3A_300 : memref<128xi32, #tpu.memory_space<hbm>>) dst(%arg16 : memref<128xi32, #tpu.memory_space<vmem>>)
      %dma_wait3A_301 = arith.constant 0 : i32
      %dma_wait3A_302 = tpu.memref_slice %arg2[%add3A_291, %dma_wait3A_301] : memref<320000x128xf32, #tpu.memory_space<hbm>> -> memref<128x128xf32, #tpu.memory_space<hbm>>
      %dma_wait3A_303 = arith.constant 0 : i32
      %dma_wait3A_304 = tpu.memref_slice %arg2[%add3A_291, %dma_wait3A_303] : memref<320000x128xf32, #tpu.memory_space<hbm>> -> memref<128x128xf32, #tpu.memory_space<hbm>>
      tpu.wait_dma2 semaphore(%arg22 : memref<!tpu.dma_semaphore, #tpu.memory_space<semaphore_mem>>) src(%dma_wait3A_304 : memref<128x128xf32, #tpu.memory_space<hbm>>) dst(%arg18 : memref<128x128xf32, #tpu.memory_space<vmem>>)
      %dma_start3A_305 = arith.constant 0 : i32
      %dma_start3A_306 = arith.constant 0 : i32
      %dma_start3A_307 = tpu.memref_slice %arg3[%dma_start3A_305, %dma_start3A_306] : memref<10000x128xf32, #tpu.memory_space<hbm>> -> memref<10000x128xf32, #tpu.memory_space<hbm>>
      tpu.enqueue_indirect_dma source(%dma_start3A_307 : memref<10000x128xf32, #tpu.memory_space<hbm>>) target(%arg18 : memref<128x128xf32, #tpu.memory_space<vmem>>) offsets(%arg13 : memref<128xi32, #tpu.memory_space<vmem>>) semaphore(%arg24 : memref<!tpu.dma_semaphore, #tpu.memory_space<semaphore_mem>>) {add = true}
      %dma_start3A_308 = arith.constant 0 : i32
      %dma_start3A_309 = arith.constant 0 : i32
      %dma_start3A_310 = tpu.memref_slice %arg4[%dma_start3A_308, %dma_start3A_309] : memref<10000x128xf32, #tpu.memory_space<hbm>> -> memref<10000x128xf32, #tpu.memory_space<hbm>>
      tpu.enqueue_indirect_dma source(%dma_start3A_310 : memref<10000x128xf32, #tpu.memory_space<hbm>>) target(%arg18 : memref<128x128xf32, #tpu.memory_space<vmem>>) offsets(%arg14 : memref<128xi32, #tpu.memory_space<vmem>>) semaphore(%arg24 : memref<!tpu.dma_semaphore, #tpu.memory_space<semaphore_mem>>) {add = true}
      %dma_wait3A_311 = arith.constant 0 : i32
      %dma_wait3A_312 = arith.constant 0 : i32
      %dma_wait3A_313 = tpu.memref_slice %arg3[%dma_wait3A_311, %dma_wait3A_312] : memref<10000x128xf32, #tpu.memory_space<hbm>> -> memref<10000x128xf32, #tpu.memory_space<hbm>>
      tpu.wait_indirect_dma semaphore(%arg24 : memref<!tpu.dma_semaphore, #tpu.memory_space<semaphore_mem>>) src(%dma_wait3A_313 : memref<10000x128xf32, #tpu.memory_space<hbm>>) dst(%arg18 : memref<128x128xf32, #tpu.memory_space<vmem>>)
      %dma_wait3A_314 = arith.constant 0 : i32
      %dma_wait3A_315 = arith.constant 0 : i32
      %dma_wait3A_316 = tpu.memref_slice %arg4[%dma_wait3A_314, %dma_wait3A_315] : memref<10000x128xf32, #tpu.memory_space<hbm>> -> memref<10000x128xf32, #tpu.memory_space<hbm>>
      tpu.wait_indirect_dma semaphore(%arg24 : memref<!tpu.dma_semaphore, #tpu.memory_space<semaphore_mem>>) src(%dma_wait3A_316 : memref<10000x128xf32, #tpu.memory_space<hbm>>) dst(%arg18 : memref<128x128xf32, #tpu.memory_space<vmem>>)
      %scan3A_317 = arith.constant 0 : i32
      %scan3A_318 = arith.constant 0 : i32
      %scan3A_319 = arith.constant 128 : i32
      %scan3A_320 = arith.addi %scan3A_318, %scan3A_319 : i32
      %scan3A_321 = arith.constant 1 : i32
      %scan3A_322 = scf.for %scan3A_357 = %scan3A_318 to %scan3A_320 step %scan3A_321 iter_args(%scan3A_358 = %scan3A_317) -> (i32)  : i32 {
        %get3A = arith.index_cast %scan3A_357 : i32 to index
        %get3A_359 = arith.constant 0 : index
        %get3A_360 = tpu.vector_load %arg18[%get3A, %get3A_359] {strides = array<i32>} : memref<128x128xf32, #tpu.memory_space<vmem>>, vector<1x16xf32>,
        %get3A_361 = vector.shape_cast %get3A_360 : vector<1x16xf32> to vector<16xf32>
        %max3A = arith.constant 0.000000e+00 : f32
        %max3A_362 = vector.broadcast %max3A : f32 to vector<16xf32>
        %max3A_363 = arith.maximumf %get3A_361, %max3A_362 : vector<16xf32>
        %swap3A = arith.index_cast %scan3A_357 : i32 to index
        %swap3A_364 = arith.constant 0 : index
        %swap3A_365 = tpu.vector_load %arg18[%swap3A, %swap3A_364] {strides = array<i32>} : memref<128x128xf32, #tpu.memory_space<vmem>>, vector<1x16xf32>,
        %swap3A_366 = vector.shape_cast %swap3A_365 : vector<1x16xf32> to vector<16xf32>
        %swap3A_367 = vector.shape_cast %max3A_363 : vector<16xf32> to vector<1x16xf32>
        tpu.vector_store %arg18[%swap3A, %swap3A_364], %swap3A_367 {strides = array<i32>} : memref<128x128xf32, #tpu.memory_space<vmem>>, vector<1x16xf32>,
        %get3A_368 = arith.index_cast %scan3A_357 : i32 to index
        %get3A_369 = arith.constant 16 : index
        %get3A_370 = tpu.vector_load %arg18[%get3A_368, %get3A_369] {strides = array<i32>} : memref<128x128xf32, #tpu.memory_space<vmem>>, vector<1x16xf32>,
        %get3A_371 = vector.shape_cast %get3A_370 : vector<1x16xf32> to vector<16xf32>
        %max3A_372 = arith.constant 0.000000e+00 : f32
        %max3A_373 = vector.broadcast %max3A_372 : f32 to vector<16xf32>
        %max3A_374 = arith.maximumf %get3A_371, %max3A_373 : vector<16xf32>
        %swap3A_375 = arith.index_cast %scan3A_357 : i32 to index
        %swap3A_376 = arith.constant 16 : index
        %swap3A_377 = tpu.vector_load %arg18[%swap3A_375, %swap3A_376] {strides = array<i32>} : memref<128x128xf32, #tpu.memory_space<vmem>>, vector<1x16xf32>,
        %swap3A_378 = vector.shape_cast %swap3A_377 : vector<1x16xf32> to vector<16xf32>
        %swap3A_379 = vector.shape_cast %max3A_374 : vector<16xf32> to vector<1x16xf32>
        tpu.vector_store %arg18[%swap3A_375, %swap3A_376], %swap3A_379 {strides = array<i32>} : memref<128x128xf32, #tpu.memory_space<vmem>>, vector<1x16xf32>,
        %get3A_380 = arith.index_cast %scan3A_357 : i32 to index
        %get3A_381 = arith.constant 32 : index
        %get3A_382 = tpu.vector_load %arg18[%get3A_380, %get3A_381] {strides = array<i32>} : memref<128x128xf32, #tpu.memory_space<vmem>>, vector<1x16xf32>,
        %get3A_383 = vector.shape_cast %get3A_382 : vector<1x16xf32> to vector<16xf32>
        %max3A_384 = arith.constant 0.000000e+00 : f32
        %max3A_385 = vector.broadcast %max3A_384 : f32 to vector<16xf32>
        %max3A_386 = arith.maximumf %get3A_383, %max3A_385 : vector<16xf32>
        %swap3A_387 = arith.index_cast %scan3A_357 : i32 to index
        %swap3A_388 = arith.constant 32 : index
        %swap3A_389 = tpu.vector_load %arg18[%swap3A_387, %swap3A_388] {strides = array<i32>} : memref<128x128xf32, #tpu.memory_space<vmem>>, vector<1x16xf32>,
        %swap3A_390 = vector.shape_cast %swap3A_389 : vector<1x16xf32> to vector<16xf32>
        %swap3A_391 = vector.shape_cast %max3A_386 : vector<16xf32> to vector<1x16xf32>
        tpu.vector_store %arg18[%swap3A_387, %swap3A_388], %swap3A_391 {strides = array<i32>} : memref<128x128xf32, #tpu.memory_space<vmem>>, vector<1x16xf32>,
        %get3A_392 = arith.index_cast %scan3A_357 : i32 to index
        %get3A_393 = arith.constant 48 : index
        %get3A_394 = tpu.vector_load %arg18[%get3A_392, %get3A_393] {strides = array<i32>} : memref<128x128xf32, #tpu.memory_space<vmem>>, vector<1x16xf32>,
        %get3A_395 = vector.shape_cast %get3A_394 : vector<1x16xf32> to vector<16xf32>
        %max3A_396 = arith.constant 0.000000e+00 : f32
        %max3A_397 = vector.broadcast %max3A_396 : f32 to vector<16xf32>
        %max3A_398 = arith.maximumf %get3A_395, %max3A_397 : vector<16xf32>
        %swap3A_399 = arith.index_cast %scan3A_357 : i32 to index
        %swap3A_400 = arith.constant 48 : index
        %swap3A_401 = tpu.vector_load %arg18[%swap3A_399, %swap3A_400] {strides = array<i32>} : memref<128x128xf32, #tpu.memory_space<vmem>>, vector<1x16xf32>,
        %swap3A_402 = vector.shape_cast %swap3A_401 : vector<1x16xf32> to vector<16xf32>
        %swap3A_403 = vector.shape_cast %max3A_398 : vector<16xf32> to vector<1x16xf32>
        tpu.vector_store %arg18[%swap3A_399, %swap3A_400], %swap3A_403 {strides = array<i32>} : memref<128x128xf32, #tpu.memory_space<vmem>>, vector<1x16xf32>,
        %get3A_404 = arith.index_cast %scan3A_357 : i32 to index
        %get3A_405 = arith.constant 64 : index
        %get3A_406 = tpu.vector_load %arg18[%get3A_404, %get3A_405] {strides = array<i32>} : memref<128x128xf32, #tpu.memory_space<vmem>>, vector<1x16xf32>,
        %get3A_407 = vector.shape_cast %get3A_406 : vector<1x16xf32> to vector<16xf32>
        %max3A_408 = arith.constant 0.000000e+00 : f32
        %max3A_409 = vector.broadcast %max3A_408 : f32 to vector<16xf32>
        %max3A_410 = arith.maximumf %get3A_407, %max3A_409 : vector<16xf32>
        %swap3A_411 = arith.index_cast %scan3A_357 : i32 to index
        %swap3A_412 = arith.constant 64 : index
        %swap3A_413 = tpu.vector_load %arg18[%swap3A_411, %swap3A_412] {strides = array<i32>} : memref<128x128xf32, #tpu.memory_space<vmem>>, vector<1x16xf32>,
        %swap3A_414 = vector.shape_cast %swap3A_413 : vector<1x16xf32> to vector<16xf32>
        %swap3A_415 = vector.shape_cast %max3A_410 : vector<16xf32> to vector<1x16xf32>
        tpu.vector_store %arg18[%swap3A_411, %swap3A_412], %swap3A_415 {strides = array<i32>} : memref<128x128xf32, #tpu.memory_space<vmem>>, vector<1x16xf32>,
        %get3A_416 = arith.index_cast %scan3A_357 : i32 to index
        %get3A_417 = arith.constant 80 : index
        %get3A_418 = tpu.vector_load %arg18[%get3A_416, %get3A_417] {strides = array<i32>} : memref<128x128xf32, #tpu.memory_space<vmem>>, vector<1x16xf32>,
        %get3A_419 = vector.shape_cast %get3A_418 : vector<1x16xf32> to vector<16xf32>
        %max3A_420 = arith.constant 0.000000e+00 : f32
        %max3A_421 = vector.broadcast %max3A_420 : f32 to vector<16xf32>
        %max3A_422 = arith.maximumf %get3A_419, %max3A_421 : vector<16xf32>
        %swap3A_423 = arith.index_cast %scan3A_357 : i32 to index
        %swap3A_424 = arith.constant 80 : index
        %swap3A_425 = tpu.vector_load %arg18[%swap3A_423, %swap3A_424] {strides = array<i32>} : memref<128x128xf32, #tpu.memory_space<vmem>>, vector<1x16xf32>,
        %swap3A_426 = vector.shape_cast %swap3A_425 : vector<1x16xf32> to vector<16xf32>
        %swap3A_427 = vector.shape_cast %max3A_422 : vector<16xf32> to vector<1x16xf32>
        tpu.vector_store %arg18[%swap3A_423, %swap3A_424], %swap3A_427 {strides = array<i32>} : memref<128x128xf32, #tpu.memory_space<vmem>>, vector<1x16xf32>,
        %get3A_428 = arith.index_cast %scan3A_357 : i32 to index
        %get3A_429 = arith.constant 96 : index
        %get3A_430 = tpu.vector_load %arg18[%get3A_428, %get3A_429] {strides = array<i32>} : memref<128x128xf32, #tpu.memory_space<vmem>>, vector<1x16xf32>,
        %get3A_431 = vector.shape_cast %get3A_430 : vector<1x16xf32> to vector<16xf32>
        %max3A_432 = arith.constant 0.000000e+00 : f32
        %max3A_433 = vector.broadcast %max3A_432 : f32 to vector<16xf32>
        %max3A_434 = arith.maximumf %get3A_431, %max3A_433 : vector<16xf32>
        %swap3A_435 = arith.index_cast %scan3A_357 : i32 to index
        %swap3A_436 = arith.constant 96 : index
        %swap3A_437 = tpu.vector_load %arg18[%swap3A_435, %swap3A_436] {strides = array<i32>} : memref<128x128xf32, #tpu.memory_space<vmem>>, vector<1x16xf32>,
        %swap3A_438 = vector.shape_cast %swap3A_437 : vector<1x16xf32> to vector<16xf32>
        %swap3A_439 = vector.shape_cast %max3A_434 : vector<16xf32> to vector<1x16xf32>
        tpu.vector_store %arg18[%swap3A_435, %swap3A_436], %swap3A_439 {strides = array<i32>} : memref<128x128xf32, #tpu.memory_space<vmem>>, vector<1x16xf32>,
        %get3A_440 = arith.index_cast %scan3A_357 : i32 to index
        %get3A_441 = arith.constant 112 : index
        %get3A_442 = tpu.vector_load %arg18[%get3A_440, %get3A_441] {strides = array<i32>} : memref<128x128xf32, #tpu.memory_space<vmem>>, vector<1x16xf32>,
        %get3A_443 = vector.shape_cast %get3A_442 : vector<1x16xf32> to vector<16xf32>
        %max3A_444 = arith.constant 0.000000e+00 : f32
        %max3A_445 = vector.broadcast %max3A_444 : f32 to vector<16xf32>
        %max3A_446 = arith.maximumf %get3A_443, %max3A_445 : vector<16xf32>
        %swap3A_447 = arith.index_cast %scan3A_357 : i32 to index
        %swap3A_448 = arith.constant 112 : index
        %swap3A_449 = tpu.vector_load %arg18[%swap3A_447, %swap3A_448] {strides = array<i32>} : memref<128x128xf32, #tpu.memory_space<vmem>>, vector<1x16xf32>,
        %swap3A_450 = vector.shape_cast %swap3A_449 : vector<1x16xf32> to vector<16xf32>
        %swap3A_451 = vector.shape_cast %max3A_446 : vector<16xf32> to vector<1x16xf32>
        tpu.vector_store %arg18[%swap3A_447, %swap3A_448], %swap3A_451 {strides = array<i32>} : memref<128x128xf32, #tpu.memory_space<vmem>>, vector<1x16xf32>,
        %scan3A_452 = arith.constant 0 : i32
        scf.yield %scan3A_452 : i32
      }
      %scan3A_323 = arith.constant 128 : i32
      %dma_start3A_324 = arith.constant 0 : i32
      %dma_start3A_325 = tpu.memref_slice %arg9[%add3A_288, %dma_start3A_324] : memref<320000x128xf32, #tpu.memory_space<hbm>> -> memref<128x128xf32, #tpu.memory_space<hbm>>
      %dma_start3A_326 = arith.constant 0 : i32
      %dma_start3A_327 = tpu.memref_slice %arg9[%add3A_288, %dma_start3A_326] : memref<320000x128xf32, #tpu.memory_space<hbm>> -> memref<128x128xf32, #tpu.memory_space<hbm>>
      tpu.enqueue_dma source(%arg18 : memref<128x128xf32, #tpu.memory_space<vmem>>) target(%dma_start3A_327 : memref<128x128xf32, #tpu.memory_space<hbm>>) target_semaphore(%arg26 : memref<!tpu.dma_semaphore, #tpu.memory_space<semaphore_mem>>)
      %dma_start3A_328 = arith.constant 0 : i32
      %dma_start3A_329 = arith.constant 0 : i32
      %dma_start3A_330 = tpu.memref_slice %arg19[%dma_start3A_328, %dma_start3A_329] : memref<10240x128xf32, #tpu.memory_space<vmem_shared>> -> memref<10240x128xf32, #tpu.memory_space<vmem_shared>>
      tpu.enqueue_indirect_dma source(%arg18 : memref<128x128xf32, #tpu.memory_space<vmem>>) target(%dma_start3A_330 : memref<10240x128xf32, #tpu.memory_space<vmem_shared>>) offsets(%arg16 : memref<128xi32, #tpu.memory_space<vmem>>) semaphore(%arg28 : memref<!tpu.dma_semaphore, #tpu.memory_space<semaphore_mem>>) {add = true}
      %dma_wait3A_331 = arith.constant 0 : i32
      %dma_wait3A_332 = tpu.memref_slice %arg9[%add3A_288, %dma_wait3A_331] : memref<320000x128xf32, #tpu.memory_space<hbm>> -> memref<128x128xf32, #tpu.memory_space<hbm>>
      %dma_wait3A_333 = arith.constant 0 : i32
      %dma_wait3A_334 = tpu.memref_slice %arg9[%add3A_288, %dma_wait3A_333] : memref<320000x128xf32, #tpu.memory_space<hbm>> -> memref<128x128xf32, #tpu.memory_space<hbm>>
      tpu.wait_dma2 semaphore(%arg26 : memref<!tpu.dma_semaphore, #tpu.memory_space<semaphore_mem>>) src(%arg18 : memref<128x128xf32, #tpu.memory_space<vmem>>) dst(%dma_wait3A_334 : memref<128x128xf32, #tpu.memory_space<hbm>>)
      %dma_wait3A_335 = arith.constant 0 : i32
      %dma_wait3A_336 = arith.constant 0 : i32
      %dma_wait3A_337 = tpu.memref_slice %arg19[%dma_wait3A_335, %dma_wait3A_336] : memref<10240x128xf32, #tpu.memory_space<vmem_shared>> -> memref<10240x128xf32, #tpu.memory_space<vmem_shared>>
      tpu.wait_indirect_dma semaphore(%arg28 : memref<!tpu.dma_semaphore, #tpu.memory_space<semaphore_mem>>) src(%arg18 : memref<128x128xf32, #tpu.memory_space<vmem>>) dst(%dma_wait3A_337 : memref<10240x128xf32, #tpu.memory_space<vmem_shared>>)
      %add3A_338 = arith.constant 2 : i32
      %add3A_339 = arith.addi %add3A_285, %add3A_338 : i32
      %mul3A_340 = arith.constant 128 : i32
      %mul3A_341 = arith.muli %add3A_339, %mul3A_340 : i32
      %add3A_342 = arith.addi %mul3A_2, %mul3A_341 : i32
      %dma_start3A_343 = tpu.memref_slice %arg5[%add3A_342] : memref<320000xi32, #tpu.memory_space<hbm>> -> memref<128xi32, #tpu.memory_space<hbm>>
      %dma_start3A_344 = tpu.memref_slice %arg5[%add3A_342] : memref<320000xi32, #tpu.memory_space<hbm>> -> memref<128xi32, #tpu.memory_space<hbm>>
      tpu.enqueue_dma source(%dma_start3A_344 : memref<128xi32, #tpu.memory_space<hbm>>) target(%arg13 : memref<128xi32, #tpu.memory_space<vmem>>) target_semaphore(%arg22 : memref<!tpu.dma_semaphore, #tpu.memory_space<semaphore_mem>>)
      %dma_start3A_345 = tpu.memref_slice %arg6[%add3A_342] : memref<320000xi32, #tpu.memory_space<hbm>> -> memref<128xi32, #tpu.memory_space<hbm>>
      %dma_start3A_346 = tpu.memref_slice %arg6[%add3A_342] : memref<320000xi32, #tpu.memory_space<hbm>> -> memref<128xi32, #tpu.memory_space<hbm>>
      tpu.enqueue_dma source(%dma_start3A_346 : memref<128xi32, #tpu.memory_space<hbm>>) target(%arg14 : memref<128xi32, #tpu.memory_space<vmem>>) target_semaphore(%arg22 : memref<!tpu.dma_semaphore, #tpu.memory_space<semaphore_mem>>)
      %mul3A_347 = arith.constant 320000 : i32
      %mul3A_348 = arith.muli %arg0, %mul3A_347 : i32
      %add3A_349 = arith.addi %mul3A_348, %add3A_342 : i32
      %dma_start3A_350 = tpu.memref_slice %arg7[%add3A_349] : memref<640000xi32, #tpu.memory_space<hbm>> -> memref<128xi32, #tpu.memory_space<hbm>>
      %dma_start3A_351 = tpu.memref_slice %arg7[%add3A_349] : memref<640000xi32, #tpu.memory_space<hbm>> -> memref<128xi32, #tpu.memory_space<hbm>>
      tpu.enqueue_dma source(%dma_start3A_351 : memref<128xi32, #tpu.memory_space<hbm>>) target(%arg16 : memref<128xi32, #tpu.memory_space<vmem>>) target_semaphore(%arg22 : memref<!tpu.dma_semaphore, #tpu.memory_space<semaphore_mem>>)
      %dma_start3A_352 = arith.constant 0 : i32
      %dma_start3A_353 = tpu.memref_slice %arg2[%add3A_342, %dma_start3A_352] : memref<320000x128xf32, #tpu.memory_space<hbm>> -> memref<128x128xf32, #tpu.memory_space<hbm>>
      %dma_start3A_354 = arith.constant 0 : i32
      %dma_start3A_355 = tpu.memref_slice %arg2[%add3A_342, %dma_start3A_354] : memref<320000x128xf32, #tpu.memory_space<hbm>> -> memref<128x128xf32, #tpu.memory_space<hbm>>
      tpu.enqueue_dma source(%dma_start3A_355 : memref<128x128xf32, #tpu.memory_space<hbm>>) target(%arg18 : memref<128x128xf32, #tpu.memory_space<vmem>>) target_semaphore(%arg22 : memref<!tpu.dma_semaphore, #tpu.memory_space<semaphore_mem>>)
      %scan3A_356 = arith.constant 0 : i32
      scf.yield %scan3A_356 : i32
    }
    %scan3A_41 = arith.constant 38 : i32
    %add3A_42 = arith.constant 9728 : i32
    %add3A_43 = arith.addi %mul3A_2, %add3A_42 : i32
    %add3A_44 = arith.constant 9728 : i32
    %add3A_45 = arith.addi %mul3A_2, %add3A_44 : i32
    %dma_wait3A = tpu.memref_slice %arg5[%add3A_45] : memref<320000xi32, #tpu.memory_space<hbm>> -> memref<128xi32, #tpu.memory_space<hbm>>
    %dma_wait3A_46 = tpu.memref_slice %arg5[%add3A_45] : memref<320000xi32, #tpu.memory_space<hbm>> -> memref<128xi32, #tpu.memory_space<hbm>>
    tpu.wait_dma2 semaphore(%arg21 : memref<!tpu.dma_semaphore, #tpu.memory_space<semaphore_mem>>) src(%dma_wait3A_46 : memref<128xi32, #tpu.memory_space<hbm>>) dst(%arg11 : memref<128xi32, #tpu.memory_space<vmem>>)
    %dma_wait3A_47 = tpu.memref_slice %arg6[%add3A_45] : memref<320000xi32, #tpu.memory_space<hbm>> -> memref<128xi32, #tpu.memory_space<hbm>>
    %dma_wait3A_48 = tpu.memref_slice %arg6[%add3A_45] : memref<320000xi32, #tpu.memory_space<hbm>> -> memref<128xi32, #tpu.memory_space<hbm>>
    tpu.wait_dma2 semaphore(%arg21 : memref<!tpu.dma_semaphore, #tpu.memory_space<semaphore_mem>>) src(%dma_wait3A_48 : memref<128xi32, #tpu.memory_space<hbm>>) dst(%arg12 : memref<128xi32, #tpu.memory_space<vmem>>)
    %mul3A_49 = arith.constant 320000 : i32
    %mul3A_50 = arith.muli %arg0, %mul3A_49 : i32
    %add3A_51 = arith.addi %mul3A_50, %add3A_45 : i32
    %dma_wait3A_52 = tpu.memref_slice %arg7[%add3A_51] : memref<640000xi32, #tpu.memory_space<hbm>> -> memref<128xi32, #tpu.memory_space<hbm>>
    %dma_wait3A_53 = tpu.memref_slice %arg7[%add3A_51] : memref<640000xi32, #tpu.memory_space<hbm>> -> memref<128xi32, #tpu.memory_space<hbm>>
    tpu.wait_dma2 semaphore(%arg21 : memref<!tpu.dma_semaphore, #tpu.memory_space<semaphore_mem>>) src(%dma_wait3A_53 : memref<128xi32, #tpu.memory_space<hbm>>) dst(%arg15 : memref<128xi32, #tpu.memory_space<vmem>>)
    %dma_wait3A_54 = arith.constant 0 : i32
    %dma_wait3A_55 = tpu.memref_slice %arg2[%add3A_45, %dma_wait3A_54] : memref<320000x128xf32, #tpu.memory_space<hbm>> -> memref<128x128xf32, #tpu.memory_space<hbm>>
    %dma_wait3A_56 = arith.constant 0 : i32
    %dma_wait3A_57 = tpu.memref_slice %arg2[%add3A_45, %dma_wait3A_56] : memref<320000x128xf32, #tpu.memory_space<hbm>> -> memref<128x128xf32, #tpu.memory_space<hbm>>
    tpu.wait_dma2 semaphore(%arg21 : memref<!tpu.dma_semaphore, #tpu.memory_space<semaphore_mem>>) src(%dma_wait3A_57 : memref<128x128xf32, #tpu.memory_space<hbm>>) dst(%arg17 : memref<128x128xf32, #tpu.memory_space<vmem>>)
    %dma_start3A_58 = arith.constant 0 : i32
    %dma_start3A_59 = arith.constant 0 : i32
    %dma_start3A_60 = tpu.memref_slice %arg3[%dma_start3A_58, %dma_start3A_59] : memref<10000x128xf32, #tpu.memory_space<hbm>> -> memref<10000x128xf32, #tpu.memory_space<hbm>>
    tpu.enqueue_indirect_dma source(%dma_start3A_60 : memref<10000x128xf32, #tpu.memory_space<hbm>>) target(%arg17 : memref<128x128xf32, #tpu.memory_space<vmem>>) offsets(%arg11 : memref<128xi32, #tpu.memory_space<vmem>>) semaphore(%arg23 : memref<!tpu.dma_semaphore, #tpu.memory_space<semaphore_mem>>) {add = true}
    %dma_start3A_61 = arith.constant 0 : i32
    %dma_start3A_62 = arith.constant 0 : i32
    %dma_start3A_63 = tpu.memref_slice %arg4[%dma_start3A_61, %dma_start3A_62] : memref<10000x128xf32, #tpu.memory_space<hbm>> -> memref<10000x128xf32, #tpu.memory_space<hbm>>
    tpu.enqueue_indirect_dma source(%dma_start3A_63 : memref<10000x128xf32, #tpu.memory_space<hbm>>) target(%arg17 : memref<128x128xf32, #tpu.memory_space<vmem>>) offsets(%arg12 : memref<128xi32, #tpu.memory_space<vmem>>) semaphore(%arg23 : memref<!tpu.dma_semaphore, #tpu.memory_space<semaphore_mem>>) {add = true}
    %dma_wait3A_64 = arith.constant 0 : i32
    %dma_wait3A_65 = arith.constant 0 : i32
    %dma_wait3A_66 = tpu.memref_slice %arg3[%dma_wait3A_64, %dma_wait3A_65] : memref<10000x128xf32, #tpu.memory_space<hbm>> -> memref<10000x128xf32, #tpu.memory_space<hbm>>
    tpu.wait_indirect_dma semaphore(%arg23 : memref<!tpu.dma_semaphore, #tpu.memory_space<semaphore_mem>>) src(%dma_wait3A_66 : memref<10000x128xf32, #tpu.memory_space<hbm>>) dst(%arg17 : memref<128x128xf32, #tpu.memory_space<vmem>>)
    %dma_wait3A_67 = arith.constant 0 : i32
    %dma_wait3A_68 = arith.constant 0 : i32
    %dma_wait3A_69 = tpu.memref_slice %arg4[%dma_wait3A_67, %dma_wait3A_68] : memref<10000x128xf32, #tpu.memory_space<hbm>> -> memref<10000x128xf32, #tpu.memory_space<hbm>>
    tpu.wait_indirect_dma semaphore(%arg23 : memref<!tpu.dma_semaphore, #tpu.memory_space<semaphore_mem>>) src(%dma_wait3A_69 : memref<10000x128xf32, #tpu.memory_space<hbm>>) dst(%arg17 : memref<128x128xf32, #tpu.memory_space<vmem>>)
    %scan3A_70 = arith.constant 0 : i32
    %scan3A_71 = arith.constant 0 : i32
    %scan3A_72 = arith.constant 128 : i32
    %scan3A_73 = arith.addi %scan3A_71, %scan3A_72 : i32
    %scan3A_74 = arith.constant 1 : i32
    %scan3A_75 = scf.for %scan3A_206 = %scan3A_71 to %scan3A_73 step %scan3A_74 iter_args(%scan3A_207 = %scan3A_70) -> (i32)  : i32 {
      %get3A = arith.index_cast %scan3A_206 : i32 to index
      %get3A_208 = arith.constant 0 : index
      %get3A_209 = tpu.vector_load %arg17[%get3A, %get3A_208] {strides = array<i32>} : memref<128x128xf32, #tpu.memory_space<vmem>>, vector<1x16xf32>,
      %get3A_210 = vector.shape_cast %get3A_209 : vector<1x16xf32> to vector<16xf32>
      %max3A = arith.constant 0.000000e+00 : f32
      %max3A_211 = vector.broadcast %max3A : f32 to vector<16xf32>
      %max3A_212 = arith.maximumf %get3A_210, %max3A_211 : vector<16xf32>
      %swap3A = arith.index_cast %scan3A_206 : i32 to index
      %swap3A_213 = arith.constant 0 : index
      %swap3A_214 = tpu.vector_load %arg17[%swap3A, %swap3A_213] {strides = array<i32>} : memref<128x128xf32, #tpu.memory_space<vmem>>, vector<1x16xf32>,
      %swap3A_215 = vector.shape_cast %swap3A_214 : vector<1x16xf32> to vector<16xf32>
      %swap3A_216 = vector.shape_cast %max3A_212 : vector<16xf32> to vector<1x16xf32>
      tpu.vector_store %arg17[%swap3A, %swap3A_213], %swap3A_216 {strides = array<i32>} : memref<128x128xf32, #tpu.memory_space<vmem>>, vector<1x16xf32>,
      %get3A_217 = arith.index_cast %scan3A_206 : i32 to index
      %get3A_218 = arith.constant 16 : index
      %get3A_219 = tpu.vector_load %arg17[%get3A_217, %get3A_218] {strides = array<i32>} : memref<128x128xf32, #tpu.memory_space<vmem>>, vector<1x16xf32>,
      %get3A_220 = vector.shape_cast %get3A_219 : vector<1x16xf32> to vector<16xf32>
      %max3A_221 = arith.constant 0.000000e+00 : f32
      %max3A_222 = vector.broadcast %max3A_221 : f32 to vector<16xf32>
      %max3A_223 = arith.maximumf %get3A_220, %max3A_222 : vector<16xf32>
      %swap3A_224 = arith.index_cast %scan3A_206 : i32 to index
      %swap3A_225 = arith.constant 16 : index
      %swap3A_226 = tpu.vector_load %arg17[%swap3A_224, %swap3A_225] {strides = array<i32>} : memref<128x128xf32, #tpu.memory_space<vmem>>, vector<1x16xf32>,
      %swap3A_227 = vector.shape_cast %swap3A_226 : vector<1x16xf32> to vector<16xf32>
      %swap3A_228 = vector.shape_cast %max3A_223 : vector<16xf32> to vector<1x16xf32>
      tpu.vector_store %arg17[%swap3A_224, %swap3A_225], %swap3A_228 {strides = array<i32>} : memref<128x128xf32, #tpu.memory_space<vmem>>, vector<1x16xf32>,
      %get3A_229 = arith.index_cast %scan3A_206 : i32 to index
      %get3A_230 = arith.constant 32 : index
      %get3A_231 = tpu.vector_load %arg17[%get3A_229, %get3A_230] {strides = array<i32>} : memref<128x128xf32, #tpu.memory_space<vmem>>, vector<1x16xf32>,
      %get3A_232 = vector.shape_cast %get3A_231 : vector<1x16xf32> to vector<16xf32>
      %max3A_233 = arith.constant 0.000000e+00 : f32
      %max3A_234 = vector.broadcast %max3A_233 : f32 to vector<16xf32>
      %max3A_235 = arith.maximumf %get3A_232, %max3A_234 : vector<16xf32>
      %swap3A_236 = arith.index_cast %scan3A_206 : i32 to index
      %swap3A_237 = arith.constant 32 : index
      %swap3A_238 = tpu.vector_load %arg17[%swap3A_236, %swap3A_237] {strides = array<i32>} : memref<128x128xf32, #tpu.memory_space<vmem>>, vector<1x16xf32>,
      %swap3A_239 = vector.shape_cast %swap3A_238 : vector<1x16xf32> to vector<16xf32>
      %swap3A_240 = vector.shape_cast %max3A_235 : vector<16xf32> to vector<1x16xf32>
      tpu.vector_store %arg17[%swap3A_236, %swap3A_237], %swap3A_240 {strides = array<i32>} : memref<128x128xf32, #tpu.memory_space<vmem>>, vector<1x16xf32>,
      %get3A_241 = arith.index_cast %scan3A_206 : i32 to index
      %get3A_242 = arith.constant 48 : index
      %get3A_243 = tpu.vector_load %arg17[%get3A_241, %get3A_242] {strides = array<i32>} : memref<128x128xf32, #tpu.memory_space<vmem>>, vector<1x16xf32>,
      %get3A_244 = vector.shape_cast %get3A_243 : vector<1x16xf32> to vector<16xf32>
      %max3A_245 = arith.constant 0.000000e+00 : f32
      %max3A_246 = vector.broadcast %max3A_245 : f32 to vector<16xf32>
      %max3A_247 = arith.maximumf %get3A_244, %max3A_246 : vector<16xf32>
      %swap3A_248 = arith.index_cast %scan3A_206 : i32 to index
      %swap3A_249 = arith.constant 48 : index
      %swap3A_250 = tpu.vector_load %arg17[%swap3A_248, %swap3A_249] {strides = array<i32>} : memref<128x128xf32, #tpu.memory_space<vmem>>, vector<1x16xf32>,
      %swap3A_251 = vector.shape_cast %swap3A_250 : vector<1x16xf32> to vector<16xf32>
      %swap3A_252 = vector.shape_cast %max3A_247 : vector<16xf32> to vector<1x16xf32>
      tpu.vector_store %arg17[%swap3A_248, %swap3A_249], %swap3A_252 {strides = array<i32>} : memref<128x128xf32, #tpu.memory_space<vmem>>, vector<1x16xf32>,
      %get3A_253 = arith.index_cast %scan3A_206 : i32 to index
      %get3A_254 = arith.constant 64 : index
      %get3A_255 = tpu.vector_load %arg17[%get3A_253, %get3A_254] {strides = array<i32>} : memref<128x128xf32, #tpu.memory_space<vmem>>, vector<1x16xf32>,
      %get3A_256 = vector.shape_cast %get3A_255 : vector<1x16xf32> to vector<16xf32>
      %max3A_257 = arith.constant 0.000000e+00 : f32
      %max3A_258 = vector.broadcast %max3A_257 : f32 to vector<16xf32>
      %max3A_259 = arith.maximumf %get3A_256, %max3A_258 : vector<16xf32>
      %swap3A_260 = arith.index_cast %scan3A_206 : i32 to index
      %swap3A_261 = arith.constant 64 : index
      %swap3A_262 = tpu.vector_load %arg17[%swap3A_260, %swap3A_261] {strides = array<i32>} : memref<128x128xf32, #tpu.memory_space<vmem>>, vector<1x16xf32>,
      %swap3A_263 = vector.shape_cast %swap3A_262 : vector<1x16xf32> to vector<16xf32>
      %swap3A_264 = vector.shape_cast %max3A_259 : vector<16xf32> to vector<1x16xf32>
      tpu.vector_store %arg17[%swap3A_260, %swap3A_261], %swap3A_264 {strides = array<i32>} : memref<128x128xf32, #tpu.memory_space<vmem>>, vector<1x16xf32>,
      %get3A_265 = arith.index_cast %scan3A_206 : i32 to index
      %get3A_266 = arith.constant 80 : index
      %get3A_267 = tpu.vector_load %arg17[%get3A_265, %get3A_266] {strides = array<i32>} : memref<128x128xf32, #tpu.memory_space<vmem>>, vector<1x16xf32>,
      %get3A_268 = vector.shape_cast %get3A_267 : vector<1x16xf32> to vector<16xf32>
      %max3A_269 = arith.constant 0.000000e+00 : f32
      %max3A_270 = vector.broadcast %max3A_269 : f32 to vector<16xf32>
      %max3A_271 = arith.maximumf %get3A_268, %max3A_270 : vector<16xf32>
      %swap3A_272 = arith.index_cast %scan3A_206 : i32 to index
      %swap3A_273 = arith.constant 80 : index
      %swap3A_274 = tpu.vector_load %arg17[%swap3A_272, %swap3A_273] {strides = array<i32>} : memref<128x128xf32, #tpu.memory_space<vmem>>, vector<1x16xf32>,
      %swap3A_275 = vector.shape_cast %swap3A_274 : vector<1x16xf32> to vector<16xf32>
      %swap3A_276 = vector.shape_cast %max3A_271 : vector<16xf32> to vector<1x16xf32>
      tpu.vector_store %arg17[%swap3A_272, %swap3A_273], %swap3A_276 {strides = array<i32>} : memref<128x128xf32, #tpu.memory_space<vmem>>, vector<1x16xf32>,
      %get3A_277 = arith.index_cast %scan3A_206 : i32 to index
      %get3A_278 = arith.constant 96 : index
      %get3A_279 = tpu.vector_load %arg17[%get3A_277, %get3A_278] {strides = array<i32>} : memref<128x128xf32, #tpu.memory_space<vmem>>, vector<1x16xf32>,
      %get3A_280 = vector.shape_cast %get3A_279 : vector<1x16xf32> to vector<16xf32>
      %max3A_281 = arith.constant 0.000000e+00 : f32
      %max3A_282 = vector.broadcast %max3A_281 : f32 to vector<16xf32>
      %max3A_283 = arith.maximumf %get3A_280, %max3A_282 : vector<16xf32>
      %swap3A_284 = arith.index_cast %scan3A_206 : i32 to index
      %swap3A_285 = arith.constant 96 : index
      %swap3A_286 = tpu.vector_load %arg17[%swap3A_284, %swap3A_285] {strides = array<i32>} : memref<128x128xf32, #tpu.memory_space<vmem>>, vector<1x16xf32>,
      %swap3A_287 = vector.shape_cast %swap3A_286 : vector<1x16xf32> to vector<16xf32>
      %swap3A_288 = vector.shape_cast %max3A_283 : vector<16xf32> to vector<1x16xf32>
      tpu.vector_store %arg17[%swap3A_284, %swap3A_285], %swap3A_288 {strides = array<i32>} : memref<128x128xf32, #tpu.memory_space<vmem>>, vector<1x16xf32>,
      %get3A_289 = arith.index_cast %scan3A_206 : i32 to index
      %get3A_290 = arith.constant 112 : index
      %get3A_291 = tpu.vector_load %arg17[%get3A_289, %get3A_290] {strides = array<i32>} : memref<128x128xf32, #tpu.memory_space<vmem>>, vector<1x16xf32>,
      %get3A_292 = vector.shape_cast %get3A_291 : vector<1x16xf32> to vector<16xf32>
      %max3A_293 = arith.constant 0.000000e+00 : f32
      %max3A_294 = vector.broadcast %max3A_293 : f32 to vector<16xf32>
      %max3A_295 = arith.maximumf %get3A_292, %max3A_294 : vector<16xf32>
      %swap3A_296 = arith.index_cast %scan3A_206 : i32 to index
      %swap3A_297 = arith.constant 112 : index
      %swap3A_298 = tpu.vector_load %arg17[%swap3A_296, %swap3A_297] {strides = array<i32>} : memref<128x128xf32, #tpu.memory_space<vmem>>, vector<1x16xf32>,
      %swap3A_299 = vector.shape_cast %swap3A_298 : vector<1x16xf32> to vector<16xf32>
      %swap3A_300 = vector.shape_cast %max3A_295 : vector<16xf32> to vector<1x16xf32>
      tpu.vector_store %arg17[%swap3A_296, %swap3A_297], %swap3A_300 {strides = array<i32>} : memref<128x128xf32, #tpu.memory_space<vmem>>, vector<1x16xf32>,
      %scan3A_301 = arith.constant 0 : i32
      scf.yield %scan3A_301 : i32
    }
    %scan3A_76 = arith.constant 128 : i32
    %dma_start3A_77 = arith.constant 0 : i32
    %dma_start3A_78 = tpu.memref_slice %arg9[%add3A_43, %dma_start3A_77] : memref<320000x128xf32, #tpu.memory_space<hbm>> -> memref<128x128xf32, #tpu.memory_space<hbm>>
    %dma_start3A_79 = arith.constant 0 : i32
    %dma_start3A_80 = tpu.memref_slice %arg9[%add3A_43, %dma_start3A_79] : memref<320000x128xf32, #tpu.memory_space<hbm>> -> memref<128x128xf32, #tpu.memory_space<hbm>>
    tpu.enqueue_dma source(%arg17 : memref<128x128xf32, #tpu.memory_space<vmem>>) target(%dma_start3A_80 : memref<128x128xf32, #tpu.memory_space<hbm>>) target_semaphore(%arg25 : memref<!tpu.dma_semaphore, #tpu.memory_space<semaphore_mem>>)
    %dma_start3A_81 = arith.constant 0 : i32
    %dma_start3A_82 = arith.constant 0 : i32
    %dma_start3A_83 = tpu.memref_slice %arg19[%dma_start3A_81, %dma_start3A_82] : memref<10240x128xf32, #tpu.memory_space<vmem_shared>> -> memref<10240x128xf32, #tpu.memory_space<vmem_shared>>
    tpu.enqueue_indirect_dma source(%arg17 : memref<128x128xf32, #tpu.memory_space<vmem>>) target(%dma_start3A_83 : memref<10240x128xf32, #tpu.memory_space<vmem_shared>>) offsets(%arg15 : memref<128xi32, #tpu.memory_space<vmem>>) semaphore(%arg27 : memref<!tpu.dma_semaphore, #tpu.memory_space<semaphore_mem>>) {add = true}
    %add3A_84 = arith.constant 9728 : i32
    %add3A_85 = arith.addi %mul3A_2, %add3A_84 : i32
    %dma_wait3A_86 = arith.constant 0 : i32
    %dma_wait3A_87 = tpu.memref_slice %arg9[%add3A_85, %dma_wait3A_86] : memref<320000x128xf32, #tpu.memory_space<hbm>> -> memref<128x128xf32, #tpu.memory_space<hbm>>
    %dma_wait3A_88 = arith.constant 0 : i32
    %dma_wait3A_89 = tpu.memref_slice %arg9[%add3A_85, %dma_wait3A_88] : memref<320000x128xf32, #tpu.memory_space<hbm>> -> memref<128x128xf32, #tpu.memory_space<hbm>>
    tpu.wait_dma2 semaphore(%arg25 : memref<!tpu.dma_semaphore, #tpu.memory_space<semaphore_mem>>) src(%arg17 : memref<128x128xf32, #tpu.memory_space<vmem>>) dst(%dma_wait3A_89 : memref<128x128xf32, #tpu.memory_space<hbm>>)
    %dma_wait3A_90 = arith.constant 0 : i32
    %dma_wait3A_91 = arith.constant 0 : i32
    %dma_wait3A_92 = tpu.memref_slice %arg19[%dma_wait3A_90, %dma_wait3A_91] : memref<10240x128xf32, #tpu.memory_space<vmem_shared>> -> memref<10240x128xf32, #tpu.memory_space<vmem_shared>>
    tpu.wait_indirect_dma semaphore(%arg27 : memref<!tpu.dma_semaphore, #tpu.memory_space<semaphore_mem>>) src(%arg17 : memref<128x128xf32, #tpu.memory_space<vmem>>) dst(%dma_wait3A_92 : memref<10240x128xf32, #tpu.memory_space<vmem_shared>>)
    %add3A_93 = arith.constant 9856 : i32
    %add3A_94 = arith.addi %mul3A_2, %add3A_93 : i32
    %add3A_95 = arith.constant 9856 : i32
    %add3A_96 = arith.addi %mul3A_2, %add3A_95 : i32
    %dma_wait3A_97 = tpu.memref_slice %arg5[%add3A_96] : memref<320000xi32, #tpu.memory_space<hbm>> -> memref<128xi32, #tpu.memory_space<hbm>>
    %dma_wait3A_98 = tpu.memref_slice %arg5[%add3A_96] : memref<320000xi32, #tpu.memory_space<hbm>> -> memref<128xi32, #tpu.memory_space<hbm>>
    tpu.wait_dma2 semaphore(%arg22 : memref<!tpu.dma_semaphore, #tpu.memory_space<semaphore_mem>>) src(%dma_wait3A_98 : memref<128xi32, #tpu.memory_space<hbm>>) dst(%arg13 : memref<128xi32, #tpu.memory_space<vmem>>)
    %dma_wait3A_99 = tpu.memref_slice %arg6[%add3A_96] : memref<320000xi32, #tpu.memory_space<hbm>> -> memref<128xi32, #tpu.memory_space<hbm>>
    %dma_wait3A_100 = tpu.memref_slice %arg6[%add3A_96] : memref<320000xi32, #tpu.memory_space<hbm>> -> memref<128xi32, #tpu.memory_space<hbm>>
    tpu.wait_dma2 semaphore(%arg22 : memref<!tpu.dma_semaphore, #tpu.memory_space<semaphore_mem>>) src(%dma_wait3A_100 : memref<128xi32, #tpu.memory_space<hbm>>) dst(%arg14 : memref<128xi32, #tpu.memory_space<vmem>>)
    %mul3A_101 = arith.constant 320000 : i32
    %mul3A_102 = arith.muli %arg0, %mul3A_101 : i32
    %add3A_103 = arith.addi %mul3A_102, %add3A_96 : i32
    %dma_wait3A_104 = tpu.memref_slice %arg7[%add3A_103] : memref<640000xi32, #tpu.memory_space<hbm>> -> memref<128xi32, #tpu.memory_space<hbm>>
    %dma_wait3A_105 = tpu.memref_slice %arg7[%add3A_103] : memref<640000xi32, #tpu.memory_space<hbm>> -> memref<128xi32, #tpu.memory_space<hbm>>
    tpu.wait_dma2 semaphore(%arg22 : memref<!tpu.dma_semaphore, #tpu.memory_space<semaphore_mem>>) src(%dma_wait3A_105 : memref<128xi32, #tpu.memory_space<hbm>>) dst(%arg16 : memref<128xi32, #tpu.memory_space<vmem>>)
    %dma_wait3A_106 = arith.constant 0 : i32
    %dma_wait3A_107 = tpu.memref_slice %arg2[%add3A_96, %dma_wait3A_106] : memref<320000x128xf32, #tpu.memory_space<hbm>> -> memref<128x128xf32, #tpu.memory_space<hbm>>
    %dma_wait3A_108 = arith.constant 0 : i32
    %dma_wait3A_109 = tpu.memref_slice %arg2[%add3A_96, %dma_wait3A_108] : memref<320000x128xf32, #tpu.memory_space<hbm>> -> memref<128x128xf32, #tpu.memory_space<hbm>>
    tpu.wait_dma2 semaphore(%arg22 : memref<!tpu.dma_semaphore, #tpu.memory_space<semaphore_mem>>) src(%dma_wait3A_109 : memref<128x128xf32, #tpu.memory_space<hbm>>) dst(%arg18 : memref<128x128xf32, #tpu.memory_space<vmem>>)
    %dma_start3A_110 = arith.constant 0 : i32
    %dma_start3A_111 = arith.constant 0 : i32
    %dma_start3A_112 = tpu.memref_slice %arg3[%dma_start3A_110, %dma_start3A_111] : memref<10000x128xf32, #tpu.memory_space<hbm>> -> memref<10000x128xf32, #tpu.memory_space<hbm>>
    tpu.enqueue_indirect_dma source(%dma_start3A_112 : memref<10000x128xf32, #tpu.memory_space<hbm>>) target(%arg18 : memref<128x128xf32, #tpu.memory_space<vmem>>) offsets(%arg13 : memref<128xi32, #tpu.memory_space<vmem>>) semaphore(%arg24 : memref<!tpu.dma_semaphore, #tpu.memory_space<semaphore_mem>>) {add = true}
    %dma_start3A_113 = arith.constant 0 : i32
    %dma_start3A_114 = arith.constant 0 : i32
    %dma_start3A_115 = tpu.memref_slice %arg4[%dma_start3A_113, %dma_start3A_114] : memref<10000x128xf32, #tpu.memory_space<hbm>> -> memref<10000x128xf32, #tpu.memory_space<hbm>>
    tpu.enqueue_indirect_dma source(%dma_start3A_115 : memref<10000x128xf32, #tpu.memory_space<hbm>>) target(%arg18 : memref<128x128xf32, #tpu.memory_space<vmem>>) offsets(%arg14 : memref<128xi32, #tpu.memory_space<vmem>>) semaphore(%arg24 : memref<!tpu.dma_semaphore, #tpu.memory_space<semaphore_mem>>) {add = true}
    %dma_wait3A_116 = arith.constant 0 : i32
    %dma_wait3A_117 = arith.constant 0 : i32
    %dma_wait3A_118 = tpu.memref_slice %arg3[%dma_wait3A_116, %dma_wait3A_117] : memref<10000x128xf32, #tpu.memory_space<hbm>> -> memref<10000x128xf32, #tpu.memory_space<hbm>>
    tpu.wait_indirect_dma semaphore(%arg24 : memref<!tpu.dma_semaphore, #tpu.memory_space<semaphore_mem>>) src(%dma_wait3A_118 : memref<10000x128xf32, #tpu.memory_space<hbm>>) dst(%arg18 : memref<128x128xf32, #tpu.memory_space<vmem>>)
    %dma_wait3A_119 = arith.constant 0 : i32
    %dma_wait3A_120 = arith.constant 0 : i32
    %dma_wait3A_121 = tpu.memref_slice %arg4[%dma_wait3A_119, %dma_wait3A_120] : memref<10000x128xf32, #tpu.memory_space<hbm>> -> memref<10000x128xf32, #tpu.memory_space<hbm>>
    tpu.wait_indirect_dma semaphore(%arg24 : memref<!tpu.dma_semaphore, #tpu.memory_space<semaphore_mem>>) src(%dma_wait3A_121 : memref<10000x128xf32, #tpu.memory_space<hbm>>) dst(%arg18 : memref<128x128xf32, #tpu.memory_space<vmem>>)
    %scan3A_122 = arith.constant 0 : i32
    %scan3A_123 = arith.constant 0 : i32
    %scan3A_124 = arith.constant 128 : i32
    %scan3A_125 = arith.addi %scan3A_123, %scan3A_124 : i32
    %scan3A_126 = arith.constant 1 : i32
    %scan3A_127 = scf.for %scan3A_206 = %scan3A_123 to %scan3A_125 step %scan3A_126 iter_args(%scan3A_207 = %scan3A_122) -> (i32)  : i32 {
      %get3A = arith.index_cast %scan3A_206 : i32 to index
      %get3A_208 = arith.constant 0 : index
      %get3A_209 = tpu.vector_load %arg18[%get3A, %get3A_208] {strides = array<i32>} : memref<128x128xf32, #tpu.memory_space<vmem>>, vector<1x16xf32>,
      %get3A_210 = vector.shape_cast %get3A_209 : vector<1x16xf32> to vector<16xf32>
      %max3A = arith.constant 0.000000e+00 : f32
      %max3A_211 = vector.broadcast %max3A : f32 to vector<16xf32>
      %max3A_212 = arith.maximumf %get3A_210, %max3A_211 : vector<16xf32>
      %swap3A = arith.index_cast %scan3A_206 : i32 to index
      %swap3A_213 = arith.constant 0 : index
      %swap3A_214 = tpu.vector_load %arg18[%swap3A, %swap3A_213] {strides = array<i32>} : memref<128x128xf32, #tpu.memory_space<vmem>>, vector<1x16xf32>,
      %swap3A_215 = vector.shape_cast %swap3A_214 : vector<1x16xf32> to vector<16xf32>
      %swap3A_216 = vector.shape_cast %max3A_212 : vector<16xf32> to vector<1x16xf32>
      tpu.vector_store %arg18[%swap3A, %swap3A_213], %swap3A_216 {strides = array<i32>} : memref<128x128xf32, #tpu.memory_space<vmem>>, vector<1x16xf32>,
      %get3A_217 = arith.index_cast %scan3A_206 : i32 to index
      %get3A_218 = arith.constant 16 : index
      %get3A_219 = tpu.vector_load %arg18[%get3A_217, %get3A_218] {strides = array<i32>} : memref<128x128xf32, #tpu.memory_space<vmem>>, vector<1x16xf32>,
      %get3A_220 = vector.shape_cast %get3A_219 : vector<1x16xf32> to vector<16xf32>
      %max3A_221 = arith.constant 0.000000e+00 : f32
      %max3A_222 = vector.broadcast %max3A_221 : f32 to vector<16xf32>
      %max3A_223 = arith.maximumf %get3A_220, %max3A_222 : vector<16xf32>
      %swap3A_224 = arith.index_cast %scan3A_206 : i32 to index
      %swap3A_225 = arith.constant 16 : index
      %swap3A_226 = tpu.vector_load %arg18[%swap3A_224, %swap3A_225] {strides = array<i32>} : memref<128x128xf32, #tpu.memory_space<vmem>>, vector<1x16xf32>,
      %swap3A_227 = vector.shape_cast %swap3A_226 : vector<1x16xf32> to vector<16xf32>
      %swap3A_228 = vector.shape_cast %max3A_223 : vector<16xf32> to vector<1x16xf32>
      tpu.vector_store %arg18[%swap3A_224, %swap3A_225], %swap3A_228 {strides = array<i32>} : memref<128x128xf32, #tpu.memory_space<vmem>>, vector<1x16xf32>,
      %get3A_229 = arith.index_cast %scan3A_206 : i32 to index
      %get3A_230 = arith.constant 32 : index
      %get3A_231 = tpu.vector_load %arg18[%get3A_229, %get3A_230] {strides = array<i32>} : memref<128x128xf32, #tpu.memory_space<vmem>>, vector<1x16xf32>,
      %get3A_232 = vector.shape_cast %get3A_231 : vector<1x16xf32> to vector<16xf32>
      %max3A_233 = arith.constant 0.000000e+00 : f32
      %max3A_234 = vector.broadcast %max3A_233 : f32 to vector<16xf32>
      %max3A_235 = arith.maximumf %get3A_232, %max3A_234 : vector<16xf32>
      %swap3A_236 = arith.index_cast %scan3A_206 : i32 to index
      %swap3A_237 = arith.constant 32 : index
      %swap3A_238 = tpu.vector_load %arg18[%swap3A_236, %swap3A_237] {strides = array<i32>} : memref<128x128xf32, #tpu.memory_space<vmem>>, vector<1x16xf32>,
      %swap3A_239 = vector.shape_cast %swap3A_238 : vector<1x16xf32> to vector<16xf32>
      %swap3A_240 = vector.shape_cast %max3A_235 : vector<16xf32> to vector<1x16xf32>
      tpu.vector_store %arg18[%swap3A_236, %swap3A_237], %swap3A_240 {strides = array<i32>} : memref<128x128xf32, #tpu.memory_space<vmem>>, vector<1x16xf32>,
      %get3A_241 = arith.index_cast %scan3A_206 : i32 to index
      %get3A_242 = arith.constant 48 : index
      %get3A_243 = tpu.vector_load %arg18[%get3A_241, %get3A_242] {strides = array<i32>} : memref<128x128xf32, #tpu.memory_space<vmem>>, vector<1x16xf32>,
      %get3A_244 = vector.shape_cast %get3A_243 : vector<1x16xf32> to vector<16xf32>
      %max3A_245 = arith.constant 0.000000e+00 : f32
      %max3A_246 = vector.broadcast %max3A_245 : f32 to vector<16xf32>
      %max3A_247 = arith.maximumf %get3A_244, %max3A_246 : vector<16xf32>
      %swap3A_248 = arith.index_cast %scan3A_206 : i32 to index
      %swap3A_249 = arith.constant 48 : index
      %swap3A_250 = tpu.vector_load %arg18[%swap3A_248, %swap3A_249] {strides = array<i32>} : memref<128x128xf32, #tpu.memory_space<vmem>>, vector<1x16xf32>,
      %swap3A_251 = vector.shape_cast %swap3A_250 : vector<1x16xf32> to vector<16xf32>
      %swap3A_252 = vector.shape_cast %max3A_247 : vector<16xf32> to vector<1x16xf32>
      tpu.vector_store %arg18[%swap3A_248, %swap3A_249], %swap3A_252 {strides = array<i32>} : memref<128x128xf32, #tpu.memory_space<vmem>>, vector<1x16xf32>,
      %get3A_253 = arith.index_cast %scan3A_206 : i32 to index
      %get3A_254 = arith.constant 64 : index
      %get3A_255 = tpu.vector_load %arg18[%get3A_253, %get3A_254] {strides = array<i32>} : memref<128x128xf32, #tpu.memory_space<vmem>>, vector<1x16xf32>,
      %get3A_256 = vector.shape_cast %get3A_255 : vector<1x16xf32> to vector<16xf32>
      %max3A_257 = arith.constant 0.000000e+00 : f32
      %max3A_258 = vector.broadcast %max3A_257 : f32 to vector<16xf32>
      %max3A_259 = arith.maximumf %get3A_256, %max3A_258 : vector<16xf32>
      %swap3A_260 = arith.index_cast %scan3A_206 : i32 to index
      %swap3A_261 = arith.constant 64 : index
      %swap3A_262 = tpu.vector_load %arg18[%swap3A_260, %swap3A_261] {strides = array<i32>} : memref<128x128xf32, #tpu.memory_space<vmem>>, vector<1x16xf32>,
      %swap3A_263 = vector.shape_cast %swap3A_262 : vector<1x16xf32> to vector<16xf32>
      %swap3A_264 = vector.shape_cast %max3A_259 : vector<16xf32> to vector<1x16xf32>
      tpu.vector_store %arg18[%swap3A_260, %swap3A_261], %swap3A_264 {strides = array<i32>} : memref<128x128xf32, #tpu.memory_space<vmem>>, vector<1x16xf32>,
      %get3A_265 = arith.index_cast %scan3A_206 : i32 to index
      %get3A_266 = arith.constant 80 : index
      %get3A_267 = tpu.vector_load %arg18[%get3A_265, %get3A_266] {strides = array<i32>} : memref<128x128xf32, #tpu.memory_space<vmem>>, vector<1x16xf32>,
      %get3A_268 = vector.shape_cast %get3A_267 : vector<1x16xf32> to vector<16xf32>
      %max3A_269 = arith.constant 0.000000e+00 : f32
      %max3A_270 = vector.broadcast %max3A_269 : f32 to vector<16xf32>
      %max3A_271 = arith.maximumf %get3A_268, %max3A_270 : vector<16xf32>
      %swap3A_272 = arith.index_cast %scan3A_206 : i32 to index
      %swap3A_273 = arith.constant 80 : index
      %swap3A_274 = tpu.vector_load %arg18[%swap3A_272, %swap3A_273] {strides = array<i32>} : memref<128x128xf32, #tpu.memory_space<vmem>>, vector<1x16xf32>,
      %swap3A_275 = vector.shape_cast %swap3A_274 : vector<1x16xf32> to vector<16xf32>
      %swap3A_276 = vector.shape_cast %max3A_271 : vector<16xf32> to vector<1x16xf32>
      tpu.vector_store %arg18[%swap3A_272, %swap3A_273], %swap3A_276 {strides = array<i32>} : memref<128x128xf32, #tpu.memory_space<vmem>>, vector<1x16xf32>,
      %get3A_277 = arith.index_cast %scan3A_206 : i32 to index
      %get3A_278 = arith.constant 96 : index
      %get3A_279 = tpu.vector_load %arg18[%get3A_277, %get3A_278] {strides = array<i32>} : memref<128x128xf32, #tpu.memory_space<vmem>>, vector<1x16xf32>,
      %get3A_280 = vector.shape_cast %get3A_279 : vector<1x16xf32> to vector<16xf32>
      %max3A_281 = arith.constant 0.000000e+00 : f32
      %max3A_282 = vector.broadcast %max3A_281 : f32 to vector<16xf32>
      %max3A_283 = arith.maximumf %get3A_280, %max3A_282 : vector<16xf32>
      %swap3A_284 = arith.index_cast %scan3A_206 : i32 to index
      %swap3A_285 = arith.constant 96 : index
      %swap3A_286 = tpu.vector_load %arg18[%swap3A_284, %swap3A_285] {strides = array<i32>} : memref<128x128xf32, #tpu.memory_space<vmem>>, vector<1x16xf32>,
      %swap3A_287 = vector.shape_cast %swap3A_286 : vector<1x16xf32> to vector<16xf32>
      %swap3A_288 = vector.shape_cast %max3A_283 : vector<16xf32> to vector<1x16xf32>
      tpu.vector_store %arg18[%swap3A_284, %swap3A_285], %swap3A_288 {strides = array<i32>} : memref<128x128xf32, #tpu.memory_space<vmem>>, vector<1x16xf32>,
      %get3A_289 = arith.index_cast %scan3A_206 : i32 to index
      %get3A_290 = arith.constant 112 : index
      %get3A_291 = tpu.vector_load %arg18[%get3A_289, %get3A_290] {strides = array<i32>} : memref<128x128xf32, #tpu.memory_space<vmem>>, vector<1x16xf32>,
      %get3A_292 = vector.shape_cast %get3A_291 : vector<1x16xf32> to vector<16xf32>
      %max3A_293 = arith.constant 0.000000e+00 : f32
      %max3A_294 = vector.broadcast %max3A_293 : f32 to vector<16xf32>
      %max3A_295 = arith.maximumf %get3A_292, %max3A_294 : vector<16xf32>
      %swap3A_296 = arith.index_cast %scan3A_206 : i32 to index
      %swap3A_297 = arith.constant 112 : index
      %swap3A_298 = tpu.vector_load %arg18[%swap3A_296, %swap3A_297] {strides = array<i32>} : memref<128x128xf32, #tpu.memory_space<vmem>>, vector<1x16xf32>,
      %swap3A_299 = vector.shape_cast %swap3A_298 : vector<1x16xf32> to vector<16xf32>
      %swap3A_300 = vector.shape_cast %max3A_295 : vector<16xf32> to vector<1x16xf32>
      tpu.vector_store %arg18[%swap3A_296, %swap3A_297], %swap3A_300 {strides = array<i32>} : memref<128x128xf32, #tpu.memory_space<vmem>>, vector<1x16xf32>,
      %scan3A_301 = arith.constant 0 : i32
      scf.yield %scan3A_301 : i32
    }
    %scan3A_128 = arith.constant 128 : i32
    %dma_start3A_129 = arith.constant 0 : i32
    %dma_start3A_130 = tpu.memref_slice %arg9[%add3A_94, %dma_start3A_129] : memref<320000x128xf32, #tpu.memory_space<hbm>> -> memref<128x128xf32, #tpu.memory_space<hbm>>
    %dma_start3A_131 = arith.constant 0 : i32
    %dma_start3A_132 = tpu.memref_slice %arg9[%add3A_94, %dma_start3A_131] : memref<320000x128xf32, #tpu.memory_space<hbm>> -> memref<128x128xf32, #tpu.memory_space<hbm>>
    tpu.enqueue_dma source(%arg18 : memref<128x128xf32, #tpu.memory_space<vmem>>) target(%dma_start3A_132 : memref<128x128xf32, #tpu.memory_space<hbm>>) target_semaphore(%arg26 : memref<!tpu.dma_semaphore, #tpu.memory_space<semaphore_mem>>)
    %dma_start3A_133 = arith.constant 0 : i32
    %dma_start3A_134 = arith.constant 0 : i32
    %dma_start3A_135 = tpu.memref_slice %arg19[%dma_start3A_133, %dma_start3A_134] : memref<10240x128xf32, #tpu.memory_space<vmem_shared>> -> memref<10240x128xf32, #tpu.memory_space<vmem_shared>>
    tpu.enqueue_indirect_dma source(%arg18 : memref<128x128xf32, #tpu.memory_space<vmem>>) target(%dma_start3A_135 : memref<10240x128xf32, #tpu.memory_space<vmem_shared>>) offsets(%arg16 : memref<128xi32, #tpu.memory_space<vmem>>) semaphore(%arg28 : memref<!tpu.dma_semaphore, #tpu.memory_space<semaphore_mem>>) {add = true}
    %add3A_136 = arith.constant 9856 : i32
    %add3A_137 = arith.addi %mul3A_2, %add3A_136 : i32
    %dma_wait3A_138 = arith.constant 0 : i32
    %dma_wait3A_139 = tpu.memref_slice %arg9[%add3A_137, %dma_wait3A_138] : memref<320000x128xf32, #tpu.memory_space<hbm>> -> memref<128x128xf32, #tpu.memory_space<hbm>>
    %dma_wait3A_140 = arith.constant 0 : i32
    %dma_wait3A_141 = tpu.memref_slice %arg9[%add3A_137, %dma_wait3A_140] : memref<320000x128xf32, #tpu.memory_space<hbm>> -> memref<128x128xf32, #tpu.memory_space<hbm>>
    tpu.wait_dma2 semaphore(%arg26 : memref<!tpu.dma_semaphore, #tpu.memory_space<semaphore_mem>>) src(%arg18 : memref<128x128xf32, #tpu.memory_space<vmem>>) dst(%dma_wait3A_141 : memref<128x128xf32, #tpu.memory_space<hbm>>)
    %dma_wait3A_142 = arith.constant 0 : i32
    %dma_wait3A_143 = arith.constant 0 : i32
    %dma_wait3A_144 = tpu.memref_slice %arg19[%dma_wait3A_142, %dma_wait3A_143] : memref<10240x128xf32, #tpu.memory_space<vmem_shared>> -> memref<10240x128xf32, #tpu.memory_space<vmem_shared>>
    tpu.wait_indirect_dma semaphore(%arg28 : memref<!tpu.dma_semaphore, #tpu.memory_space<semaphore_mem>>) src(%arg18 : memref<128x128xf32, #tpu.memory_space<vmem>>) dst(%dma_wait3A_144 : memref<10240x128xf32, #tpu.memory_space<vmem_shared>>)
    %add3A_145 = arith.constant 9984 : i32
    %add3A_146 = arith.addi %mul3A_2, %add3A_145 : i32
    "tpu.region"() ({
      %run_scoped3A = tpu.sem_alloc : memref<!tpu.dma_semaphore, #tpu.memory_space<semaphore_mem>>
      %dma_start3A_206 = arith.constant 0 : i32
      %dma_start3A_207 = tpu.memref_slice %arg11[%dma_start3A_206] : memref<128xi32, #tpu.memory_space<vmem>> -> memref<16xi32, #tpu.memory_space<vmem>>
      %dma_start3A_208 = tpu.memref_slice %arg5[%add3A_146] : memref<320000xi32, #tpu.memory_space<hbm>> -> memref<16xi32, #tpu.memory_space<hbm>>
      %dma_start3A_209 = arith.constant 0 : i32
      %dma_start3A_210 = tpu.memref_slice %arg11[%dma_start3A_209] : memref<128xi32, #tpu.memory_space<vmem>> -> memref<16xi32, #tpu.memory_space<vmem>>
      %dma_start3A_211 = tpu.memref_slice %arg5[%add3A_146] : memref<320000xi32, #tpu.memory_space<hbm>> -> memref<16xi32, #tpu.memory_space<hbm>>
      tpu.enqueue_dma source(%dma_start3A_211 : memref<16xi32, #tpu.memory_space<hbm>>) target(%dma_start3A_210 : memref<16xi32, #tpu.memory_space<vmem>>) target_semaphore(%run_scoped3A : memref<!tpu.dma_semaphore, #tpu.memory_space<semaphore_mem>>)
      %dma_wait3A_212 = arith.constant 0 : i32
      %dma_wait3A_213 = tpu.memref_slice %arg11[%dma_wait3A_212] : memref<128xi32, #tpu.memory_space<vmem>> -> memref<16xi32, #tpu.memory_space<vmem>>
      %dma_wait3A_214 = tpu.memref_slice %arg5[%add3A_146] : memref<320000xi32, #tpu.memory_space<hbm>> -> memref<16xi32, #tpu.memory_space<hbm>>
      %dma_wait3A_215 = arith.constant 0 : i32
      %dma_wait3A_216 = tpu.memref_slice %arg11[%dma_wait3A_215] : memref<128xi32, #tpu.memory_space<vmem>> -> memref<16xi32, #tpu.memory_space<vmem>>
      %dma_wait3A_217 = tpu.memref_slice %arg5[%add3A_146] : memref<320000xi32, #tpu.memory_space<hbm>> -> memref<16xi32, #tpu.memory_space<hbm>>
      tpu.wait_dma2 semaphore(%run_scoped3A : memref<!tpu.dma_semaphore, #tpu.memory_space<semaphore_mem>>) src(%dma_wait3A_217 : memref<16xi32, #tpu.memory_space<hbm>>) dst(%dma_wait3A_216 : memref<16xi32, #tpu.memory_space<vmem>>)
      tpu.yield
    }) : () -> ()
    "tpu.region"() ({
      %run_scoped3A = tpu.sem_alloc : memref<!tpu.dma_semaphore, #tpu.memory_space<semaphore_mem>>
      %dma_start3A_206 = arith.constant 0 : i32
      %dma_start3A_207 = tpu.memref_slice %arg12[%dma_start3A_206] : memref<128xi32, #tpu.memory_space<vmem>> -> memref<16xi32, #tpu.memory_space<vmem>>
      %dma_start3A_208 = tpu.memref_slice %arg6[%add3A_146] : memref<320000xi32, #tpu.memory_space<hbm>> -> memref<16xi32, #tpu.memory_space<hbm>>
      %dma_start3A_209 = arith.constant 0 : i32
      %dma_start3A_210 = tpu.memref_slice %arg12[%dma_start3A_209] : memref<128xi32, #tpu.memory_space<vmem>> -> memref<16xi32, #tpu.memory_space<vmem>>
      %dma_start3A_211 = tpu.memref_slice %arg6[%add3A_146] : memref<320000xi32, #tpu.memory_space<hbm>> -> memref<16xi32, #tpu.memory_space<hbm>>
      tpu.enqueue_dma source(%dma_start3A_211 : memref<16xi32, #tpu.memory_space<hbm>>) target(%dma_start3A_210 : memref<16xi32, #tpu.memory_space<vmem>>) target_semaphore(%run_scoped3A : memref<!tpu.dma_semaphore, #tpu.memory_space<semaphore_mem>>)
      %dma_wait3A_212 = arith.constant 0 : i32
      %dma_wait3A_213 = tpu.memref_slice %arg12[%dma_wait3A_212] : memref<128xi32, #tpu.memory_space<vmem>> -> memref<16xi32, #tpu.memory_space<vmem>>
      %dma_wait3A_214 = tpu.memref_slice %arg6[%add3A_146] : memref<320000xi32, #tpu.memory_space<hbm>> -> memref<16xi32, #tpu.memory_space<hbm>>
      %dma_wait3A_215 = arith.constant 0 : i32
      %dma_wait3A_216 = tpu.memref_slice %arg12[%dma_wait3A_215] : memref<128xi32, #tpu.memory_space<vmem>> -> memref<16xi32, #tpu.memory_space<vmem>>
      %dma_wait3A_217 = tpu.memref_slice %arg6[%add3A_146] : memref<320000xi32, #tpu.memory_space<hbm>> -> memref<16xi32, #tpu.memory_space<hbm>>
      tpu.wait_dma2 semaphore(%run_scoped3A : memref<!tpu.dma_semaphore, #tpu.memory_space<semaphore_mem>>) src(%dma_wait3A_217 : memref<16xi32, #tpu.memory_space<hbm>>) dst(%dma_wait3A_216 : memref<16xi32, #tpu.memory_space<vmem>>)
      tpu.yield
    }) : () -> ()
    %mul3A_147 = arith.constant 320000 : i32
    %mul3A_148 = arith.muli %arg0, %mul3A_147 : i32
    %add3A_149 = arith.addi %mul3A_148, %add3A_146 : i32
    "tpu.region"() ({
      %run_scoped3A = tpu.sem_alloc : memref<!tpu.dma_semaphore, #tpu.memory_space<semaphore_mem>>
      %dma_start3A_206 = tpu.memref_slice %arg7[%add3A_149] : memref<640000xi32, #tpu.memory_space<hbm>> -> memref<16xi32, #tpu.memory_space<hbm>>
      %dma_start3A_207 = tpu.memref_slice %arg7[%add3A_149] : memref<640000xi32, #tpu.memory_space<hbm>> -> memref<16xi32, #tpu.memory_space<hbm>>
      tpu.enqueue_dma source(%dma_start3A_207 : memref<16xi32, #tpu.memory_space<hbm>>) target(%arg20 : memref<16xi32, #tpu.memory_space<vmem>>) target_semaphore(%run_scoped3A : memref<!tpu.dma_semaphore, #tpu.memory_space<semaphore_mem>>)
      %dma_wait3A_208 = tpu.memref_slice %arg7[%add3A_149] : memref<640000xi32, #tpu.memory_space<hbm>> -> memref<16xi32, #tpu.memory_space<hbm>>
      %dma_wait3A_209 = tpu.memref_slice %arg7[%add3A_149] : memref<640000xi32, #tpu.memory_space<hbm>> -> memref<16xi32, #tpu.memory_space<hbm>>
      tpu.wait_dma2 semaphore(%run_scoped3A : memref<!tpu.dma_semaphore, #tpu.memory_space<semaphore_mem>>) src(%dma_wait3A_209 : memref<16xi32, #tpu.memory_space<hbm>>) dst(%arg20 : memref<16xi32, #tpu.memory_space<vmem>>)
      tpu.yield
    }) : () -> ()
    "tpu.region"() ({
      %run_scoped3A = tpu.sem_alloc : memref<!tpu.dma_semaphore, #tpu.memory_space<semaphore_mem>>
      %dma_start3A_206 = arith.constant 0 : i32
      %dma_start3A_207 = arith.constant 0 : i32
      %dma_start3A_208 = tpu.memref_slice %arg17[%dma_start3A_206, %dma_start3A_207] : memref<128x128xf32, #tpu.memory_space<vmem>> -> memref<16x128xf32, #tpu.memory_space<vmem>>
      %dma_start3A_209 = arith.constant 0 : i32
      %dma_start3A_210 = tpu.memref_slice %arg2[%add3A_146, %dma_start3A_209] : memref<320000x128xf32, #tpu.memory_space<hbm>> -> memref<16x128xf32, #tpu.memory_space<hbm>>
      %dma_start3A_211 = arith.constant 0 : i32
      %dma_start3A_212 = arith.constant 0 : i32
      %dma_start3A_213 = tpu.memref_slice %arg17[%dma_start3A_211, %dma_start3A_212] : memref<128x128xf32, #tpu.memory_space<vmem>> -> memref<16x128xf32, #tpu.memory_space<vmem>>
      %dma_start3A_214 = arith.constant 0 : i32
      %dma_start3A_215 = tpu.memref_slice %arg2[%add3A_146, %dma_start3A_214] : memref<320000x128xf32, #tpu.memory_space<hbm>> -> memref<16x128xf32, #tpu.memory_space<hbm>>
      tpu.enqueue_dma source(%dma_start3A_215 : memref<16x128xf32, #tpu.memory_space<hbm>>) target(%dma_start3A_213 : memref<16x128xf32, #tpu.memory_space<vmem>>) target_semaphore(%run_scoped3A : memref<!tpu.dma_semaphore, #tpu.memory_space<semaphore_mem>>)
      %dma_wait3A_216 = arith.constant 0 : i32
      %dma_wait3A_217 = arith.constant 0 : i32
      %dma_wait3A_218 = tpu.memref_slice %arg17[%dma_wait3A_216, %dma_wait3A_217] : memref<128x128xf32, #tpu.memory_space<vmem>> -> memref<16x128xf32, #tpu.memory_space<vmem>>
      %dma_wait3A_219 = arith.constant 0 : i32
      %dma_wait3A_220 = tpu.memref_slice %arg2[%add3A_146, %dma_wait3A_219] : memref<320000x128xf32, #tpu.memory_space<hbm>> -> memref<16x128xf32, #tpu.memory_space<hbm>>
      %dma_wait3A_221 = arith.constant 0 : i32
      %dma_wait3A_222 = arith.constant 0 : i32
      %dma_wait3A_223 = tpu.memref_slice %arg17[%dma_wait3A_221, %dma_wait3A_222] : memref<128x128xf32, #tpu.memory_space<vmem>> -> memref<16x128xf32, #tpu.memory_space<vmem>>
      %dma_wait3A_224 = arith.constant 0 : i32
      %dma_wait3A_225 = tpu.memref_slice %arg2[%add3A_146, %dma_wait3A_224] : memref<320000x128xf32, #tpu.memory_space<hbm>> -> memref<16x128xf32, #tpu.memory_space<hbm>>
      tpu.wait_dma2 semaphore(%run_scoped3A : memref<!tpu.dma_semaphore, #tpu.memory_space<semaphore_mem>>) src(%dma_wait3A_225 : memref<16x128xf32, #tpu.memory_space<hbm>>) dst(%dma_wait3A_223 : memref<16x128xf32, #tpu.memory_space<vmem>>)
      tpu.yield
    }) : () -> ()
    %dma_start3A_150 = arith.constant 0 : i32
    %dma_start3A_151 = arith.constant 0 : i32
    %dma_start3A_152 = tpu.memref_slice %arg17[%dma_start3A_150, %dma_start3A_151] : memref<128x128xf32, #tpu.memory_space<vmem>> -> memref<16x128xf32, #tpu.memory_space<vmem>>
    %dma_start3A_153 = arith.constant 0 : i32
    %dma_start3A_154 = tpu.memref_slice %arg11[%dma_start3A_153] : memref<128xi32, #tpu.memory_space<vmem>> -> memref<16xi32, #tpu.memory_space<vmem>>
    %dma_start3A_155 = arith.constant 0 : i32
    %dma_start3A_156 = arith.constant 0 : i32
    %dma_start3A_157 = tpu.memref_slice %arg3[%dma_start3A_155, %dma_start3A_156] : memref<10000x128xf32, #tpu.memory_space<hbm>> -> memref<10000x128xf32, #tpu.memory_space<hbm>>
    tpu.enqueue_indirect_dma source(%dma_start3A_157 : memref<10000x128xf32, #tpu.memory_space<hbm>>) target(%dma_start3A_152 : memref<16x128xf32, #tpu.memory_space<vmem>>) offsets(%dma_start3A_154 : memref<16xi32, #tpu.memory_space<vmem>>) semaphore(%arg21 : memref<!tpu.dma_semaphore, #tpu.memory_space<semaphore_mem>>) {add = true}
    %dma_wait3A_158 = arith.constant 0 : i32
    %dma_wait3A_159 = arith.constant 0 : i32
    %dma_wait3A_160 = tpu.memref_slice %arg17[%dma_wait3A_158, %dma_wait3A_159] : memref<128x128xf32, #tpu.memory_space<vmem>> -> memref<16x128xf32, #tpu.memory_space<vmem>>
    %dma_wait3A_161 = arith.constant 0 : i32
    %dma_wait3A_162 = tpu.memref_slice %arg11[%dma_wait3A_161] : memref<128xi32, #tpu.memory_space<vmem>> -> memref<16xi32, #tpu.memory_space<vmem>>
    %dma_wait3A_163 = arith.constant 0 : i32
    %dma_wait3A_164 = arith.constant 0 : i32
    %dma_wait3A_165 = tpu.memref_slice %arg3[%dma_wait3A_163, %dma_wait3A_164] : memref<10000x128xf32, #tpu.memory_space<hbm>> -> memref<10000x128xf32, #tpu.memory_space<hbm>>
    tpu.wait_indirect_dma semaphore(%arg21 : memref<!tpu.dma_semaphore, #tpu.memory_space<semaphore_mem>>) src(%dma_wait3A_165 : memref<10000x128xf32, #tpu.memory_space<hbm>>) dst(%dma_wait3A_160 : memref<16x128xf32, #tpu.memory_space<vmem>>)
    %dma_start3A_166 = arith.constant 0 : i32
    %dma_start3A_167 = arith.constant 0 : i32
    %dma_start3A_168 = tpu.memref_slice %arg17[%dma_start3A_166, %dma_start3A_167] : memref<128x128xf32, #tpu.memory_space<vmem>> -> memref<16x128xf32, #tpu.memory_space<vmem>>
    %dma_start3A_169 = arith.constant 0 : i32
    %dma_start3A_170 = tpu.memref_slice %arg12[%dma_start3A_169] : memref<128xi32, #tpu.memory_space<vmem>> -> memref<16xi32, #tpu.memory_space<vmem>>
    %dma_start3A_171 = arith.constant 0 : i32
    %dma_start3A_172 = arith.constant 0 : i32
    %dma_start3A_173 = tpu.memref_slice %arg4[%dma_start3A_171, %dma_start3A_172] : memref<10000x128xf32, #tpu.memory_space<hbm>> -> memref<10000x128xf32, #tpu.memory_space<hbm>>
    tpu.enqueue_indirect_dma source(%dma_start3A_173 : memref<10000x128xf32, #tpu.memory_space<hbm>>) target(%dma_start3A_168 : memref<16x128xf32, #tpu.memory_space<vmem>>) offsets(%dma_start3A_170 : memref<16xi32, #tpu.memory_space<vmem>>) semaphore(%arg23 : memref<!tpu.dma_semaphore, #tpu.memory_space<semaphore_mem>>) {add = true}
    %dma_wait3A_174 = arith.constant 0 : i32
    %dma_wait3A_175 = arith.constant 0 : i32
    %dma_wait3A_176 = tpu.memref_slice %arg17[%dma_wait3A_174, %dma_wait3A_175] : memref<128x128xf32, #tpu.memory_space<vmem>> -> memref<16x128xf32, #tpu.memory_space<vmem>>
    %dma_wait3A_177 = arith.constant 0 : i32
    %dma_wait3A_178 = tpu.memref_slice %arg12[%dma_wait3A_177] : memref<128xi32, #tpu.memory_space<vmem>> -> memref<16xi32, #tpu.memory_space<vmem>>
    %dma_wait3A_179 = arith.constant 0 : i32
    %dma_wait3A_180 = arith.constant 0 : i32
    %dma_wait3A_181 = tpu.memref_slice %arg4[%dma_wait3A_179, %dma_wait3A_180] : memref<10000x128xf32, #tpu.memory_space<hbm>> -> memref<10000x128xf32, #tpu.memory_space<hbm>>
    tpu.wait_indirect_dma semaphore(%arg23 : memref<!tpu.dma_semaphore, #tpu.memory_space<semaphore_mem>>) src(%dma_wait3A_181 : memref<10000x128xf32, #tpu.memory_space<hbm>>) dst(%dma_wait3A_176 : memref<16x128xf32, #tpu.memory_space<vmem>>)
    %scan3A_182 = arith.constant 0 : i32
    %scan3A_183 = arith.constant 0 : i32
    %scan3A_184 = arith.constant 16 : i32
    %scan3A_185 = arith.addi %scan3A_183, %scan3A_184 : i32
    %scan3A_186 = arith.constant 1 : i32
    %scan3A_187 = scf.for %scan3A_206 = %scan3A_183 to %scan3A_185 step %scan3A_186 iter_args(%scan3A_207 = %scan3A_182) -> (i32)  : i32 {
      %get3A = arith.index_cast %scan3A_206 : i32 to index
      %get3A_208 = arith.constant 0 : index
      %get3A_209 = tpu.vector_load %arg17[%get3A, %get3A_208] {strides = array<i32>} : memref<128x128xf32, #tpu.memory_space<vmem>>, vector<1x16xf32>,
      %get3A_210 = vector.shape_cast %get3A_209 : vector<1x16xf32> to vector<16xf32>
      %max3A = arith.constant 0.000000e+00 : f32
      %max3A_211 = vector.broadcast %max3A : f32 to vector<16xf32>
      %max3A_212 = arith.maximumf %get3A_210, %max3A_211 : vector<16xf32>
      %swap3A = arith.index_cast %scan3A_206 : i32 to index
      %swap3A_213 = arith.constant 0 : index
      %swap3A_214 = tpu.vector_load %arg17[%swap3A, %swap3A_213] {strides = array<i32>} : memref<128x128xf32, #tpu.memory_space<vmem>>, vector<1x16xf32>,
      %swap3A_215 = vector.shape_cast %swap3A_214 : vector<1x16xf32> to vector<16xf32>
      %swap3A_216 = vector.shape_cast %max3A_212 : vector<16xf32> to vector<1x16xf32>
      tpu.vector_store %arg17[%swap3A, %swap3A_213], %swap3A_216 {strides = array<i32>} : memref<128x128xf32, #tpu.memory_space<vmem>>, vector<1x16xf32>,
      %get3A_217 = arith.index_cast %scan3A_206 : i32 to index
      %get3A_218 = arith.constant 16 : index
      %get3A_219 = tpu.vector_load %arg17[%get3A_217, %get3A_218] {strides = array<i32>} : memref<128x128xf32, #tpu.memory_space<vmem>>, vector<1x16xf32>,
      %get3A_220 = vector.shape_cast %get3A_219 : vector<1x16xf32> to vector<16xf32>
      %max3A_221 = arith.constant 0.000000e+00 : f32
      %max3A_222 = vector.broadcast %max3A_221 : f32 to vector<16xf32>
      %max3A_223 = arith.maximumf %get3A_220, %max3A_222 : vector<16xf32>
      %swap3A_224 = arith.index_cast %scan3A_206 : i32 to index
      %swap3A_225 = arith.constant 16 : index
      %swap3A_226 = tpu.vector_load %arg17[%swap3A_224, %swap3A_225] {strides = array<i32>} : memref<128x128xf32, #tpu.memory_space<vmem>>, vector<1x16xf32>,
      %swap3A_227 = vector.shape_cast %swap3A_226 : vector<1x16xf32> to vector<16xf32>
      %swap3A_228 = vector.shape_cast %max3A_223 : vector<16xf32> to vector<1x16xf32>
      tpu.vector_store %arg17[%swap3A_224, %swap3A_225], %swap3A_228 {strides = array<i32>} : memref<128x128xf32, #tpu.memory_space<vmem>>, vector<1x16xf32>,
      %get3A_229 = arith.index_cast %scan3A_206 : i32 to index
      %get3A_230 = arith.constant 32 : index
      %get3A_231 = tpu.vector_load %arg17[%get3A_229, %get3A_230] {strides = array<i32>} : memref<128x128xf32, #tpu.memory_space<vmem>>, vector<1x16xf32>,
      %get3A_232 = vector.shape_cast %get3A_231 : vector<1x16xf32> to vector<16xf32>
      %max3A_233 = arith.constant 0.000000e+00 : f32
      %max3A_234 = vector.broadcast %max3A_233 : f32 to vector<16xf32>
      %max3A_235 = arith.maximumf %get3A_232, %max3A_234 : vector<16xf32>
      %swap3A_236 = arith.index_cast %scan3A_206 : i32 to index
      %swap3A_237 = arith.constant 32 : index
      %swap3A_238 = tpu.vector_load %arg17[%swap3A_236, %swap3A_237] {strides = array<i32>} : memref<128x128xf32, #tpu.memory_space<vmem>>, vector<1x16xf32>,
      %swap3A_239 = vector.shape_cast %swap3A_238 : vector<1x16xf32> to vector<16xf32>
      %swap3A_240 = vector.shape_cast %max3A_235 : vector<16xf32> to vector<1x16xf32>
      tpu.vector_store %arg17[%swap3A_236, %swap3A_237], %swap3A_240 {strides = array<i32>} : memref<128x128xf32, #tpu.memory_space<vmem>>, vector<1x16xf32>,
      %get3A_241 = arith.index_cast %scan3A_206 : i32 to index
      %get3A_242 = arith.constant 48 : index
      %get3A_243 = tpu.vector_load %arg17[%get3A_241, %get3A_242] {strides = array<i32>} : memref<128x128xf32, #tpu.memory_space<vmem>>, vector<1x16xf32>,
      %get3A_244 = vector.shape_cast %get3A_243 : vector<1x16xf32> to vector<16xf32>
      %max3A_245 = arith.constant 0.000000e+00 : f32
      %max3A_246 = vector.broadcast %max3A_245 : f32 to vector<16xf32>
      %max3A_247 = arith.maximumf %get3A_244, %max3A_246 : vector<16xf32>
      %swap3A_248 = arith.index_cast %scan3A_206 : i32 to index
      %swap3A_249 = arith.constant 48 : index
      %swap3A_250 = tpu.vector_load %arg17[%swap3A_248, %swap3A_249] {strides = array<i32>} : memref<128x128xf32, #tpu.memory_space<vmem>>, vector<1x16xf32>,
      %swap3A_251 = vector.shape_cast %swap3A_250 : vector<1x16xf32> to vector<16xf32>
      %swap3A_252 = vector.shape_cast %max3A_247 : vector<16xf32> to vector<1x16xf32>
      tpu.vector_store %arg17[%swap3A_248, %swap3A_249], %swap3A_252 {strides = array<i32>} : memref<128x128xf32, #tpu.memory_space<vmem>>, vector<1x16xf32>,
      %get3A_253 = arith.index_cast %scan3A_206 : i32 to index
      %get3A_254 = arith.constant 64 : index
      %get3A_255 = tpu.vector_load %arg17[%get3A_253, %get3A_254] {strides = array<i32>} : memref<128x128xf32, #tpu.memory_space<vmem>>, vector<1x16xf32>,
      %get3A_256 = vector.shape_cast %get3A_255 : vector<1x16xf32> to vector<16xf32>
      %max3A_257 = arith.constant 0.000000e+00 : f32
      %max3A_258 = vector.broadcast %max3A_257 : f32 to vector<16xf32>
      %max3A_259 = arith.maximumf %get3A_256, %max3A_258 : vector<16xf32>
      %swap3A_260 = arith.index_cast %scan3A_206 : i32 to index
      %swap3A_261 = arith.constant 64 : index
      %swap3A_262 = tpu.vector_load %arg17[%swap3A_260, %swap3A_261] {strides = array<i32>} : memref<128x128xf32, #tpu.memory_space<vmem>>, vector<1x16xf32>,
      %swap3A_263 = vector.shape_cast %swap3A_262 : vector<1x16xf32> to vector<16xf32>
      %swap3A_264 = vector.shape_cast %max3A_259 : vector<16xf32> to vector<1x16xf32>
      tpu.vector_store %arg17[%swap3A_260, %swap3A_261], %swap3A_264 {strides = array<i32>} : memref<128x128xf32, #tpu.memory_space<vmem>>, vector<1x16xf32>,
      %get3A_265 = arith.index_cast %scan3A_206 : i32 to index
      %get3A_266 = arith.constant 80 : index
      %get3A_267 = tpu.vector_load %arg17[%get3A_265, %get3A_266] {strides = array<i32>} : memref<128x128xf32, #tpu.memory_space<vmem>>, vector<1x16xf32>,
      %get3A_268 = vector.shape_cast %get3A_267 : vector<1x16xf32> to vector<16xf32>
      %max3A_269 = arith.constant 0.000000e+00 : f32
      %max3A_270 = vector.broadcast %max3A_269 : f32 to vector<16xf32>
      %max3A_271 = arith.maximumf %get3A_268, %max3A_270 : vector<16xf32>
      %swap3A_272 = arith.index_cast %scan3A_206 : i32 to index
      %swap3A_273 = arith.constant 80 : index
      %swap3A_274 = tpu.vector_load %arg17[%swap3A_272, %swap3A_273] {strides = array<i32>} : memref<128x128xf32, #tpu.memory_space<vmem>>, vector<1x16xf32>,
      %swap3A_275 = vector.shape_cast %swap3A_274 : vector<1x16xf32> to vector<16xf32>
      %swap3A_276 = vector.shape_cast %max3A_271 : vector<16xf32> to vector<1x16xf32>
      tpu.vector_store %arg17[%swap3A_272, %swap3A_273], %swap3A_276 {strides = array<i32>} : memref<128x128xf32, #tpu.memory_space<vmem>>, vector<1x16xf32>,
      %get3A_277 = arith.index_cast %scan3A_206 : i32 to index
      %get3A_278 = arith.constant 96 : index
      %get3A_279 = tpu.vector_load %arg17[%get3A_277, %get3A_278] {strides = array<i32>} : memref<128x128xf32, #tpu.memory_space<vmem>>, vector<1x16xf32>,
      %get3A_280 = vector.shape_cast %get3A_279 : vector<1x16xf32> to vector<16xf32>
      %max3A_281 = arith.constant 0.000000e+00 : f32
      %max3A_282 = vector.broadcast %max3A_281 : f32 to vector<16xf32>
      %max3A_283 = arith.maximumf %get3A_280, %max3A_282 : vector<16xf32>
      %swap3A_284 = arith.index_cast %scan3A_206 : i32 to index
      %swap3A_285 = arith.constant 96 : index
      %swap3A_286 = tpu.vector_load %arg17[%swap3A_284, %swap3A_285] {strides = array<i32>} : memref<128x128xf32, #tpu.memory_space<vmem>>, vector<1x16xf32>,
      %swap3A_287 = vector.shape_cast %swap3A_286 : vector<1x16xf32> to vector<16xf32>
      %swap3A_288 = vector.shape_cast %max3A_283 : vector<16xf32> to vector<1x16xf32>
      tpu.vector_store %arg17[%swap3A_284, %swap3A_285], %swap3A_288 {strides = array<i32>} : memref<128x128xf32, #tpu.memory_space<vmem>>, vector<1x16xf32>,
      %get3A_289 = arith.index_cast %scan3A_206 : i32 to index
      %get3A_290 = arith.constant 112 : index
      %get3A_291 = tpu.vector_load %arg17[%get3A_289, %get3A_290] {strides = array<i32>} : memref<128x128xf32, #tpu.memory_space<vmem>>, vector<1x16xf32>,
      %get3A_292 = vector.shape_cast %get3A_291 : vector<1x16xf32> to vector<16xf32>
      %max3A_293 = arith.constant 0.000000e+00 : f32
      %max3A_294 = vector.broadcast %max3A_293 : f32 to vector<16xf32>
      %max3A_295 = arith.maximumf %get3A_292, %max3A_294 : vector<16xf32>
      %swap3A_296 = arith.index_cast %scan3A_206 : i32 to index
      %swap3A_297 = arith.constant 112 : index
      %swap3A_298 = tpu.vector_load %arg17[%swap3A_296, %swap3A_297] {strides = array<i32>} : memref<128x128xf32, #tpu.memory_space<vmem>>, vector<1x16xf32>,
      %swap3A_299 = vector.shape_cast %swap3A_298 : vector<1x16xf32> to vector<16xf32>
      %swap3A_300 = vector.shape_cast %max3A_295 : vector<16xf32> to vector<1x16xf32>
      tpu.vector_store %arg17[%swap3A_296, %swap3A_297], %swap3A_300 {strides = array<i32>} : memref<128x128xf32, #tpu.memory_space<vmem>>, vector<1x16xf32>,
      %scan3A_301 = arith.constant 0 : i32
      scf.yield %scan3A_301 : i32
    }
    %scan3A_188 = arith.constant 16 : i32
    "tpu.region"() ({
      %run_scoped3A = tpu.sem_alloc : memref<!tpu.dma_semaphore, #tpu.memory_space<semaphore_mem>>
      %dma_start3A_206 = arith.constant 0 : i32
      %dma_start3A_207 = arith.constant 0 : i32
      %dma_start3A_208 = tpu.memref_slice %arg17[%dma_start3A_206, %dma_start3A_207] : memref<128x128xf32, #tpu.memory_space<vmem>> -> memref<16x128xf32, #tpu.memory_space<vmem>>
      %dma_start3A_209 = arith.constant 0 : i32
      %dma_start3A_210 = tpu.memref_slice %arg9[%add3A_146, %dma_start3A_209] : memref<320000x128xf32, #tpu.memory_space<hbm>> -> memref<16x128xf32, #tpu.memory_space<hbm>>
      %dma_start3A_211 = arith.constant 0 : i32
      %dma_start3A_212 = tpu.memref_slice %arg9[%add3A_146, %dma_start3A_211] : memref<320000x128xf32, #tpu.memory_space<hbm>> -> memref<16x128xf32, #tpu.memory_space<hbm>>
      %dma_start3A_213 = arith.constant 0 : i32
      %dma_start3A_214 = arith.constant 0 : i32
      %dma_start3A_215 = tpu.memref_slice %arg17[%dma_start3A_213, %dma_start3A_214] : memref<128x128xf32, #tpu.memory_space<vmem>> -> memref<16x128xf32, #tpu.memory_space<vmem>>
      tpu.enqueue_dma source(%dma_start3A_215 : memref<16x128xf32, #tpu.memory_space<vmem>>) target(%dma_start3A_212 : memref<16x128xf32, #tpu.memory_space<hbm>>) target_semaphore(%run_scoped3A : memref<!tpu.dma_semaphore, #tpu.memory_space<semaphore_mem>>)
      %dma_wait3A_216 = arith.constant 0 : i32
      %dma_wait3A_217 = arith.constant 0 : i32
      %dma_wait3A_218 = tpu.memref_slice %arg17[%dma_wait3A_216, %dma_wait3A_217] : memref<128x128xf32, #tpu.memory_space<vmem>> -> memref<16x128xf32, #tpu.memory_space<vmem>>
      %dma_wait3A_219 = arith.constant 0 : i32
      %dma_wait3A_220 = tpu.memref_slice %arg9[%add3A_146, %dma_wait3A_219] : memref<320000x128xf32, #tpu.memory_space<hbm>> -> memref<16x128xf32, #tpu.memory_space<hbm>>
      %dma_wait3A_221 = arith.constant 0 : i32
      %dma_wait3A_222 = tpu.memref_slice %arg9[%add3A_146, %dma_wait3A_221] : memref<320000x128xf32, #tpu.memory_space<hbm>> -> memref<16x128xf32, #tpu.memory_space<hbm>>
      %dma_wait3A_223 = arith.constant 0 : i32
      %dma_wait3A_224 = arith.constant 0 : i32
      %dma_wait3A_225 = tpu.memref_slice %arg17[%dma_wait3A_223, %dma_wait3A_224] : memref<128x128xf32, #tpu.memory_space<vmem>> -> memref<16x128xf32, #tpu.memory_space<vmem>>
      tpu.wait_dma2 semaphore(%run_scoped3A : memref<!tpu.dma_semaphore, #tpu.memory_space<semaphore_mem>>) src(%dma_wait3A_225 : memref<16x128xf32, #tpu.memory_space<vmem>>) dst(%dma_wait3A_222 : memref<16x128xf32, #tpu.memory_space<hbm>>)
      tpu.yield
    }) : () -> ()
    %dma_start3A_189 = arith.constant 0 : i32
    %dma_start3A_190 = arith.constant 0 : i32
    %dma_start3A_191 = tpu.memref_slice %arg17[%dma_start3A_189, %dma_start3A_190] : memref<128x128xf32, #tpu.memory_space<vmem>> -> memref<16x128xf32, #tpu.memory_space<vmem>>
    %dma_start3A_192 = arith.constant 0 : i32
    %dma_start3A_193 = arith.constant 0 : i32
    %dma_start3A_194 = tpu.memref_slice %arg19[%dma_start3A_192, %dma_start3A_193] : memref<10240x128xf32, #tpu.memory_space<vmem_shared>> -> memref<10240x128xf32, #tpu.memory_space<vmem_shared>>
    tpu.enqueue_indirect_dma source(%dma_start3A_191 : memref<16x128xf32, #tpu.memory_space<vmem>>) target(%dma_start3A_194 : memref<10240x128xf32, #tpu.memory_space<vmem_shared>>) offsets(%arg20 : memref<16xi32, #tpu.memory_space<vmem>>) semaphore(%arg27 : memref<!tpu.dma_semaphore, #tpu.memory_space<semaphore_mem>>) {add = true}
    %dma_wait3A_195 = arith.constant 0 : i32
    %dma_wait3A_196 = arith.constant 0 : i32
    %dma_wait3A_197 = tpu.memref_slice %arg17[%dma_wait3A_195, %dma_wait3A_196] : memref<128x128xf32, #tpu.memory_space<vmem>> -> memref<16x128xf32, #tpu.memory_space<vmem>>
    %dma_wait3A_198 = arith.constant 0 : i32
    %dma_wait3A_199 = arith.constant 0 : i32
    %dma_wait3A_200 = tpu.memref_slice %arg19[%dma_wait3A_198, %dma_wait3A_199] : memref<10240x128xf32, #tpu.memory_space<vmem_shared>> -> memref<10240x128xf32, #tpu.memory_space<vmem_shared>>
    tpu.wait_indirect_dma semaphore(%arg27 : memref<!tpu.dma_semaphore, #tpu.memory_space<semaphore_mem>>) src(%dma_wait3A_197 : memref<16x128xf32, #tpu.memory_space<vmem>>) dst(%dma_wait3A_200 : memref<10240x128xf32, #tpu.memory_space<vmem_shared>>)
    %barrier3A_201 = arith.constant 0 : index
    tpu.barrier barrier_id(%barrier3A_201)
    %mul3A_202 = arith.constant 640 : i32
    %mul3A_203 = arith.muli %arg1, %mul3A_202 : i32
    %mul3A_204 = arith.constant 640 : i32
    %mul3A_205 = arith.muli %arg1, %mul3A_204 : i32
    "tpu.region"() ({
      %run_scoped3A = tpu.sem_alloc : memref<!tpu.dma_semaphore, #tpu.memory_space<semaphore_mem>>
      %dma_start3A_206 = arith.constant 0 : i32
      %dma_start3A_207 = tpu.memref_slice %arg10[%arg0, %mul3A_205, %dma_start3A_206] : memref<2x10240x128xf32, #tpu.memory_space<hbm>> -> memref<1x640x128xf32, #tpu.memory_space<hbm>>
      %dma_start3A_208 = tpu.memref_squeeze %dma_start3A_207 : memref<1x640x128xf32, #tpu.memory_space<hbm>> -> memref<640x128xf32, #tpu.memory_space<hbm>>
      %dma_start3A_209 = arith.constant 0 : i32
      %dma_start3A_210 = tpu.memref_slice %arg19[%mul3A_203, %dma_start3A_209] : memref<10240x128xf32, #tpu.memory_space<vmem_shared>> -> memref<640x128xf32, #tpu.memory_space<vmem_shared>>
      tpu.enqueue_dma source(%dma_start3A_210 : memref<640x128xf32, #tpu.memory_space<vmem_shared>>) target(%dma_start3A_208 : memref<640x128xf32, #tpu.memory_space<hbm>>) target_semaphore(%run_scoped3A : memref<!tpu.dma_semaphore, #tpu.memory_space<semaphore_mem>>)
      %dma_wait3A_211 = arith.constant 0 : i32
      %dma_wait3A_212 = tpu.memref_slice %arg10[%arg0, %mul3A_205, %dma_wait3A_211] : memref<2x10240x128xf32, #tpu.memory_space<hbm>> -> memref<1x640x128xf32, #tpu.memory_space<hbm>>
      %dma_wait3A_213 = tpu.memref_squeeze %dma_wait3A_212 : memref<1x640x128xf32, #tpu.memory_space<hbm>> -> memref<640x128xf32, #tpu.memory_space<hbm>>
      %dma_wait3A_214 = arith.constant 0 : i32
      %dma_wait3A_215 = tpu.memref_slice %arg19[%mul3A_203, %dma_wait3A_214] : memref<10240x128xf32, #tpu.memory_space<vmem_shared>> -> memref<640x128xf32, #tpu.memory_space<vmem_shared>>
      tpu.wait_dma2 semaphore(%run_scoped3A : memref<!tpu.dma_semaphore, #tpu.memory_space<semaphore_mem>>) src(%dma_wait3A_215 : memref<640x128xf32, #tpu.memory_space<vmem_shared>>) dst(%dma_wait3A_213 : memref<640x128xf32, #tpu.memory_space<hbm>>)
      tpu.yield
    }) : () -> ()
    return
  }
}

#map = affine_map<(d0, d1) -> (0, 0)>
#map1 = affine_map<(d0, d1) -> (0)>
#map2 = affine_map<(d0, d1) -> (0, 0, 0)>
module attributes {stable_mosaic.version = 14 : i64} {
  func.func @_segment_sums(%arg0: i32, %arg1: i32, %arg2: memref<320000x128xf32, #tpu.memory_space<hbm>>, %arg3: memref<640000xi32, #tpu.memory_space<hbm>>, %arg4: memref<2x10240x128xf32, #tpu.memory_space<hbm>>, %arg5: memref<2x10240x128xf32, #tpu.memory_space<hbm>>, %arg6: memref<128xi32, #tpu.memory_space<vmem>>, %arg7: memref<128xi32, #tpu.memory_space<vmem>>, %arg8: memref<128x128xf32, #tpu.memory_space<vmem>>, %arg9: memref<128x128xf32, #tpu.memory_space<vmem>>, %arg10: memref<10240x128xf32, #tpu.memory_space<vmem_shared>>, %arg11: memref<16xi32, #tpu.memory_space<vmem>>, %arg12: memref<16x128xf32, #tpu.memory_space<vmem>>, %arg13: memref<!tpu.dma_semaphore, #tpu.memory_space<semaphore_mem>>, %arg14: memref<!tpu.dma_semaphore, #tpu.memory_space<semaphore_mem>>, %arg15: memref<!tpu.dma_semaphore, #tpu.memory_space<semaphore_mem>>, %arg16: memref<!tpu.dma_semaphore, #tpu.memory_space<semaphore_mem>>) attributes {dimension_semantics = [#tpu.dimension_semantics<core_parallel>, #tpu.dimension_semantics<subcore_parallel>], iteration_bounds = array<i64: 2, 16>, scalar_prefetch = 0 : i64, scratch_operands = 11 : i64, tpu.core_type = #tpu.core_type<sc_vector_subcore>, window_params = [{transform_indices = #map}, {transform_indices = #map1}, {transform_indices = #map2}, {transform_indices = #map2}]} {
    %mul3A = arith.constant 640 : i32
    %mul3A_0 = arith.muli %arg1, %mul3A : i32
    %mul3A_1 = arith.constant 640 : i32
    %mul3A_2 = arith.muli %arg1, %mul3A_1 : i32
    "tpu.region"() ({
      %run_scoped3A = tpu.sem_alloc : memref<!tpu.dma_semaphore, #tpu.memory_space<semaphore_mem>>
      %dma_start3A_84 = arith.constant 0 : i32
      %dma_start3A_85 = tpu.memref_slice %arg10[%mul3A_2, %dma_start3A_84] : memref<10240x128xf32, #tpu.memory_space<vmem_shared>> -> memref<640x128xf32, #tpu.memory_space<vmem_shared>>
      %dma_start3A_86 = arith.constant 0 : i32
      %dma_start3A_87 = tpu.memref_slice %arg4[%arg0, %mul3A_0, %dma_start3A_86] : memref<2x10240x128xf32, #tpu.memory_space<hbm>> -> memref<1x640x128xf32, #tpu.memory_space<hbm>>
      %dma_start3A_88 = tpu.memref_squeeze %dma_start3A_87 : memref<1x640x128xf32, #tpu.memory_space<hbm>> -> memref<640x128xf32, #tpu.memory_space<hbm>>
      tpu.enqueue_dma source(%dma_start3A_88 : memref<640x128xf32, #tpu.memory_space<hbm>>) target(%dma_start3A_85 : memref<640x128xf32, #tpu.memory_space<vmem_shared>>) target_semaphore(%run_scoped3A : memref<!tpu.dma_semaphore, #tpu.memory_space<semaphore_mem>>)
      %dma_wait3A_89 = arith.constant 0 : i32
      %dma_wait3A_90 = tpu.memref_slice %arg10[%mul3A_2, %dma_wait3A_89] : memref<10240x128xf32, #tpu.memory_space<vmem_shared>> -> memref<640x128xf32, #tpu.memory_space<vmem_shared>>
      %dma_wait3A_91 = arith.constant 0 : i32
      %dma_wait3A_92 = tpu.memref_slice %arg4[%arg0, %mul3A_0, %dma_wait3A_91] : memref<2x10240x128xf32, #tpu.memory_space<hbm>> -> memref<1x640x128xf32, #tpu.memory_space<hbm>>
      %dma_wait3A_93 = tpu.memref_squeeze %dma_wait3A_92 : memref<1x640x128xf32, #tpu.memory_space<hbm>> -> memref<640x128xf32, #tpu.memory_space<hbm>>
      tpu.wait_dma2 semaphore(%run_scoped3A : memref<!tpu.dma_semaphore, #tpu.memory_space<semaphore_mem>>) src(%dma_wait3A_93 : memref<640x128xf32, #tpu.memory_space<hbm>>) dst(%dma_wait3A_90 : memref<640x128xf32, #tpu.memory_space<vmem_shared>>)
      tpu.yield
    }) : () -> ()
    %barrier3A = arith.constant 0 : index
    tpu.barrier barrier_id(%barrier3A)
    %mul3A_3 = arith.constant 2 : i32
    %mul3A_4 = arith.muli %arg1, %mul3A_3 : i32
    %sub3A = arith.constant 1 : i32
    %sub3A_5 = arith.subi %sub3A, %arg0 : i32
    %add3A = arith.addi %mul3A_4, %sub3A_5 : i32
    %mul3A_6 = arith.constant 10000 : i32
    %mul3A_7 = arith.muli %add3A, %mul3A_6 : i32
    %add3A_8 = arith.constant 0 : i32
    %add3A_9 = arith.addi %mul3A_7, %add3A_8 : i32
    %mul3A_10 = arith.constant 320000 : i32
    %mul3A_11 = arith.muli %arg0, %mul3A_10 : i32
    %add3A_12 = arith.addi %mul3A_11, %add3A_9 : i32
    %dma_start3A = tpu.memref_slice %arg3[%add3A_12] : memref<640000xi32, #tpu.memory_space<hbm>> -> memref<128xi32, #tpu.memory_space<hbm>>
    %dma_start3A_13 = tpu.memref_slice %arg3[%add3A_12] : memref<640000xi32, #tpu.memory_space<hbm>> -> memref<128xi32, #tpu.memory_space<hbm>>
    tpu.enqueue_dma source(%dma_start3A_13 : memref<128xi32, #tpu.memory_space<hbm>>) target(%arg6 : memref<128xi32, #tpu.memory_space<vmem>>) target_semaphore(%arg13 : memref<!tpu.dma_semaphore, #tpu.memory_space<semaphore_mem>>)
    %dma_start3A_14 = arith.constant 0 : i32
    %dma_start3A_15 = tpu.memref_slice %arg2[%add3A_9, %dma_start3A_14] : memref<320000x128xf32, #tpu.memory_space<hbm>> -> memref<128x128xf32, #tpu.memory_space<hbm>>
    %dma_start3A_16 = arith.constant 0 : i32
    %dma_start3A_17 = tpu.memref_slice %arg2[%add3A_9, %dma_start3A_16] : memref<320000x128xf32, #tpu.memory_space<hbm>> -> memref<128x128xf32, #tpu.memory_space<hbm>>
    tpu.enqueue_dma source(%dma_start3A_17 : memref<128x128xf32, #tpu.memory_space<hbm>>) target(%arg8 : memref<128x128xf32, #tpu.memory_space<vmem>>) target_semaphore(%arg13 : memref<!tpu.dma_semaphore, #tpu.memory_space<semaphore_mem>>)
    %add3A_18 = arith.constant 128 : i32
    %add3A_19 = arith.addi %mul3A_7, %add3A_18 : i32
    %mul3A_20 = arith.constant 320000 : i32
    %mul3A_21 = arith.muli %arg0, %mul3A_20 : i32
    %add3A_22 = arith.addi %mul3A_21, %add3A_19 : i32
    %dma_start3A_23 = tpu.memref_slice %arg3[%add3A_22] : memref<640000xi32, #tpu.memory_space<hbm>> -> memref<128xi32, #tpu.memory_space<hbm>>
    %dma_start3A_24 = tpu.memref_slice %arg3[%add3A_22] : memref<640000xi32, #tpu.memory_space<hbm>> -> memref<128xi32, #tpu.memory_space<hbm>>
    tpu.enqueue_dma source(%dma_start3A_24 : memref<128xi32, #tpu.memory_space<hbm>>) target(%arg7 : memref<128xi32, #tpu.memory_space<vmem>>) target_semaphore(%arg14 : memref<!tpu.dma_semaphore, #tpu.memory_space<semaphore_mem>>)
    %dma_start3A_25 = arith.constant 0 : i32
    %dma_start3A_26 = tpu.memref_slice %arg2[%add3A_19, %dma_start3A_25] : memref<320000x128xf32, #tpu.memory_space<hbm>> -> memref<128x128xf32, #tpu.memory_space<hbm>>
    %dma_start3A_27 = arith.constant 0 : i32
    %dma_start3A_28 = tpu.memref_slice %arg2[%add3A_19, %dma_start3A_27] : memref<320000x128xf32, #tpu.memory_space<hbm>> -> memref<128x128xf32, #tpu.memory_space<hbm>>
    tpu.enqueue_dma source(%dma_start3A_28 : memref<128x128xf32, #tpu.memory_space<hbm>>) target(%arg9 : memref<128x128xf32, #tpu.memory_space<vmem>>) target_semaphore(%arg14 : memref<!tpu.dma_semaphore, #tpu.memory_space<semaphore_mem>>)
    %scan3A = arith.constant 0 : i32
    %scan3A_29 = arith.constant 0 : i32
    %scan3A_30 = arith.constant 38 : i32
    %scan3A_31 = arith.addi %scan3A_29, %scan3A_30 : i32
    %scan3A_32 = arith.constant 1 : i32
    %scan3A_33 = scf.for %scan3A_84 = %scan3A_29 to %scan3A_31 step %scan3A_32 iter_args(%scan3A_85 = %scan3A) -> (i32)  : i32 {
      %mul3A_86 = arith.constant 2 : i32
      %mul3A_87 = arith.muli %mul3A_86, %scan3A_84 : i32
      %add3A_88 = arith.constant 0 : i32
      %add3A_89 = arith.addi %mul3A_87, %add3A_88 : i32
      %mul3A_90 = arith.constant 128 : i32
      %mul3A_91 = arith.muli %add3A_89, %mul3A_90 : i32
      %add3A_92 = arith.addi %mul3A_7, %mul3A_91 : i32
      %mul3A_93 = arith.constant 320000 : i32
      %mul3A_94 = arith.muli %arg0, %mul3A_93 : i32
      %add3A_95 = arith.addi %mul3A_94, %add3A_92 : i32
      %dma_wait3A_96 = tpu.memref_slice %arg3[%add3A_95] : memref<640000xi32, #tpu.memory_space<hbm>> -> memref<128xi32, #tpu.memory_space<hbm>>
      %dma_wait3A_97 = tpu.memref_slice %arg3[%add3A_95] : memref<640000xi32, #tpu.memory_space<hbm>> -> memref<128xi32, #tpu.memory_space<hbm>>
      tpu.wait_dma2 semaphore(%arg13 : memref<!tpu.dma_semaphore, #tpu.memory_space<semaphore_mem>>) src(%dma_wait3A_97 : memref<128xi32, #tpu.memory_space<hbm>>) dst(%arg6 : memref<128xi32, #tpu.memory_space<vmem>>)
      %dma_wait3A_98 = arith.constant 0 : i32
      %dma_wait3A_99 = tpu.memref_slice %arg2[%add3A_92, %dma_wait3A_98] : memref<320000x128xf32, #tpu.memory_space<hbm>> -> memref<128x128xf32, #tpu.memory_space<hbm>>
      %dma_wait3A_100 = arith.constant 0 : i32
      %dma_wait3A_101 = tpu.memref_slice %arg2[%add3A_92, %dma_wait3A_100] : memref<320000x128xf32, #tpu.memory_space<hbm>> -> memref<128x128xf32, #tpu.memory_space<hbm>>
      tpu.wait_dma2 semaphore(%arg13 : memref<!tpu.dma_semaphore, #tpu.memory_space<semaphore_mem>>) src(%dma_wait3A_101 : memref<128x128xf32, #tpu.memory_space<hbm>>) dst(%arg8 : memref<128x128xf32, #tpu.memory_space<vmem>>)
      %dma_start3A_102 = arith.constant 0 : i32
      %dma_start3A_103 = arith.constant 0 : i32
      %dma_start3A_104 = tpu.memref_slice %arg10[%dma_start3A_102, %dma_start3A_103] : memref<10240x128xf32, #tpu.memory_space<vmem_shared>> -> memref<10240x128xf32, #tpu.memory_space<vmem_shared>>
      tpu.enqueue_indirect_dma source(%arg8 : memref<128x128xf32, #tpu.memory_space<vmem>>) target(%dma_start3A_104 : memref<10240x128xf32, #tpu.memory_space<vmem_shared>>) offsets(%arg6 : memref<128xi32, #tpu.memory_space<vmem>>) semaphore(%arg15 : memref<!tpu.dma_semaphore, #tpu.memory_space<semaphore_mem>>) {add = true}
      %dma_wait3A_105 = arith.constant 0 : i32
      %dma_wait3A_106 = arith.constant 0 : i32
      %dma_wait3A_107 = tpu.memref_slice %arg10[%dma_wait3A_105, %dma_wait3A_106] : memref<10240x128xf32, #tpu.memory_space<vmem_shared>> -> memref<10240x128xf32, #tpu.memory_space<vmem_shared>>
      tpu.wait_indirect_dma semaphore(%arg15 : memref<!tpu.dma_semaphore, #tpu.memory_space<semaphore_mem>>) src(%arg8 : memref<128x128xf32, #tpu.memory_space<vmem>>) dst(%dma_wait3A_107 : memref<10240x128xf32, #tpu.memory_space<vmem_shared>>)
      %add3A_108 = arith.constant 2 : i32
      %add3A_109 = arith.addi %add3A_89, %add3A_108 : i32
      %mul3A_110 = arith.constant 128 : i32
      %mul3A_111 = arith.muli %add3A_109, %mul3A_110 : i32
      %add3A_112 = arith.addi %mul3A_7, %mul3A_111 : i32
      %mul3A_113 = arith.constant 320000 : i32
      %mul3A_114 = arith.muli %arg0, %mul3A_113 : i32
      %add3A_115 = arith.addi %mul3A_114, %add3A_112 : i32
      %dma_start3A_116 = tpu.memref_slice %arg3[%add3A_115] : memref<640000xi32, #tpu.memory_space<hbm>> -> memref<128xi32, #tpu.memory_space<hbm>>
      %dma_start3A_117 = tpu.memref_slice %arg3[%add3A_115] : memref<640000xi32, #tpu.memory_space<hbm>> -> memref<128xi32, #tpu.memory_space<hbm>>
      tpu.enqueue_dma source(%dma_start3A_117 : memref<128xi32, #tpu.memory_space<hbm>>) target(%arg6 : memref<128xi32, #tpu.memory_space<vmem>>) target_semaphore(%arg13 : memref<!tpu.dma_semaphore, #tpu.memory_space<semaphore_mem>>)
      %dma_start3A_118 = arith.constant 0 : i32
      %dma_start3A_119 = tpu.memref_slice %arg2[%add3A_112, %dma_start3A_118] : memref<320000x128xf32, #tpu.memory_space<hbm>> -> memref<128x128xf32, #tpu.memory_space<hbm>>
      %dma_start3A_120 = arith.constant 0 : i32
      %dma_start3A_121 = tpu.memref_slice %arg2[%add3A_112, %dma_start3A_120] : memref<320000x128xf32, #tpu.memory_space<hbm>> -> memref<128x128xf32, #tpu.memory_space<hbm>>
      tpu.enqueue_dma source(%dma_start3A_121 : memref<128x128xf32, #tpu.memory_space<hbm>>) target(%arg8 : memref<128x128xf32, #tpu.memory_space<vmem>>) target_semaphore(%arg13 : memref<!tpu.dma_semaphore, #tpu.memory_space<semaphore_mem>>)
      %mul3A_122 = arith.constant 2 : i32
      %mul3A_123 = arith.muli %mul3A_122, %scan3A_84 : i32
      %add3A_124 = arith.constant 1 : i32
      %add3A_125 = arith.addi %mul3A_123, %add3A_124 : i32
      %mul3A_126 = arith.constant 128 : i32
      %mul3A_127 = arith.muli %add3A_125, %mul3A_126 : i32
      %add3A_128 = arith.addi %mul3A_7, %mul3A_127 : i32
      %mul3A_129 = arith.constant 320000 : i32
      %mul3A_130 = arith.muli %arg0, %mul3A_129 : i32
      %add3A_131 = arith.addi %mul3A_130, %add3A_128 : i32
      %dma_wait3A_132 = tpu.memref_slice %arg3[%add3A_131] : memref<640000xi32, #tpu.memory_space<hbm>> -> memref<128xi32, #tpu.memory_space<hbm>>
      %dma_wait3A_133 = tpu.memref_slice %arg3[%add3A_131] : memref<640000xi32, #tpu.memory_space<hbm>> -> memref<128xi32, #tpu.memory_space<hbm>>
      tpu.wait_dma2 semaphore(%arg14 : memref<!tpu.dma_semaphore, #tpu.memory_space<semaphore_mem>>) src(%dma_wait3A_133 : memref<128xi32, #tpu.memory_space<hbm>>) dst(%arg7 : memref<128xi32, #tpu.memory_space<vmem>>)
      %dma_wait3A_134 = arith.constant 0 : i32
      %dma_wait3A_135 = tpu.memref_slice %arg2[%add3A_128, %dma_wait3A_134] : memref<320000x128xf32, #tpu.memory_space<hbm>> -> memref<128x128xf32, #tpu.memory_space<hbm>>
      %dma_wait3A_136 = arith.constant 0 : i32
      %dma_wait3A_137 = tpu.memref_slice %arg2[%add3A_128, %dma_wait3A_136] : memref<320000x128xf32, #tpu.memory_space<hbm>> -> memref<128x128xf32, #tpu.memory_space<hbm>>
      tpu.wait_dma2 semaphore(%arg14 : memref<!tpu.dma_semaphore, #tpu.memory_space<semaphore_mem>>) src(%dma_wait3A_137 : memref<128x128xf32, #tpu.memory_space<hbm>>) dst(%arg9 : memref<128x128xf32, #tpu.memory_space<vmem>>)
      %dma_start3A_138 = arith.constant 0 : i32
      %dma_start3A_139 = arith.constant 0 : i32
      %dma_start3A_140 = tpu.memref_slice %arg10[%dma_start3A_138, %dma_start3A_139] : memref<10240x128xf32, #tpu.memory_space<vmem_shared>> -> memref<10240x128xf32, #tpu.memory_space<vmem_shared>>
      tpu.enqueue_indirect_dma source(%arg9 : memref<128x128xf32, #tpu.memory_space<vmem>>) target(%dma_start3A_140 : memref<10240x128xf32, #tpu.memory_space<vmem_shared>>) offsets(%arg7 : memref<128xi32, #tpu.memory_space<vmem>>) semaphore(%arg16 : memref<!tpu.dma_semaphore, #tpu.memory_space<semaphore_mem>>) {add = true}
      %dma_wait3A_141 = arith.constant 0 : i32
      %dma_wait3A_142 = arith.constant 0 : i32
      %dma_wait3A_143 = tpu.memref_slice %arg10[%dma_wait3A_141, %dma_wait3A_142] : memref<10240x128xf32, #tpu.memory_space<vmem_shared>> -> memref<10240x128xf32, #tpu.memory_space<vmem_shared>>
      tpu.wait_indirect_dma semaphore(%arg16 : memref<!tpu.dma_semaphore, #tpu.memory_space<semaphore_mem>>) src(%arg9 : memref<128x128xf32, #tpu.memory_space<vmem>>) dst(%dma_wait3A_143 : memref<10240x128xf32, #tpu.memory_space<vmem_shared>>)
      %add3A_144 = arith.constant 2 : i32
      %add3A_145 = arith.addi %add3A_125, %add3A_144 : i32
      %mul3A_146 = arith.constant 128 : i32
      %mul3A_147 = arith.muli %add3A_145, %mul3A_146 : i32
      %add3A_148 = arith.addi %mul3A_7, %mul3A_147 : i32
      %mul3A_149 = arith.constant 320000 : i32
      %mul3A_150 = arith.muli %arg0, %mul3A_149 : i32
      %add3A_151 = arith.addi %mul3A_150, %add3A_148 : i32
      %dma_start3A_152 = tpu.memref_slice %arg3[%add3A_151] : memref<640000xi32, #tpu.memory_space<hbm>> -> memref<128xi32, #tpu.memory_space<hbm>>
      %dma_start3A_153 = tpu.memref_slice %arg3[%add3A_151] : memref<640000xi32, #tpu.memory_space<hbm>> -> memref<128xi32, #tpu.memory_space<hbm>>
      tpu.enqueue_dma source(%dma_start3A_153 : memref<128xi32, #tpu.memory_space<hbm>>) target(%arg7 : memref<128xi32, #tpu.memory_space<vmem>>) target_semaphore(%arg14 : memref<!tpu.dma_semaphore, #tpu.memory_space<semaphore_mem>>)
      %dma_start3A_154 = arith.constant 0 : i32
      %dma_start3A_155 = tpu.memref_slice %arg2[%add3A_148, %dma_start3A_154] : memref<320000x128xf32, #tpu.memory_space<hbm>> -> memref<128x128xf32, #tpu.memory_space<hbm>>
      %dma_start3A_156 = arith.constant 0 : i32
      %dma_start3A_157 = tpu.memref_slice %arg2[%add3A_148, %dma_start3A_156] : memref<320000x128xf32, #tpu.memory_space<hbm>> -> memref<128x128xf32, #tpu.memory_space<hbm>>
      tpu.enqueue_dma source(%dma_start3A_157 : memref<128x128xf32, #tpu.memory_space<hbm>>) target(%arg9 : memref<128x128xf32, #tpu.memory_space<vmem>>) target_semaphore(%arg14 : memref<!tpu.dma_semaphore, #tpu.memory_space<semaphore_mem>>)
      %scan3A_158 = arith.constant 0 : i32
      scf.yield %scan3A_158 : i32
    }
    %scan3A_34 = arith.constant 38 : i32
    %add3A_35 = arith.constant 9728 : i32
    %add3A_36 = arith.addi %mul3A_7, %add3A_35 : i32
    %mul3A_37 = arith.constant 320000 : i32
    %mul3A_38 = arith.muli %arg0, %mul3A_37 : i32
    %add3A_39 = arith.addi %mul3A_38, %add3A_36 : i32
    %dma_wait3A = tpu.memref_slice %arg3[%add3A_39] : memref<640000xi32, #tpu.memory_space<hbm>> -> memref<128xi32, #tpu.memory_space<hbm>>
    %dma_wait3A_40 = tpu.memref_slice %arg3[%add3A_39] : memref<640000xi32, #tpu.memory_space<hbm>> -> memref<128xi32, #tpu.memory_space<hbm>>
    tpu.wait_dma2 semaphore(%arg13 : memref<!tpu.dma_semaphore, #tpu.memory_space<semaphore_mem>>) src(%dma_wait3A_40 : memref<128xi32, #tpu.memory_space<hbm>>) dst(%arg6 : memref<128xi32, #tpu.memory_space<vmem>>)
    %dma_wait3A_41 = arith.constant 0 : i32
    %dma_wait3A_42 = tpu.memref_slice %arg2[%add3A_36, %dma_wait3A_41] : memref<320000x128xf32, #tpu.memory_space<hbm>> -> memref<128x128xf32, #tpu.memory_space<hbm>>
    %dma_wait3A_43 = arith.constant 0 : i32
    %dma_wait3A_44 = tpu.memref_slice %arg2[%add3A_36, %dma_wait3A_43] : memref<320000x128xf32, #tpu.memory_space<hbm>> -> memref<128x128xf32, #tpu.memory_space<hbm>>
    tpu.wait_dma2 semaphore(%arg13 : memref<!tpu.dma_semaphore, #tpu.memory_space<semaphore_mem>>) src(%dma_wait3A_44 : memref<128x128xf32, #tpu.memory_space<hbm>>) dst(%arg8 : memref<128x128xf32, #tpu.memory_space<vmem>>)
    %dma_start3A_45 = arith.constant 0 : i32
    %dma_start3A_46 = arith.constant 0 : i32
    %dma_start3A_47 = tpu.memref_slice %arg10[%dma_start3A_45, %dma_start3A_46] : memref<10240x128xf32, #tpu.memory_space<vmem_shared>> -> memref<10240x128xf32, #tpu.memory_space<vmem_shared>>
    tpu.enqueue_indirect_dma source(%arg8 : memref<128x128xf32, #tpu.memory_space<vmem>>) target(%dma_start3A_47 : memref<10240x128xf32, #tpu.memory_space<vmem_shared>>) offsets(%arg6 : memref<128xi32, #tpu.memory_space<vmem>>) semaphore(%arg15 : memref<!tpu.dma_semaphore, #tpu.memory_space<semaphore_mem>>) {add = true}
    %dma_wait3A_48 = arith.constant 0 : i32
    %dma_wait3A_49 = arith.constant 0 : i32
    %dma_wait3A_50 = tpu.memref_slice %arg10[%dma_wait3A_48, %dma_wait3A_49] : memref<10240x128xf32, #tpu.memory_space<vmem_shared>> -> memref<10240x128xf32, #tpu.memory_space<vmem_shared>>
    tpu.wait_indirect_dma semaphore(%arg15 : memref<!tpu.dma_semaphore, #tpu.memory_space<semaphore_mem>>) src(%arg8 : memref<128x128xf32, #tpu.memory_space<vmem>>) dst(%dma_wait3A_50 : memref<10240x128xf32, #tpu.memory_space<vmem_shared>>)
    %add3A_51 = arith.constant 9856 : i32
    %add3A_52 = arith.addi %mul3A_7, %add3A_51 : i32
    %mul3A_53 = arith.constant 320000 : i32
    %mul3A_54 = arith.muli %arg0, %mul3A_53 : i32
    %add3A_55 = arith.addi %mul3A_54, %add3A_52 : i32
    %dma_wait3A_56 = tpu.memref_slice %arg3[%add3A_55] : memref<640000xi32, #tpu.memory_space<hbm>> -> memref<128xi32, #tpu.memory_space<hbm>>
    %dma_wait3A_57 = tpu.memref_slice %arg3[%add3A_55] : memref<640000xi32, #tpu.memory_space<hbm>> -> memref<128xi32, #tpu.memory_space<hbm>>
    tpu.wait_dma2 semaphore(%arg14 : memref<!tpu.dma_semaphore, #tpu.memory_space<semaphore_mem>>) src(%dma_wait3A_57 : memref<128xi32, #tpu.memory_space<hbm>>) dst(%arg7 : memref<128xi32, #tpu.memory_space<vmem>>)
    %dma_wait3A_58 = arith.constant 0 : i32
    %dma_wait3A_59 = tpu.memref_slice %arg2[%add3A_52, %dma_wait3A_58] : memref<320000x128xf32, #tpu.memory_space<hbm>> -> memref<128x128xf32, #tpu.memory_space<hbm>>
    %dma_wait3A_60 = arith.constant 0 : i32
    %dma_wait3A_61 = tpu.memref_slice %arg2[%add3A_52, %dma_wait3A_60] : memref<320000x128xf32, #tpu.memory_space<hbm>> -> memref<128x128xf32, #tpu.memory_space<hbm>>
    tpu.wait_dma2 semaphore(%arg14 : memref<!tpu.dma_semaphore, #tpu.memory_space<semaphore_mem>>) src(%dma_wait3A_61 : memref<128x128xf32, #tpu.memory_space<hbm>>) dst(%arg9 : memref<128x128xf32, #tpu.memory_space<vmem>>)
    %dma_start3A_62 = arith.constant 0 : i32
    %dma_start3A_63 = arith.constant 0 : i32
    %dma_start3A_64 = tpu.memref_slice %arg10[%dma_start3A_62, %dma_start3A_63] : memref<10240x128xf32, #tpu.memory_space<vmem_shared>> -> memref<10240x128xf32, #tpu.memory_space<vmem_shared>>
    tpu.enqueue_indirect_dma source(%arg9 : memref<128x128xf32, #tpu.memory_space<vmem>>) target(%dma_start3A_64 : memref<10240x128xf32, #tpu.memory_space<vmem_shared>>) offsets(%arg7 : memref<128xi32, #tpu.memory_space<vmem>>) semaphore(%arg16 : memref<!tpu.dma_semaphore, #tpu.memory_space<semaphore_mem>>) {add = true}
    %dma_wait3A_65 = arith.constant 0 : i32
    %dma_wait3A_66 = arith.constant 0 : i32
    %dma_wait3A_67 = tpu.memref_slice %arg10[%dma_wait3A_65, %dma_wait3A_66] : memref<10240x128xf32, #tpu.memory_space<vmem_shared>> -> memref<10240x128xf32, #tpu.memory_space<vmem_shared>>
    tpu.wait_indirect_dma semaphore(%arg16 : memref<!tpu.dma_semaphore, #tpu.memory_space<semaphore_mem>>) src(%arg9 : memref<128x128xf32, #tpu.memory_space<vmem>>) dst(%dma_wait3A_67 : memref<10240x128xf32, #tpu.memory_space<vmem_shared>>)
    %add3A_68 = arith.constant 9984 : i32
    %add3A_69 = arith.addi %mul3A_7, %add3A_68 : i32
    %mul3A_70 = arith.constant 320000 : i32
    %mul3A_71 = arith.muli %arg0, %mul3A_70 : i32
    %add3A_72 = arith.addi %mul3A_71, %add3A_69 : i32
    "tpu.region"() ({
      %run_scoped3A = tpu.sem_alloc : memref<!tpu.dma_semaphore, #tpu.memory_space<semaphore_mem>>
      %dma_start3A_84 = tpu.memref_slice %arg3[%add3A_72] : memref<640000xi32, #tpu.memory_space<hbm>> -> memref<16xi32, #tpu.memory_space<hbm>>
      %dma_start3A_85 = tpu.memref_slice %arg3[%add3A_72] : memref<640000xi32, #tpu.memory_space<hbm>> -> memref<16xi32, #tpu.memory_space<hbm>>
      tpu.enqueue_dma source(%dma_start3A_85 : memref<16xi32, #tpu.memory_space<hbm>>) target(%arg11 : memref<16xi32, #tpu.memory_space<vmem>>) target_semaphore(%run_scoped3A : memref<!tpu.dma_semaphore, #tpu.memory_space<semaphore_mem>>)
      %dma_wait3A_86 = tpu.memref_slice %arg3[%add3A_72] : memref<640000xi32, #tpu.memory_space<hbm>> -> memref<16xi32, #tpu.memory_space<hbm>>
      %dma_wait3A_87 = tpu.memref_slice %arg3[%add3A_72] : memref<640000xi32, #tpu.memory_space<hbm>> -> memref<16xi32, #tpu.memory_space<hbm>>
      tpu.wait_dma2 semaphore(%run_scoped3A : memref<!tpu.dma_semaphore, #tpu.memory_space<semaphore_mem>>) src(%dma_wait3A_87 : memref<16xi32, #tpu.memory_space<hbm>>) dst(%arg11 : memref<16xi32, #tpu.memory_space<vmem>>)
      tpu.yield
    }) : () -> ()
    "tpu.region"() ({
      %run_scoped3A = tpu.sem_alloc : memref<!tpu.dma_semaphore, #tpu.memory_space<semaphore_mem>>
      %dma_start3A_84 = arith.constant 0 : i32
      %dma_start3A_85 = tpu.memref_slice %arg2[%add3A_69, %dma_start3A_84] : memref<320000x128xf32, #tpu.memory_space<hbm>> -> memref<16x128xf32, #tpu.memory_space<hbm>>
      %dma_start3A_86 = arith.constant 0 : i32
      %dma_start3A_87 = tpu.memref_slice %arg2[%add3A_69, %dma_start3A_86] : memref<320000x128xf32, #tpu.memory_space<hbm>> -> memref<16x128xf32, #tpu.memory_space<hbm>>
      tpu.enqueue_dma source(%dma_start3A_87 : memref<16x128xf32, #tpu.memory_space<hbm>>) target(%arg12 : memref<16x128xf32, #tpu.memory_space<vmem>>) target_semaphore(%run_scoped3A : memref<!tpu.dma_semaphore, #tpu.memory_space<semaphore_mem>>)
      %dma_wait3A_88 = arith.constant 0 : i32
      %dma_wait3A_89 = tpu.memref_slice %arg2[%add3A_69, %dma_wait3A_88] : memref<320000x128xf32, #tpu.memory_space<hbm>> -> memref<16x128xf32, #tpu.memory_space<hbm>>
      %dma_wait3A_90 = arith.constant 0 : i32
      %dma_wait3A_91 = tpu.memref_slice %arg2[%add3A_69, %dma_wait3A_90] : memref<320000x128xf32, #tpu.memory_space<hbm>> -> memref<16x128xf32, #tpu.memory_space<hbm>>
      tpu.wait_dma2 semaphore(%run_scoped3A : memref<!tpu.dma_semaphore, #tpu.memory_space<semaphore_mem>>) src(%dma_wait3A_91 : memref<16x128xf32, #tpu.memory_space<hbm>>) dst(%arg12 : memref<16x128xf32, #tpu.memory_space<vmem>>)
      tpu.yield
    }) : () -> ()
    %dma_start3A_73 = arith.constant 0 : i32
    %dma_start3A_74 = arith.constant 0 : i32
    %dma_start3A_75 = tpu.memref_slice %arg10[%dma_start3A_73, %dma_start3A_74] : memref<10240x128xf32, #tpu.memory_space<vmem_shared>> -> memref<10240x128xf32, #tpu.memory_space<vmem_shared>>
    tpu.enqueue_indirect_dma source(%arg12 : memref<16x128xf32, #tpu.memory_space<vmem>>) target(%dma_start3A_75 : memref<10240x128xf32, #tpu.memory_space<vmem_shared>>) offsets(%arg11 : memref<16xi32, #tpu.memory_space<vmem>>) semaphore(%arg15 : memref<!tpu.dma_semaphore, #tpu.memory_space<semaphore_mem>>) {add = true}
    %dma_wait3A_76 = arith.constant 0 : i32
    %dma_wait3A_77 = arith.constant 0 : i32
    %dma_wait3A_78 = tpu.memref_slice %arg10[%dma_wait3A_76, %dma_wait3A_77] : memref<10240x128xf32, #tpu.memory_space<vmem_shared>> -> memref<10240x128xf32, #tpu.memory_space<vmem_shared>>
    tpu.wait_indirect_dma semaphore(%arg15 : memref<!tpu.dma_semaphore, #tpu.memory_space<semaphore_mem>>) src(%arg12 : memref<16x128xf32, #tpu.memory_space<vmem>>) dst(%dma_wait3A_78 : memref<10240x128xf32, #tpu.memory_space<vmem_shared>>)
    %barrier3A_79 = arith.constant 0 : index
    tpu.barrier barrier_id(%barrier3A_79)
    %mul3A_80 = arith.constant 640 : i32
    %mul3A_81 = arith.muli %arg1, %mul3A_80 : i32
    %mul3A_82 = arith.constant 640 : i32
    %mul3A_83 = arith.muli %arg1, %mul3A_82 : i32
    "tpu.region"() ({
      %run_scoped3A = tpu.sem_alloc : memref<!tpu.dma_semaphore, #tpu.memory_space<semaphore_mem>>
      %dma_start3A_84 = arith.constant 0 : i32
      %dma_start3A_85 = tpu.memref_slice %arg5[%arg0, %mul3A_83, %dma_start3A_84] : memref<2x10240x128xf32, #tpu.memory_space<hbm>> -> memref<1x640x128xf32, #tpu.memory_space<hbm>>
      %dma_start3A_86 = tpu.memref_squeeze %dma_start3A_85 : memref<1x640x128xf32, #tpu.memory_space<hbm>> -> memref<640x128xf32, #tpu.memory_space<hbm>>
      %dma_start3A_87 = arith.constant 0 : i32
      %dma_start3A_88 = tpu.memref_slice %arg10[%mul3A_81, %dma_start3A_87] : memref<10240x128xf32, #tpu.memory_space<vmem_shared>> -> memref<640x128xf32, #tpu.memory_space<vmem_shared>>
      tpu.enqueue_dma source(%dma_start3A_88 : memref<640x128xf32, #tpu.memory_space<vmem_shared>>) target(%dma_start3A_86 : memref<640x128xf32, #tpu.memory_space<hbm>>) target_semaphore(%run_scoped3A : memref<!tpu.dma_semaphore, #tpu.memory_space<semaphore_mem>>)
      %dma_wait3A_89 = arith.constant 0 : i32
      %dma_wait3A_90 = tpu.memref_slice %arg5[%arg0, %mul3A_83, %dma_wait3A_89] : memref<2x10240x128xf32, #tpu.memory_space<hbm>> -> memref<1x640x128xf32, #tpu.memory_space<hbm>>
      %dma_wait3A_91 = tpu.memref_squeeze %dma_wait3A_90 : memref<1x640x128xf32, #tpu.memory_space<hbm>> -> memref<640x128xf32, #tpu.memory_space<hbm>>
      %dma_wait3A_92 = arith.constant 0 : i32
      %dma_wait3A_93 = tpu.memref_slice %arg10[%mul3A_81, %dma_wait3A_92] : memref<10240x128xf32, #tpu.memory_space<vmem_shared>> -> memref<640x128xf32, #tpu.memory_space<vmem_shared>>
      tpu.wait_dma2 semaphore(%run_scoped3A : memref<!tpu.dma_semaphore, #tpu.memory_space<semaphore_mem>>) src(%dma_wait3A_93 : memref<640x128xf32, #tpu.memory_space<vmem_shared>>) dst(%dma_wait3A_91 : memref<640x128xf32, #tpu.memory_space<hbm>>)
      tpu.yield
    }) : () -> ()
    return
  }
}

#map = affine_map<(d0, d1) -> (0, 0)>
#map1 = affine_map<(d0, d1) -> (0)>
#map2 = affine_map<(d0, d1) -> (0, 0, 0)>
module attributes {stable_mosaic.version = 14 : i64} {
  func.func @_edge_messages(%arg0: i32, %arg1: i32, %arg2: memref<320000x128xf32, #tpu.memory_space<hbm>>, %arg3: memref<10000x128xf32, #tpu.memory_space<hbm>>, %arg4: memref<10000x128xf32, #tpu.memory_space<hbm>>, %arg5: memref<320000xi32, #tpu.memory_space<hbm>>, %arg6: memref<320000xi32, #tpu.memory_space<hbm>>, %arg7: memref<640000xi32, #tpu.memory_space<hbm>>, %arg8: memref<10240x128xf32, #tpu.memory_space<hbm>>, %arg9: memref<320000x128xf32, #tpu.memory_space<hbm>>, %arg10: memref<2x10240x128xf32, #tpu.memory_space<hbm>>, %arg11: memref<128xi32, #tpu.memory_space<vmem>>, %arg12: memref<128xi32, #tpu.memory_space<vmem>>, %arg13: memref<128xi32, #tpu.memory_space<vmem>>, %arg14: memref<128xi32, #tpu.memory_space<vmem>>, %arg15: memref<128xi32, #tpu.memory_space<vmem>>, %arg16: memref<128xi32, #tpu.memory_space<vmem>>, %arg17: memref<128x128xf32, #tpu.memory_space<vmem>>, %arg18: memref<128x128xf32, #tpu.memory_space<vmem>>, %arg19: memref<10240x128xf32, #tpu.memory_space<vmem_shared>>, %arg20: memref<16xi32, #tpu.memory_space<vmem>>, %arg21: memref<!tpu.dma_semaphore, #tpu.memory_space<semaphore_mem>>, %arg22: memref<!tpu.dma_semaphore, #tpu.memory_space<semaphore_mem>>, %arg23: memref<!tpu.dma_semaphore, #tpu.memory_space<semaphore_mem>>, %arg24: memref<!tpu.dma_semaphore, #tpu.memory_space<semaphore_mem>>, %arg25: memref<!tpu.dma_semaphore, #tpu.memory_space<semaphore_mem>>, %arg26: memref<!tpu.dma_semaphore, #tpu.memory_space<semaphore_mem>>, %arg27: memref<!tpu.dma_semaphore, #tpu.memory_space<semaphore_mem>>, %arg28: memref<!tpu.dma_semaphore, #tpu.memory_space<semaphore_mem>>) attributes {dimension_semantics = [#tpu.dimension_semantics<core_parallel>, #tpu.dimension_semantics<subcore_parallel>], iteration_bounds = array<i64: 2, 16>, scalar_prefetch = 0 : i64, scratch_operands = 18 : i64, tpu.core_type = #tpu.core_type<sc_vector_subcore>, window_params = [{transform_indices = #map}, {transform_indices = #map}, {transform_indices = #map}, {transform_indices = #map1}, {transform_indices = #map1}, {transform_indices = #map1}, {transform_indices = #map}, {transform_indices = #map}, {transform_indices = #map2}]} {
    %mul3A = arith.constant 2 : i32
    %mul3A_0 = arith.muli %arg1, %mul3A : i32
    %add3A = arith.addi %mul3A_0, %arg0 : i32
    %mul3A_1 = arith.constant 10000 : i32
    %mul3A_2 = arith.muli %add3A, %mul3A_1 : i32
    %mul3A_3 = arith.constant 640 : i32
    %mul3A_4 = arith.muli %arg1, %mul3A_3 : i32
    %mul3A_5 = arith.constant 640 : i32
    %mul3A_6 = arith.muli %arg1, %mul3A_5 : i32
    "tpu.region"() ({
      %run_scoped3A = tpu.sem_alloc : memref<!tpu.dma_semaphore, #tpu.memory_space<semaphore_mem>>
      %dma_start3A_206 = arith.constant 0 : i32
      %dma_start3A_207 = tpu.memref_slice %arg19[%mul3A_6, %dma_start3A_206] : memref<10240x128xf32, #tpu.memory_space<vmem_shared>> -> memref<640x128xf32, #tpu.memory_space<vmem_shared>>
      %dma_start3A_208 = arith.constant 0 : i32
      %dma_start3A_209 = tpu.memref_slice %arg8[%mul3A_4, %dma_start3A_208] : memref<10240x128xf32, #tpu.memory_space<hbm>> -> memref<640x128xf32, #tpu.memory_space<hbm>>
      tpu.enqueue_dma source(%dma_start3A_209 : memref<640x128xf32, #tpu.memory_space<hbm>>) target(%dma_start3A_207 : memref<640x128xf32, #tpu.memory_space<vmem_shared>>) target_semaphore(%run_scoped3A : memref<!tpu.dma_semaphore, #tpu.memory_space<semaphore_mem>>)
      %dma_wait3A_210 = arith.constant 0 : i32
      %dma_wait3A_211 = tpu.memref_slice %arg19[%mul3A_6, %dma_wait3A_210] : memref<10240x128xf32, #tpu.memory_space<vmem_shared>> -> memref<640x128xf32, #tpu.memory_space<vmem_shared>>
      %dma_wait3A_212 = arith.constant 0 : i32
      %dma_wait3A_213 = tpu.memref_slice %arg8[%mul3A_4, %dma_wait3A_212] : memref<10240x128xf32, #tpu.memory_space<hbm>> -> memref<640x128xf32, #tpu.memory_space<hbm>>
      tpu.wait_dma2 semaphore(%run_scoped3A : memref<!tpu.dma_semaphore, #tpu.memory_space<semaphore_mem>>) src(%dma_wait3A_213 : memref<640x128xf32, #tpu.memory_space<hbm>>) dst(%dma_wait3A_211 : memref<640x128xf32, #tpu.memory_space<vmem_shared>>)
      tpu.yield
    }) : () -> ()
    %barrier3A = arith.constant 0 : index
    tpu.barrier barrier_id(%barrier3A)
    %add3A_7 = arith.constant 0 : i32
    %add3A_8 = arith.addi %mul3A_2, %add3A_7 : i32
    %dma_start3A = tpu.memref_slice %arg5[%add3A_8] : memref<320000xi32, #tpu.memory_space<hbm>> -> memref<128xi32, #tpu.memory_space<hbm>>
    %dma_start3A_9 = tpu.memref_slice %arg5[%add3A_8] : memref<320000xi32, #tpu.memory_space<hbm>> -> memref<128xi32, #tpu.memory_space<hbm>>
    tpu.enqueue_dma source(%dma_start3A_9 : memref<128xi32, #tpu.memory_space<hbm>>) target(%arg11 : memref<128xi32, #tpu.memory_space<vmem>>) target_semaphore(%arg21 : memref<!tpu.dma_semaphore, #tpu.memory_space<semaphore_mem>>)
    %dma_start3A_10 = tpu.memref_slice %arg6[%add3A_8] : memref<320000xi32, #tpu.memory_space<hbm>> -> memref<128xi32, #tpu.memory_space<hbm>>
    %dma_start3A_11 = tpu.memref_slice %arg6[%add3A_8] : memref<320000xi32, #tpu.memory_space<hbm>> -> memref<128xi32, #tpu.memory_space<hbm>>
    tpu.enqueue_dma source(%dma_start3A_11 : memref<128xi32, #tpu.memory_space<hbm>>) target(%arg12 : memref<128xi32, #tpu.memory_space<vmem>>) target_semaphore(%arg21 : memref<!tpu.dma_semaphore, #tpu.memory_space<semaphore_mem>>)
    %mul3A_12 = arith.constant 320000 : i32
    %mul3A_13 = arith.muli %arg0, %mul3A_12 : i32
    %add3A_14 = arith.addi %mul3A_13, %add3A_8 : i32
    %dma_start3A_15 = tpu.memref_slice %arg7[%add3A_14] : memref<640000xi32, #tpu.memory_space<hbm>> -> memref<128xi32, #tpu.memory_space<hbm>>
    %dma_start3A_16 = tpu.memref_slice %arg7[%add3A_14] : memref<640000xi32, #tpu.memory_space<hbm>> -> memref<128xi32, #tpu.memory_space<hbm>>
    tpu.enqueue_dma source(%dma_start3A_16 : memref<128xi32, #tpu.memory_space<hbm>>) target(%arg15 : memref<128xi32, #tpu.memory_space<vmem>>) target_semaphore(%arg21 : memref<!tpu.dma_semaphore, #tpu.memory_space<semaphore_mem>>)
    %dma_start3A_17 = arith.constant 0 : i32
    %dma_start3A_18 = tpu.memref_slice %arg2[%add3A_8, %dma_start3A_17] : memref<320000x128xf32, #tpu.memory_space<hbm>> -> memref<128x128xf32, #tpu.memory_space<hbm>>
    %dma_start3A_19 = arith.constant 0 : i32
    %dma_start3A_20 = tpu.memref_slice %arg2[%add3A_8, %dma_start3A_19] : memref<320000x128xf32, #tpu.memory_space<hbm>> -> memref<128x128xf32, #tpu.memory_space<hbm>>
    tpu.enqueue_dma source(%dma_start3A_20 : memref<128x128xf32, #tpu.memory_space<hbm>>) target(%arg17 : memref<128x128xf32, #tpu.memory_space<vmem>>) target_semaphore(%arg21 : memref<!tpu.dma_semaphore, #tpu.memory_space<semaphore_mem>>)
    %add3A_21 = arith.constant 128 : i32
    %add3A_22 = arith.addi %mul3A_2, %add3A_21 : i32
    %dma_start3A_23 = tpu.memref_slice %arg5[%add3A_22] : memref<320000xi32, #tpu.memory_space<hbm>> -> memref<128xi32, #tpu.memory_space<hbm>>
    %dma_start3A_24 = tpu.memref_slice %arg5[%add3A_22] : memref<320000xi32, #tpu.memory_space<hbm>> -> memref<128xi32, #tpu.memory_space<hbm>>
    tpu.enqueue_dma source(%dma_start3A_24 : memref<128xi32, #tpu.memory_space<hbm>>) target(%arg13 : memref<128xi32, #tpu.memory_space<vmem>>) target_semaphore(%arg22 : memref<!tpu.dma_semaphore, #tpu.memory_space<semaphore_mem>>)
    %dma_start3A_25 = tpu.memref_slice %arg6[%add3A_22] : memref<320000xi32, #tpu.memory_space<hbm>> -> memref<128xi32, #tpu.memory_space<hbm>>
    %dma_start3A_26 = tpu.memref_slice %arg6[%add3A_22] : memref<320000xi32, #tpu.memory_space<hbm>> -> memref<128xi32, #tpu.memory_space<hbm>>
    tpu.enqueue_dma source(%dma_start3A_26 : memref<128xi32, #tpu.memory_space<hbm>>) target(%arg14 : memref<128xi32, #tpu.memory_space<vmem>>) target_semaphore(%arg22 : memref<!tpu.dma_semaphore, #tpu.memory_space<semaphore_mem>>)
    %mul3A_27 = arith.constant 320000 : i32
    %mul3A_28 = arith.muli %arg0, %mul3A_27 : i32
    %add3A_29 = arith.addi %mul3A_28, %add3A_22 : i32
    %dma_start3A_30 = tpu.memref_slice %arg7[%add3A_29] : memref<640000xi32, #tpu.memory_space<hbm>> -> memref<128xi32, #tpu.memory_space<hbm>>
    %dma_start3A_31 = tpu.memref_slice %arg7[%add3A_29] : memref<640000xi32, #tpu.memory_space<hbm>> -> memref<128xi32, #tpu.memory_space<hbm>>
    tpu.enqueue_dma source(%dma_start3A_31 : memref<128xi32, #tpu.memory_space<hbm>>) target(%arg16 : memref<128xi32, #tpu.memory_space<vmem>>) target_semaphore(%arg22 : memref<!tpu.dma_semaphore, #tpu.memory_space<semaphore_mem>>)
    %dma_start3A_32 = arith.constant 0 : i32
    %dma_start3A_33 = tpu.memref_slice %arg2[%add3A_22, %dma_start3A_32] : memref<320000x128xf32, #tpu.memory_space<hbm>> -> memref<128x128xf32, #tpu.memory_space<hbm>>
    %dma_start3A_34 = arith.constant 0 : i32
    %dma_start3A_35 = tpu.memref_slice %arg2[%add3A_22, %dma_start3A_34] : memref<320000x128xf32, #tpu.memory_space<hbm>> -> memref<128x128xf32, #tpu.memory_space<hbm>>
    tpu.enqueue_dma source(%dma_start3A_35 : memref<128x128xf32, #tpu.memory_space<hbm>>) target(%arg18 : memref<128x128xf32, #tpu.memory_space<vmem>>) target_semaphore(%arg22 : memref<!tpu.dma_semaphore, #tpu.memory_space<semaphore_mem>>)
    %scan3A = arith.constant 0 : i32
    %scan3A_36 = arith.constant 0 : i32
    %scan3A_37 = arith.constant 38 : i32
    %scan3A_38 = arith.addi %scan3A_36, %scan3A_37 : i32
    %scan3A_39 = arith.constant 1 : i32
    %scan3A_40 = scf.for %scan3A_206 = %scan3A_36 to %scan3A_38 step %scan3A_39 iter_args(%scan3A_207 = %scan3A) -> (i32)  : i32 {
      %mul3A_208 = arith.constant 2 : i32
      %mul3A_209 = arith.muli %mul3A_208, %scan3A_206 : i32
      %add3A_210 = arith.constant 0 : i32
      %add3A_211 = arith.addi %mul3A_209, %add3A_210 : i32
      %mul3A_212 = arith.constant 128 : i32
      %mul3A_213 = arith.muli %add3A_211, %mul3A_212 : i32
      %add3A_214 = arith.addi %mul3A_2, %mul3A_213 : i32
      %mul3A_215 = arith.constant 128 : i32
      %mul3A_216 = arith.muli %add3A_211, %mul3A_215 : i32
      %add3A_217 = arith.addi %mul3A_2, %mul3A_216 : i32
      %dma_wait3A_218 = tpu.memref_slice %arg5[%add3A_217] : memref<320000xi32, #tpu.memory_space<hbm>> -> memref<128xi32, #tpu.memory_space<hbm>>
      %dma_wait3A_219 = tpu.memref_slice %arg5[%add3A_217] : memref<320000xi32, #tpu.memory_space<hbm>> -> memref<128xi32, #tpu.memory_space<hbm>>
      tpu.wait_dma2 semaphore(%arg21 : memref<!tpu.dma_semaphore, #tpu.memory_space<semaphore_mem>>) src(%dma_wait3A_219 : memref<128xi32, #tpu.memory_space<hbm>>) dst(%arg11 : memref<128xi32, #tpu.memory_space<vmem>>)
      %dma_wait3A_220 = tpu.memref_slice %arg6[%add3A_217] : memref<320000xi32, #tpu.memory_space<hbm>> -> memref<128xi32, #tpu.memory_space<hbm>>
      %dma_wait3A_221 = tpu.memref_slice %arg6[%add3A_217] : memref<320000xi32, #tpu.memory_space<hbm>> -> memref<128xi32, #tpu.memory_space<hbm>>
      tpu.wait_dma2 semaphore(%arg21 : memref<!tpu.dma_semaphore, #tpu.memory_space<semaphore_mem>>) src(%dma_wait3A_221 : memref<128xi32, #tpu.memory_space<hbm>>) dst(%arg12 : memref<128xi32, #tpu.memory_space<vmem>>)
      %mul3A_222 = arith.constant 320000 : i32
      %mul3A_223 = arith.muli %arg0, %mul3A_222 : i32
      %add3A_224 = arith.addi %mul3A_223, %add3A_217 : i32
      %dma_wait3A_225 = tpu.memref_slice %arg7[%add3A_224] : memref<640000xi32, #tpu.memory_space<hbm>> -> memref<128xi32, #tpu.memory_space<hbm>>
      %dma_wait3A_226 = tpu.memref_slice %arg7[%add3A_224] : memref<640000xi32, #tpu.memory_space<hbm>> -> memref<128xi32, #tpu.memory_space<hbm>>
      tpu.wait_dma2 semaphore(%arg21 : memref<!tpu.dma_semaphore, #tpu.memory_space<semaphore_mem>>) src(%dma_wait3A_226 : memref<128xi32, #tpu.memory_space<hbm>>) dst(%arg15 : memref<128xi32, #tpu.memory_space<vmem>>)
      %dma_wait3A_227 = arith.constant 0 : i32
      %dma_wait3A_228 = tpu.memref_slice %arg2[%add3A_217, %dma_wait3A_227] : memref<320000x128xf32, #tpu.memory_space<hbm>> -> memref<128x128xf32, #tpu.memory_space<hbm>>
      %dma_wait3A_229 = arith.constant 0 : i32
      %dma_wait3A_230 = tpu.memref_slice %arg2[%add3A_217, %dma_wait3A_229] : memref<320000x128xf32, #tpu.memory_space<hbm>> -> memref<128x128xf32, #tpu.memory_space<hbm>>
      tpu.wait_dma2 semaphore(%arg21 : memref<!tpu.dma_semaphore, #tpu.memory_space<semaphore_mem>>) src(%dma_wait3A_230 : memref<128x128xf32, #tpu.memory_space<hbm>>) dst(%arg17 : memref<128x128xf32, #tpu.memory_space<vmem>>)
      %dma_start3A_231 = arith.constant 0 : i32
      %dma_start3A_232 = arith.constant 0 : i32
      %dma_start3A_233 = tpu.memref_slice %arg3[%dma_start3A_231, %dma_start3A_232] : memref<10000x128xf32, #tpu.memory_space<hbm>> -> memref<10000x128xf32, #tpu.memory_space<hbm>>
      tpu.enqueue_indirect_dma source(%dma_start3A_233 : memref<10000x128xf32, #tpu.memory_space<hbm>>) target(%arg17 : memref<128x128xf32, #tpu.memory_space<vmem>>) offsets(%arg11 : memref<128xi32, #tpu.memory_space<vmem>>) semaphore(%arg23 : memref<!tpu.dma_semaphore, #tpu.memory_space<semaphore_mem>>) {add = true}
      %dma_start3A_234 = arith.constant 0 : i32
      %dma_start3A_235 = arith.constant 0 : i32
      %dma_start3A_236 = tpu.memref_slice %arg4[%dma_start3A_234, %dma_start3A_235] : memref<10000x128xf32, #tpu.memory_space<hbm>> -> memref<10000x128xf32, #tpu.memory_space<hbm>>
      tpu.enqueue_indirect_dma source(%dma_start3A_236 : memref<10000x128xf32, #tpu.memory_space<hbm>>) target(%arg17 : memref<128x128xf32, #tpu.memory_space<vmem>>) offsets(%arg12 : memref<128xi32, #tpu.memory_space<vmem>>) semaphore(%arg23 : memref<!tpu.dma_semaphore, #tpu.memory_space<semaphore_mem>>) {add = true}
      %dma_wait3A_237 = arith.constant 0 : i32
      %dma_wait3A_238 = arith.constant 0 : i32
      %dma_wait3A_239 = tpu.memref_slice %arg3[%dma_wait3A_237, %dma_wait3A_238] : memref<10000x128xf32, #tpu.memory_space<hbm>> -> memref<10000x128xf32, #tpu.memory_space<hbm>>
      tpu.wait_indirect_dma semaphore(%arg23 : memref<!tpu.dma_semaphore, #tpu.memory_space<semaphore_mem>>) src(%dma_wait3A_239 : memref<10000x128xf32, #tpu.memory_space<hbm>>) dst(%arg17 : memref<128x128xf32, #tpu.memory_space<vmem>>)
      %dma_wait3A_240 = arith.constant 0 : i32
      %dma_wait3A_241 = arith.constant 0 : i32
      %dma_wait3A_242 = tpu.memref_slice %arg4[%dma_wait3A_240, %dma_wait3A_241] : memref<10000x128xf32, #tpu.memory_space<hbm>> -> memref<10000x128xf32, #tpu.memory_space<hbm>>
      tpu.wait_indirect_dma semaphore(%arg23 : memref<!tpu.dma_semaphore, #tpu.memory_space<semaphore_mem>>) src(%dma_wait3A_242 : memref<10000x128xf32, #tpu.memory_space<hbm>>) dst(%arg17 : memref<128x128xf32, #tpu.memory_space<vmem>>)
      %scan3A_243 = arith.constant 0 : i32
      %scan3A_244 = arith.constant 0 : i32
      %scan3A_245 = arith.constant 128 : i32
      %scan3A_246 = arith.addi %scan3A_244, %scan3A_245 : i32
      %scan3A_247 = arith.constant 1 : i32
      %scan3A_248 = scf.for %scan3A_357 = %scan3A_244 to %scan3A_246 step %scan3A_247 iter_args(%scan3A_358 = %scan3A_243) -> (i32)  : i32 {
        %get3A = arith.index_cast %scan3A_357 : i32 to index
        %get3A_359 = arith.constant 0 : index
        %get3A_360 = tpu.vector_load %arg17[%get3A, %get3A_359] {strides = array<i32>} : memref<128x128xf32, #tpu.memory_space<vmem>>, vector<1x16xf32>,
        %get3A_361 = vector.shape_cast %get3A_360 : vector<1x16xf32> to vector<16xf32>
        %max3A = arith.constant 0.000000e+00 : f32
        %max3A_362 = vector.broadcast %max3A : f32 to vector<16xf32>
        %max3A_363 = arith.maximumf %get3A_361, %max3A_362 : vector<16xf32>
        %swap3A = arith.index_cast %scan3A_357 : i32 to index
        %swap3A_364 = arith.constant 0 : index
        %swap3A_365 = tpu.vector_load %arg17[%swap3A, %swap3A_364] {strides = array<i32>} : memref<128x128xf32, #tpu.memory_space<vmem>>, vector<1x16xf32>,
        %swap3A_366 = vector.shape_cast %swap3A_365 : vector<1x16xf32> to vector<16xf32>
        %swap3A_367 = vector.shape_cast %max3A_363 : vector<16xf32> to vector<1x16xf32>
        tpu.vector_store %arg17[%swap3A, %swap3A_364], %swap3A_367 {strides = array<i32>} : memref<128x128xf32, #tpu.memory_space<vmem>>, vector<1x16xf32>,
        %get3A_368 = arith.index_cast %scan3A_357 : i32 to index
        %get3A_369 = arith.constant 16 : index
        %get3A_370 = tpu.vector_load %arg17[%get3A_368, %get3A_369] {strides = array<i32>} : memref<128x128xf32, #tpu.memory_space<vmem>>, vector<1x16xf32>,
        %get3A_371 = vector.shape_cast %get3A_370 : vector<1x16xf32> to vector<16xf32>
        %max3A_372 = arith.constant 0.000000e+00 : f32
        %max3A_373 = vector.broadcast %max3A_372 : f32 to vector<16xf32>
        %max3A_374 = arith.maximumf %get3A_371, %max3A_373 : vector<16xf32>
        %swap3A_375 = arith.index_cast %scan3A_357 : i32 to index
        %swap3A_376 = arith.constant 16 : index
        %swap3A_377 = tpu.vector_load %arg17[%swap3A_375, %swap3A_376] {strides = array<i32>} : memref<128x128xf32, #tpu.memory_space<vmem>>, vector<1x16xf32>,
        %swap3A_378 = vector.shape_cast %swap3A_377 : vector<1x16xf32> to vector<16xf32>
        %swap3A_379 = vector.shape_cast %max3A_374 : vector<16xf32> to vector<1x16xf32>
        tpu.vector_store %arg17[%swap3A_375, %swap3A_376], %swap3A_379 {strides = array<i32>} : memref<128x128xf32, #tpu.memory_space<vmem>>, vector<1x16xf32>,
        %get3A_380 = arith.index_cast %scan3A_357 : i32 to index
        %get3A_381 = arith.constant 32 : index
        %get3A_382 = tpu.vector_load %arg17[%get3A_380, %get3A_381] {strides = array<i32>} : memref<128x128xf32, #tpu.memory_space<vmem>>, vector<1x16xf32>,
        %get3A_383 = vector.shape_cast %get3A_382 : vector<1x16xf32> to vector<16xf32>
        %max3A_384 = arith.constant 0.000000e+00 : f32
        %max3A_385 = vector.broadcast %max3A_384 : f32 to vector<16xf32>
        %max3A_386 = arith.maximumf %get3A_383, %max3A_385 : vector<16xf32>
        %swap3A_387 = arith.index_cast %scan3A_357 : i32 to index
        %swap3A_388 = arith.constant 32 : index
        %swap3A_389 = tpu.vector_load %arg17[%swap3A_387, %swap3A_388] {strides = array<i32>} : memref<128x128xf32, #tpu.memory_space<vmem>>, vector<1x16xf32>,
        %swap3A_390 = vector.shape_cast %swap3A_389 : vector<1x16xf32> to vector<16xf32>
        %swap3A_391 = vector.shape_cast %max3A_386 : vector<16xf32> to vector<1x16xf32>
        tpu.vector_store %arg17[%swap3A_387, %swap3A_388], %swap3A_391 {strides = array<i32>} : memref<128x128xf32, #tpu.memory_space<vmem>>, vector<1x16xf32>,
        %get3A_392 = arith.index_cast %scan3A_357 : i32 to index
        %get3A_393 = arith.constant 48 : index
        %get3A_394 = tpu.vector_load %arg17[%get3A_392, %get3A_393] {strides = array<i32>} : memref<128x128xf32, #tpu.memory_space<vmem>>, vector<1x16xf32>,
        %get3A_395 = vector.shape_cast %get3A_394 : vector<1x16xf32> to vector<16xf32>
        %max3A_396 = arith.constant 0.000000e+00 : f32
        %max3A_397 = vector.broadcast %max3A_396 : f32 to vector<16xf32>
        %max3A_398 = arith.maximumf %get3A_395, %max3A_397 : vector<16xf32>
        %swap3A_399 = arith.index_cast %scan3A_357 : i32 to index
        %swap3A_400 = arith.constant 48 : index
        %swap3A_401 = tpu.vector_load %arg17[%swap3A_399, %swap3A_400] {strides = array<i32>} : memref<128x128xf32, #tpu.memory_space<vmem>>, vector<1x16xf32>,
        %swap3A_402 = vector.shape_cast %swap3A_401 : vector<1x16xf32> to vector<16xf32>
        %swap3A_403 = vector.shape_cast %max3A_398 : vector<16xf32> to vector<1x16xf32>
        tpu.vector_store %arg17[%swap3A_399, %swap3A_400], %swap3A_403 {strides = array<i32>} : memref<128x128xf32, #tpu.memory_space<vmem>>, vector<1x16xf32>,
        %get3A_404 = arith.index_cast %scan3A_357 : i32 to index
        %get3A_405 = arith.constant 64 : index
        %get3A_406 = tpu.vector_load %arg17[%get3A_404, %get3A_405] {strides = array<i32>} : memref<128x128xf32, #tpu.memory_space<vmem>>, vector<1x16xf32>,
        %get3A_407 = vector.shape_cast %get3A_406 : vector<1x16xf32> to vector<16xf32>
        %max3A_408 = arith.constant 0.000000e+00 : f32
        %max3A_409 = vector.broadcast %max3A_408 : f32 to vector<16xf32>
        %max3A_410 = arith.maximumf %get3A_407, %max3A_409 : vector<16xf32>
        %swap3A_411 = arith.index_cast %scan3A_357 : i32 to index
        %swap3A_412 = arith.constant 64 : index
        %swap3A_413 = tpu.vector_load %arg17[%swap3A_411, %swap3A_412] {strides = array<i32>} : memref<128x128xf32, #tpu.memory_space<vmem>>, vector<1x16xf32>,
        %swap3A_414 = vector.shape_cast %swap3A_413 : vector<1x16xf32> to vector<16xf32>
        %swap3A_415 = vector.shape_cast %max3A_410 : vector<16xf32> to vector<1x16xf32>
        tpu.vector_store %arg17[%swap3A_411, %swap3A_412], %swap3A_415 {strides = array<i32>} : memref<128x128xf32, #tpu.memory_space<vmem>>, vector<1x16xf32>,
        %get3A_416 = arith.index_cast %scan3A_357 : i32 to index
        %get3A_417 = arith.constant 80 : index
        %get3A_418 = tpu.vector_load %arg17[%get3A_416, %get3A_417] {strides = array<i32>} : memref<128x128xf32, #tpu.memory_space<vmem>>, vector<1x16xf32>,
        %get3A_419 = vector.shape_cast %get3A_418 : vector<1x16xf32> to vector<16xf32>
        %max3A_420 = arith.constant 0.000000e+00 : f32
        %max3A_421 = vector.broadcast %max3A_420 : f32 to vector<16xf32>
        %max3A_422 = arith.maximumf %get3A_419, %max3A_421 : vector<16xf32>
        %swap3A_423 = arith.index_cast %scan3A_357 : i32 to index
        %swap3A_424 = arith.constant 80 : index
        %swap3A_425 = tpu.vector_load %arg17[%swap3A_423, %swap3A_424] {strides = array<i32>} : memref<128x128xf32, #tpu.memory_space<vmem>>, vector<1x16xf32>,
        %swap3A_426 = vector.shape_cast %swap3A_425 : vector<1x16xf32> to vector<16xf32>
        %swap3A_427 = vector.shape_cast %max3A_422 : vector<16xf32> to vector<1x16xf32>
        tpu.vector_store %arg17[%swap3A_423, %swap3A_424], %swap3A_427 {strides = array<i32>} : memref<128x128xf32, #tpu.memory_space<vmem>>, vector<1x16xf32>,
        %get3A_428 = arith.index_cast %scan3A_357 : i32 to index
        %get3A_429 = arith.constant 96 : index
        %get3A_430 = tpu.vector_load %arg17[%get3A_428, %get3A_429] {strides = array<i32>} : memref<128x128xf32, #tpu.memory_space<vmem>>, vector<1x16xf32>,
        %get3A_431 = vector.shape_cast %get3A_430 : vector<1x16xf32> to vector<16xf32>
        %max3A_432 = arith.constant 0.000000e+00 : f32
        %max3A_433 = vector.broadcast %max3A_432 : f32 to vector<16xf32>
        %max3A_434 = arith.maximumf %get3A_431, %max3A_433 : vector<16xf32>
        %swap3A_435 = arith.index_cast %scan3A_357 : i32 to index
        %swap3A_436 = arith.constant 96 : index
        %swap3A_437 = tpu.vector_load %arg17[%swap3A_435, %swap3A_436] {strides = array<i32>} : memref<128x128xf32, #tpu.memory_space<vmem>>, vector<1x16xf32>,
        %swap3A_438 = vector.shape_cast %swap3A_437 : vector<1x16xf32> to vector<16xf32>
        %swap3A_439 = vector.shape_cast %max3A_434 : vector<16xf32> to vector<1x16xf32>
        tpu.vector_store %arg17[%swap3A_435, %swap3A_436], %swap3A_439 {strides = array<i32>} : memref<128x128xf32, #tpu.memory_space<vmem>>, vector<1x16xf32>,
        %get3A_440 = arith.index_cast %scan3A_357 : i32 to index
        %get3A_441 = arith.constant 112 : index
        %get3A_442 = tpu.vector_load %arg17[%get3A_440, %get3A_441] {strides = array<i32>} : memref<128x128xf32, #tpu.memory_space<vmem>>, vector<1x16xf32>,
        %get3A_443 = vector.shape_cast %get3A_442 : vector<1x16xf32> to vector<16xf32>
        %max3A_444 = arith.constant 0.000000e+00 : f32
        %max3A_445 = vector.broadcast %max3A_444 : f32 to vector<16xf32>
        %max3A_446 = arith.maximumf %get3A_443, %max3A_445 : vector<16xf32>
        %swap3A_447 = arith.index_cast %scan3A_357 : i32 to index
        %swap3A_448 = arith.constant 112 : index
        %swap3A_449 = tpu.vector_load %arg17[%swap3A_447, %swap3A_448] {strides = array<i32>} : memref<128x128xf32, #tpu.memory_space<vmem>>, vector<1x16xf32>,
        %swap3A_450 = vector.shape_cast %swap3A_449 : vector<1x16xf32> to vector<16xf32>
        %swap3A_451 = vector.shape_cast %max3A_446 : vector<16xf32> to vector<1x16xf32>
        tpu.vector_store %arg17[%swap3A_447, %swap3A_448], %swap3A_451 {strides = array<i32>} : memref<128x128xf32, #tpu.memory_space<vmem>>, vector<1x16xf32>,
        %scan3A_452 = arith.constant 0 : i32
        scf.yield %scan3A_452 : i32
      }
      %scan3A_249 = arith.constant 128 : i32
      %dma_start3A_250 = arith.constant 0 : i32
      %dma_start3A_251 = tpu.memref_slice %arg9[%add3A_214, %dma_start3A_250] : memref<320000x128xf32, #tpu.memory_space<hbm>> -> memref<128x128xf32, #tpu.memory_space<hbm>>
      %dma_start3A_252 = arith.constant 0 : i32
      %dma_start3A_253 = tpu.memref_slice %arg9[%add3A_214, %dma_start3A_252] : memref<320000x128xf32, #tpu.memory_space<hbm>> -> memref<128x128xf32, #tpu.memory_space<hbm>>
      tpu.enqueue_dma source(%arg17 : memref<128x128xf32, #tpu.memory_space<vmem>>) target(%dma_start3A_253 : memref<128x128xf32, #tpu.memory_space<hbm>>) target_semaphore(%arg25 : memref<!tpu.dma_semaphore, #tpu.memory_space<semaphore_mem>>)
      %dma_start3A_254 = arith.constant 0 : i32
      %dma_start3A_255 = arith.constant 0 : i32
      %dma_start3A_256 = tpu.memref_slice %arg19[%dma_start3A_254, %dma_start3A_255] : memref<10240x128xf32, #tpu.memory_space<vmem_shared>> -> memref<10240x128xf32, #tpu.memory_space<vmem_shared>>
      tpu.enqueue_indirect_dma source(%arg17 : memref<128x128xf32, #tpu.memory_space<vmem>>) target(%dma_start3A_256 : memref<10240x128xf32, #tpu.memory_space<vmem_shared>>) offsets(%arg15 : memref<128xi32, #tpu.memory_space<vmem>>) semaphore(%arg27 : memref<!tpu.dma_semaphore, #tpu.memory_space<semaphore_mem>>) {add = true}
      %dma_wait3A_257 = arith.constant 0 : i32
      %dma_wait3A_258 = tpu.memref_slice %arg9[%add3A_214, %dma_wait3A_257] : memref<320000x128xf32, #tpu.memory_space<hbm>> -> memref<128x128xf32, #tpu.memory_space<hbm>>
      %dma_wait3A_259 = arith.constant 0 : i32
      %dma_wait3A_260 = tpu.memref_slice %arg9[%add3A_214, %dma_wait3A_259] : memref<320000x128xf32, #tpu.memory_space<hbm>> -> memref<128x128xf32, #tpu.memory_space<hbm>>
      tpu.wait_dma2 semaphore(%arg25 : memref<!tpu.dma_semaphore, #tpu.memory_space<semaphore_mem>>) src(%arg17 : memref<128x128xf32, #tpu.memory_space<vmem>>) dst(%dma_wait3A_260 : memref<128x128xf32, #tpu.memory_space<hbm>>)
      %dma_wait3A_261 = arith.constant 0 : i32
      %dma_wait3A_262 = arith.constant 0 : i32
      %dma_wait3A_263 = tpu.memref_slice %arg19[%dma_wait3A_261, %dma_wait3A_262] : memref<10240x128xf32, #tpu.memory_space<vmem_shared>> -> memref<10240x128xf32, #tpu.memory_space<vmem_shared>>
      tpu.wait_indirect_dma semaphore(%arg27 : memref<!tpu.dma_semaphore, #tpu.memory_space<semaphore_mem>>) src(%arg17 : memref<128x128xf32, #tpu.memory_space<vmem>>) dst(%dma_wait3A_263 : memref<10240x128xf32, #tpu.memory_space<vmem_shared>>)
      %add3A_264 = arith.constant 2 : i32
      %add3A_265 = arith.addi %add3A_211, %add3A_264 : i32
      %mul3A_266 = arith.constant 128 : i32
      %mul3A_267 = arith.muli %add3A_265, %mul3A_266 : i32
      %add3A_268 = arith.addi %mul3A_2, %mul3A_267 : i32
      %dma_start3A_269 = tpu.memref_slice %arg5[%add3A_268] : memref<320000xi32, #tpu.memory_space<hbm>> -> memref<128xi32, #tpu.memory_space<hbm>>
      %dma_start3A_270 = tpu.memref_slice %arg5[%add3A_268] : memref<320000xi32, #tpu.memory_space<hbm>> -> memref<128xi32, #tpu.memory_space<hbm>>
      tpu.enqueue_dma source(%dma_start3A_270 : memref<128xi32, #tpu.memory_space<hbm>>) target(%arg11 : memref<128xi32, #tpu.memory_space<vmem>>) target_semaphore(%arg21 : memref<!tpu.dma_semaphore, #tpu.memory_space<semaphore_mem>>)
      %dma_start3A_271 = tpu.memref_slice %arg6[%add3A_268] : memref<320000xi32, #tpu.memory_space<hbm>> -> memref<128xi32, #tpu.memory_space<hbm>>
      %dma_start3A_272 = tpu.memref_slice %arg6[%add3A_268] : memref<320000xi32, #tpu.memory_space<hbm>> -> memref<128xi32, #tpu.memory_space<hbm>>
      tpu.enqueue_dma source(%dma_start3A_272 : memref<128xi32, #tpu.memory_space<hbm>>) target(%arg12 : memref<128xi32, #tpu.memory_space<vmem>>) target_semaphore(%arg21 : memref<!tpu.dma_semaphore, #tpu.memory_space<semaphore_mem>>)
      %mul3A_273 = arith.constant 320000 : i32
      %mul3A_274 = arith.muli %arg0, %mul3A_273 : i32
      %add3A_275 = arith.addi %mul3A_274, %add3A_268 : i32
      %dma_start3A_276 = tpu.memref_slice %arg7[%add3A_275] : memref<640000xi32, #tpu.memory_space<hbm>> -> memref<128xi32, #tpu.memory_space<hbm>>
      %dma_start3A_277 = tpu.memref_slice %arg7[%add3A_275] : memref<640000xi32, #tpu.memory_space<hbm>> -> memref<128xi32, #tpu.memory_space<hbm>>
      tpu.enqueue_dma source(%dma_start3A_277 : memref<128xi32, #tpu.memory_space<hbm>>) target(%arg15 : memref<128xi32, #tpu.memory_space<vmem>>) target_semaphore(%arg21 : memref<!tpu.dma_semaphore, #tpu.memory_space<semaphore_mem>>)
      %dma_start3A_278 = arith.constant 0 : i32
      %dma_start3A_279 = tpu.memref_slice %arg2[%add3A_268, %dma_start3A_278] : memref<320000x128xf32, #tpu.memory_space<hbm>> -> memref<128x128xf32, #tpu.memory_space<hbm>>
      %dma_start3A_280 = arith.constant 0 : i32
      %dma_start3A_281 = tpu.memref_slice %arg2[%add3A_268, %dma_start3A_280] : memref<320000x128xf32, #tpu.memory_space<hbm>> -> memref<128x128xf32, #tpu.memory_space<hbm>>
      tpu.enqueue_dma source(%dma_start3A_281 : memref<128x128xf32, #tpu.memory_space<hbm>>) target(%arg17 : memref<128x128xf32, #tpu.memory_space<vmem>>) target_semaphore(%arg21 : memref<!tpu.dma_semaphore, #tpu.memory_space<semaphore_mem>>)
      %mul3A_282 = arith.constant 2 : i32
      %mul3A_283 = arith.muli %mul3A_282, %scan3A_206 : i32
      %add3A_284 = arith.constant 1 : i32
      %add3A_285 = arith.addi %mul3A_283, %add3A_284 : i32
      %mul3A_286 = arith.constant 128 : i32
      %mul3A_287 = arith.muli %add3A_285, %mul3A_286 : i32
      %add3A_288 = arith.addi %mul3A_2, %mul3A_287 : i32
      %mul3A_289 = arith.constant 128 : i32
      %mul3A_290 = arith.muli %add3A_285, %mul3A_289 : i32
      %add3A_291 = arith.addi %mul3A_2, %mul3A_290 : i32
      %dma_wait3A_292 = tpu.memref_slice %arg5[%add3A_291] : memref<320000xi32, #tpu.memory_space<hbm>> -> memref<128xi32, #tpu.memory_space<hbm>>
      %dma_wait3A_293 = tpu.memref_slice %arg5[%add3A_291] : memref<320000xi32, #tpu.memory_space<hbm>> -> memref<128xi32, #tpu.memory_space<hbm>>
      tpu.wait_dma2 semaphore(%arg22 : memref<!tpu.dma_semaphore, #tpu.memory_space<semaphore_mem>>) src(%dma_wait3A_293 : memref<128xi32, #tpu.memory_space<hbm>>) dst(%arg13 : memref<128xi32, #tpu.memory_space<vmem>>)
      %dma_wait3A_294 = tpu.memref_slice %arg6[%add3A_291] : memref<320000xi32, #tpu.memory_space<hbm>> -> memref<128xi32, #tpu.memory_space<hbm>>
      %dma_wait3A_295 = tpu.memref_slice %arg6[%add3A_291] : memref<320000xi32, #tpu.memory_space<hbm>> -> memref<128xi32, #tpu.memory_space<hbm>>
      tpu.wait_dma2 semaphore(%arg22 : memref<!tpu.dma_semaphore, #tpu.memory_space<semaphore_mem>>) src(%dma_wait3A_295 : memref<128xi32, #tpu.memory_space<hbm>>) dst(%arg14 : memref<128xi32, #tpu.memory_space<vmem>>)
      %mul3A_296 = arith.constant 320000 : i32
      %mul3A_297 = arith.muli %arg0, %mul3A_296 : i32
      %add3A_298 = arith.addi %mul3A_297, %add3A_291 : i32
      %dma_wait3A_299 = tpu.memref_slice %arg7[%add3A_298] : memref<640000xi32, #tpu.memory_space<hbm>> -> memref<128xi32, #tpu.memory_space<hbm>>
      %dma_wait3A_300 = tpu.memref_slice %arg7[%add3A_298] : memref<640000xi32, #tpu.memory_space<hbm>> -> memref<128xi32, #tpu.memory_space<hbm>>
      tpu.wait_dma2 semaphore(%arg22 : memref<!tpu.dma_semaphore, #tpu.memory_space<semaphore_mem>>) src(%dma_wait3A_300 : memref<128xi32, #tpu.memory_space<hbm>>) dst(%arg16 : memref<128xi32, #tpu.memory_space<vmem>>)
      %dma_wait3A_301 = arith.constant 0 : i32
      %dma_wait3A_302 = tpu.memref_slice %arg2[%add3A_291, %dma_wait3A_301] : memref<320000x128xf32, #tpu.memory_space<hbm>> -> memref<128x128xf32, #tpu.memory_space<hbm>>
      %dma_wait3A_303 = arith.constant 0 : i32
      %dma_wait3A_304 = tpu.memref_slice %arg2[%add3A_291, %dma_wait3A_303] : memref<320000x128xf32, #tpu.memory_space<hbm>> -> memref<128x128xf32, #tpu.memory_space<hbm>>
      tpu.wait_dma2 semaphore(%arg22 : memref<!tpu.dma_semaphore, #tpu.memory_space<semaphore_mem>>) src(%dma_wait3A_304 : memref<128x128xf32, #tpu.memory_space<hbm>>) dst(%arg18 : memref<128x128xf32, #tpu.memory_space<vmem>>)
      %dma_start3A_305 = arith.constant 0 : i32
      %dma_start3A_306 = arith.constant 0 : i32
      %dma_start3A_307 = tpu.memref_slice %arg3[%dma_start3A_305, %dma_start3A_306] : memref<10000x128xf32, #tpu.memory_space<hbm>> -> memref<10000x128xf32, #tpu.memory_space<hbm>>
      tpu.enqueue_indirect_dma source(%dma_start3A_307 : memref<10000x128xf32, #tpu.memory_space<hbm>>) target(%arg18 : memref<128x128xf32, #tpu.memory_space<vmem>>) offsets(%arg13 : memref<128xi32, #tpu.memory_space<vmem>>) semaphore(%arg24 : memref<!tpu.dma_semaphore, #tpu.memory_space<semaphore_mem>>) {add = true}
      %dma_start3A_308 = arith.constant 0 : i32
      %dma_start3A_309 = arith.constant 0 : i32
      %dma_start3A_310 = tpu.memref_slice %arg4[%dma_start3A_308, %dma_start3A_309] : memref<10000x128xf32, #tpu.memory_space<hbm>> -> memref<10000x128xf32, #tpu.memory_space<hbm>>
      tpu.enqueue_indirect_dma source(%dma_start3A_310 : memref<10000x128xf32, #tpu.memory_space<hbm>>) target(%arg18 : memref<128x128xf32, #tpu.memory_space<vmem>>) offsets(%arg14 : memref<128xi32, #tpu.memory_space<vmem>>) semaphore(%arg24 : memref<!tpu.dma_semaphore, #tpu.memory_space<semaphore_mem>>) {add = true}
      %dma_wait3A_311 = arith.constant 0 : i32
      %dma_wait3A_312 = arith.constant 0 : i32
      %dma_wait3A_313 = tpu.memref_slice %arg3[%dma_wait3A_311, %dma_wait3A_312] : memref<10000x128xf32, #tpu.memory_space<hbm>> -> memref<10000x128xf32, #tpu.memory_space<hbm>>
      tpu.wait_indirect_dma semaphore(%arg24 : memref<!tpu.dma_semaphore, #tpu.memory_space<semaphore_mem>>) src(%dma_wait3A_313 : memref<10000x128xf32, #tpu.memory_space<hbm>>) dst(%arg18 : memref<128x128xf32, #tpu.memory_space<vmem>>)
      %dma_wait3A_314 = arith.constant 0 : i32
      %dma_wait3A_315 = arith.constant 0 : i32
      %dma_wait3A_316 = tpu.memref_slice %arg4[%dma_wait3A_314, %dma_wait3A_315] : memref<10000x128xf32, #tpu.memory_space<hbm>> -> memref<10000x128xf32, #tpu.memory_space<hbm>>
      tpu.wait_indirect_dma semaphore(%arg24 : memref<!tpu.dma_semaphore, #tpu.memory_space<semaphore_mem>>) src(%dma_wait3A_316 : memref<10000x128xf32, #tpu.memory_space<hbm>>) dst(%arg18 : memref<128x128xf32, #tpu.memory_space<vmem>>)
      %scan3A_317 = arith.constant 0 : i32
      %scan3A_318 = arith.constant 0 : i32
      %scan3A_319 = arith.constant 128 : i32
      %scan3A_320 = arith.addi %scan3A_318, %scan3A_319 : i32
      %scan3A_321 = arith.constant 1 : i32
      %scan3A_322 = scf.for %scan3A_357 = %scan3A_318 to %scan3A_320 step %scan3A_321 iter_args(%scan3A_358 = %scan3A_317) -> (i32)  : i32 {
        %get3A = arith.index_cast %scan3A_357 : i32 to index
        %get3A_359 = arith.constant 0 : index
        %get3A_360 = tpu.vector_load %arg18[%get3A, %get3A_359] {strides = array<i32>} : memref<128x128xf32, #tpu.memory_space<vmem>>, vector<1x16xf32>,
        %get3A_361 = vector.shape_cast %get3A_360 : vector<1x16xf32> to vector<16xf32>
        %max3A = arith.constant 0.000000e+00 : f32
        %max3A_362 = vector.broadcast %max3A : f32 to vector<16xf32>
        %max3A_363 = arith.maximumf %get3A_361, %max3A_362 : vector<16xf32>
        %swap3A = arith.index_cast %scan3A_357 : i32 to index
        %swap3A_364 = arith.constant 0 : index
        %swap3A_365 = tpu.vector_load %arg18[%swap3A, %swap3A_364] {strides = array<i32>} : memref<128x128xf32, #tpu.memory_space<vmem>>, vector<1x16xf32>,
        %swap3A_366 = vector.shape_cast %swap3A_365 : vector<1x16xf32> to vector<16xf32>
        %swap3A_367 = vector.shape_cast %max3A_363 : vector<16xf32> to vector<1x16xf32>
        tpu.vector_store %arg18[%swap3A, %swap3A_364], %swap3A_367 {strides = array<i32>} : memref<128x128xf32, #tpu.memory_space<vmem>>, vector<1x16xf32>,
        %get3A_368 = arith.index_cast %scan3A_357 : i32 to index
        %get3A_369 = arith.constant 16 : index
        %get3A_370 = tpu.vector_load %arg18[%get3A_368, %get3A_369] {strides = array<i32>} : memref<128x128xf32, #tpu.memory_space<vmem>>, vector<1x16xf32>,
        %get3A_371 = vector.shape_cast %get3A_370 : vector<1x16xf32> to vector<16xf32>
        %max3A_372 = arith.constant 0.000000e+00 : f32
        %max3A_373 = vector.broadcast %max3A_372 : f32 to vector<16xf32>
        %max3A_374 = arith.maximumf %get3A_371, %max3A_373 : vector<16xf32>
        %swap3A_375 = arith.index_cast %scan3A_357 : i32 to index
        %swap3A_376 = arith.constant 16 : index
        %swap3A_377 = tpu.vector_load %arg18[%swap3A_375, %swap3A_376] {strides = array<i32>} : memref<128x128xf32, #tpu.memory_space<vmem>>, vector<1x16xf32>,
        %swap3A_378 = vector.shape_cast %swap3A_377 : vector<1x16xf32> to vector<16xf32>
        %swap3A_379 = vector.shape_cast %max3A_374 : vector<16xf32> to vector<1x16xf32>
        tpu.vector_store %arg18[%swap3A_375, %swap3A_376], %swap3A_379 {strides = array<i32>} : memref<128x128xf32, #tpu.memory_space<vmem>>, vector<1x16xf32>,
        %get3A_380 = arith.index_cast %scan3A_357 : i32 to index
        %get3A_381 = arith.constant 32 : index
        %get3A_382 = tpu.vector_load %arg18[%get3A_380, %get3A_381] {strides = array<i32>} : memref<128x128xf32, #tpu.memory_space<vmem>>, vector<1x16xf32>,
        %get3A_383 = vector.shape_cast %get3A_382 : vector<1x16xf32> to vector<16xf32>
        %max3A_384 = arith.constant 0.000000e+00 : f32
        %max3A_385 = vector.broadcast %max3A_384 : f32 to vector<16xf32>
        %max3A_386 = arith.maximumf %get3A_383, %max3A_385 : vector<16xf32>
        %swap3A_387 = arith.index_cast %scan3A_357 : i32 to index
        %swap3A_388 = arith.constant 32 : index
        %swap3A_389 = tpu.vector_load %arg18[%swap3A_387, %swap3A_388] {strides = array<i32>} : memref<128x128xf32, #tpu.memory_space<vmem>>, vector<1x16xf32>,
        %swap3A_390 = vector.shape_cast %swap3A_389 : vector<1x16xf32> to vector<16xf32>
        %swap3A_391 = vector.shape_cast %max3A_386 : vector<16xf32> to vector<1x16xf32>
        tpu.vector_store %arg18[%swap3A_387, %swap3A_388], %swap3A_391 {strides = array<i32>} : memref<128x128xf32, #tpu.memory_space<vmem>>, vector<1x16xf32>,
        %get3A_392 = arith.index_cast %scan3A_357 : i32 to index
        %get3A_393 = arith.constant 48 : index
        %get3A_394 = tpu.vector_load %arg18[%get3A_392, %get3A_393] {strides = array<i32>} : memref<128x128xf32, #tpu.memory_space<vmem>>, vector<1x16xf32>,
        %get3A_395 = vector.shape_cast %get3A_394 : vector<1x16xf32> to vector<16xf32>
        %max3A_396 = arith.constant 0.000000e+00 : f32
        %max3A_397 = vector.broadcast %max3A_396 : f32 to vector<16xf32>
        %max3A_398 = arith.maximumf %get3A_395, %max3A_397 : vector<16xf32>
        %swap3A_399 = arith.index_cast %scan3A_357 : i32 to index
        %swap3A_400 = arith.constant 48 : index
        %swap3A_401 = tpu.vector_load %arg18[%swap3A_399, %swap3A_400] {strides = array<i32>} : memref<128x128xf32, #tpu.memory_space<vmem>>, vector<1x16xf32>,
        %swap3A_402 = vector.shape_cast %swap3A_401 : vector<1x16xf32> to vector<16xf32>
        %swap3A_403 = vector.shape_cast %max3A_398 : vector<16xf32> to vector<1x16xf32>
        tpu.vector_store %arg18[%swap3A_399, %swap3A_400], %swap3A_403 {strides = array<i32>} : memref<128x128xf32, #tpu.memory_space<vmem>>, vector<1x16xf32>,
        %get3A_404 = arith.index_cast %scan3A_357 : i32 to index
        %get3A_405 = arith.constant 64 : index
        %get3A_406 = tpu.vector_load %arg18[%get3A_404, %get3A_405] {strides = array<i32>} : memref<128x128xf32, #tpu.memory_space<vmem>>, vector<1x16xf32>,
        %get3A_407 = vector.shape_cast %get3A_406 : vector<1x16xf32> to vector<16xf32>
        %max3A_408 = arith.constant 0.000000e+00 : f32
        %max3A_409 = vector.broadcast %max3A_408 : f32 to vector<16xf32>
        %max3A_410 = arith.maximumf %get3A_407, %max3A_409 : vector<16xf32>
        %swap3A_411 = arith.index_cast %scan3A_357 : i32 to index
        %swap3A_412 = arith.constant 64 : index
        %swap3A_413 = tpu.vector_load %arg18[%swap3A_411, %swap3A_412] {strides = array<i32>} : memref<128x128xf32, #tpu.memory_space<vmem>>, vector<1x16xf32>,
        %swap3A_414 = vector.shape_cast %swap3A_413 : vector<1x16xf32> to vector<16xf32>
        %swap3A_415 = vector.shape_cast %max3A_410 : vector<16xf32> to vector<1x16xf32>
        tpu.vector_store %arg18[%swap3A_411, %swap3A_412], %swap3A_415 {strides = array<i32>} : memref<128x128xf32, #tpu.memory_space<vmem>>, vector<1x16xf32>,
        %get3A_416 = arith.index_cast %scan3A_357 : i32 to index
        %get3A_417 = arith.constant 80 : index
        %get3A_418 = tpu.vector_load %arg18[%get3A_416, %get3A_417] {strides = array<i32>} : memref<128x128xf32, #tpu.memory_space<vmem>>, vector<1x16xf32>,
        %get3A_419 = vector.shape_cast %get3A_418 : vector<1x16xf32> to vector<16xf32>
        %max3A_420 = arith.constant 0.000000e+00 : f32
        %max3A_421 = vector.broadcast %max3A_420 : f32 to vector<16xf32>
        %max3A_422 = arith.maximumf %get3A_419, %max3A_421 : vector<16xf32>
        %swap3A_423 = arith.index_cast %scan3A_357 : i32 to index
        %swap3A_424 = arith.constant 80 : index
        %swap3A_425 = tpu.vector_load %arg18[%swap3A_423, %swap3A_424] {strides = array<i32>} : memref<128x128xf32, #tpu.memory_space<vmem>>, vector<1x16xf32>,
        %swap3A_426 = vector.shape_cast %swap3A_425 : vector<1x16xf32> to vector<16xf32>
        %swap3A_427 = vector.shape_cast %max3A_422 : vector<16xf32> to vector<1x16xf32>
        tpu.vector_store %arg18[%swap3A_423, %swap3A_424], %swap3A_427 {strides = array<i32>} : memref<128x128xf32, #tpu.memory_space<vmem>>, vector<1x16xf32>,
        %get3A_428 = arith.index_cast %scan3A_357 : i32 to index
        %get3A_429 = arith.constant 96 : index
        %get3A_430 = tpu.vector_load %arg18[%get3A_428, %get3A_429] {strides = array<i32>} : memref<128x128xf32, #tpu.memory_space<vmem>>, vector<1x16xf32>,
        %get3A_431 = vector.shape_cast %get3A_430 : vector<1x16xf32> to vector<16xf32>
        %max3A_432 = arith.constant 0.000000e+00 : f32
        %max3A_433 = vector.broadcast %max3A_432 : f32 to vector<16xf32>
        %max3A_434 = arith.maximumf %get3A_431, %max3A_433 : vector<16xf32>
        %swap3A_435 = arith.index_cast %scan3A_357 : i32 to index
        %swap3A_436 = arith.constant 96 : index
        %swap3A_437 = tpu.vector_load %arg18[%swap3A_435, %swap3A_436] {strides = array<i32>} : memref<128x128xf32, #tpu.memory_space<vmem>>, vector<1x16xf32>,
        %swap3A_438 = vector.shape_cast %swap3A_437 : vector<1x16xf32> to vector<16xf32>
        %swap3A_439 = vector.shape_cast %max3A_434 : vector<16xf32> to vector<1x16xf32>
        tpu.vector_store %arg18[%swap3A_435, %swap3A_436], %swap3A_439 {strides = array<i32>} : memref<128x128xf32, #tpu.memory_space<vmem>>, vector<1x16xf32>,
        %get3A_440 = arith.index_cast %scan3A_357 : i32 to index
        %get3A_441 = arith.constant 112 : index
        %get3A_442 = tpu.vector_load %arg18[%get3A_440, %get3A_441] {strides = array<i32>} : memref<128x128xf32, #tpu.memory_space<vmem>>, vector<1x16xf32>,
        %get3A_443 = vector.shape_cast %get3A_442 : vector<1x16xf32> to vector<16xf32>
        %max3A_444 = arith.constant 0.000000e+00 : f32
        %max3A_445 = vector.broadcast %max3A_444 : f32 to vector<16xf32>
        %max3A_446 = arith.maximumf %get3A_443, %max3A_445 : vector<16xf32>
        %swap3A_447 = arith.index_cast %scan3A_357 : i32 to index
        %swap3A_448 = arith.constant 112 : index
        %swap3A_449 = tpu.vector_load %arg18[%swap3A_447, %swap3A_448] {strides = array<i32>} : memref<128x128xf32, #tpu.memory_space<vmem>>, vector<1x16xf32>,
        %swap3A_450 = vector.shape_cast %swap3A_449 : vector<1x16xf32> to vector<16xf32>
        %swap3A_451 = vector.shape_cast %max3A_446 : vector<16xf32> to vector<1x16xf32>
        tpu.vector_store %arg18[%swap3A_447, %swap3A_448], %swap3A_451 {strides = array<i32>} : memref<128x128xf32, #tpu.memory_space<vmem>>, vector<1x16xf32>,
        %scan3A_452 = arith.constant 0 : i32
        scf.yield %scan3A_452 : i32
      }
      %scan3A_323 = arith.constant 128 : i32
      %dma_start3A_324 = arith.constant 0 : i32
      %dma_start3A_325 = tpu.memref_slice %arg9[%add3A_288, %dma_start3A_324] : memref<320000x128xf32, #tpu.memory_space<hbm>> -> memref<128x128xf32, #tpu.memory_space<hbm>>
      %dma_start3A_326 = arith.constant 0 : i32
      %dma_start3A_327 = tpu.memref_slice %arg9[%add3A_288, %dma_start3A_326] : memref<320000x128xf32, #tpu.memory_space<hbm>> -> memref<128x128xf32, #tpu.memory_space<hbm>>
      tpu.enqueue_dma source(%arg18 : memref<128x128xf32, #tpu.memory_space<vmem>>) target(%dma_start3A_327 : memref<128x128xf32, #tpu.memory_space<hbm>>) target_semaphore(%arg26 : memref<!tpu.dma_semaphore, #tpu.memory_space<semaphore_mem>>)
      %dma_start3A_328 = arith.constant 0 : i32
      %dma_start3A_329 = arith.constant 0 : i32
      %dma_start3A_330 = tpu.memref_slice %arg19[%dma_start3A_328, %dma_start3A_329] : memref<10240x128xf32, #tpu.memory_space<vmem_shared>> -> memref<10240x128xf32, #tpu.memory_space<vmem_shared>>
      tpu.enqueue_indirect_dma source(%arg18 : memref<128x128xf32, #tpu.memory_space<vmem>>) target(%dma_start3A_330 : memref<10240x128xf32, #tpu.memory_space<vmem_shared>>) offsets(%arg16 : memref<128xi32, #tpu.memory_space<vmem>>) semaphore(%arg28 : memref<!tpu.dma_semaphore, #tpu.memory_space<semaphore_mem>>) {add = true}
      %dma_wait3A_331 = arith.constant 0 : i32
      %dma_wait3A_332 = tpu.memref_slice %arg9[%add3A_288, %dma_wait3A_331] : memref<320000x128xf32, #tpu.memory_space<hbm>> -> memref<128x128xf32, #tpu.memory_space<hbm>>
      %dma_wait3A_333 = arith.constant 0 : i32
      %dma_wait3A_334 = tpu.memref_slice %arg9[%add3A_288, %dma_wait3A_333] : memref<320000x128xf32, #tpu.memory_space<hbm>> -> memref<128x128xf32, #tpu.memory_space<hbm>>
      tpu.wait_dma2 semaphore(%arg26 : memref<!tpu.dma_semaphore, #tpu.memory_space<semaphore_mem>>) src(%arg18 : memref<128x128xf32, #tpu.memory_space<vmem>>) dst(%dma_wait3A_334 : memref<128x128xf32, #tpu.memory_space<hbm>>)
      %dma_wait3A_335 = arith.constant 0 : i32
      %dma_wait3A_336 = arith.constant 0 : i32
      %dma_wait3A_337 = tpu.memref_slice %arg19[%dma_wait3A_335, %dma_wait3A_336] : memref<10240x128xf32, #tpu.memory_space<vmem_shared>> -> memref<10240x128xf32, #tpu.memory_space<vmem_shared>>
      tpu.wait_indirect_dma semaphore(%arg28 : memref<!tpu.dma_semaphore, #tpu.memory_space<semaphore_mem>>) src(%arg18 : memref<128x128xf32, #tpu.memory_space<vmem>>) dst(%dma_wait3A_337 : memref<10240x128xf32, #tpu.memory_space<vmem_shared>>)
      %add3A_338 = arith.constant 2 : i32
      %add3A_339 = arith.addi %add3A_285, %add3A_338 : i32
      %mul3A_340 = arith.constant 128 : i32
      %mul3A_341 = arith.muli %add3A_339, %mul3A_340 : i32
      %add3A_342 = arith.addi %mul3A_2, %mul3A_341 : i32
      %dma_start3A_343 = tpu.memref_slice %arg5[%add3A_342] : memref<320000xi32, #tpu.memory_space<hbm>> -> memref<128xi32, #tpu.memory_space<hbm>>
      %dma_start3A_344 = tpu.memref_slice %arg5[%add3A_342] : memref<320000xi32, #tpu.memory_space<hbm>> -> memref<128xi32, #tpu.memory_space<hbm>>
      tpu.enqueue_dma source(%dma_start3A_344 : memref<128xi32, #tpu.memory_space<hbm>>) target(%arg13 : memref<128xi32, #tpu.memory_space<vmem>>) target_semaphore(%arg22 : memref<!tpu.dma_semaphore, #tpu.memory_space<semaphore_mem>>)
      %dma_start3A_345 = tpu.memref_slice %arg6[%add3A_342] : memref<320000xi32, #tpu.memory_space<hbm>> -> memref<128xi32, #tpu.memory_space<hbm>>
      %dma_start3A_346 = tpu.memref_slice %arg6[%add3A_342] : memref<320000xi32, #tpu.memory_space<hbm>> -> memref<128xi32, #tpu.memory_space<hbm>>
      tpu.enqueue_dma source(%dma_start3A_346 : memref<128xi32, #tpu.memory_space<hbm>>) target(%arg14 : memref<128xi32, #tpu.memory_space<vmem>>) target_semaphore(%arg22 : memref<!tpu.dma_semaphore, #tpu.memory_space<semaphore_mem>>)
      %mul3A_347 = arith.constant 320000 : i32
      %mul3A_348 = arith.muli %arg0, %mul3A_347 : i32
      %add3A_349 = arith.addi %mul3A_348, %add3A_342 : i32
      %dma_start3A_350 = tpu.memref_slice %arg7[%add3A_349] : memref<640000xi32, #tpu.memory_space<hbm>> -> memref<128xi32, #tpu.memory_space<hbm>>
      %dma_start3A_351 = tpu.memref_slice %arg7[%add3A_349] : memref<640000xi32, #tpu.memory_space<hbm>> -> memref<128xi32, #tpu.memory_space<hbm>>
      tpu.enqueue_dma source(%dma_start3A_351 : memref<128xi32, #tpu.memory_space<hbm>>) target(%arg16 : memref<128xi32, #tpu.memory_space<vmem>>) target_semaphore(%arg22 : memref<!tpu.dma_semaphore, #tpu.memory_space<semaphore_mem>>)
      %dma_start3A_352 = arith.constant 0 : i32
      %dma_start3A_353 = tpu.memref_slice %arg2[%add3A_342, %dma_start3A_352] : memref<320000x128xf32, #tpu.memory_space<hbm>> -> memref<128x128xf32, #tpu.memory_space<hbm>>
      %dma_start3A_354 = arith.constant 0 : i32
      %dma_start3A_355 = tpu.memref_slice %arg2[%add3A_342, %dma_start3A_354] : memref<320000x128xf32, #tpu.memory_space<hbm>> -> memref<128x128xf32, #tpu.memory_space<hbm>>
      tpu.enqueue_dma source(%dma_start3A_355 : memref<128x128xf32, #tpu.memory_space<hbm>>) target(%arg18 : memref<128x128xf32, #tpu.memory_space<vmem>>) target_semaphore(%arg22 : memref<!tpu.dma_semaphore, #tpu.memory_space<semaphore_mem>>)
      %scan3A_356 = arith.constant 0 : i32
      scf.yield %scan3A_356 : i32
    }
    %scan3A_41 = arith.constant 38 : i32
    %add3A_42 = arith.constant 9728 : i32
    %add3A_43 = arith.addi %mul3A_2, %add3A_42 : i32
    %add3A_44 = arith.constant 9728 : i32
    %add3A_45 = arith.addi %mul3A_2, %add3A_44 : i32
    %dma_wait3A = tpu.memref_slice %arg5[%add3A_45] : memref<320000xi32, #tpu.memory_space<hbm>> -> memref<128xi32, #tpu.memory_space<hbm>>
    %dma_wait3A_46 = tpu.memref_slice %arg5[%add3A_45] : memref<320000xi32, #tpu.memory_space<hbm>> -> memref<128xi32, #tpu.memory_space<hbm>>
    tpu.wait_dma2 semaphore(%arg21 : memref<!tpu.dma_semaphore, #tpu.memory_space<semaphore_mem>>) src(%dma_wait3A_46 : memref<128xi32, #tpu.memory_space<hbm>>) dst(%arg11 : memref<128xi32, #tpu.memory_space<vmem>>)
    %dma_wait3A_47 = tpu.memref_slice %arg6[%add3A_45] : memref<320000xi32, #tpu.memory_space<hbm>> -> memref<128xi32, #tpu.memory_space<hbm>>
    %dma_wait3A_48 = tpu.memref_slice %arg6[%add3A_45] : memref<320000xi32, #tpu.memory_space<hbm>> -> memref<128xi32, #tpu.memory_space<hbm>>
    tpu.wait_dma2 semaphore(%arg21 : memref<!tpu.dma_semaphore, #tpu.memory_space<semaphore_mem>>) src(%dma_wait3A_48 : memref<128xi32, #tpu.memory_space<hbm>>) dst(%arg12 : memref<128xi32, #tpu.memory_space<vmem>>)
    %mul3A_49 = arith.constant 320000 : i32
    %mul3A_50 = arith.muli %arg0, %mul3A_49 : i32
    %add3A_51 = arith.addi %mul3A_50, %add3A_45 : i32
    %dma_wait3A_52 = tpu.memref_slice %arg7[%add3A_51] : memref<640000xi32, #tpu.memory_space<hbm>> -> memref<128xi32, #tpu.memory_space<hbm>>
    %dma_wait3A_53 = tpu.memref_slice %arg7[%add3A_51] : memref<640000xi32, #tpu.memory_space<hbm>> -> memref<128xi32, #tpu.memory_space<hbm>>
    tpu.wait_dma2 semaphore(%arg21 : memref<!tpu.dma_semaphore, #tpu.memory_space<semaphore_mem>>) src(%dma_wait3A_53 : memref<128xi32, #tpu.memory_space<hbm>>) dst(%arg15 : memref<128xi32, #tpu.memory_space<vmem>>)
    %dma_wait3A_54 = arith.constant 0 : i32
    %dma_wait3A_55 = tpu.memref_slice %arg2[%add3A_45, %dma_wait3A_54] : memref<320000x128xf32, #tpu.memory_space<hbm>> -> memref<128x128xf32, #tpu.memory_space<hbm>>
    %dma_wait3A_56 = arith.constant 0 : i32
    %dma_wait3A_57 = tpu.memref_slice %arg2[%add3A_45, %dma_wait3A_56] : memref<320000x128xf32, #tpu.memory_space<hbm>> -> memref<128x128xf32, #tpu.memory_space<hbm>>
    tpu.wait_dma2 semaphore(%arg21 : memref<!tpu.dma_semaphore, #tpu.memory_space<semaphore_mem>>) src(%dma_wait3A_57 : memref<128x128xf32, #tpu.memory_space<hbm>>) dst(%arg17 : memref<128x128xf32, #tpu.memory_space<vmem>>)
    %dma_start3A_58 = arith.constant 0 : i32
    %dma_start3A_59 = arith.constant 0 : i32
    %dma_start3A_60 = tpu.memref_slice %arg3[%dma_start3A_58, %dma_start3A_59] : memref<10000x128xf32, #tpu.memory_space<hbm>> -> memref<10000x128xf32, #tpu.memory_space<hbm>>
    tpu.enqueue_indirect_dma source(%dma_start3A_60 : memref<10000x128xf32, #tpu.memory_space<hbm>>) target(%arg17 : memref<128x128xf32, #tpu.memory_space<vmem>>) offsets(%arg11 : memref<128xi32, #tpu.memory_space<vmem>>) semaphore(%arg23 : memref<!tpu.dma_semaphore, #tpu.memory_space<semaphore_mem>>) {add = true}
    %dma_start3A_61 = arith.constant 0 : i32
    %dma_start3A_62 = arith.constant 0 : i32
    %dma_start3A_63 = tpu.memref_slice %arg4[%dma_start3A_61, %dma_start3A_62] : memref<10000x128xf32, #tpu.memory_space<hbm>> -> memref<10000x128xf32, #tpu.memory_space<hbm>>
    tpu.enqueue_indirect_dma source(%dma_start3A_63 : memref<10000x128xf32, #tpu.memory_space<hbm>>) target(%arg17 : memref<128x128xf32, #tpu.memory_space<vmem>>) offsets(%arg12 : memref<128xi32, #tpu.memory_space<vmem>>) semaphore(%arg23 : memref<!tpu.dma_semaphore, #tpu.memory_space<semaphore_mem>>) {add = true}
    %dma_wait3A_64 = arith.constant 0 : i32
    %dma_wait3A_65 = arith.constant 0 : i32
    %dma_wait3A_66 = tpu.memref_slice %arg3[%dma_wait3A_64, %dma_wait3A_65] : memref<10000x128xf32, #tpu.memory_space<hbm>> -> memref<10000x128xf32, #tpu.memory_space<hbm>>
    tpu.wait_indirect_dma semaphore(%arg23 : memref<!tpu.dma_semaphore, #tpu.memory_space<semaphore_mem>>) src(%dma_wait3A_66 : memref<10000x128xf32, #tpu.memory_space<hbm>>) dst(%arg17 : memref<128x128xf32, #tpu.memory_space<vmem>>)
    %dma_wait3A_67 = arith.constant 0 : i32
    %dma_wait3A_68 = arith.constant 0 : i32
    %dma_wait3A_69 = tpu.memref_slice %arg4[%dma_wait3A_67, %dma_wait3A_68] : memref<10000x128xf32, #tpu.memory_space<hbm>> -> memref<10000x128xf32, #tpu.memory_space<hbm>>
    tpu.wait_indirect_dma semaphore(%arg23 : memref<!tpu.dma_semaphore, #tpu.memory_space<semaphore_mem>>) src(%dma_wait3A_69 : memref<10000x128xf32, #tpu.memory_space<hbm>>) dst(%arg17 : memref<128x128xf32, #tpu.memory_space<vmem>>)
    %scan3A_70 = arith.constant 0 : i32
    %scan3A_71 = arith.constant 0 : i32
    %scan3A_72 = arith.constant 128 : i32
    %scan3A_73 = arith.addi %scan3A_71, %scan3A_72 : i32
    %scan3A_74 = arith.constant 1 : i32
    %scan3A_75 = scf.for %scan3A_206 = %scan3A_71 to %scan3A_73 step %scan3A_74 iter_args(%scan3A_207 = %scan3A_70) -> (i32)  : i32 {
      %get3A = arith.index_cast %scan3A_206 : i32 to index
      %get3A_208 = arith.constant 0 : index
      %get3A_209 = tpu.vector_load %arg17[%get3A, %get3A_208] {strides = array<i32>} : memref<128x128xf32, #tpu.memory_space<vmem>>, vector<1x16xf32>,
      %get3A_210 = vector.shape_cast %get3A_209 : vector<1x16xf32> to vector<16xf32>
      %max3A = arith.constant 0.000000e+00 : f32
      %max3A_211 = vector.broadcast %max3A : f32 to vector<16xf32>
      %max3A_212 = arith.maximumf %get3A_210, %max3A_211 : vector<16xf32>
      %swap3A = arith.index_cast %scan3A_206 : i32 to index
      %swap3A_213 = arith.constant 0 : index
      %swap3A_214 = tpu.vector_load %arg17[%swap3A, %swap3A_213] {strides = array<i32>} : memref<128x128xf32, #tpu.memory_space<vmem>>, vector<1x16xf32>,
      %swap3A_215 = vector.shape_cast %swap3A_214 : vector<1x16xf32> to vector<16xf32>
      %swap3A_216 = vector.shape_cast %max3A_212 : vector<16xf32> to vector<1x16xf32>
      tpu.vector_store %arg17[%swap3A, %swap3A_213], %swap3A_216 {strides = array<i32>} : memref<128x128xf32, #tpu.memory_space<vmem>>, vector<1x16xf32>,
      %get3A_217 = arith.index_cast %scan3A_206 : i32 to index
      %get3A_218 = arith.constant 16 : index
      %get3A_219 = tpu.vector_load %arg17[%get3A_217, %get3A_218] {strides = array<i32>} : memref<128x128xf32, #tpu.memory_space<vmem>>, vector<1x16xf32>,
      %get3A_220 = vector.shape_cast %get3A_219 : vector<1x16xf32> to vector<16xf32>
      %max3A_221 = arith.constant 0.000000e+00 : f32
      %max3A_222 = vector.broadcast %max3A_221 : f32 to vector<16xf32>
      %max3A_223 = arith.maximumf %get3A_220, %max3A_222 : vector<16xf32>
      %swap3A_224 = arith.index_cast %scan3A_206 : i32 to index
      %swap3A_225 = arith.constant 16 : index
      %swap3A_226 = tpu.vector_load %arg17[%swap3A_224, %swap3A_225] {strides = array<i32>} : memref<128x128xf32, #tpu.memory_space<vmem>>, vector<1x16xf32>,
      %swap3A_227 = vector.shape_cast %swap3A_226 : vector<1x16xf32> to vector<16xf32>
      %swap3A_228 = vector.shape_cast %max3A_223 : vector<16xf32> to vector<1x16xf32>
      tpu.vector_store %arg17[%swap3A_224, %swap3A_225], %swap3A_228 {strides = array<i32>} : memref<128x128xf32, #tpu.memory_space<vmem>>, vector<1x16xf32>,
      %get3A_229 = arith.index_cast %scan3A_206 : i32 to index
      %get3A_230 = arith.constant 32 : index
      %get3A_231 = tpu.vector_load %arg17[%get3A_229, %get3A_230] {strides = array<i32>} : memref<128x128xf32, #tpu.memory_space<vmem>>, vector<1x16xf32>,
      %get3A_232 = vector.shape_cast %get3A_231 : vector<1x16xf32> to vector<16xf32>
      %max3A_233 = arith.constant 0.000000e+00 : f32
      %max3A_234 = vector.broadcast %max3A_233 : f32 to vector<16xf32>
      %max3A_235 = arith.maximumf %get3A_232, %max3A_234 : vector<16xf32>
      %swap3A_236 = arith.index_cast %scan3A_206 : i32 to index
      %swap3A_237 = arith.constant 32 : index
      %swap3A_238 = tpu.vector_load %arg17[%swap3A_236, %swap3A_237] {strides = array<i32>} : memref<128x128xf32, #tpu.memory_space<vmem>>, vector<1x16xf32>,
      %swap3A_239 = vector.shape_cast %swap3A_238 : vector<1x16xf32> to vector<16xf32>
      %swap3A_240 = vector.shape_cast %max3A_235 : vector<16xf32> to vector<1x16xf32>
      tpu.vector_store %arg17[%swap3A_236, %swap3A_237], %swap3A_240 {strides = array<i32>} : memref<128x128xf32, #tpu.memory_space<vmem>>, vector<1x16xf32>,
      %get3A_241 = arith.index_cast %scan3A_206 : i32 to index
      %get3A_242 = arith.constant 48 : index
      %get3A_243 = tpu.vector_load %arg17[%get3A_241, %get3A_242] {strides = array<i32>} : memref<128x128xf32, #tpu.memory_space<vmem>>, vector<1x16xf32>,
      %get3A_244 = vector.shape_cast %get3A_243 : vector<1x16xf32> to vector<16xf32>
      %max3A_245 = arith.constant 0.000000e+00 : f32
      %max3A_246 = vector.broadcast %max3A_245 : f32 to vector<16xf32>
      %max3A_247 = arith.maximumf %get3A_244, %max3A_246 : vector<16xf32>
      %swap3A_248 = arith.index_cast %scan3A_206 : i32 to index
      %swap3A_249 = arith.constant 48 : index
      %swap3A_250 = tpu.vector_load %arg17[%swap3A_248, %swap3A_249] {strides = array<i32>} : memref<128x128xf32, #tpu.memory_space<vmem>>, vector<1x16xf32>,
      %swap3A_251 = vector.shape_cast %swap3A_250 : vector<1x16xf32> to vector<16xf32>
      %swap3A_252 = vector.shape_cast %max3A_247 : vector<16xf32> to vector<1x16xf32>
      tpu.vector_store %arg17[%swap3A_248, %swap3A_249], %swap3A_252 {strides = array<i32>} : memref<128x128xf32, #tpu.memory_space<vmem>>, vector<1x16xf32>,
      %get3A_253 = arith.index_cast %scan3A_206 : i32 to index
      %get3A_254 = arith.constant 64 : index
      %get3A_255 = tpu.vector_load %arg17[%get3A_253, %get3A_254] {strides = array<i32>} : memref<128x128xf32, #tpu.memory_space<vmem>>, vector<1x16xf32>,
      %get3A_256 = vector.shape_cast %get3A_255 : vector<1x16xf32> to vector<16xf32>
      %max3A_257 = arith.constant 0.000000e+00 : f32
      %max3A_258 = vector.broadcast %max3A_257 : f32 to vector<16xf32>
      %max3A_259 = arith.maximumf %get3A_256, %max3A_258 : vector<16xf32>
      %swap3A_260 = arith.index_cast %scan3A_206 : i32 to index
      %swap3A_261 = arith.constant 64 : index
      %swap3A_262 = tpu.vector_load %arg17[%swap3A_260, %swap3A_261] {strides = array<i32>} : memref<128x128xf32, #tpu.memory_space<vmem>>, vector<1x16xf32>,
      %swap3A_263 = vector.shape_cast %swap3A_262 : vector<1x16xf32> to vector<16xf32>
      %swap3A_264 = vector.shape_cast %max3A_259 : vector<16xf32> to vector<1x16xf32>
      tpu.vector_store %arg17[%swap3A_260, %swap3A_261], %swap3A_264 {strides = array<i32>} : memref<128x128xf32, #tpu.memory_space<vmem>>, vector<1x16xf32>,
      %get3A_265 = arith.index_cast %scan3A_206 : i32 to index
      %get3A_266 = arith.constant 80 : index
      %get3A_267 = tpu.vector_load %arg17[%get3A_265, %get3A_266] {strides = array<i32>} : memref<128x128xf32, #tpu.memory_space<vmem>>, vector<1x16xf32>,
      %get3A_268 = vector.shape_cast %get3A_267 : vector<1x16xf32> to vector<16xf32>
      %max3A_269 = arith.constant 0.000000e+00 : f32
      %max3A_270 = vector.broadcast %max3A_269 : f32 to vector<16xf32>
      %max3A_271 = arith.maximumf %get3A_268, %max3A_270 : vector<16xf32>
      %swap3A_272 = arith.index_cast %scan3A_206 : i32 to index
      %swap3A_273 = arith.constant 80 : index
      %swap3A_274 = tpu.vector_load %arg17[%swap3A_272, %swap3A_273] {strides = array<i32>} : memref<128x128xf32, #tpu.memory_space<vmem>>, vector<1x16xf32>,
      %swap3A_275 = vector.shape_cast %swap3A_274 : vector<1x16xf32> to vector<16xf32>
      %swap3A_276 = vector.shape_cast %max3A_271 : vector<16xf32> to vector<1x16xf32>
      tpu.vector_store %arg17[%swap3A_272, %swap3A_273], %swap3A_276 {strides = array<i32>} : memref<128x128xf32, #tpu.memory_space<vmem>>, vector<1x16xf32>,
      %get3A_277 = arith.index_cast %scan3A_206 : i32 to index
      %get3A_278 = arith.constant 96 : index
      %get3A_279 = tpu.vector_load %arg17[%get3A_277, %get3A_278] {strides = array<i32>} : memref<128x128xf32, #tpu.memory_space<vmem>>, vector<1x16xf32>,
      %get3A_280 = vector.shape_cast %get3A_279 : vector<1x16xf32> to vector<16xf32>
      %max3A_281 = arith.constant 0.000000e+00 : f32
      %max3A_282 = vector.broadcast %max3A_281 : f32 to vector<16xf32>
      %max3A_283 = arith.maximumf %get3A_280, %max3A_282 : vector<16xf32>
      %swap3A_284 = arith.index_cast %scan3A_206 : i32 to index
      %swap3A_285 = arith.constant 96 : index
      %swap3A_286 = tpu.vector_load %arg17[%swap3A_284, %swap3A_285] {strides = array<i32>} : memref<128x128xf32, #tpu.memory_space<vmem>>, vector<1x16xf32>,
      %swap3A_287 = vector.shape_cast %swap3A_286 : vector<1x16xf32> to vector<16xf32>
      %swap3A_288 = vector.shape_cast %max3A_283 : vector<16xf32> to vector<1x16xf32>
      tpu.vector_store %arg17[%swap3A_284, %swap3A_285], %swap3A_288 {strides = array<i32>} : memref<128x128xf32, #tpu.memory_space<vmem>>, vector<1x16xf32>,
      %get3A_289 = arith.index_cast %scan3A_206 : i32 to index
      %get3A_290 = arith.constant 112 : index
      %get3A_291 = tpu.vector_load %arg17[%get3A_289, %get3A_290] {strides = array<i32>} : memref<128x128xf32, #tpu.memory_space<vmem>>, vector<1x16xf32>,
      %get3A_292 = vector.shape_cast %get3A_291 : vector<1x16xf32> to vector<16xf32>
      %max3A_293 = arith.constant 0.000000e+00 : f32
      %max3A_294 = vector.broadcast %max3A_293 : f32 to vector<16xf32>
      %max3A_295 = arith.maximumf %get3A_292, %max3A_294 : vector<16xf32>
      %swap3A_296 = arith.index_cast %scan3A_206 : i32 to index
      %swap3A_297 = arith.constant 112 : index
      %swap3A_298 = tpu.vector_load %arg17[%swap3A_296, %swap3A_297] {strides = array<i32>} : memref<128x128xf32, #tpu.memory_space<vmem>>, vector<1x16xf32>,
      %swap3A_299 = vector.shape_cast %swap3A_298 : vector<1x16xf32> to vector<16xf32>
      %swap3A_300 = vector.shape_cast %max3A_295 : vector<16xf32> to vector<1x16xf32>
      tpu.vector_store %arg17[%swap3A_296, %swap3A_297], %swap3A_300 {strides = array<i32>} : memref<128x128xf32, #tpu.memory_space<vmem>>, vector<1x16xf32>,
      %scan3A_301 = arith.constant 0 : i32
      scf.yield %scan3A_301 : i32
    }
    %scan3A_76 = arith.constant 128 : i32
    %dma_start3A_77 = arith.constant 0 : i32
    %dma_start3A_78 = tpu.memref_slice %arg9[%add3A_43, %dma_start3A_77] : memref<320000x128xf32, #tpu.memory_space<hbm>> -> memref<128x128xf32, #tpu.memory_space<hbm>>
    %dma_start3A_79 = arith.constant 0 : i32
    %dma_start3A_80 = tpu.memref_slice %arg9[%add3A_43, %dma_start3A_79] : memref<320000x128xf32, #tpu.memory_space<hbm>> -> memref<128x128xf32, #tpu.memory_space<hbm>>
    tpu.enqueue_dma source(%arg17 : memref<128x128xf32, #tpu.memory_space<vmem>>) target(%dma_start3A_80 : memref<128x128xf32, #tpu.memory_space<hbm>>) target_semaphore(%arg25 : memref<!tpu.dma_semaphore, #tpu.memory_space<semaphore_mem>>)
    %dma_start3A_81 = arith.constant 0 : i32
    %dma_start3A_82 = arith.constant 0 : i32
    %dma_start3A_83 = tpu.memref_slice %arg19[%dma_start3A_81, %dma_start3A_82] : memref<10240x128xf32, #tpu.memory_space<vmem_shared>> -> memref<10240x128xf32, #tpu.memory_space<vmem_shared>>
    tpu.enqueue_indirect_dma source(%arg17 : memref<128x128xf32, #tpu.memory_space<vmem>>) target(%dma_start3A_83 : memref<10240x128xf32, #tpu.memory_space<vmem_shared>>) offsets(%arg15 : memref<128xi32, #tpu.memory_space<vmem>>) semaphore(%arg27 : memref<!tpu.dma_semaphore, #tpu.memory_space<semaphore_mem>>) {add = true}
    %add3A_84 = arith.constant 9728 : i32
    %add3A_85 = arith.addi %mul3A_2, %add3A_84 : i32
    %dma_wait3A_86 = arith.constant 0 : i32
    %dma_wait3A_87 = tpu.memref_slice %arg9[%add3A_85, %dma_wait3A_86] : memref<320000x128xf32, #tpu.memory_space<hbm>> -> memref<128x128xf32, #tpu.memory_space<hbm>>
    %dma_wait3A_88 = arith.constant 0 : i32
    %dma_wait3A_89 = tpu.memref_slice %arg9[%add3A_85, %dma_wait3A_88] : memref<320000x128xf32, #tpu.memory_space<hbm>> -> memref<128x128xf32, #tpu.memory_space<hbm>>
    tpu.wait_dma2 semaphore(%arg25 : memref<!tpu.dma_semaphore, #tpu.memory_space<semaphore_mem>>) src(%arg17 : memref<128x128xf32, #tpu.memory_space<vmem>>) dst(%dma_wait3A_89 : memref<128x128xf32, #tpu.memory_space<hbm>>)
    %dma_wait3A_90 = arith.constant 0 : i32
    %dma_wait3A_91 = arith.constant 0 : i32
    %dma_wait3A_92 = tpu.memref_slice %arg19[%dma_wait3A_90, %dma_wait3A_91] : memref<10240x128xf32, #tpu.memory_space<vmem_shared>> -> memref<10240x128xf32, #tpu.memory_space<vmem_shared>>
    tpu.wait_indirect_dma semaphore(%arg27 : memref<!tpu.dma_semaphore, #tpu.memory_space<semaphore_mem>>) src(%arg17 : memref<128x128xf32, #tpu.memory_space<vmem>>) dst(%dma_wait3A_92 : memref<10240x128xf32, #tpu.memory_space<vmem_shared>>)
    %add3A_93 = arith.constant 9856 : i32
    %add3A_94 = arith.addi %mul3A_2, %add3A_93 : i32
    %add3A_95 = arith.constant 9856 : i32
    %add3A_96 = arith.addi %mul3A_2, %add3A_95 : i32
    %dma_wait3A_97 = tpu.memref_slice %arg5[%add3A_96] : memref<320000xi32, #tpu.memory_space<hbm>> -> memref<128xi32, #tpu.memory_space<hbm>>
    %dma_wait3A_98 = tpu.memref_slice %arg5[%add3A_96] : memref<320000xi32, #tpu.memory_space<hbm>> -> memref<128xi32, #tpu.memory_space<hbm>>
    tpu.wait_dma2 semaphore(%arg22 : memref<!tpu.dma_semaphore, #tpu.memory_space<semaphore_mem>>) src(%dma_wait3A_98 : memref<128xi32, #tpu.memory_space<hbm>>) dst(%arg13 : memref<128xi32, #tpu.memory_space<vmem>>)
    %dma_wait3A_99 = tpu.memref_slice %arg6[%add3A_96] : memref<320000xi32, #tpu.memory_space<hbm>> -> memref<128xi32, #tpu.memory_space<hbm>>
    %dma_wait3A_100 = tpu.memref_slice %arg6[%add3A_96] : memref<320000xi32, #tpu.memory_space<hbm>> -> memref<128xi32, #tpu.memory_space<hbm>>
    tpu.wait_dma2 semaphore(%arg22 : memref<!tpu.dma_semaphore, #tpu.memory_space<semaphore_mem>>) src(%dma_wait3A_100 : memref<128xi32, #tpu.memory_space<hbm>>) dst(%arg14 : memref<128xi32, #tpu.memory_space<vmem>>)
    %mul3A_101 = arith.constant 320000 : i32
    %mul3A_102 = arith.muli %arg0, %mul3A_101 : i32
    %add3A_103 = arith.addi %mul3A_102, %add3A_96 : i32
    %dma_wait3A_104 = tpu.memref_slice %arg7[%add3A_103] : memref<640000xi32, #tpu.memory_space<hbm>> -> memref<128xi32, #tpu.memory_space<hbm>>
    %dma_wait3A_105 = tpu.memref_slice %arg7[%add3A_103] : memref<640000xi32, #tpu.memory_space<hbm>> -> memref<128xi32, #tpu.memory_space<hbm>>
    tpu.wait_dma2 semaphore(%arg22 : memref<!tpu.dma_semaphore, #tpu.memory_space<semaphore_mem>>) src(%dma_wait3A_105 : memref<128xi32, #tpu.memory_space<hbm>>) dst(%arg16 : memref<128xi32, #tpu.memory_space<vmem>>)
    %dma_wait3A_106 = arith.constant 0 : i32
    %dma_wait3A_107 = tpu.memref_slice %arg2[%add3A_96, %dma_wait3A_106] : memref<320000x128xf32, #tpu.memory_space<hbm>> -> memref<128x128xf32, #tpu.memory_space<hbm>>
    %dma_wait3A_108 = arith.constant 0 : i32
    %dma_wait3A_109 = tpu.memref_slice %arg2[%add3A_96, %dma_wait3A_108] : memref<320000x128xf32, #tpu.memory_space<hbm>> -> memref<128x128xf32, #tpu.memory_space<hbm>>
    tpu.wait_dma2 semaphore(%arg22 : memref<!tpu.dma_semaphore, #tpu.memory_space<semaphore_mem>>) src(%dma_wait3A_109 : memref<128x128xf32, #tpu.memory_space<hbm>>) dst(%arg18 : memref<128x128xf32, #tpu.memory_space<vmem>>)
    %dma_start3A_110 = arith.constant 0 : i32
    %dma_start3A_111 = arith.constant 0 : i32
    %dma_start3A_112 = tpu.memref_slice %arg3[%dma_start3A_110, %dma_start3A_111] : memref<10000x128xf32, #tpu.memory_space<hbm>> -> memref<10000x128xf32, #tpu.memory_space<hbm>>
    tpu.enqueue_indirect_dma source(%dma_start3A_112 : memref<10000x128xf32, #tpu.memory_space<hbm>>) target(%arg18 : memref<128x128xf32, #tpu.memory_space<vmem>>) offsets(%arg13 : memref<128xi32, #tpu.memory_space<vmem>>) semaphore(%arg24 : memref<!tpu.dma_semaphore, #tpu.memory_space<semaphore_mem>>) {add = true}
    %dma_start3A_113 = arith.constant 0 : i32
    %dma_start3A_114 = arith.constant 0 : i32
    %dma_start3A_115 = tpu.memref_slice %arg4[%dma_start3A_113, %dma_start3A_114] : memref<10000x128xf32, #tpu.memory_space<hbm>> -> memref<10000x128xf32, #tpu.memory_space<hbm>>
    tpu.enqueue_indirect_dma source(%dma_start3A_115 : memref<10000x128xf32, #tpu.memory_space<hbm>>) target(%arg18 : memref<128x128xf32, #tpu.memory_space<vmem>>) offsets(%arg14 : memref<128xi32, #tpu.memory_space<vmem>>) semaphore(%arg24 : memref<!tpu.dma_semaphore, #tpu.memory_space<semaphore_mem>>) {add = true}
    %dma_wait3A_116 = arith.constant 0 : i32
    %dma_wait3A_117 = arith.constant 0 : i32
    %dma_wait3A_118 = tpu.memref_slice %arg3[%dma_wait3A_116, %dma_wait3A_117] : memref<10000x128xf32, #tpu.memory_space<hbm>> -> memref<10000x128xf32, #tpu.memory_space<hbm>>
    tpu.wait_indirect_dma semaphore(%arg24 : memref<!tpu.dma_semaphore, #tpu.memory_space<semaphore_mem>>) src(%dma_wait3A_118 : memref<10000x128xf32, #tpu.memory_space<hbm>>) dst(%arg18 : memref<128x128xf32, #tpu.memory_space<vmem>>)
    %dma_wait3A_119 = arith.constant 0 : i32
    %dma_wait3A_120 = arith.constant 0 : i32
    %dma_wait3A_121 = tpu.memref_slice %arg4[%dma_wait3A_119, %dma_wait3A_120] : memref<10000x128xf32, #tpu.memory_space<hbm>> -> memref<10000x128xf32, #tpu.memory_space<hbm>>
    tpu.wait_indirect_dma semaphore(%arg24 : memref<!tpu.dma_semaphore, #tpu.memory_space<semaphore_mem>>) src(%dma_wait3A_121 : memref<10000x128xf32, #tpu.memory_space<hbm>>) dst(%arg18 : memref<128x128xf32, #tpu.memory_space<vmem>>)
    %scan3A_122 = arith.constant 0 : i32
    %scan3A_123 = arith.constant 0 : i32
    %scan3A_124 = arith.constant 128 : i32
    %scan3A_125 = arith.addi %scan3A_123, %scan3A_124 : i32
    %scan3A_126 = arith.constant 1 : i32
    %scan3A_127 = scf.for %scan3A_206 = %scan3A_123 to %scan3A_125 step %scan3A_126 iter_args(%scan3A_207 = %scan3A_122) -> (i32)  : i32 {
      %get3A = arith.index_cast %scan3A_206 : i32 to index
      %get3A_208 = arith.constant 0 : index
      %get3A_209 = tpu.vector_load %arg18[%get3A, %get3A_208] {strides = array<i32>} : memref<128x128xf32, #tpu.memory_space<vmem>>, vector<1x16xf32>,
      %get3A_210 = vector.shape_cast %get3A_209 : vector<1x16xf32> to vector<16xf32>
      %max3A = arith.constant 0.000000e+00 : f32
      %max3A_211 = vector.broadcast %max3A : f32 to vector<16xf32>
      %max3A_212 = arith.maximumf %get3A_210, %max3A_211 : vector<16xf32>
      %swap3A = arith.index_cast %scan3A_206 : i32 to index
      %swap3A_213 = arith.constant 0 : index
      %swap3A_214 = tpu.vector_load %arg18[%swap3A, %swap3A_213] {strides = array<i32>} : memref<128x128xf32, #tpu.memory_space<vmem>>, vector<1x16xf32>,
      %swap3A_215 = vector.shape_cast %swap3A_214 : vector<1x16xf32> to vector<16xf32>
      %swap3A_216 = vector.shape_cast %max3A_212 : vector<16xf32> to vector<1x16xf32>
      tpu.vector_store %arg18[%swap3A, %swap3A_213], %swap3A_216 {strides = array<i32>} : memref<128x128xf32, #tpu.memory_space<vmem>>, vector<1x16xf32>,
      %get3A_217 = arith.index_cast %scan3A_206 : i32 to index
      %get3A_218 = arith.constant 16 : index
      %get3A_219 = tpu.vector_load %arg18[%get3A_217, %get3A_218] {strides = array<i32>} : memref<128x128xf32, #tpu.memory_space<vmem>>, vector<1x16xf32>,
      %get3A_220 = vector.shape_cast %get3A_219 : vector<1x16xf32> to vector<16xf32>
      %max3A_221 = arith.constant 0.000000e+00 : f32
      %max3A_222 = vector.broadcast %max3A_221 : f32 to vector<16xf32>
      %max3A_223 = arith.maximumf %get3A_220, %max3A_222 : vector<16xf32>
      %swap3A_224 = arith.index_cast %scan3A_206 : i32 to index
      %swap3A_225 = arith.constant 16 : index
      %swap3A_226 = tpu.vector_load %arg18[%swap3A_224, %swap3A_225] {strides = array<i32>} : memref<128x128xf32, #tpu.memory_space<vmem>>, vector<1x16xf32>,
      %swap3A_227 = vector.shape_cast %swap3A_226 : vector<1x16xf32> to vector<16xf32>
      %swap3A_228 = vector.shape_cast %max3A_223 : vector<16xf32> to vector<1x16xf32>
      tpu.vector_store %arg18[%swap3A_224, %swap3A_225], %swap3A_228 {strides = array<i32>} : memref<128x128xf32, #tpu.memory_space<vmem>>, vector<1x16xf32>,
      %get3A_229 = arith.index_cast %scan3A_206 : i32 to index
      %get3A_230 = arith.constant 32 : index
      %get3A_231 = tpu.vector_load %arg18[%get3A_229, %get3A_230] {strides = array<i32>} : memref<128x128xf32, #tpu.memory_space<vmem>>, vector<1x16xf32>,
      %get3A_232 = vector.shape_cast %get3A_231 : vector<1x16xf32> to vector<16xf32>
      %max3A_233 = arith.constant 0.000000e+00 : f32
      %max3A_234 = vector.broadcast %max3A_233 : f32 to vector<16xf32>
      %max3A_235 = arith.maximumf %get3A_232, %max3A_234 : vector<16xf32>
      %swap3A_236 = arith.index_cast %scan3A_206 : i32 to index
      %swap3A_237 = arith.constant 32 : index
      %swap3A_238 = tpu.vector_load %arg18[%swap3A_236, %swap3A_237] {strides = array<i32>} : memref<128x128xf32, #tpu.memory_space<vmem>>, vector<1x16xf32>,
      %swap3A_239 = vector.shape_cast %swap3A_238 : vector<1x16xf32> to vector<16xf32>
      %swap3A_240 = vector.shape_cast %max3A_235 : vector<16xf32> to vector<1x16xf32>
      tpu.vector_store %arg18[%swap3A_236, %swap3A_237], %swap3A_240 {strides = array<i32>} : memref<128x128xf32, #tpu.memory_space<vmem>>, vector<1x16xf32>,
      %get3A_241 = arith.index_cast %scan3A_206 : i32 to index
      %get3A_242 = arith.constant 48 : index
      %get3A_243 = tpu.vector_load %arg18[%get3A_241, %get3A_242] {strides = array<i32>} : memref<128x128xf32, #tpu.memory_space<vmem>>, vector<1x16xf32>,
      %get3A_244 = vector.shape_cast %get3A_243 : vector<1x16xf32> to vector<16xf32>
      %max3A_245 = arith.constant 0.000000e+00 : f32
      %max3A_246 = vector.broadcast %max3A_245 : f32 to vector<16xf32>
      %max3A_247 = arith.maximumf %get3A_244, %max3A_246 : vector<16xf32>
      %swap3A_248 = arith.index_cast %scan3A_206 : i32 to index
      %swap3A_249 = arith.constant 48 : index
      %swap3A_250 = tpu.vector_load %arg18[%swap3A_248, %swap3A_249] {strides = array<i32>} : memref<128x128xf32, #tpu.memory_space<vmem>>, vector<1x16xf32>,
      %swap3A_251 = vector.shape_cast %swap3A_250 : vector<1x16xf32> to vector<16xf32>
      %swap3A_252 = vector.shape_cast %max3A_247 : vector<16xf32> to vector<1x16xf32>
      tpu.vector_store %arg18[%swap3A_248, %swap3A_249], %swap3A_252 {strides = array<i32>} : memref<128x128xf32, #tpu.memory_space<vmem>>, vector<1x16xf32>,
      %get3A_253 = arith.index_cast %scan3A_206 : i32 to index
      %get3A_254 = arith.constant 64 : index
      %get3A_255 = tpu.vector_load %arg18[%get3A_253, %get3A_254] {strides = array<i32>} : memref<128x128xf32, #tpu.memory_space<vmem>>, vector<1x16xf32>,
      %get3A_256 = vector.shape_cast %get3A_255 : vector<1x16xf32> to vector<16xf32>
      %max3A_257 = arith.constant 0.000000e+00 : f32
      %max3A_258 = vector.broadcast %max3A_257 : f32 to vector<16xf32>
      %max3A_259 = arith.maximumf %get3A_256, %max3A_258 : vector<16xf32>
      %swap3A_260 = arith.index_cast %scan3A_206 : i32 to index
      %swap3A_261 = arith.constant 64 : index
      %swap3A_262 = tpu.vector_load %arg18[%swap3A_260, %swap3A_261] {strides = array<i32>} : memref<128x128xf32, #tpu.memory_space<vmem>>, vector<1x16xf32>,
      %swap3A_263 = vector.shape_cast %swap3A_262 : vector<1x16xf32> to vector<16xf32>
      %swap3A_264 = vector.shape_cast %max3A_259 : vector<16xf32> to vector<1x16xf32>
      tpu.vector_store %arg18[%swap3A_260, %swap3A_261], %swap3A_264 {strides = array<i32>} : memref<128x128xf32, #tpu.memory_space<vmem>>, vector<1x16xf32>,
      %get3A_265 = arith.index_cast %scan3A_206 : i32 to index
      %get3A_266 = arith.constant 80 : index
      %get3A_267 = tpu.vector_load %arg18[%get3A_265, %get3A_266] {strides = array<i32>} : memref<128x128xf32, #tpu.memory_space<vmem>>, vector<1x16xf32>,
      %get3A_268 = vector.shape_cast %get3A_267 : vector<1x16xf32> to vector<16xf32>
      %max3A_269 = arith.constant 0.000000e+00 : f32
      %max3A_270 = vector.broadcast %max3A_269 : f32 to vector<16xf32>
      %max3A_271 = arith.maximumf %get3A_268, %max3A_270 : vector<16xf32>
      %swap3A_272 = arith.index_cast %scan3A_206 : i32 to index
      %swap3A_273 = arith.constant 80 : index
      %swap3A_274 = tpu.vector_load %arg18[%swap3A_272, %swap3A_273] {strides = array<i32>} : memref<128x128xf32, #tpu.memory_space<vmem>>, vector<1x16xf32>,
      %swap3A_275 = vector.shape_cast %swap3A_274 : vector<1x16xf32> to vector<16xf32>
      %swap3A_276 = vector.shape_cast %max3A_271 : vector<16xf32> to vector<1x16xf32>
      tpu.vector_store %arg18[%swap3A_272, %swap3A_273], %swap3A_276 {strides = array<i32>} : memref<128x128xf32, #tpu.memory_space<vmem>>, vector<1x16xf32>,
      %get3A_277 = arith.index_cast %scan3A_206 : i32 to index
      %get3A_278 = arith.constant 96 : index
      %get3A_279 = tpu.vector_load %arg18[%get3A_277, %get3A_278] {strides = array<i32>} : memref<128x128xf32, #tpu.memory_space<vmem>>, vector<1x16xf32>,
      %get3A_280 = vector.shape_cast %get3A_279 : vector<1x16xf32> to vector<16xf32>
      %max3A_281 = arith.constant 0.000000e+00 : f32
      %max3A_282 = vector.broadcast %max3A_281 : f32 to vector<16xf32>
      %max3A_283 = arith.maximumf %get3A_280, %max3A_282 : vector<16xf32>
      %swap3A_284 = arith.index_cast %scan3A_206 : i32 to index
      %swap3A_285 = arith.constant 96 : index
      %swap3A_286 = tpu.vector_load %arg18[%swap3A_284, %swap3A_285] {strides = array<i32>} : memref<128x128xf32, #tpu.memory_space<vmem>>, vector<1x16xf32>,
      %swap3A_287 = vector.shape_cast %swap3A_286 : vector<1x16xf32> to vector<16xf32>
      %swap3A_288 = vector.shape_cast %max3A_283 : vector<16xf32> to vector<1x16xf32>
      tpu.vector_store %arg18[%swap3A_284, %swap3A_285], %swap3A_288 {strides = array<i32>} : memref<128x128xf32, #tpu.memory_space<vmem>>, vector<1x16xf32>,
      %get3A_289 = arith.index_cast %scan3A_206 : i32 to index
      %get3A_290 = arith.constant 112 : index
      %get3A_291 = tpu.vector_load %arg18[%get3A_289, %get3A_290] {strides = array<i32>} : memref<128x128xf32, #tpu.memory_space<vmem>>, vector<1x16xf32>,
      %get3A_292 = vector.shape_cast %get3A_291 : vector<1x16xf32> to vector<16xf32>
      %max3A_293 = arith.constant 0.000000e+00 : f32
      %max3A_294 = vector.broadcast %max3A_293 : f32 to vector<16xf32>
      %max3A_295 = arith.maximumf %get3A_292, %max3A_294 : vector<16xf32>
      %swap3A_296 = arith.index_cast %scan3A_206 : i32 to index
      %swap3A_297 = arith.constant 112 : index
      %swap3A_298 = tpu.vector_load %arg18[%swap3A_296, %swap3A_297] {strides = array<i32>} : memref<128x128xf32, #tpu.memory_space<vmem>>, vector<1x16xf32>,
      %swap3A_299 = vector.shape_cast %swap3A_298 : vector<1x16xf32> to vector<16xf32>
      %swap3A_300 = vector.shape_cast %max3A_295 : vector<16xf32> to vector<1x16xf32>
      tpu.vector_store %arg18[%swap3A_296, %swap3A_297], %swap3A_300 {strides = array<i32>} : memref<128x128xf32, #tpu.memory_space<vmem>>, vector<1x16xf32>,
      %scan3A_301 = arith.constant 0 : i32
      scf.yield %scan3A_301 : i32
    }
    %scan3A_128 = arith.constant 128 : i32
    %dma_start3A_129 = arith.constant 0 : i32
    %dma_start3A_130 = tpu.memref_slice %arg9[%add3A_94, %dma_start3A_129] : memref<320000x128xf32, #tpu.memory_space<hbm>> -> memref<128x128xf32, #tpu.memory_space<hbm>>
    %dma_start3A_131 = arith.constant 0 : i32
    %dma_start3A_132 = tpu.memref_slice %arg9[%add3A_94, %dma_start3A_131] : memref<320000x128xf32, #tpu.memory_space<hbm>> -> memref<128x128xf32, #tpu.memory_space<hbm>>
    tpu.enqueue_dma source(%arg18 : memref<128x128xf32, #tpu.memory_space<vmem>>) target(%dma_start3A_132 : memref<128x128xf32, #tpu.memory_space<hbm>>) target_semaphore(%arg26 : memref<!tpu.dma_semaphore, #tpu.memory_space<semaphore_mem>>)
    %dma_start3A_133 = arith.constant 0 : i32
    %dma_start3A_134 = arith.constant 0 : i32
    %dma_start3A_135 = tpu.memref_slice %arg19[%dma_start3A_133, %dma_start3A_134] : memref<10240x128xf32, #tpu.memory_space<vmem_shared>> -> memref<10240x128xf32, #tpu.memory_space<vmem_shared>>
    tpu.enqueue_indirect_dma source(%arg18 : memref<128x128xf32, #tpu.memory_space<vmem>>) target(%dma_start3A_135 : memref<10240x128xf32, #tpu.memory_space<vmem_shared>>) offsets(%arg16 : memref<128xi32, #tpu.memory_space<vmem>>) semaphore(%arg28 : memref<!tpu.dma_semaphore, #tpu.memory_space<semaphore_mem>>) {add = true}
    %add3A_136 = arith.constant 9856 : i32
    %add3A_137 = arith.addi %mul3A_2, %add3A_136 : i32
    %dma_wait3A_138 = arith.constant 0 : i32
    %dma_wait3A_139 = tpu.memref_slice %arg9[%add3A_137, %dma_wait3A_138] : memref<320000x128xf32, #tpu.memory_space<hbm>> -> memref<128x128xf32, #tpu.memory_space<hbm>>
    %dma_wait3A_140 = arith.constant 0 : i32
    %dma_wait3A_141 = tpu.memref_slice %arg9[%add3A_137, %dma_wait3A_140] : memref<320000x128xf32, #tpu.memory_space<hbm>> -> memref<128x128xf32, #tpu.memory_space<hbm>>
    tpu.wait_dma2 semaphore(%arg26 : memref<!tpu.dma_semaphore, #tpu.memory_space<semaphore_mem>>) src(%arg18 : memref<128x128xf32, #tpu.memory_space<vmem>>) dst(%dma_wait3A_141 : memref<128x128xf32, #tpu.memory_space<hbm>>)
    %dma_wait3A_142 = arith.constant 0 : i32
    %dma_wait3A_143 = arith.constant 0 : i32
    %dma_wait3A_144 = tpu.memref_slice %arg19[%dma_wait3A_142, %dma_wait3A_143] : memref<10240x128xf32, #tpu.memory_space<vmem_shared>> -> memref<10240x128xf32, #tpu.memory_space<vmem_shared>>
    tpu.wait_indirect_dma semaphore(%arg28 : memref<!tpu.dma_semaphore, #tpu.memory_space<semaphore_mem>>) src(%arg18 : memref<128x128xf32, #tpu.memory_space<vmem>>) dst(%dma_wait3A_144 : memref<10240x128xf32, #tpu.memory_space<vmem_shared>>)
    %add3A_145 = arith.constant 9984 : i32
    %add3A_146 = arith.addi %mul3A_2, %add3A_145 : i32
    "tpu.region"() ({
      %run_scoped3A = tpu.sem_alloc : memref<!tpu.dma_semaphore, #tpu.memory_space<semaphore_mem>>
      %dma_start3A_206 = arith.constant 0 : i32
      %dma_start3A_207 = tpu.memref_slice %arg11[%dma_start3A_206] : memref<128xi32, #tpu.memory_space<vmem>> -> memref<16xi32, #tpu.memory_space<vmem>>
      %dma_start3A_208 = tpu.memref_slice %arg5[%add3A_146] : memref<320000xi32, #tpu.memory_space<hbm>> -> memref<16xi32, #tpu.memory_space<hbm>>
      %dma_start3A_209 = arith.constant 0 : i32
      %dma_start3A_210 = tpu.memref_slice %arg11[%dma_start3A_209] : memref<128xi32, #tpu.memory_space<vmem>> -> memref<16xi32, #tpu.memory_space<vmem>>
      %dma_start3A_211 = tpu.memref_slice %arg5[%add3A_146] : memref<320000xi32, #tpu.memory_space<hbm>> -> memref<16xi32, #tpu.memory_space<hbm>>
      tpu.enqueue_dma source(%dma_start3A_211 : memref<16xi32, #tpu.memory_space<hbm>>) target(%dma_start3A_210 : memref<16xi32, #tpu.memory_space<vmem>>) target_semaphore(%run_scoped3A : memref<!tpu.dma_semaphore, #tpu.memory_space<semaphore_mem>>)
      %dma_wait3A_212 = arith.constant 0 : i32
      %dma_wait3A_213 = tpu.memref_slice %arg11[%dma_wait3A_212] : memref<128xi32, #tpu.memory_space<vmem>> -> memref<16xi32, #tpu.memory_space<vmem>>
      %dma_wait3A_214 = tpu.memref_slice %arg5[%add3A_146] : memref<320000xi32, #tpu.memory_space<hbm>> -> memref<16xi32, #tpu.memory_space<hbm>>
      %dma_wait3A_215 = arith.constant 0 : i32
      %dma_wait3A_216 = tpu.memref_slice %arg11[%dma_wait3A_215] : memref<128xi32, #tpu.memory_space<vmem>> -> memref<16xi32, #tpu.memory_space<vmem>>
      %dma_wait3A_217 = tpu.memref_slice %arg5[%add3A_146] : memref<320000xi32, #tpu.memory_space<hbm>> -> memref<16xi32, #tpu.memory_space<hbm>>
      tpu.wait_dma2 semaphore(%run_scoped3A : memref<!tpu.dma_semaphore, #tpu.memory_space<semaphore_mem>>) src(%dma_wait3A_217 : memref<16xi32, #tpu.memory_space<hbm>>) dst(%dma_wait3A_216 : memref<16xi32, #tpu.memory_space<vmem>>)
      tpu.yield
    }) : () -> ()
    "tpu.region"() ({
      %run_scoped3A = tpu.sem_alloc : memref<!tpu.dma_semaphore, #tpu.memory_space<semaphore_mem>>
      %dma_start3A_206 = arith.constant 0 : i32
      %dma_start3A_207 = tpu.memref_slice %arg12[%dma_start3A_206] : memref<128xi32, #tpu.memory_space<vmem>> -> memref<16xi32, #tpu.memory_space<vmem>>
      %dma_start3A_208 = tpu.memref_slice %arg6[%add3A_146] : memref<320000xi32, #tpu.memory_space<hbm>> -> memref<16xi32, #tpu.memory_space<hbm>>
      %dma_start3A_209 = arith.constant 0 : i32
      %dma_start3A_210 = tpu.memref_slice %arg12[%dma_start3A_209] : memref<128xi32, #tpu.memory_space<vmem>> -> memref<16xi32, #tpu.memory_space<vmem>>
      %dma_start3A_211 = tpu.memref_slice %arg6[%add3A_146] : memref<320000xi32, #tpu.memory_space<hbm>> -> memref<16xi32, #tpu.memory_space<hbm>>
      tpu.enqueue_dma source(%dma_start3A_211 : memref<16xi32, #tpu.memory_space<hbm>>) target(%dma_start3A_210 : memref<16xi32, #tpu.memory_space<vmem>>) target_semaphore(%run_scoped3A : memref<!tpu.dma_semaphore, #tpu.memory_space<semaphore_mem>>)
      %dma_wait3A_212 = arith.constant 0 : i32
      %dma_wait3A_213 = tpu.memref_slice %arg12[%dma_wait3A_212] : memref<128xi32, #tpu.memory_space<vmem>> -> memref<16xi32, #tpu.memory_space<vmem>>
      %dma_wait3A_214 = tpu.memref_slice %arg6[%add3A_146] : memref<320000xi32, #tpu.memory_space<hbm>> -> memref<16xi32, #tpu.memory_space<hbm>>
      %dma_wait3A_215 = arith.constant 0 : i32
      %dma_wait3A_216 = tpu.memref_slice %arg12[%dma_wait3A_215] : memref<128xi32, #tpu.memory_space<vmem>> -> memref<16xi32, #tpu.memory_space<vmem>>
      %dma_wait3A_217 = tpu.memref_slice %arg6[%add3A_146] : memref<320000xi32, #tpu.memory_space<hbm>> -> memref<16xi32, #tpu.memory_space<hbm>>
      tpu.wait_dma2 semaphore(%run_scoped3A : memref<!tpu.dma_semaphore, #tpu.memory_space<semaphore_mem>>) src(%dma_wait3A_217 : memref<16xi32, #tpu.memory_space<hbm>>) dst(%dma_wait3A_216 : memref<16xi32, #tpu.memory_space<vmem>>)
      tpu.yield
    }) : () -> ()
    %mul3A_147 = arith.constant 320000 : i32
    %mul3A_148 = arith.muli %arg0, %mul3A_147 : i32
    %add3A_149 = arith.addi %mul3A_148, %add3A_146 : i32
    "tpu.region"() ({
      %run_scoped3A = tpu.sem_alloc : memref<!tpu.dma_semaphore, #tpu.memory_space<semaphore_mem>>
      %dma_start3A_206 = tpu.memref_slice %arg7[%add3A_149] : memref<640000xi32, #tpu.memory_space<hbm>> -> memref<16xi32, #tpu.memory_space<hbm>>
      %dma_start3A_207 = tpu.memref_slice %arg7[%add3A_149] : memref<640000xi32, #tpu.memory_space<hbm>> -> memref<16xi32, #tpu.memory_space<hbm>>
      tpu.enqueue_dma source(%dma_start3A_207 : memref<16xi32, #tpu.memory_space<hbm>>) target(%arg20 : memref<16xi32, #tpu.memory_space<vmem>>) target_semaphore(%run_scoped3A : memref<!tpu.dma_semaphore, #tpu.memory_space<semaphore_mem>>)
      %dma_wait3A_208 = tpu.memref_slice %arg7[%add3A_149] : memref<640000xi32, #tpu.memory_space<hbm>> -> memref<16xi32, #tpu.memory_space<hbm>>
      %dma_wait3A_209 = tpu.memref_slice %arg7[%add3A_149] : memref<640000xi32, #tpu.memory_space<hbm>> -> memref<16xi32, #tpu.memory_space<hbm>>
      tpu.wait_dma2 semaphore(%run_scoped3A : memref<!tpu.dma_semaphore, #tpu.memory_space<semaphore_mem>>) src(%dma_wait3A_209 : memref<16xi32, #tpu.memory_space<hbm>>) dst(%arg20 : memref<16xi32, #tpu.memory_space<vmem>>)
      tpu.yield
    }) : () -> ()
    "tpu.region"() ({
      %run_scoped3A = tpu.sem_alloc : memref<!tpu.dma_semaphore, #tpu.memory_space<semaphore_mem>>
      %dma_start3A_206 = arith.constant 0 : i32
      %dma_start3A_207 = arith.constant 0 : i32
      %dma_start3A_208 = tpu.memref_slice %arg17[%dma_start3A_206, %dma_start3A_207] : memref<128x128xf32, #tpu.memory_space<vmem>> -> memref<16x128xf32, #tpu.memory_space<vmem>>
      %dma_start3A_209 = arith.constant 0 : i32
      %dma_start3A_210 = tpu.memref_slice %arg2[%add3A_146, %dma_start3A_209] : memref<320000x128xf32, #tpu.memory_space<hbm>> -> memref<16x128xf32, #tpu.memory_space<hbm>>
      %dma_start3A_211 = arith.constant 0 : i32
      %dma_start3A_212 = arith.constant 0 : i32
      %dma_start3A_213 = tpu.memref_slice %arg17[%dma_start3A_211, %dma_start3A_212] : memref<128x128xf32, #tpu.memory_space<vmem>> -> memref<16x128xf32, #tpu.memory_space<vmem>>
      %dma_start3A_214 = arith.constant 0 : i32
      %dma_start3A_215 = tpu.memref_slice %arg2[%add3A_146, %dma_start3A_214] : memref<320000x128xf32, #tpu.memory_space<hbm>> -> memref<16x128xf32, #tpu.memory_space<hbm>>
      tpu.enqueue_dma source(%dma_start3A_215 : memref<16x128xf32, #tpu.memory_space<hbm>>) target(%dma_start3A_213 : memref<16x128xf32, #tpu.memory_space<vmem>>) target_semaphore(%run_scoped3A : memref<!tpu.dma_semaphore, #tpu.memory_space<semaphore_mem>>)
      %dma_wait3A_216 = arith.constant 0 : i32
      %dma_wait3A_217 = arith.constant 0 : i32
      %dma_wait3A_218 = tpu.memref_slice %arg17[%dma_wait3A_216, %dma_wait3A_217] : memref<128x128xf32, #tpu.memory_space<vmem>> -> memref<16x128xf32, #tpu.memory_space<vmem>>
      %dma_wait3A_219 = arith.constant 0 : i32
      %dma_wait3A_220 = tpu.memref_slice %arg2[%add3A_146, %dma_wait3A_219] : memref<320000x128xf32, #tpu.memory_space<hbm>> -> memref<16x128xf32, #tpu.memory_space<hbm>>
      %dma_wait3A_221 = arith.constant 0 : i32
      %dma_wait3A_222 = arith.constant 0 : i32
      %dma_wait3A_223 = tpu.memref_slice %arg17[%dma_wait3A_221, %dma_wait3A_222] : memref<128x128xf32, #tpu.memory_space<vmem>> -> memref<16x128xf32, #tpu.memory_space<vmem>>
      %dma_wait3A_224 = arith.constant 0 : i32
      %dma_wait3A_225 = tpu.memref_slice %arg2[%add3A_146, %dma_wait3A_224] : memref<320000x128xf32, #tpu.memory_space<hbm>> -> memref<16x128xf32, #tpu.memory_space<hbm>>
      tpu.wait_dma2 semaphore(%run_scoped3A : memref<!tpu.dma_semaphore, #tpu.memory_space<semaphore_mem>>) src(%dma_wait3A_225 : memref<16x128xf32, #tpu.memory_space<hbm>>) dst(%dma_wait3A_223 : memref<16x128xf32, #tpu.memory_space<vmem>>)
      tpu.yield
    }) : () -> ()
    %dma_start3A_150 = arith.constant 0 : i32
    %dma_start3A_151 = arith.constant 0 : i32
    %dma_start3A_152 = tpu.memref_slice %arg17[%dma_start3A_150, %dma_start3A_151] : memref<128x128xf32, #tpu.memory_space<vmem>> -> memref<16x128xf32, #tpu.memory_space<vmem>>
    %dma_start3A_153 = arith.constant 0 : i32
    %dma_start3A_154 = tpu.memref_slice %arg11[%dma_start3A_153] : memref<128xi32, #tpu.memory_space<vmem>> -> memref<16xi32, #tpu.memory_space<vmem>>
    %dma_start3A_155 = arith.constant 0 : i32
    %dma_start3A_156 = arith.constant 0 : i32
    %dma_start3A_157 = tpu.memref_slice %arg3[%dma_start3A_155, %dma_start3A_156] : memref<10000x128xf32, #tpu.memory_space<hbm>> -> memref<10000x128xf32, #tpu.memory_space<hbm>>
    tpu.enqueue_indirect_dma source(%dma_start3A_157 : memref<10000x128xf32, #tpu.memory_space<hbm>>) target(%dma_start3A_152 : memref<16x128xf32, #tpu.memory_space<vmem>>) offsets(%dma_start3A_154 : memref<16xi32, #tpu.memory_space<vmem>>) semaphore(%arg21 : memref<!tpu.dma_semaphore, #tpu.memory_space<semaphore_mem>>) {add = true}
    %dma_wait3A_158 = arith.constant 0 : i32
    %dma_wait3A_159 = arith.constant 0 : i32
    %dma_wait3A_160 = tpu.memref_slice %arg17[%dma_wait3A_158, %dma_wait3A_159] : memref<128x128xf32, #tpu.memory_space<vmem>> -> memref<16x128xf32, #tpu.memory_space<vmem>>
    %dma_wait3A_161 = arith.constant 0 : i32
    %dma_wait3A_162 = tpu.memref_slice %arg11[%dma_wait3A_161] : memref<128xi32, #tpu.memory_space<vmem>> -> memref<16xi32, #tpu.memory_space<vmem>>
    %dma_wait3A_163 = arith.constant 0 : i32
    %dma_wait3A_164 = arith.constant 0 : i32
    %dma_wait3A_165 = tpu.memref_slice %arg3[%dma_wait3A_163, %dma_wait3A_164] : memref<10000x128xf32, #tpu.memory_space<hbm>> -> memref<10000x128xf32, #tpu.memory_space<hbm>>
    tpu.wait_indirect_dma semaphore(%arg21 : memref<!tpu.dma_semaphore, #tpu.memory_space<semaphore_mem>>) src(%dma_wait3A_165 : memref<10000x128xf32, #tpu.memory_space<hbm>>) dst(%dma_wait3A_160 : memref<16x128xf32, #tpu.memory_space<vmem>>)
    %dma_start3A_166 = arith.constant 0 : i32
    %dma_start3A_167 = arith.constant 0 : i32
    %dma_start3A_168 = tpu.memref_slice %arg17[%dma_start3A_166, %dma_start3A_167] : memref<128x128xf32, #tpu.memory_space<vmem>> -> memref<16x128xf32, #tpu.memory_space<vmem>>
    %dma_start3A_169 = arith.constant 0 : i32
    %dma_start3A_170 = tpu.memref_slice %arg12[%dma_start3A_169] : memref<128xi32, #tpu.memory_space<vmem>> -> memref<16xi32, #tpu.memory_space<vmem>>
    %dma_start3A_171 = arith.constant 0 : i32
    %dma_start3A_172 = arith.constant 0 : i32
    %dma_start3A_173 = tpu.memref_slice %arg4[%dma_start3A_171, %dma_start3A_172] : memref<10000x128xf32, #tpu.memory_space<hbm>> -> memref<10000x128xf32, #tpu.memory_space<hbm>>
    tpu.enqueue_indirect_dma source(%dma_start3A_173 : memref<10000x128xf32, #tpu.memory_space<hbm>>) target(%dma_start3A_168 : memref<16x128xf32, #tpu.memory_space<vmem>>) offsets(%dma_start3A_170 : memref<16xi32, #tpu.memory_space<vmem>>) semaphore(%arg23 : memref<!tpu.dma_semaphore, #tpu.memory_space<semaphore_mem>>) {add = true}
    %dma_wait3A_174 = arith.constant 0 : i32
    %dma_wait3A_175 = arith.constant 0 : i32
    %dma_wait3A_176 = tpu.memref_slice %arg17[%dma_wait3A_174, %dma_wait3A_175] : memref<128x128xf32, #tpu.memory_space<vmem>> -> memref<16x128xf32, #tpu.memory_space<vmem>>
    %dma_wait3A_177 = arith.constant 0 : i32
    %dma_wait3A_178 = tpu.memref_slice %arg12[%dma_wait3A_177] : memref<128xi32, #tpu.memory_space<vmem>> -> memref<16xi32, #tpu.memory_space<vmem>>
    %dma_wait3A_179 = arith.constant 0 : i32
    %dma_wait3A_180 = arith.constant 0 : i32
    %dma_wait3A_181 = tpu.memref_slice %arg4[%dma_wait3A_179, %dma_wait3A_180] : memref<10000x128xf32, #tpu.memory_space<hbm>> -> memref<10000x128xf32, #tpu.memory_space<hbm>>
    tpu.wait_indirect_dma semaphore(%arg23 : memref<!tpu.dma_semaphore, #tpu.memory_space<semaphore_mem>>) src(%dma_wait3A_181 : memref<10000x128xf32, #tpu.memory_space<hbm>>) dst(%dma_wait3A_176 : memref<16x128xf32, #tpu.memory_space<vmem>>)
    %scan3A_182 = arith.constant 0 : i32
    %scan3A_183 = arith.constant 0 : i32
    %scan3A_184 = arith.constant 16 : i32
    %scan3A_185 = arith.addi %scan3A_183, %scan3A_184 : i32
    %scan3A_186 = arith.constant 1 : i32
    %scan3A_187 = scf.for %scan3A_206 = %scan3A_183 to %scan3A_185 step %scan3A_186 iter_args(%scan3A_207 = %scan3A_182) -> (i32)  : i32 {
      %get3A = arith.index_cast %scan3A_206 : i32 to index
      %get3A_208 = arith.constant 0 : index
      %get3A_209 = tpu.vector_load %arg17[%get3A, %get3A_208] {strides = array<i32>} : memref<128x128xf32, #tpu.memory_space<vmem>>, vector<1x16xf32>,
      %get3A_210 = vector.shape_cast %get3A_209 : vector<1x16xf32> to vector<16xf32>
      %max3A = arith.constant 0.000000e+00 : f32
      %max3A_211 = vector.broadcast %max3A : f32 to vector<16xf32>
      %max3A_212 = arith.maximumf %get3A_210, %max3A_211 : vector<16xf32>
      %swap3A = arith.index_cast %scan3A_206 : i32 to index
      %swap3A_213 = arith.constant 0 : index
      %swap3A_214 = tpu.vector_load %arg17[%swap3A, %swap3A_213] {strides = array<i32>} : memref<128x128xf32, #tpu.memory_space<vmem>>, vector<1x16xf32>,
      %swap3A_215 = vector.shape_cast %swap3A_214 : vector<1x16xf32> to vector<16xf32>
      %swap3A_216 = vector.shape_cast %max3A_212 : vector<16xf32> to vector<1x16xf32>
      tpu.vector_store %arg17[%swap3A, %swap3A_213], %swap3A_216 {strides = array<i32>} : memref<128x128xf32, #tpu.memory_space<vmem>>, vector<1x16xf32>,
      %get3A_217 = arith.index_cast %scan3A_206 : i32 to index
      %get3A_218 = arith.constant 16 : index
      %get3A_219 = tpu.vector_load %arg17[%get3A_217, %get3A_218] {strides = array<i32>} : memref<128x128xf32, #tpu.memory_space<vmem>>, vector<1x16xf32>,
      %get3A_220 = vector.shape_cast %get3A_219 : vector<1x16xf32> to vector<16xf32>
      %max3A_221 = arith.constant 0.000000e+00 : f32
      %max3A_222 = vector.broadcast %max3A_221 : f32 to vector<16xf32>
      %max3A_223 = arith.maximumf %get3A_220, %max3A_222 : vector<16xf32>
      %swap3A_224 = arith.index_cast %scan3A_206 : i32 to index
      %swap3A_225 = arith.constant 16 : index
      %swap3A_226 = tpu.vector_load %arg17[%swap3A_224, %swap3A_225] {strides = array<i32>} : memref<128x128xf32, #tpu.memory_space<vmem>>, vector<1x16xf32>,
      %swap3A_227 = vector.shape_cast %swap3A_226 : vector<1x16xf32> to vector<16xf32>
      %swap3A_228 = vector.shape_cast %max3A_223 : vector<16xf32> to vector<1x16xf32>
      tpu.vector_store %arg17[%swap3A_224, %swap3A_225], %swap3A_228 {strides = array<i32>} : memref<128x128xf32, #tpu.memory_space<vmem>>, vector<1x16xf32>,
      %get3A_229 = arith.index_cast %scan3A_206 : i32 to index
      %get3A_230 = arith.constant 32 : index
      %get3A_231 = tpu.vector_load %arg17[%get3A_229, %get3A_230] {strides = array<i32>} : memref<128x128xf32, #tpu.memory_space<vmem>>, vector<1x16xf32>,
      %get3A_232 = vector.shape_cast %get3A_231 : vector<1x16xf32> to vector<16xf32>
      %max3A_233 = arith.constant 0.000000e+00 : f32
      %max3A_234 = vector.broadcast %max3A_233 : f32 to vector<16xf32>
      %max3A_235 = arith.maximumf %get3A_232, %max3A_234 : vector<16xf32>
      %swap3A_236 = arith.index_cast %scan3A_206 : i32 to index
      %swap3A_237 = arith.constant 32 : index
      %swap3A_238 = tpu.vector_load %arg17[%swap3A_236, %swap3A_237] {strides = array<i32>} : memref<128x128xf32, #tpu.memory_space<vmem>>, vector<1x16xf32>,
      %swap3A_239 = vector.shape_cast %swap3A_238 : vector<1x16xf32> to vector<16xf32>
      %swap3A_240 = vector.shape_cast %max3A_235 : vector<16xf32> to vector<1x16xf32>
      tpu.vector_store %arg17[%swap3A_236, %swap3A_237], %swap3A_240 {strides = array<i32>} : memref<128x128xf32, #tpu.memory_space<vmem>>, vector<1x16xf32>,
      %get3A_241 = arith.index_cast %scan3A_206 : i32 to index
      %get3A_242 = arith.constant 48 : index
      %get3A_243 = tpu.vector_load %arg17[%get3A_241, %get3A_242] {strides = array<i32>} : memref<128x128xf32, #tpu.memory_space<vmem>>, vector<1x16xf32>,
      %get3A_244 = vector.shape_cast %get3A_243 : vector<1x16xf32> to vector<16xf32>
      %max3A_245 = arith.constant 0.000000e+00 : f32
      %max3A_246 = vector.broadcast %max3A_245 : f32 to vector<16xf32>
      %max3A_247 = arith.maximumf %get3A_244, %max3A_246 : vector<16xf32>
      %swap3A_248 = arith.index_cast %scan3A_206 : i32 to index
      %swap3A_249 = arith.constant 48 : index
      %swap3A_250 = tpu.vector_load %arg17[%swap3A_248, %swap3A_249] {strides = array<i32>} : memref<128x128xf32, #tpu.memory_space<vmem>>, vector<1x16xf32>,
      %swap3A_251 = vector.shape_cast %swap3A_250 : vector<1x16xf32> to vector<16xf32>
      %swap3A_252 = vector.shape_cast %max3A_247 : vector<16xf32> to vector<1x16xf32>
      tpu.vector_store %arg17[%swap3A_248, %swap3A_249], %swap3A_252 {strides = array<i32>} : memref<128x128xf32, #tpu.memory_space<vmem>>, vector<1x16xf32>,
      %get3A_253 = arith.index_cast %scan3A_206 : i32 to index
      %get3A_254 = arith.constant 64 : index
      %get3A_255 = tpu.vector_load %arg17[%get3A_253, %get3A_254] {strides = array<i32>} : memref<128x128xf32, #tpu.memory_space<vmem>>, vector<1x16xf32>,
      %get3A_256 = vector.shape_cast %get3A_255 : vector<1x16xf32> to vector<16xf32>
      %max3A_257 = arith.constant 0.000000e+00 : f32
      %max3A_258 = vector.broadcast %max3A_257 : f32 to vector<16xf32>
      %max3A_259 = arith.maximumf %get3A_256, %max3A_258 : vector<16xf32>
      %swap3A_260 = arith.index_cast %scan3A_206 : i32 to index
      %swap3A_261 = arith.constant 64 : index
      %swap3A_262 = tpu.vector_load %arg17[%swap3A_260, %swap3A_261] {strides = array<i32>} : memref<128x128xf32, #tpu.memory_space<vmem>>, vector<1x16xf32>,
      %swap3A_263 = vector.shape_cast %swap3A_262 : vector<1x16xf32> to vector<16xf32>
      %swap3A_264 = vector.shape_cast %max3A_259 : vector<16xf32> to vector<1x16xf32>
      tpu.vector_store %arg17[%swap3A_260, %swap3A_261], %swap3A_264 {strides = array<i32>} : memref<128x128xf32, #tpu.memory_space<vmem>>, vector<1x16xf32>,
      %get3A_265 = arith.index_cast %scan3A_206 : i32 to index
      %get3A_266 = arith.constant 80 : index
      %get3A_267 = tpu.vector_load %arg17[%get3A_265, %get3A_266] {strides = array<i32>} : memref<128x128xf32, #tpu.memory_space<vmem>>, vector<1x16xf32>,
      %get3A_268 = vector.shape_cast %get3A_267 : vector<1x16xf32> to vector<16xf32>
      %max3A_269 = arith.constant 0.000000e+00 : f32
      %max3A_270 = vector.broadcast %max3A_269 : f32 to vector<16xf32>
      %max3A_271 = arith.maximumf %get3A_268, %max3A_270 : vector<16xf32>
      %swap3A_272 = arith.index_cast %scan3A_206 : i32 to index
      %swap3A_273 = arith.constant 80 : index
      %swap3A_274 = tpu.vector_load %arg17[%swap3A_272, %swap3A_273] {strides = array<i32>} : memref<128x128xf32, #tpu.memory_space<vmem>>, vector<1x16xf32>,
      %swap3A_275 = vector.shape_cast %swap3A_274 : vector<1x16xf32> to vector<16xf32>
      %swap3A_276 = vector.shape_cast %max3A_271 : vector<16xf32> to vector<1x16xf32>
      tpu.vector_store %arg17[%swap3A_272, %swap3A_273], %swap3A_276 {strides = array<i32>} : memref<128x128xf32, #tpu.memory_space<vmem>>, vector<1x16xf32>,
      %get3A_277 = arith.index_cast %scan3A_206 : i32 to index
      %get3A_278 = arith.constant 96 : index
      %get3A_279 = tpu.vector_load %arg17[%get3A_277, %get3A_278] {strides = array<i32>} : memref<128x128xf32, #tpu.memory_space<vmem>>, vector<1x16xf32>,
      %get3A_280 = vector.shape_cast %get3A_279 : vector<1x16xf32> to vector<16xf32>
      %max3A_281 = arith.constant 0.000000e+00 : f32
      %max3A_282 = vector.broadcast %max3A_281 : f32 to vector<16xf32>
      %max3A_283 = arith.maximumf %get3A_280, %max3A_282 : vector<16xf32>
      %swap3A_284 = arith.index_cast %scan3A_206 : i32 to index
      %swap3A_285 = arith.constant 96 : index
      %swap3A_286 = tpu.vector_load %arg17[%swap3A_284, %swap3A_285] {strides = array<i32>} : memref<128x128xf32, #tpu.memory_space<vmem>>, vector<1x16xf32>,
      %swap3A_287 = vector.shape_cast %swap3A_286 : vector<1x16xf32> to vector<16xf32>
      %swap3A_288 = vector.shape_cast %max3A_283 : vector<16xf32> to vector<1x16xf32>
      tpu.vector_store %arg17[%swap3A_284, %swap3A_285], %swap3A_288 {strides = array<i32>} : memref<128x128xf32, #tpu.memory_space<vmem>>, vector<1x16xf32>,
      %get3A_289 = arith.index_cast %scan3A_206 : i32 to index
      %get3A_290 = arith.constant 112 : index
      %get3A_291 = tpu.vector_load %arg17[%get3A_289, %get3A_290] {strides = array<i32>} : memref<128x128xf32, #tpu.memory_space<vmem>>, vector<1x16xf32>,
      %get3A_292 = vector.shape_cast %get3A_291 : vector<1x16xf32> to vector<16xf32>
      %max3A_293 = arith.constant 0.000000e+00 : f32
      %max3A_294 = vector.broadcast %max3A_293 : f32 to vector<16xf32>
      %max3A_295 = arith.maximumf %get3A_292, %max3A_294 : vector<16xf32>
      %swap3A_296 = arith.index_cast %scan3A_206 : i32 to index
      %swap3A_297 = arith.constant 112 : index
      %swap3A_298 = tpu.vector_load %arg17[%swap3A_296, %swap3A_297] {strides = array<i32>} : memref<128x128xf32, #tpu.memory_space<vmem>>, vector<1x16xf32>,
      %swap3A_299 = vector.shape_cast %swap3A_298 : vector<1x16xf32> to vector<16xf32>
      %swap3A_300 = vector.shape_cast %max3A_295 : vector<16xf32> to vector<1x16xf32>
      tpu.vector_store %arg17[%swap3A_296, %swap3A_297], %swap3A_300 {strides = array<i32>} : memref<128x128xf32, #tpu.memory_space<vmem>>, vector<1x16xf32>,
      %scan3A_301 = arith.constant 0 : i32
      scf.yield %scan3A_301 : i32
    }
    %scan3A_188 = arith.constant 16 : i32
    "tpu.region"() ({
      %run_scoped3A = tpu.sem_alloc : memref<!tpu.dma_semaphore, #tpu.memory_space<semaphore_mem>>
      %dma_start3A_206 = arith.constant 0 : i32
      %dma_start3A_207 = arith.constant 0 : i32
      %dma_start3A_208 = tpu.memref_slice %arg17[%dma_start3A_206, %dma_start3A_207] : memref<128x128xf32, #tpu.memory_space<vmem>> -> memref<16x128xf32, #tpu.memory_space<vmem>>
      %dma_start3A_209 = arith.constant 0 : i32
      %dma_start3A_210 = tpu.memref_slice %arg9[%add3A_146, %dma_start3A_209] : memref<320000x128xf32, #tpu.memory_space<hbm>> -> memref<16x128xf32, #tpu.memory_space<hbm>>
      %dma_start3A_211 = arith.constant 0 : i32
      %dma_start3A_212 = tpu.memref_slice %arg9[%add3A_146, %dma_start3A_211] : memref<320000x128xf32, #tpu.memory_space<hbm>> -> memref<16x128xf32, #tpu.memory_space<hbm>>
      %dma_start3A_213 = arith.constant 0 : i32
      %dma_start3A_214 = arith.constant 0 : i32
      %dma_start3A_215 = tpu.memref_slice %arg17[%dma_start3A_213, %dma_start3A_214] : memref<128x128xf32, #tpu.memory_space<vmem>> -> memref<16x128xf32, #tpu.memory_space<vmem>>
      tpu.enqueue_dma source(%dma_start3A_215 : memref<16x128xf32, #tpu.memory_space<vmem>>) target(%dma_start3A_212 : memref<16x128xf32, #tpu.memory_space<hbm>>) target_semaphore(%run_scoped3A : memref<!tpu.dma_semaphore, #tpu.memory_space<semaphore_mem>>)
      %dma_wait3A_216 = arith.constant 0 : i32
      %dma_wait3A_217 = arith.constant 0 : i32
      %dma_wait3A_218 = tpu.memref_slice %arg17[%dma_wait3A_216, %dma_wait3A_217] : memref<128x128xf32, #tpu.memory_space<vmem>> -> memref<16x128xf32, #tpu.memory_space<vmem>>
      %dma_wait3A_219 = arith.constant 0 : i32
      %dma_wait3A_220 = tpu.memref_slice %arg9[%add3A_146, %dma_wait3A_219] : memref<320000x128xf32, #tpu.memory_space<hbm>> -> memref<16x128xf32, #tpu.memory_space<hbm>>
      %dma_wait3A_221 = arith.constant 0 : i32
      %dma_wait3A_222 = tpu.memref_slice %arg9[%add3A_146, %dma_wait3A_221] : memref<320000x128xf32, #tpu.memory_space<hbm>> -> memref<16x128xf32, #tpu.memory_space<hbm>>
      %dma_wait3A_223 = arith.constant 0 : i32
      %dma_wait3A_224 = arith.constant 0 : i32
      %dma_wait3A_225 = tpu.memref_slice %arg17[%dma_wait3A_223, %dma_wait3A_224] : memref<128x128xf32, #tpu.memory_space<vmem>> -> memref<16x128xf32, #tpu.memory_space<vmem>>
      tpu.wait_dma2 semaphore(%run_scoped3A : memref<!tpu.dma_semaphore, #tpu.memory_space<semaphore_mem>>) src(%dma_wait3A_225 : memref<16x128xf32, #tpu.memory_space<vmem>>) dst(%dma_wait3A_222 : memref<16x128xf32, #tpu.memory_space<hbm>>)
      tpu.yield
    }) : () -> ()
    %dma_start3A_189 = arith.constant 0 : i32
    %dma_start3A_190 = arith.constant 0 : i32
    %dma_start3A_191 = tpu.memref_slice %arg17[%dma_start3A_189, %dma_start3A_190] : memref<128x128xf32, #tpu.memory_space<vmem>> -> memref<16x128xf32, #tpu.memory_space<vmem>>
    %dma_start3A_192 = arith.constant 0 : i32
    %dma_start3A_193 = arith.constant 0 : i32
    %dma_start3A_194 = tpu.memref_slice %arg19[%dma_start3A_192, %dma_start3A_193] : memref<10240x128xf32, #tpu.memory_space<vmem_shared>> -> memref<10240x128xf32, #tpu.memory_space<vmem_shared>>
    tpu.enqueue_indirect_dma source(%dma_start3A_191 : memref<16x128xf32, #tpu.memory_space<vmem>>) target(%dma_start3A_194 : memref<10240x128xf32, #tpu.memory_space<vmem_shared>>) offsets(%arg20 : memref<16xi32, #tpu.memory_space<vmem>>) semaphore(%arg27 : memref<!tpu.dma_semaphore, #tpu.memory_space<semaphore_mem>>) {add = true}
    %dma_wait3A_195 = arith.constant 0 : i32
    %dma_wait3A_196 = arith.constant 0 : i32
    %dma_wait3A_197 = tpu.memref_slice %arg17[%dma_wait3A_195, %dma_wait3A_196] : memref<128x128xf32, #tpu.memory_space<vmem>> -> memref<16x128xf32, #tpu.memory_space<vmem>>
    %dma_wait3A_198 = arith.constant 0 : i32
    %dma_wait3A_199 = arith.constant 0 : i32
    %dma_wait3A_200 = tpu.memref_slice %arg19[%dma_wait3A_198, %dma_wait3A_199] : memref<10240x128xf32, #tpu.memory_space<vmem_shared>> -> memref<10240x128xf32, #tpu.memory_space<vmem_shared>>
    tpu.wait_indirect_dma semaphore(%arg27 : memref<!tpu.dma_semaphore, #tpu.memory_space<semaphore_mem>>) src(%dma_wait3A_197 : memref<16x128xf32, #tpu.memory_space<vmem>>) dst(%dma_wait3A_200 : memref<10240x128xf32, #tpu.memory_space<vmem_shared>>)
    %barrier3A_201 = arith.constant 0 : index
    tpu.barrier barrier_id(%barrier3A_201)
    %mul3A_202 = arith.constant 640 : i32
    %mul3A_203 = arith.muli %arg1, %mul3A_202 : i32
    %mul3A_204 = arith.constant 640 : i32
    %mul3A_205 = arith.muli %arg1, %mul3A_204 : i32
    "tpu.region"() ({
      %run_scoped3A = tpu.sem_alloc : memref<!tpu.dma_semaphore, #tpu.memory_space<semaphore_mem>>
      %dma_start3A_206 = arith.constant 0 : i32
      %dma_start3A_207 = tpu.memref_slice %arg10[%arg0, %mul3A_205, %dma_start3A_206] : memref<2x10240x128xf32, #tpu.memory_space<hbm>> -> memref<1x640x128xf32, #tpu.memory_space<hbm>>
      %dma_start3A_208 = tpu.memref_squeeze %dma_start3A_207 : memref<1x640x128xf32, #tpu.memory_space<hbm>> -> memref<640x128xf32, #tpu.memory_space<hbm>>
      %dma_start3A_209 = arith.constant 0 : i32
      %dma_start3A_210 = tpu.memref_slice %arg19[%mul3A_203, %dma_start3A_209] : memref<10240x128xf32, #tpu.memory_space<vmem_shared>> -> memref<640x128xf32, #tpu.memory_space<vmem_shared>>
      tpu.enqueue_dma source(%dma_start3A_210 : memref<640x128xf32, #tpu.memory_space<vmem_shared>>) target(%dma_start3A_208 : memref<640x128xf32, #tpu.memory_space<hbm>>) target_semaphore(%run_scoped3A : memref<!tpu.dma_semaphore, #tpu.memory_space<semaphore_mem>>)
      %dma_wait3A_211 = arith.constant 0 : i32
      %dma_wait3A_212 = tpu.memref_slice %arg10[%arg0, %mul3A_205, %dma_wait3A_211] : memref<2x10240x128xf32, #tpu.memory_space<hbm>> -> memref<1x640x128xf32, #tpu.memory_space<hbm>>
      %dma_wait3A_213 = tpu.memref_squeeze %dma_wait3A_212 : memref<1x640x128xf32, #tpu.memory_space<hbm>> -> memref<640x128xf32, #tpu.memory_space<hbm>>
      %dma_wait3A_214 = arith.constant 0 : i32
      %dma_wait3A_215 = tpu.memref_slice %arg19[%mul3A_203, %dma_wait3A_214] : memref<10240x128xf32, #tpu.memory_space<vmem_shared>> -> memref<640x128xf32, #tpu.memory_space<vmem_shared>>
      tpu.wait_dma2 semaphore(%run_scoped3A : memref<!tpu.dma_semaphore, #tpu.memory_space<semaphore_mem>>) src(%dma_wait3A_215 : memref<640x128xf32, #tpu.memory_space<vmem_shared>>) dst(%dma_wait3A_213 : memref<640x128xf32, #tpu.memory_space<hbm>>)
      tpu.yield
    }) : () -> ()
    return
  }
}

module attributes {stable_mosaic.version = 14 : i64} {
  func.func @_prep_body(%arg0: i32, %arg1: memref<1000x128xf32, #tpu.memory_space<vmem>>, %arg2: memref<128x128xf32, #tpu.memory_space<vmem>>, %arg3: memref<1x128xf32, #tpu.memory_space<vmem>>, %arg4: memref<128x128xf32, #tpu.memory_space<vmem>>, %arg5: memref<128x128xf32, #tpu.memory_space<vmem>>, %arg6: memref<1000x128xf32, #tpu.memory_space<vmem>>, %arg7: memref<1000x128xf32, #tpu.memory_space<vmem>>, %arg8: memref<1000x128xf32, #tpu.memory_space<vmem>>) attributes {dimension_semantics = [#tpu.dimension_semantics<arbitrary>], iteration_bounds = array<i64: 10>, scalar_prefetch = 0 : i64, scratch_operands = 0 : i64, tpu.core_type = #tpu.core_type<tc>, window_params = [{transform_indices = @transform_0, window_bounds = array<i64: 1000, 128>}, {pipeline_mode = #tpu.pipeline_mode<synchronous>, transform_indices = @transform_1, window_bounds = array<i64: 128, 128>}, {pipeline_mode = #tpu.pipeline_mode<synchronous>, transform_indices = @transform_2, window_bounds = array<i64: 1, 128>}, {pipeline_mode = #tpu.pipeline_mode<synchronous>, transform_indices = @transform_3, window_bounds = array<i64: 128, 128>}, {pipeline_mode = #tpu.pipeline_mode<synchronous>, transform_indices = @transform_4, window_bounds = array<i64: 128, 128>}, {transform_indices = @transform_5, window_bounds = array<i64: 1000, 128>}, {transform_indices = @transform_6, window_bounds = array<i64: 1000, 128>}, {transform_indices = @transform_7, window_bounds = array<i64: 1000, 128>}]} {
    %get3A = arith.constant 0 : index
    %get3A_0 = arith.constant 0 : index
    %get3A_1 = vector.load %arg1[%get3A, %get3A_0] : memref<1000x128xf32, #tpu.memory_space<vmem>>, vector<1000x128xf32>
    %get3A_2 = arith.constant 0 : index
    %get3A_3 = arith.constant 0 : index
    %get3A_4 = vector.load %arg2[%get3A_2, %get3A_3] : memref<128x128xf32, #tpu.memory_space<vmem>>, vector<128x128xf32>
    %convert_element_type3A = arith.truncf %get3A_1 : vector<1000x128xf32> to vector<1000x128xbf16>
    %convert_element_type3A_5 = arith.truncf %get3A_4 : vector<128x128xf32> to vector<128x128xbf16>
    %dot_general3A = arith.constant dense<0.000000e+00> : vector<1000x128xf32>
    %dot_general3A_6 = tpu.matmul %convert_element_type3A, %convert_element_type3A_5, %dot_general3A {dimension_numbers = #tpu.dot_dimension_numbers<[1], [0], [0], [1], [0, 0, 1, 1], [], []>, transpose_lhs_hint = false} : vector<1000x128xbf16>, vector<128x128xbf16>, vector<1000x128xf32> -> vector<1000x128xf32>
    %get3A_7 = arith.constant 0 : index
    %get3A_8 = arith.constant 0 : index
    %get3A_9 = vector.load %arg3[%get3A_7, %get3A_8] : memref<1x128xf32, #tpu.memory_space<vmem>>, vector<1x128xf32>
    %add3A = vector.broadcast %get3A_9 : vector<1x128xf32> to vector<1000x128xf32>
    %add3A_10 = arith.addf %dot_general3A_6, %add3A : vector<1000x128xf32>
    %swap3A = arith.constant 0 : index
    %swap3A_11 = arith.constant 0 : index
    %swap3A_12 = vector.load %arg6[%swap3A, %swap3A_11] : memref<1000x128xf32, #tpu.memory_space<vmem>>, vector<1000x128xf32>
    tpu.vector_store %arg6[%swap3A, %swap3A_11], %add3A_10 {strides = array<i32>} : memref<1000x128xf32, #tpu.memory_space<vmem>>, vector<1000x128xf32>,
    %get3A_13 = arith.constant 0 : index
    %get3A_14 = arith.constant 0 : index
    %get3A_15 = vector.load %arg4[%get3A_13, %get3A_14] : memref<128x128xf32, #tpu.memory_space<vmem>>, vector<128x128xf32>
    %convert_element_type3A_16 = arith.truncf %add3A_10 : vector<1000x128xf32> to vector<1000x128xbf16>
    %convert_element_type3A_17 = arith.truncf %get3A_15 : vector<128x128xf32> to vector<128x128xbf16>
    %dot_general3A_18 = arith.constant dense<0.000000e+00> : vector<1000x128xf32>
    %dot_general3A_19 = tpu.matmul %convert_element_type3A_16, %convert_element_type3A_17, %dot_general3A_18 {dimension_numbers = #tpu.dot_dimension_numbers<[1], [0], [0], [1], [0, 0, 1, 1], [], []>, transpose_lhs_hint = false} : vector<1000x128xbf16>, vector<128x128xbf16>, vector<1000x128xf32> -> vector<1000x128xf32>
    %swap3A_20 = arith.constant 0 : index
    %swap3A_21 = arith.constant 0 : index
    %swap3A_22 = vector.load %arg7[%swap3A_20, %swap3A_21] : memref<1000x128xf32, #tpu.memory_space<vmem>>, vector<1000x128xf32>
    tpu.vector_store %arg7[%swap3A_20, %swap3A_21], %dot_general3A_19 {strides = array<i32>} : memref<1000x128xf32, #tpu.memory_space<vmem>>, vector<1000x128xf32>,
    %get3A_23 = arith.constant 0 : index
    %get3A_24 = arith.constant 0 : index
    %get3A_25 = vector.load %arg5[%get3A_23, %get3A_24] : memref<128x128xf32, #tpu.memory_space<vmem>>, vector<128x128xf32>
    %convert_element_type3A_26 = arith.truncf %add3A_10 : vector<1000x128xf32> to vector<1000x128xbf16>
    %convert_element_type3A_27 = arith.truncf %get3A_25 : vector<128x128xf32> to vector<128x128xbf16>
    %dot_general3A_28 = arith.constant dense<0.000000e+00> : vector<1000x128xf32>
    %dot_general3A_29 = tpu.matmul %convert_element_type3A_26, %convert_element_type3A_27, %dot_general3A_28 {dimension_numbers = #tpu.dot_dimension_numbers<[1], [0], [0], [1], [0, 0, 1, 1], [], []>, transpose_lhs_hint = false} : vector<1000x128xbf16>, vector<128x128xbf16>, vector<1000x128xf32> -> vector<1000x128xf32>
    %swap3A_30 = arith.constant 0 : index
    %swap3A_31 = arith.constant 0 : index
    %swap3A_32 = vector.load %arg8[%swap3A_30, %swap3A_31] : memref<1000x128xf32, #tpu.memory_space<vmem>>, vector<1000x128xf32>
    tpu.vector_store %arg8[%swap3A_30, %swap3A_31], %dot_general3A_29 {strides = array<i32>} : memref<1000x128xf32, #tpu.memory_space<vmem>>, vector<1000x128xf32>,
    return
  }
  func.func @transform_0(%arg0: i32) -> (i32, i32) {
    %c0_i32 = arith.constant 0 : i32
    %c0_i32_0 = arith.constant 0 : i32
    return %arg0, %c0_i32 : i32, i32
  }
  func.func @transform_1(%arg0: i32) -> (i32, i32) {
    %c0_i32 = arith.constant 0 : i32
    %c0_i32_0 = arith.constant 0 : i32
    %c0_i32_1 = arith.constant 0 : i32
    return %c0_i32, %c0_i32_0 : i32, i32
  }
  func.func @transform_2(%arg0: i32) -> (i32, i32) {
    %c0_i32 = arith.constant 0 : i32
    %c0_i32_0 = arith.constant 0 : i32
    %c0_i32_1 = arith.constant 0 : i32
    return %c0_i32, %c0_i32_0 : i32, i32
  }
  func.func @transform_3(%arg0: i32) -> (i32, i32) {
    %c0_i32 = arith.constant 0 : i32
    %c0_i32_0 = arith.constant 0 : i32
    %c0_i32_1 = arith.constant 0 : i32
    return %c0_i32, %c0_i32_0 : i32, i32
  }
  func.func @transform_4(%arg0: i32) -> (i32, i32) {
    %c0_i32 = arith.constant 0 : i32
    %c0_i32_0 = arith.constant 0 : i32
    %c0_i32_1 = arith.constant 0 : i32
    return %c0_i32, %c0_i32_0 : i32, i32
  }
  func.func @transform_5(%arg0: i32) -> (i32, i32) {
    %c0_i32 = arith.constant 0 : i32
    %c0_i32_0 = arith.constant 0 : i32
    return %arg0, %c0_i32 : i32, i32
  }
  func.func @transform_6(%arg0: i32) -> (i32, i32) {
    %c0_i32 = arith.constant 0 : i32
    %c0_i32_0 = arith.constant 0 : i32
    return %arg0, %c0_i32 : i32, i32
  }
  func.func @transform_7(%arg0: i32) -> (i32, i32) {
    %c0_i32 = arith.constant 0 : i32
    %c0_i32_0 = arith.constant 0 : i32
    return %arg0, %c0_i32 : i32, i32
  }
}

module attributes {stable_mosaic.version = 14 : i64} {
  func.func @_a0_body(%arg0: i32, %arg1: memref<4000x128xf32, #tpu.memory_space<vmem>>, %arg2: memref<128x128xf32, #tpu.memory_space<vmem>>, %arg3: memref<1x128xf32, #tpu.memory_space<vmem>>, %arg4: memref<128x128xf32, #tpu.memory_space<vmem>>, %arg5: memref<1x128xf32, #tpu.memory_space<vmem>>, %arg6: memref<4000x128xf32, #tpu.memory_space<vmem>>) attributes {dimension_semantics = [#tpu.dimension_semantics<arbitrary>], iteration_bounds = array<i64: 80>, scalar_prefetch = 0 : i64, scratch_operands = 0 : i64, tpu.core_type = #tpu.core_type<tc>, window_params = [{transform_indices = @transform_0, window_bounds = array<i64: 4000, 128>}, {pipeline_mode = #tpu.pipeline_mode<synchronous>, transform_indices = @transform_1, window_bounds = array<i64: 128, 128>}, {pipeline_mode = #tpu.pipeline_mode<synchronous>, transform_indices = @transform_2, window_bounds = array<i64: 1, 128>}, {pipeline_mode = #tpu.pipeline_mode<synchronous>, transform_indices = @transform_3, window_bounds = array<i64: 128, 128>}, {pipeline_mode = #tpu.pipeline_mode<synchronous>, transform_indices = @transform_4, window_bounds = array<i64: 1, 128>}, {transform_indices = @transform_5, window_bounds = array<i64: 4000, 128>}]} {
    %get3A = arith.constant 0 : index
    %get3A_0 = arith.constant 0 : index
    %get3A_1 = vector.load %arg1[%get3A, %get3A_0] : memref<4000x128xf32, #tpu.memory_space<vmem>>, vector<4000x128xf32>
    %get3A_2 = arith.constant 0 : index
    %get3A_3 = arith.constant 0 : index
    %get3A_4 = vector.load %arg2[%get3A_2, %get3A_3] : memref<128x128xf32, #tpu.memory_space<vmem>>, vector<128x128xf32>
    %convert_element_type3A = arith.truncf %get3A_1 : vector<4000x128xf32> to vector<4000x128xbf16>
    %convert_element_type3A_5 = arith.truncf %get3A_4 : vector<128x128xf32> to vector<128x128xbf16>
    %dot_general3A = arith.constant dense<0.000000e+00> : vector<4000x128xf32>
    %dot_general3A_6 = tpu.matmul %convert_element_type3A, %convert_element_type3A_5, %dot_general3A {dimension_numbers = #tpu.dot_dimension_numbers<[1], [0], [0], [1], [0, 0, 1, 1], [], []>, transpose_lhs_hint = false} : vector<4000x128xbf16>, vector<128x128xbf16>, vector<4000x128xf32> -> vector<4000x128xf32>
    %get3A_7 = arith.constant 0 : index
    %get3A_8 = arith.constant 0 : index
    %get3A_9 = vector.load %arg3[%get3A_7, %get3A_8] : memref<1x128xf32, #tpu.memory_space<vmem>>, vector<1x128xf32>
    %add3A = vector.broadcast %get3A_9 : vector<1x128xf32> to vector<4000x128xf32>
    %add3A_10 = arith.addf %dot_general3A_6, %add3A : vector<4000x128xf32>
    %get3A_11 = arith.constant 0 : index
    %get3A_12 = arith.constant 0 : index
    %get3A_13 = vector.load %arg4[%get3A_11, %get3A_12] : memref<128x128xf32, #tpu.memory_space<vmem>>, vector<128x128xf32>
    %convert_element_type3A_14 = arith.truncf %add3A_10 : vector<4000x128xf32> to vector<4000x128xbf16>
    %convert_element_type3A_15 = arith.truncf %get3A_13 : vector<128x128xf32> to vector<128x128xbf16>
    %dot_general3A_16 = arith.constant dense<0.000000e+00> : vector<4000x128xf32>
    %dot_general3A_17 = tpu.matmul %convert_element_type3A_14, %convert_element_type3A_15, %dot_general3A_16 {dimension_numbers = #tpu.dot_dimension_numbers<[1], [0], [0], [1], [0, 0, 1, 1], [], []>, transpose_lhs_hint = false} : vector<4000x128xbf16>, vector<128x128xbf16>, vector<4000x128xf32> -> vector<4000x128xf32>
    %get3A_18 = arith.constant 0 : index
    %get3A_19 = arith.constant 0 : index
    %get3A_20 = vector.load %arg5[%get3A_18, %get3A_19] : memref<1x128xf32, #tpu.memory_space<vmem>>, vector<1x128xf32>
    %add3A_21 = vector.broadcast %get3A_20 : vector<1x128xf32> to vector<4000x128xf32>
    %add3A_22 = arith.addf %dot_general3A_17, %add3A_21 : vector<4000x128xf32>
    %swap3A = arith.constant 0 : index
    %swap3A_23 = arith.constant 0 : index
    %swap3A_24 = vector.load %arg6[%swap3A, %swap3A_23] : memref<4000x128xf32, #tpu.memory_space<vmem>>, vector<4000x128xf32>
    tpu.vector_store %arg6[%swap3A, %swap3A_23], %add3A_22 {strides = array<i32>} : memref<4000x128xf32, #tpu.memory_space<vmem>>, vector<4000x128xf32>,
    return
  }
  func.func @transform_0(%arg0: i32) -> (i32, i32) {
    %c0_i32 = arith.constant 0 : i32
    %c0_i32_0 = arith.constant 0 : i32
    return %arg0, %c0_i32 : i32, i32
  }
  func.func @transform_1(%arg0: i32) -> (i32, i32) {
    %c0_i32 = arith.constant 0 : i32
    %c0_i32_0 = arith.constant 0 : i32
    %c0_i32_1 = arith.constant 0 : i32
    return %c0_i32, %c0_i32_0 : i32, i32
  }
  func.func @transform_2(%arg0: i32) -> (i32, i32) {
    %c0_i32 = arith.constant 0 : i32
    %c0_i32_0 = arith.constant 0 : i32
    %c0_i32_1 = arith.constant 0 : i32
    return %c0_i32, %c0_i32_0 : i32, i32
  }
  func.func @transform_3(%arg0: i32) -> (i32, i32) {
    %c0_i32 = arith.constant 0 : i32
    %c0_i32_0 = arith.constant 0 : i32
    %c0_i32_1 = arith.constant 0 : i32
    return %c0_i32, %c0_i32_0 : i32, i32
  }
  func.func @transform_4(%arg0: i32) -> (i32, i32) {
    %c0_i32 = arith.constant 0 : i32
    %c0_i32_0 = arith.constant 0 : i32
    %c0_i32_1 = arith.constant 0 : i32
    return %c0_i32, %c0_i32_0 : i32, i32
  }
  func.func @transform_5(%arg0: i32) -> (i32, i32) {
    %c0_i32 = arith.constant 0 : i32
    %c0_i32_0 = arith.constant 0 : i32
    return %arg0, %c0_i32 : i32, i32
  }
}

module attributes {stable_mosaic.version = 14 : i64} {
  func.func @_glob1_body(%arg0: memref<1x128xf32, #tpu.memory_space<vmem>>, %arg1: memref<1x128xf32, #tpu.memory_space<vmem>>, %arg2: memref<128x128xf32, #tpu.memory_space<vmem>>, %arg3: memref<128x128xf32, #tpu.memory_space<vmem>>, %arg4: memref<1x128xf32, #tpu.memory_space<vmem>>, %arg5: memref<1x128xf32, #tpu.memory_space<vmem>>) attributes {dimension_semantics = [], scalar_prefetch = 0 : i64, scratch_operands = 0 : i64, tpu.core_type = #tpu.core_type<tc>} {
    %get3A = arith.constant 0 : index
    %get3A_0 = arith.constant 0 : index
    %get3A_1 = vector.load %arg0[%get3A, %get3A_0] : memref<1x128xf32, #tpu.memory_space<vmem>>, vector<1x128xf32>
    %get3A_2 = arith.constant 0 : index
    %get3A_3 = arith.constant 0 : index
    %get3A_4 = vector.load %arg2[%get3A_2, %get3A_3] : memref<128x128xf32, #tpu.memory_space<vmem>>, vector<128x128xf32>
    %convert_element_type3A = arith.truncf %get3A_1 : vector<1x128xf32> to vector<1x128xbf16>
    %convert_element_type3A_5 = arith.truncf %get3A_4 : vector<128x128xf32> to vector<128x128xbf16>
    %dot_general3A = arith.constant dense<0.000000e+00> : vector<1x128xf32>
    %dot_general3A_6 = tpu.matmul %convert_element_type3A, %convert_element_type3A_5, %dot_general3A {dimension_numbers = #tpu.dot_dimension_numbers<[1], [0], [0], [1], [0, 0, 1, 1], [], []>, transpose_lhs_hint = false} : vector<1x128xbf16>, vector<128x128xbf16>, vector<1x128xf32> -> vector<1x128xf32>
    %get3A_7 = arith.constant 0 : index
    %get3A_8 = arith.constant 0 : index
    %get3A_9 = vector.load %arg1[%get3A_7, %get3A_8] : memref<1x128xf32, #tpu.memory_space<vmem>>, vector<1x128xf32>
    %get3A_10 = arith.constant 0 : index
    %get3A_11 = arith.constant 0 : index
    %get3A_12 = vector.load %arg3[%get3A_10, %get3A_11] : memref<128x128xf32, #tpu.memory_space<vmem>>, vector<128x128xf32>
    %convert_element_type3A_13 = arith.truncf %get3A_9 : vector<1x128xf32> to vector<1x128xbf16>
    %convert_element_type3A_14 = arith.truncf %get3A_12 : vector<128x128xf32> to vector<128x128xbf16>
    %dot_general3A_15 = arith.constant dense<0.000000e+00> : vector<1x128xf32>
    %dot_general3A_16 = tpu.matmul %convert_element_type3A_13, %convert_element_type3A_14, %dot_general3A_15 {dimension_numbers = #tpu.dot_dimension_numbers<[1], [0], [0], [1], [0, 0, 1, 1], [], []>, transpose_lhs_hint = false} : vector<1x128xbf16>, vector<128x128xbf16>, vector<1x128xf32> -> vector<1x128xf32>
    %add3A = arith.addf %dot_general3A_6, %dot_general3A_16 : vector<1x128xf32>
    %get3A_17 = arith.constant 0 : index
    %get3A_18 = arith.constant 0 : index
    %get3A_19 = vector.load %arg4[%get3A_17, %get3A_18] : memref<1x128xf32, #tpu.memory_space<vmem>>, vector<1x128xf32>
    %add3A_20 = arith.addf %add3A, %get3A_19 : vector<1x128xf32>
    %max3A = arith.constant 0.000000e+00 : f32
    %max3A_21 = vector.broadcast %max3A : f32 to vector<1x128xf32>
    %max3A_22 = arith.maximumf %add3A_20, %max3A_21 : vector<1x128xf32>
    %swap3A = arith.constant 0 : index
    %swap3A_23 = arith.constant 0 : index
    %swap3A_24 = vector.load %arg5[%swap3A, %swap3A_23] : memref<1x128xf32, #tpu.memory_space<vmem>>, vector<1x128xf32>
    tpu.vector_store %arg5[%swap3A, %swap3A_23], %max3A_22 {strides = array<i32>} : memref<1x128xf32, #tpu.memory_space<vmem>>, vector<1x128xf32>,
    return
  }
}

module attributes {stable_mosaic.version = 14 : i64} {
  func.func @_node0_body(%arg0: i32, %arg1: memref<1000x128xf32, #tpu.memory_space<vmem>>, %arg2: memref<2x1000x128xf32, #tpu.memory_space<vmem>>, %arg3: memref<128x128xf32, #tpu.memory_space<vmem>>, %arg4: memref<128x128xf32, #tpu.memory_space<vmem>>, %arg5: memref<128x128xf32, #tpu.memory_space<vmem>>, %arg6: memref<1x128xf32, #tpu.memory_space<vmem>>, %arg7: memref<128x128xf32, #tpu.memory_space<vmem>>, %arg8: memref<128x128xf32, #tpu.memory_space<vmem>>, %arg9: memref<1000x128xf32, #tpu.memory_space<vmem>>, %arg10: memref<1000x128xf32, #tpu.memory_space<vmem>>, %arg11: memref<1000x128xf32, #tpu.memory_space<vmem>>, %arg12: memref<1x128xf32, #tpu.memory_space<vmem>>, %arg13: memref<1x128xf32, #tpu.memory_space<vmem>>) attributes {dimension_semantics = [#tpu.dimension_semantics<arbitrary>], iteration_bounds = array<i64: 10>, scalar_prefetch = 0 : i64, scratch_operands = 0 : i64, tpu.core_type = #tpu.core_type<tc>, window_params = [{transform_indices = @transform_0, window_bounds = array<i64: 1000, 128>}, {transform_indices = @transform_1, window_bounds = array<i64: 2, 1000, 128>}, {pipeline_mode = #tpu.pipeline_mode<synchronous>, transform_indices = @transform_2, window_bounds = array<i64: 128, 128>}, {pipeline_mode = #tpu.pipeline_mode<synchronous>, transform_indices = @transform_3, window_bounds = array<i64: 128, 128>}, {pipeline_mode = #tpu.pipeline_mode<synchronous>, transform_indices = @transform_4, window_bounds = array<i64: 128, 128>}, {pipeline_mode = #tpu.pipeline_mode<synchronous>, transform_indices = @transform_5, window_bounds = array<i64: 1, 128>}, {pipeline_mode = #tpu.pipeline_mode<synchronous>, transform_indices = @transform_6, window_bounds = array<i64: 128, 128>}, {pipeline_mode = #tpu.pipeline_mode<synchronous>, transform_indices = @transform_7, window_bounds = array<i64: 128, 128>}, {transform_indices = @transform_8, window_bounds = array<i64: 1000, 128>}, {transform_indices = @transform_9, window_bounds = array<i64: 1000, 128>}, {transform_indices = @transform_10, window_bounds = array<i64: 1000, 128>}, {pipeline_mode = #tpu.pipeline_mode<synchronous>, transform_indices = @transform_11, window_bounds = array<i64: 1, 128>}, {pipeline_mode = #tpu.pipeline_mode<synchronous>, transform_indices = @transform_12, window_bounds = array<i64: 1, 128>}]} {
    %get3A = arith.constant 0 : index
    %get3A_0 = arith.constant 0 : index
    %get3A_1 = arith.constant 0 : index
    %get3A_2 = vector.load %arg2[%get3A, %get3A_0, %get3A_1] : memref<2x1000x128xf32, #tpu.memory_space<vmem>>, vector<1x1000x128xf32>
    %get3A_3 = vector.shape_cast %get3A_2 : vector<1x1000x128xf32> to vector<1000x128xf32>
    %get3A_4 = arith.constant 1 : index
    %get3A_5 = arith.constant 0 : index
    %get3A_6 = arith.constant 0 : index
    %get3A_7 = vector.load %arg2[%get3A_4, %get3A_5, %get3A_6] : memref<2x1000x128xf32, #tpu.memory_space<vmem>>, vector<1x1000x128xf32>
    %get3A_8 = vector.shape_cast %get3A_7 : vector<1x1000x128xf32> to vector<1000x128xf32>
    %get3A_9 = arith.constant 0 : index
    %get3A_10 = arith.constant 0 : index
    %get3A_11 = vector.load %arg1[%get3A_9, %get3A_10] : memref<1000x128xf32, #tpu.memory_space<vmem>>, vector<1000x128xf32>
    %get3A_12 = arith.constant 0 : index
    %get3A_13 = arith.constant 0 : index
    %get3A_14 = vector.load %arg3[%get3A_12, %get3A_13] : memref<128x128xf32, #tpu.memory_space<vmem>>, vector<128x128xf32>
    %convert_element_type3A = arith.truncf %get3A_11 : vector<1000x128xf32> to vector<1000x128xbf16>
    %convert_element_type3A_15 = arith.truncf %get3A_14 : vector<128x128xf32> to vector<128x128xbf16>
    %dot_general3A = arith.constant dense<0.000000e+00> : vector<1000x128xf32>
    %dot_general3A_16 = tpu.matmul %convert_element_type3A, %convert_element_type3A_15, %dot_general3A {dimension_numbers = #tpu.dot_dimension_numbers<[1], [0], [0], [1], [0, 0, 1, 1], [], []>, transpose_lhs_hint = false} : vector<1000x128xbf16>, vector<128x128xbf16>, vector<1000x128xf32> -> vector<1000x128xf32>
    %get3A_17 = arith.constant 0 : index
    %get3A_18 = arith.constant 0 : index
    %get3A_19 = vector.load %arg4[%get3A_17, %get3A_18] : memref<128x128xf32, #tpu.memory_space<vmem>>, vector<128x128xf32>
    %convert_element_type3A_20 = arith.truncf %get3A_3 : vector<1000x128xf32> to vector<1000x128xbf16>
    %convert_element_type3A_21 = arith.truncf %get3A_19 : vector<128x128xf32> to vector<128x128xbf16>
    %dot_general3A_22 = arith.constant dense<0.000000e+00> : vector<1000x128xf32>
    %dot_general3A_23 = tpu.matmul %convert_element_type3A_20, %convert_element_type3A_21, %dot_general3A_22 {dimension_numbers = #tpu.dot_dimension_numbers<[1], [0], [0], [1], [0, 0, 1, 1], [], []>, transpose_lhs_hint = false} : vector<1000x128xbf16>, vector<128x128xbf16>, vector<1000x128xf32> -> vector<1000x128xf32>
    %add3A = arith.addf %dot_general3A_16, %dot_general3A_23 : vector<1000x128xf32>
    %get3A_24 = arith.constant 0 : index
    %get3A_25 = arith.constant 0 : index
    %get3A_26 = vector.load %arg5[%get3A_24, %get3A_25] : memref<128x128xf32, #tpu.memory_space<vmem>>, vector<128x128xf32>
    %convert_element_type3A_27 = arith.truncf %get3A_8 : vector<1000x128xf32> to vector<1000x128xbf16>
    %convert_element_type3A_28 = arith.truncf %get3A_26 : vector<128x128xf32> to vector<128x128xbf16>
    %dot_general3A_29 = arith.constant dense<0.000000e+00> : vector<1000x128xf32>
    %dot_general3A_30 = tpu.matmul %convert_element_type3A_27, %convert_element_type3A_28, %dot_general3A_29 {dimension_numbers = #tpu.dot_dimension_numbers<[1], [0], [0], [1], [0, 0, 1, 1], [], []>, transpose_lhs_hint = false} : vector<1000x128xbf16>, vector<128x128xbf16>, vector<1000x128xf32> -> vector<1000x128xf32>
    %add3A_31 = arith.addf %add3A, %dot_general3A_30 : vector<1000x128xf32>
    %get3A_32 = arith.constant 0 : index
    %get3A_33 = arith.constant 0 : index
    %get3A_34 = vector.load %arg6[%get3A_32, %get3A_33] : memref<1x128xf32, #tpu.memory_space<vmem>>, vector<1x128xf32>
    %add3A_35 = vector.broadcast %get3A_34 : vector<1x128xf32> to vector<1000x128xf32>
    %add3A_36 = arith.addf %add3A_31, %add3A_35 : vector<1000x128xf32>
    %max3A = arith.constant 0.000000e+00 : f32
    %max3A_37 = vector.broadcast %max3A : f32 to vector<1000x128xf32>
    %max3A_38 = arith.maximumf %add3A_36, %max3A_37 : vector<1000x128xf32>
    %swap3A = arith.constant 0 : index
    %swap3A_39 = arith.constant 0 : index
    %swap3A_40 = vector.load %arg9[%swap3A, %swap3A_39] : memref<1000x128xf32, #tpu.memory_space<vmem>>, vector<1000x128xf32>
    tpu.vector_store %arg9[%swap3A, %swap3A_39], %max3A_38 {strides = array<i32>} : memref<1000x128xf32, #tpu.memory_space<vmem>>, vector<1000x128xf32>,
    %get3A_41 = arith.constant 0 : index
    %get3A_42 = arith.constant 0 : index
    %get3A_43 = vector.load %arg7[%get3A_41, %get3A_42] : memref<128x128xf32, #tpu.memory_space<vmem>>, vector<128x128xf32>
    %convert_element_type3A_44 = arith.truncf %max3A_38 : vector<1000x128xf32> to vector<1000x128xbf16>
    %convert_element_type3A_45 = arith.truncf %get3A_43 : vector<128x128xf32> to vector<128x128xbf16>
    %dot_general3A_46 = arith.constant dense<0.000000e+00> : vector<1000x128xf32>
    %dot_general3A_47 = tpu.matmul %convert_element_type3A_44, %convert_element_type3A_45, %dot_general3A_46 {dimension_numbers = #tpu.dot_dimension_numbers<[1], [0], [0], [1], [0, 0, 1, 1], [], []>, transpose_lhs_hint = false} : vector<1000x128xbf16>, vector<128x128xbf16>, vector<1000x128xf32> -> vector<1000x128xf32>
    %swap3A_48 = arith.constant 0 : index
    %swap3A_49 = arith.constant 0 : index
    %swap3A_50 = vector.load %arg10[%swap3A_48, %swap3A_49] : memref<1000x128xf32, #tpu.memory_space<vmem>>, vector<1000x128xf32>
    tpu.vector_store %arg10[%swap3A_48, %swap3A_49], %dot_general3A_47 {strides = array<i32>} : memref<1000x128xf32, #tpu.memory_space<vmem>>, vector<1000x128xf32>,
    %get3A_51 = arith.constant 0 : index
    %get3A_52 = arith.constant 0 : index
    %get3A_53 = vector.load %arg8[%get3A_51, %get3A_52] : memref<128x128xf32, #tpu.memory_space<vmem>>, vector<128x128xf32>
    %convert_element_type3A_54 = arith.truncf %max3A_38 : vector<1000x128xf32> to vector<1000x128xbf16>
    %convert_element_type3A_55 = arith.truncf %get3A_53 : vector<128x128xf32> to vector<128x128xbf16>
    %dot_general3A_56 = arith.constant dense<0.000000e+00> : vector<1000x128xf32>
    %dot_general3A_57 = tpu.matmul %convert_element_type3A_54, %convert_element_type3A_55, %dot_general3A_56 {dimension_numbers = #tpu.dot_dimension_numbers<[1], [0], [0], [1], [0, 0, 1, 1], [], []>, transpose_lhs_hint = false} : vector<1000x128xbf16>, vector<128x128xbf16>, vector<1000x128xf32> -> vector<1000x128xf32>
    %swap3A_58 = arith.constant 0 : index
    %swap3A_59 = arith.constant 0 : index
    %swap3A_60 = vector.load %arg11[%swap3A_58, %swap3A_59] : memref<1000x128xf32, #tpu.memory_space<vmem>>, vector<1000x128xf32>
    tpu.vector_store %arg11[%swap3A_58, %swap3A_59], %dot_general3A_57 {strides = array<i32>} : memref<1000x128xf32, #tpu.memory_space<vmem>>, vector<1000x128xf32>,
    %reduce_sum3A = arith.constant dense<0.000000e+00> : vector<128xf32>
    %reduce_sum3A_61 = vector.multi_reduction <add>, %max3A_38, %reduce_sum3A [0] : vector<1000x128xf32> to vector<128xf32>
    %broadcast_in_dim3A = vector.shape_cast %reduce_sum3A_61 : vector<128xf32> to vector<1x128xf32>
    %reduce_sum3A_62 = arith.constant dense<0.000000e+00> : vector<128xf32>
    %reduce_sum3A_63 = vector.multi_reduction <add>, %get3A_3, %reduce_sum3A_62 [0] : vector<1000x128xf32> to vector<128xf32>
    %broadcast_in_dim3A_64 = vector.shape_cast %reduce_sum3A_63 : vector<128xf32> to vector<1x128xf32>
    %eq3A = arith.constant 0 : i32
    %eq3A_65 = arith.cmpi eq, %arg0, %eq3A : i32
    %convert_element_type3A_66 = arith.extui %eq3A_65 : i1 to i32
    %cond3A = arith.constant 0 : i32
    %cond3A_67 = arith.cmpi ne, %convert_element_type3A_66, %cond3A : i32
    scf.if %cond3A_67 {
      %swap3A_72 = arith.constant 0 : index
      %swap3A_73 = arith.constant 0 : index
      %swap3A_74 = vector.load %arg12[%swap3A_72, %swap3A_73] : memref<1x128xf32, #tpu.memory_space<vmem>>, vector<1x128xf32>
      tpu.vector_store %arg12[%swap3A_72, %swap3A_73], %broadcast_in_dim3A {strides = array<i32>} : memref<1x128xf32, #tpu.memory_space<vmem>>, vector<1x128xf32>,
      %swap3A_75 = arith.constant 0 : index
      %swap3A_76 = arith.constant 0 : index
      %swap3A_77 = vector.load %arg13[%swap3A_75, %swap3A_76] : memref<1x128xf32, #tpu.memory_space<vmem>>, vector<1x128xf32>
      tpu.vector_store %arg13[%swap3A_75, %swap3A_76], %broadcast_in_dim3A_64 {strides = array<i32>} : memref<1x128xf32, #tpu.memory_space<vmem>>, vector<1x128xf32>,
    } else {
    }
    %ne3A = arith.constant 0 : i32
    %ne3A_68 = arith.cmpi ne, %arg0, %ne3A : i32
    %convert_element_type3A_69 = arith.extui %ne3A_68 : i1 to i32
    %cond3A_70 = arith.constant 0 : i32
    %cond3A_71 = arith.cmpi ne, %convert_element_type3A_69, %cond3A_70 : i32
    scf.if %cond3A_71 {
      %get3A_72 = arith.constant 0 : index
      %get3A_73 = arith.constant 0 : index
      %get3A_74 = vector.load %arg12[%get3A_72, %get3A_73] : memref<1x128xf32, #tpu.memory_space<vmem>>, vector<1x128xf32>
      %add3A_75 = arith.addf %get3A_74, %broadcast_in_dim3A : vector<1x128xf32>
      %swap3A_76 = arith.constant 0 : index
      %swap3A_77 = arith.constant 0 : index
      %swap3A_78 = vector.load %arg12[%swap3A_76, %swap3A_77] : memref<1x128xf32, #tpu.memory_space<vmem>>, vector<1x128xf32>
      tpu.vector_store %arg12[%swap3A_76, %swap3A_77], %add3A_75 {strides = array<i32>} : memref<1x128xf32, #tpu.memory_space<vmem>>, vector<1x128xf32>,
      %get3A_79 = arith.constant 0 : index
      %get3A_80 = arith.constant 0 : index
      %get3A_81 = vector.load %arg13[%get3A_79, %get3A_80] : memref<1x128xf32, #tpu.memory_space<vmem>>, vector<1x128xf32>
      %add3A_82 = arith.addf %get3A_81, %broadcast_in_dim3A_64 : vector<1x128xf32>
      %swap3A_83 = arith.constant 0 : index
      %swap3A_84 = arith.constant 0 : index
      %swap3A_85 = vector.load %arg13[%swap3A_83, %swap3A_84] : memref<1x128xf32, #tpu.memory_space<vmem>>, vector<1x128xf32>
      tpu.vector_store %arg13[%swap3A_83, %swap3A_84], %add3A_82 {strides = array<i32>} : memref<1x128xf32, #tpu.memory_space<vmem>>, vector<1x128xf32>,
    } else {
    }
    return
  }
  func.func @transform_0(%arg0: i32) -> (i32, i32) {
    %c0_i32 = arith.constant 0 : i32
    %c0_i32_0 = arith.constant 0 : i32
    return %arg0, %c0_i32 : i32, i32
  }
  func.func @transform_1(%arg0: i32) -> (i32, i32, i32) {
    %c0_i32 = arith.constant 0 : i32
    %c0_i32_0 = arith.constant 0 : i32
    %c0_i32_1 = arith.constant 0 : i32
    return %c0_i32, %arg0, %c0_i32_0 : i32, i32, i32
  }
  func.func @transform_2(%arg0: i32) -> (i32, i32) {
    %c0_i32 = arith.constant 0 : i32
    %c0_i32_0 = arith.constant 0 : i32
    %c0_i32_1 = arith.constant 0 : i32
    return %c0_i32, %c0_i32_0 : i32, i32
  }
  func.func @transform_3(%arg0: i32) -> (i32, i32) {
    %c0_i32 = arith.constant 0 : i32
    %c0_i32_0 = arith.constant 0 : i32
    %c0_i32_1 = arith.constant 0 : i32
    return %c0_i32, %c0_i32_0 : i32, i32
  }
  func.func @transform_4(%arg0: i32) -> (i32, i32) {
    %c0_i32 = arith.constant 0 : i32
    %c0_i32_0 = arith.constant 0 : i32
    %c0_i32_1 = arith.constant 0 : i32
    return %c0_i32, %c0_i32_0 : i32, i32
  }
  func.func @transform_5(%arg0: i32) -> (i32, i32) {
    %c0_i32 = arith.constant 0 : i32
    %c0_i32_0 = arith.constant 0 : i32
    %c0_i32_1 = arith.constant 0 : i32
    return %c0_i32, %c0_i32_0 : i32, i32
  }
  func.func @transform_6(%arg0: i32) -> (i32, i32) {
    %c0_i32 = arith.constant 0 : i32
    %c0_i32_0 = arith.constant 0 : i32
    %c0_i32_1 = arith.constant 0 : i32
    return %c0_i32, %c0_i32_0 : i32, i32
  }
  func.func @transform_7(%arg0: i32) -> (i32, i32) {
    %c0_i32 = arith.constant 0 : i32
    %c0_i32_0 = arith.constant 0 : i32
    %c0_i32_1 = arith.constant 0 : i32
    return %c0_i32, %c0_i32_0 : i32, i32
  }
  func.func @transform_8(%arg0: i32) -> (i32, i32) {
    %c0_i32 = arith.constant 0 : i32
    %c0_i32_0 = arith.constant 0 : i32
    return %arg0, %c0_i32 : i32, i32
  }
  func.func @transform_9(%arg0: i32) -> (i32, i32) {
    %c0_i32 = arith.constant 0 : i32
    %c0_i32_0 = arith.constant 0 : i32
    return %arg0, %c0_i32 : i32, i32
  }
  func.func @transform_10(%arg0: i32) -> (i32, i32) {
    %c0_i32 = arith.constant 0 : i32
    %c0_i32_0 = arith.constant 0 : i32
    return %arg0, %c0_i32 : i32, i32
  }
  func.func @transform_11(%arg0: i32) -> (i32, i32) {
    %c0_i32 = arith.constant 0 : i32
    %c0_i32_0 = arith.constant 0 : i32
    %c0_i32_1 = arith.constant 0 : i32
    return %c0_i32, %c0_i32_0 : i32, i32
  }
  func.func @transform_12(%arg0: i32) -> (i32, i32) {
    %c0_i32 = arith.constant 0 : i32
    %c0_i32_0 = arith.constant 0 : i32
    %c0_i32_1 = arith.constant 0 : i32
    return %c0_i32, %c0_i32_0 : i32, i32
  }
}

module attributes {stable_mosaic.version = 14 : i64} {
  func.func @_a1_body(%arg0: i32, %arg1: memref<4000x128xf32, #tpu.memory_space<vmem>>, %arg2: memref<1x128xf32, #tpu.memory_space<vmem>>, %arg3: memref<128x128xf32, #tpu.memory_space<vmem>>, %arg4: memref<128x128xf32, #tpu.memory_space<vmem>>, %arg5: memref<1x128xf32, #tpu.memory_space<vmem>>, %arg6: memref<4000x128xf32, #tpu.memory_space<vmem>>) attributes {dimension_semantics = [#tpu.dimension_semantics<arbitrary>], iteration_bounds = array<i64: 80>, scalar_prefetch = 0 : i64, scratch_operands = 0 : i64, tpu.core_type = #tpu.core_type<tc>, window_params = [{transform_indices = @transform_0, window_bounds = array<i64: 4000, 128>}, {pipeline_mode = #tpu.pipeline_mode<synchronous>, transform_indices = @transform_1, window_bounds = array<i64: 1, 128>}, {pipeline_mode = #tpu.pipeline_mode<synchronous>, transform_indices = @transform_2, window_bounds = array<i64: 128, 128>}, {pipeline_mode = #tpu.pipeline_mode<synchronous>, transform_indices = @transform_3, window_bounds = array<i64: 128, 128>}, {pipeline_mode = #tpu.pipeline_mode<synchronous>, transform_indices = @transform_4, window_bounds = array<i64: 1, 128>}, {transform_indices = @transform_5, window_bounds = array<i64: 4000, 128>}]} {
    %get3A = arith.constant 0 : index
    %get3A_0 = arith.constant 0 : index
    %get3A_1 = vector.load %arg1[%get3A, %get3A_0] : memref<4000x128xf32, #tpu.memory_space<vmem>>, vector<4000x128xf32>
    %get3A_2 = arith.constant 0 : index
    %get3A_3 = arith.constant 0 : index
    %get3A_4 = vector.load %arg3[%get3A_2, %get3A_3] : memref<128x128xf32, #tpu.memory_space<vmem>>, vector<128x128xf32>
    %convert_element_type3A = arith.truncf %get3A_1 : vector<4000x128xf32> to vector<4000x128xbf16>
    %convert_element_type3A_5 = arith.truncf %get3A_4 : vector<128x128xf32> to vector<128x128xbf16>
    %dot_general3A = arith.constant dense<0.000000e+00> : vector<4000x128xf32>
    %dot_general3A_6 = tpu.matmul %convert_element_type3A, %convert_element_type3A_5, %dot_general3A {dimension_numbers = #tpu.dot_dimension_numbers<[1], [0], [0], [1], [0, 0, 1, 1], [], []>, transpose_lhs_hint = false} : vector<4000x128xbf16>, vector<128x128xbf16>, vector<4000x128xf32> -> vector<4000x128xf32>
    %get3A_7 = arith.constant 0 : index
    %get3A_8 = arith.constant 0 : index
    %get3A_9 = vector.load %arg2[%get3A_7, %get3A_8] : memref<1x128xf32, #tpu.memory_space<vmem>>, vector<1x128xf32>
    %get3A_10 = arith.constant 0 : index
    %get3A_11 = arith.constant 0 : index
    %get3A_12 = vector.load %arg4[%get3A_10, %get3A_11] : memref<128x128xf32, #tpu.memory_space<vmem>>, vector<128x128xf32>
    %convert_element_type3A_13 = arith.truncf %get3A_9 : vector<1x128xf32> to vector<1x128xbf16>
    %convert_element_type3A_14 = arith.truncf %get3A_12 : vector<128x128xf32> to vector<128x128xbf16>
    %dot_general3A_15 = arith.constant dense<0.000000e+00> : vector<1x128xf32>
    %dot_general3A_16 = tpu.matmul %convert_element_type3A_13, %convert_element_type3A_14, %dot_general3A_15 {dimension_numbers = #tpu.dot_dimension_numbers<[1], [0], [0], [1], [0, 0, 1, 1], [], []>, transpose_lhs_hint = false} : vector<1x128xbf16>, vector<128x128xbf16>, vector<1x128xf32> -> vector<1x128xf32>
    %add3A = vector.broadcast %dot_general3A_16 : vector<1x128xf32> to vector<4000x128xf32>
    %add3A_17 = arith.addf %dot_general3A_6, %add3A : vector<4000x128xf32>
    %get3A_18 = arith.constant 0 : index
    %get3A_19 = arith.constant 0 : index
    %get3A_20 = vector.load %arg5[%get3A_18, %get3A_19] : memref<1x128xf32, #tpu.memory_space<vmem>>, vector<1x128xf32>
    %add3A_21 = vector.broadcast %get3A_20 : vector<1x128xf32> to vector<4000x128xf32>
    %add3A_22 = arith.addf %add3A_17, %add3A_21 : vector<4000x128xf32>
    %swap3A = arith.constant 0 : index
    %swap3A_23 = arith.constant 0 : index
    %swap3A_24 = vector.load %arg6[%swap3A, %swap3A_23] : memref<4000x128xf32, #tpu.memory_space<vmem>>, vector<4000x128xf32>
    tpu.vector_store %arg6[%swap3A, %swap3A_23], %add3A_22 {strides = array<i32>} : memref<4000x128xf32, #tpu.memory_space<vmem>>, vector<4000x128xf32>,
    return
  }
  func.func @transform_0(%arg0: i32) -> (i32, i32) {
    %c0_i32 = arith.constant 0 : i32
    %c0_i32_0 = arith.constant 0 : i32
    return %arg0, %c0_i32 : i32, i32
  }
  func.func @transform_1(%arg0: i32) -> (i32, i32) {
    %c0_i32 = arith.constant 0 : i32
    %c0_i32_0 = arith.constant 0 : i32
    %c0_i32_1 = arith.constant 0 : i32
    return %c0_i32, %c0_i32_0 : i32, i32
  }
  func.func @transform_2(%arg0: i32) -> (i32, i32) {
    %c0_i32 = arith.constant 0 : i32
    %c0_i32_0 = arith.constant 0 : i32
    %c0_i32_1 = arith.constant 0 : i32
    return %c0_i32, %c0_i32_0 : i32, i32
  }
  func.func @transform_3(%arg0: i32) -> (i32, i32) {
    %c0_i32 = arith.constant 0 : i32
    %c0_i32_0 = arith.constant 0 : i32
    %c0_i32_1 = arith.constant 0 : i32
    return %c0_i32, %c0_i32_0 : i32, i32
  }
  func.func @transform_4(%arg0: i32) -> (i32, i32) {
    %c0_i32 = arith.constant 0 : i32
    %c0_i32_0 = arith.constant 0 : i32
    %c0_i32_1 = arith.constant 0 : i32
    return %c0_i32, %c0_i32_0 : i32, i32
  }
  func.func @transform_5(%arg0: i32) -> (i32, i32) {
    %c0_i32 = arith.constant 0 : i32
    %c0_i32_0 = arith.constant 0 : i32
    return %arg0, %c0_i32 : i32, i32
  }
}

module attributes {stable_mosaic.version = 14 : i64} {
  func.func @_node1_body(%arg0: i32, %arg1: memref<1000x128xf32, #tpu.memory_space<vmem>>, %arg2: memref<2x1000x128xf32, #tpu.memory_space<vmem>>, %arg3: memref<1x128xf32, #tpu.memory_space<vmem>>, %arg4: memref<128x128xf32, #tpu.memory_space<vmem>>, %arg5: memref<128x128xf32, #tpu.memory_space<vmem>>, %arg6: memref<128x128xf32, #tpu.memory_space<vmem>>, %arg7: memref<128x128xf32, #tpu.memory_space<vmem>>, %arg8: memref<1x128xf32, #tpu.memory_space<vmem>>, %arg9: memref<1x128xf32, #tpu.memory_space<vmem>>, %arg10: memref<1x128xf32, #tpu.memory_space<vmem>>) attributes {dimension_semantics = [#tpu.dimension_semantics<arbitrary>], iteration_bounds = array<i64: 10>, scalar_prefetch = 0 : i64, scratch_operands = 0 : i64, tpu.core_type = #tpu.core_type<tc>, window_params = [{transform_indices = @transform_0, window_bounds = array<i64: 1000, 128>}, {transform_indices = @transform_1, window_bounds = array<i64: 2, 1000, 128>}, {pipeline_mode = #tpu.pipeline_mode<synchronous>, transform_indices = @transform_2, window_bounds = array<i64: 1, 128>}, {pipeline_mode = #tpu.pipeline_mode<synchronous>, transform_indices = @transform_3, window_bounds = array<i64: 128, 128>}, {pipeline_mode = #tpu.pipeline_mode<synchronous>, transform_indices = @transform_4, window_bounds = array<i64: 128, 128>}, {pipeline_mode = #tpu.pipeline_mode<synchronous>, transform_indices = @transform_5, window_bounds = array<i64: 128, 128>}, {pipeline_mode = #tpu.pipeline_mode<synchronous>, transform_indices = @transform_6, window_bounds = array<i64: 128, 128>}, {pipeline_mode = #tpu.pipeline_mode<synchronous>, transform_indices = @transform_7, window_bounds = array<i64: 1, 128>}, {pipeline_mode = #tpu.pipeline_mode<synchronous>, transform_indices = @transform_8, window_bounds = array<i64: 1, 128>}, {pipeline_mode = #tpu.pipeline_mode<synchronous>, transform_indices = @transform_9, window_bounds = array<i64: 1, 128>}]} {
    %get3A = arith.constant 0 : index
    %get3A_0 = arith.constant 0 : index
    %get3A_1 = arith.constant 0 : index
    %get3A_2 = vector.load %arg2[%get3A, %get3A_0, %get3A_1] : memref<2x1000x128xf32, #tpu.memory_space<vmem>>, vector<1x1000x128xf32>
    %get3A_3 = vector.shape_cast %get3A_2 : vector<1x1000x128xf32> to vector<1000x128xf32>
    %get3A_4 = arith.constant 1 : index
    %get3A_5 = arith.constant 0 : index
    %get3A_6 = arith.constant 0 : index
    %get3A_7 = vector.load %arg2[%get3A_4, %get3A_5, %get3A_6] : memref<2x1000x128xf32, #tpu.memory_space<vmem>>, vector<1x1000x128xf32>
    %get3A_8 = vector.shape_cast %get3A_7 : vector<1x1000x128xf32> to vector<1000x128xf32>
    %get3A_9 = arith.constant 0 : index
    %get3A_10 = arith.constant 0 : index
    %get3A_11 = vector.load %arg3[%get3A_9, %get3A_10] : memref<1x128xf32, #tpu.memory_space<vmem>>, vector<1x128xf32>
    %get3A_12 = arith.constant 0 : index
    %get3A_13 = arith.constant 0 : index
    %get3A_14 = vector.load %arg7[%get3A_12, %get3A_13] : memref<128x128xf32, #tpu.memory_space<vmem>>, vector<128x128xf32>
    %convert_element_type3A = arith.truncf %get3A_11 : vector<1x128xf32> to vector<1x128xbf16>
    %convert_element_type3A_15 = arith.truncf %get3A_14 : vector<128x128xf32> to vector<128x128xbf16>
    %dot_general3A = arith.constant dense<0.000000e+00> : vector<1x128xf32>
    %dot_general3A_16 = tpu.matmul %convert_element_type3A, %convert_element_type3A_15, %dot_general3A {dimension_numbers = #tpu.dot_dimension_numbers<[1], [0], [0], [1], [0, 0, 1, 1], [], []>, transpose_lhs_hint = false} : vector<1x128xbf16>, vector<128x128xbf16>, vector<1x128xf32> -> vector<1x128xf32>
    %get3A_17 = arith.constant 0 : index
    %get3A_18 = arith.constant 0 : index
    %get3A_19 = vector.load %arg8[%get3A_17, %get3A_18] : memref<1x128xf32, #tpu.memory_space<vmem>>, vector<1x128xf32>
    %add3A = arith.addf %dot_general3A_16, %get3A_19 : vector<1x128xf32>
    %get3A_20 = arith.constant 0 : index
    %get3A_21 = arith.constant 0 : index
    %get3A_22 = vector.load %arg1[%get3A_20, %get3A_21] : memref<1000x128xf32, #tpu.memory_space<vmem>>, vector<1000x128xf32>
    %get3A_23 = arith.constant 0 : index
    %get3A_24 = arith.constant 0 : index
    %get3A_25 = vector.load %arg4[%get3A_23, %get3A_24] : memref<128x128xf32, #tpu.memory_space<vmem>>, vector<128x128xf32>
    %convert_element_type3A_26 = arith.truncf %get3A_22 : vector<1000x128xf32> to vector<1000x128xbf16>
    %convert_element_type3A_27 = arith.truncf %get3A_25 : vector<128x128xf32> to vector<128x128xbf16>
    %dot_general3A_28 = arith.constant dense<0.000000e+00> : vector<1000x128xf32>
    %dot_general3A_29 = tpu.matmul %convert_element_type3A_26, %convert_element_type3A_27, %dot_general3A_28 {dimension_numbers = #tpu.dot_dimension_numbers<[1], [0], [0], [1], [0, 0, 1, 1], [], []>, transpose_lhs_hint = false} : vector<1000x128xbf16>, vector<128x128xbf16>, vector<1000x128xf32> -> vector<1000x128xf32>
    %get3A_30 = arith.constant 0 : index
    %get3A_31 = arith.constant 0 : index
    %get3A_32 = vector.load %arg5[%get3A_30, %get3A_31] : memref<128x128xf32, #tpu.memory_space<vmem>>, vector<128x128xf32>
    %convert_element_type3A_33 = arith.truncf %get3A_3 : vector<1000x128xf32> to vector<1000x128xbf16>
    %convert_element_type3A_34 = arith.truncf %get3A_32 : vector<128x128xf32> to vector<128x128xbf16>
    %dot_general3A_35 = arith.constant dense<0.000000e+00> : vector<1000x128xf32>
    %dot_general3A_36 = tpu.matmul %convert_element_type3A_33, %convert_element_type3A_34, %dot_general3A_35 {dimension_numbers = #tpu.dot_dimension_numbers<[1], [0], [0], [1], [0, 0, 1, 1], [], []>, transpose_lhs_hint = false} : vector<1000x128xbf16>, vector<128x128xbf16>, vector<1000x128xf32> -> vector<1000x128xf32>
    %add3A_37 = arith.addf %dot_general3A_29, %dot_general3A_36 : vector<1000x128xf32>
    %get3A_38 = arith.constant 0 : index
    %get3A_39 = arith.constant 0 : index
    %get3A_40 = vector.load %arg6[%get3A_38, %get3A_39] : memref<128x128xf32, #tpu.memory_space<vmem>>, vector<128x128xf32>
    %convert_element_type3A_41 = arith.truncf %get3A_8 : vector<1000x128xf32> to vector<1000x128xbf16>
    %convert_element_type3A_42 = arith.truncf %get3A_40 : vector<128x128xf32> to vector<128x128xbf16>
    %dot_general3A_43 = arith.constant dense<0.000000e+00> : vector<1000x128xf32>
    %dot_general3A_44 = tpu.matmul %convert_element_type3A_41, %convert_element_type3A_42, %dot_general3A_43 {dimension_numbers = #tpu.dot_dimension_numbers<[1], [0], [0], [1], [0, 0, 1, 1], [], []>, transpose_lhs_hint = false} : vector<1000x128xbf16>, vector<128x128xbf16>, vector<1000x128xf32> -> vector<1000x128xf32>
    %add3A_45 = arith.addf %add3A_37, %dot_general3A_44 : vector<1000x128xf32>
    %add3A_46 = vector.broadcast %add3A : vector<1x128xf32> to vector<1000x128xf32>
    %add3A_47 = arith.addf %add3A_45, %add3A_46 : vector<1000x128xf32>
    %max3A = arith.constant 0.000000e+00 : f32
    %max3A_48 = vector.broadcast %max3A : f32 to vector<1000x128xf32>
    %max3A_49 = arith.maximumf %add3A_47, %max3A_48 : vector<1000x128xf32>
    %reduce_sum3A = arith.constant dense<0.000000e+00> : vector<128xf32>
    %reduce_sum3A_50 = vector.multi_reduction <add>, %max3A_49, %reduce_sum3A [0] : vector<1000x128xf32> to vector<128xf32>
    %broadcast_in_dim3A = vector.shape_cast %reduce_sum3A_50 : vector<128xf32> to vector<1x128xf32>
    %reduce_sum3A_51 = arith.constant dense<0.000000e+00> : vector<128xf32>
    %reduce_sum3A_52 = vector.multi_reduction <add>, %get3A_3, %reduce_sum3A_51 [0] : vector<1000x128xf32> to vector<128xf32>
    %broadcast_in_dim3A_53 = vector.shape_cast %reduce_sum3A_52 : vector<128xf32> to vector<1x128xf32>
    %eq3A = arith.constant 0 : i32
    %eq3A_54 = arith.cmpi eq, %arg0, %eq3A : i32
    %convert_element_type3A_55 = arith.extui %eq3A_54 : i1 to i32
    %cond3A = arith.constant 0 : i32
    %cond3A_56 = arith.cmpi ne, %convert_element_type3A_55, %cond3A : i32
    scf.if %cond3A_56 {
      %swap3A = arith.constant 0 : index
      %swap3A_61 = arith.constant 0 : index
      %swap3A_62 = vector.load %arg9[%swap3A, %swap3A_61] : memref<1x128xf32, #tpu.memory_space<vmem>>, vector<1x128xf32>
      tpu.vector_store %arg9[%swap3A, %swap3A_61], %broadcast_in_dim3A {strides = array<i32>} : memref<1x128xf32, #tpu.memory_space<vmem>>, vector<1x128xf32>,
      %swap3A_63 = arith.constant 0 : index
      %swap3A_64 = arith.constant 0 : index
      %swap3A_65 = vector.load %arg10[%swap3A_63, %swap3A_64] : memref<1x128xf32, #tpu.memory_space<vmem>>, vector<1x128xf32>
      tpu.vector_store %arg10[%swap3A_63, %swap3A_64], %broadcast_in_dim3A_53 {strides = array<i32>} : memref<1x128xf32, #tpu.memory_space<vmem>>, vector<1x128xf32>,
    } else {
    }
    %ne3A = arith.constant 0 : i32
    %ne3A_57 = arith.cmpi ne, %arg0, %ne3A : i32
    %convert_element_type3A_58 = arith.extui %ne3A_57 : i1 to i32
    %cond3A_59 = arith.constant 0 : i32
    %cond3A_60 = arith.cmpi ne, %convert_element_type3A_58, %cond3A_59 : i32
    scf.if %cond3A_60 {
      %get3A_61 = arith.constant 0 : index
      %get3A_62 = arith.constant 0 : index
      %get3A_63 = vector.load %arg9[%get3A_61, %get3A_62] : memref<1x128xf32, #tpu.memory_space<vmem>>, vector<1x128xf32>
      %add3A_64 = arith.addf %get3A_63, %broadcast_in_dim3A : vector<1x128xf32>
      %swap3A = arith.constant 0 : index
      %swap3A_65 = arith.constant 0 : index
      %swap3A_66 = vector.load %arg9[%swap3A, %swap3A_65] : memref<1x128xf32, #tpu.memory_space<vmem>>, vector<1x128xf32>
      tpu.vector_store %arg9[%swap3A, %swap3A_65], %add3A_64 {strides = array<i32>} : memref<1x128xf32, #tpu.memory_space<vmem>>, vector<1x128xf32>,
      %get3A_67 = arith.constant 0 : index
      %get3A_68 = arith.constant 0 : index
      %get3A_69 = vector.load %arg10[%get3A_67, %get3A_68] : memref<1x128xf32, #tpu.memory_space<vmem>>, vector<1x128xf32>
      %add3A_70 = arith.addf %get3A_69, %broadcast_in_dim3A_53 : vector<1x128xf32>
      %swap3A_71 = arith.constant 0 : index
      %swap3A_72 = arith.constant 0 : index
      %swap3A_73 = vector.load %arg10[%swap3A_71, %swap3A_72] : memref<1x128xf32, #tpu.memory_space<vmem>>, vector<1x128xf32>
      tpu.vector_store %arg10[%swap3A_71, %swap3A_72], %add3A_70 {strides = array<i32>} : memref<1x128xf32, #tpu.memory_space<vmem>>, vector<1x128xf32>,
    } else {
    }
    return
  }
  func.func @transform_0(%arg0: i32) -> (i32, i32) {
    %c0_i32 = arith.constant 0 : i32
    %c0_i32_0 = arith.constant 0 : i32
    return %arg0, %c0_i32 : i32, i32
  }
  func.func @transform_1(%arg0: i32) -> (i32, i32, i32) {
    %c0_i32 = arith.constant 0 : i32
    %c0_i32_0 = arith.constant 0 : i32
    %c0_i32_1 = arith.constant 0 : i32
    return %c0_i32, %arg0, %c0_i32_0 : i32, i32, i32
  }
  func.func @transform_2(%arg0: i32) -> (i32, i32) {
    %c0_i32 = arith.constant 0 : i32
    %c0_i32_0 = arith.constant 0 : i32
    %c0_i32_1 = arith.constant 0 : i32
    return %c0_i32, %c0_i32_0 : i32, i32
  }
  func.func @transform_3(%arg0: i32) -> (i32, i32) {
    %c0_i32 = arith.constant 0 : i32
    %c0_i32_0 = arith.constant 0 : i32
    %c0_i32_1 = arith.constant 0 : i32
    return %c0_i32, %c0_i32_0 : i32, i32
  }
  func.func @transform_4(%arg0: i32) -> (i32, i32) {
    %c0_i32 = arith.constant 0 : i32
    %c0_i32_0 = arith.constant 0 : i32
    %c0_i32_1 = arith.constant 0 : i32
    return %c0_i32, %c0_i32_0 : i32, i32
  }
  func.func @transform_5(%arg0: i32) -> (i32, i32) {
    %c0_i32 = arith.constant 0 : i32
    %c0_i32_0 = arith.constant 0 : i32
    %c0_i32_1 = arith.constant 0 : i32
    return %c0_i32, %c0_i32_0 : i32, i32
  }
  func.func @transform_6(%arg0: i32) -> (i32, i32) {
    %c0_i32 = arith.constant 0 : i32
    %c0_i32_0 = arith.constant 0 : i32
    %c0_i32_1 = arith.constant 0 : i32
    return %c0_i32, %c0_i32_0 : i32, i32
  }
  func.func @transform_7(%arg0: i32) -> (i32, i32) {
    %c0_i32 = arith.constant 0 : i32
    %c0_i32_0 = arith.constant 0 : i32
    %c0_i32_1 = arith.constant 0 : i32
    return %c0_i32, %c0_i32_0 : i32, i32
  }
  func.func @transform_8(%arg0: i32) -> (i32, i32) {
    %c0_i32 = arith.constant 0 : i32
    %c0_i32_0 = arith.constant 0 : i32
    %c0_i32_1 = arith.constant 0 : i32
    return %c0_i32, %c0_i32_0 : i32, i32
  }
  func.func @transform_9(%arg0: i32) -> (i32, i32) {
    %c0_i32 = arith.constant 0 : i32
    %c0_i32_0 = arith.constant 0 : i32
    %c0_i32_1 = arith.constant 0 : i32
    return %c0_i32, %c0_i32_0 : i32, i32
  }
}

module attributes {stable_mosaic.version = 14 : i64} {
  func.func @_final_body(%arg0: memref<1x128xf32, #tpu.memory_space<vmem>>, %arg1: memref<1x128xf32, #tpu.memory_space<vmem>>, %arg2: memref<1x128xf32, #tpu.memory_space<vmem>>, %arg3: memref<128x128xf32, #tpu.memory_space<vmem>>, %arg4: memref<128x128xf32, #tpu.memory_space<vmem>>, %arg5: memref<128x128xf32, #tpu.memory_space<vmem>>, %arg6: memref<1x128xf32, #tpu.memory_space<vmem>>, %arg7: memref<1x128xf32, #tpu.memory_space<vmem>>, %arg8: memref<1x1xf32, #tpu.memory_space<vmem>>, %arg9: memref<1x1xf32, #tpu.memory_space<vmem>>) attributes {dimension_semantics = [], scalar_prefetch = 0 : i64, scratch_operands = 0 : i64, tpu.core_type = #tpu.core_type<tc>} {
    %get3A = arith.constant 0 : index
    %get3A_0 = arith.constant 0 : index
    %get3A_1 = vector.load %arg0[%get3A, %get3A_0] : memref<1x128xf32, #tpu.memory_space<vmem>>, vector<1x128xf32>
    %get3A_2 = arith.constant 0 : index
    %get3A_3 = arith.constant 0 : index
    %get3A_4 = vector.load %arg3[%get3A_2, %get3A_3] : memref<128x128xf32, #tpu.memory_space<vmem>>, vector<128x128xf32>
    %convert_element_type3A = arith.truncf %get3A_1 : vector<1x128xf32> to vector<1x128xbf16>
    %convert_element_type3A_5 = arith.truncf %get3A_4 : vector<128x128xf32> to vector<128x128xbf16>
    %dot_general3A = arith.constant dense<0.000000e+00> : vector<1x128xf32>
    %dot_general3A_6 = tpu.matmul %convert_element_type3A, %convert_element_type3A_5, %dot_general3A {dimension_numbers = #tpu.dot_dimension_numbers<[1], [0], [0], [1], [0, 0, 1, 1], [], []>, transpose_lhs_hint = false} : vector<1x128xbf16>, vector<128x128xbf16>, vector<1x128xf32> -> vector<1x128xf32>
    %get3A_7 = arith.constant 0 : index
    %get3A_8 = arith.constant 0 : index
    %get3A_9 = vector.load %arg1[%get3A_7, %get3A_8] : memref<1x128xf32, #tpu.memory_space<vmem>>, vector<1x128xf32>
    %get3A_10 = arith.constant 0 : index
    %get3A_11 = arith.constant 0 : index
    %get3A_12 = vector.load %arg4[%get3A_10, %get3A_11] : memref<128x128xf32, #tpu.memory_space<vmem>>, vector<128x128xf32>
    %convert_element_type3A_13 = arith.truncf %get3A_9 : vector<1x128xf32> to vector<1x128xbf16>
    %convert_element_type3A_14 = arith.truncf %get3A_12 : vector<128x128xf32> to vector<128x128xbf16>
    %dot_general3A_15 = arith.constant dense<0.000000e+00> : vector<1x128xf32>
    %dot_general3A_16 = tpu.matmul %convert_element_type3A_13, %convert_element_type3A_14, %dot_general3A_15 {dimension_numbers = #tpu.dot_dimension_numbers<[1], [0], [0], [1], [0, 0, 1, 1], [], []>, transpose_lhs_hint = false} : vector<1x128xbf16>, vector<128x128xbf16>, vector<1x128xf32> -> vector<1x128xf32>
    %add3A = arith.addf %dot_general3A_6, %dot_general3A_16 : vector<1x128xf32>
    %get3A_17 = arith.constant 0 : index
    %get3A_18 = arith.constant 0 : index
    %get3A_19 = vector.load %arg2[%get3A_17, %get3A_18] : memref<1x128xf32, #tpu.memory_space<vmem>>, vector<1x128xf32>
    %get3A_20 = arith.constant 0 : index
    %get3A_21 = arith.constant 0 : index
    %get3A_22 = vector.load %arg5[%get3A_20, %get3A_21] : memref<128x128xf32, #tpu.memory_space<vmem>>, vector<128x128xf32>
    %convert_element_type3A_23 = arith.truncf %get3A_19 : vector<1x128xf32> to vector<1x128xbf16>
    %convert_element_type3A_24 = arith.truncf %get3A_22 : vector<128x128xf32> to vector<128x128xbf16>
    %dot_general3A_25 = arith.constant dense<0.000000e+00> : vector<1x128xf32>
    %dot_general3A_26 = tpu.matmul %convert_element_type3A_23, %convert_element_type3A_24, %dot_general3A_25 {dimension_numbers = #tpu.dot_dimension_numbers<[1], [0], [0], [1], [0, 0, 1, 1], [], []>, transpose_lhs_hint = false} : vector<1x128xbf16>, vector<128x128xbf16>, vector<1x128xf32> -> vector<1x128xf32>
    %add3A_27 = arith.addf %add3A, %dot_general3A_26 : vector<1x128xf32>
    %get3A_28 = arith.constant 0 : index
    %get3A_29 = arith.constant 0 : index
    %get3A_30 = vector.load %arg6[%get3A_28, %get3A_29] : memref<1x128xf32, #tpu.memory_space<vmem>>, vector<1x128xf32>
    %add3A_31 = arith.addf %add3A_27, %get3A_30 : vector<1x128xf32>
    %max3A = arith.constant 0.000000e+00 : f32
    %max3A_32 = vector.broadcast %max3A : f32 to vector<1x128xf32>
    %max3A_33 = arith.maximumf %add3A_31, %max3A_32 : vector<1x128xf32>
    %get3A_34 = arith.constant 0 : index
    %get3A_35 = arith.constant 0 : index
    %get3A_36 = vector.load %arg7[%get3A_34, %get3A_35] : memref<1x128xf32, #tpu.memory_space<vmem>>, vector<1x128xf32>
    %mul3A = arith.mulf %max3A_33, %get3A_36 : vector<1x128xf32>
    %reduce_sum3A = arith.constant dense<0.000000e+00> : vector<1xf32>
    %reduce_sum3A_37 = vector.multi_reduction <add>, %mul3A, %reduce_sum3A [1] : vector<1x128xf32> to vector<1xf32>
    %broadcast_in_dim3A = vector.shape_cast %reduce_sum3A_37 : vector<1xf32> to vector<1x1xf32>
    %get3A_38 = arith.constant 0 : index
    %get3A_39 = arith.constant 0 : index
    %get3A_40 = vector.load %arg8[%get3A_38, %get3A_39] : memref<1x1xf32, #tpu.memory_space<vmem>>, vector<1x1xf32>
    %add3A_41 = arith.addf %broadcast_in_dim3A, %get3A_40 : vector<1x1xf32>
    %swap3A = arith.constant 0 : index
    %swap3A_42 = arith.constant 0 : index
    %swap3A_43 = vector.load %arg9[%swap3A, %swap3A_42] : memref<1x1xf32, #tpu.memory_space<vmem>>, vector<1x1xf32>
    tpu.vector_store %arg9[%swap3A, %swap3A_42], %add3A_41 {strides = array<i32>} : memref<1x1xf32, #tpu.memory_space<vmem>>, vector<1x1xf32>,
    return
  }
}

</mosaic_0001>

<sc_bundles>
// kernel: kernel.13.cloned.1.call-start
scs
__scs_entry_jumppad:
0x0: {  	(pc) =	sbr.rel $0x88, $3  }
0x1: {  	(tag) =	ssettag $0x0;
	lr =	simm.s32 $0x1  }
0x2: {  	[smem:$0x3F8B] =	sst lr;
	_ =	strace $0xD0000000  }
0x3: {  	_ = 	snop  }
0x4: {  	_ = 	snop  }
0x5: {  	_ = 	snop  }
0x6: {  	_ = 	snop  }
0x7: {  	_ = 	snop  }
__scs_overlays_trampoline_lowered:
0x8: {  	[smem:$0x3F9A] =	sst s0  }
0x9: {  	[smem:$0x3F9B] =	sst s1  }
0xa: {  	[smem:$0x3F9C] =	sst s2  }
0xb: {  	[smem:$0x3F9D] =	sst s3  }
0xc: {  	[smem:$0x3F9E] =	sst s4  }
0xd: {  	[smem:$0x3F9F] =	sst s5  }
0xe: {  	[smem:$0x3FA0] =	sst s6  }
0xf: {  	[smem:$0x3FA1] =	sst s7  }
0x10: {  	[smem:$0x3FA2] =	sst s8  }
0x11: {  	[smem:$0x3FA3] =	sst s9;
	s0 =	simm.s32 @!p0 $0x0  }
0x12: {  	s1 =	sld [smem:$0x3F89];
	s0 =	simm.s32 @p0 $0x1  }
0x13: {  	[smem:$0x3FA4] =	sst s0;
	s0 =	simm.s32 @!p1 $0x0  }
0x14: {  	s2 =	sld [smem:$0x3F88];
	s0 =	simm.s32 @p1 $0x1  }
0x15: {  	[smem:$0x3FA5] =	sst s0;
	s0 =	simm.s32 @!p2 $0x0  }
0x16: {  	s3 =	sld [smem:$0x3FDB];
	s0 =	simm.s32 @p2 $0x1  }
0x17: {  	s4 =	simm.s32 $0x1BF5;
	[smem:$0x3FA7] =	sst s0  }
0x18: {  	s0 =	sld [smem:$0x3F8A];
	_ =	swait.ge [sflag:s4], $0x0  }
0x19: {  	s7 =	sld [smem:$0x3F8B]  }
0x1a: {  	s8 =	sadd.s32 $0xFFFFE003, lr  }
0x1b: {  	s9 =	sadd.s32 $0xFFFFFEF7, lr;
	s5 =	simm.s32 $0xFFFFFFFF;
	p2 =	slt.u32 s8, $0xFFFFF086  }
0x1c: {  	p1 =	slt.u32 s9, $0xF7A;
	s5 =	simm.s32 @!p2 $0x0  }
0x1d: {  	s5 =	simm.s32 @p1 $0x1;
	p0 =	seq.s32 s7, s2  }
0x1e: {  	s7 =	smul.u32 @!p0 $0xF7A, s2;
	p2 =	seq.s32 @!p0 s5, $0x0  }
0x1f: {  	s9 =	smul.u32 $0xF7A, s1;
	s8 =	simm.s32 @!p0 $0x1BF5;
	p2 =	por !p2, p0  }
0x20: {  	[sflag:s8] =	ssyncset.s32 @!p0 $0xFFFFF086;
	s6 =	sadd.s32 @!p0 s3, s7;
	s7 =	simm.s32 @!p0 $0x108  }
0x21: {  	s3 =	sadd.s32 s3, s9;
	s6 =	sadd.s32 @!p0 $0x88, s6;
	s7 =	simm.s32 @p2 $0x1082  }
0x22: {  	[simem:s7], [sflag:s8] =	dma.local @!p0 [hbm:s6], $0xF7A  }
0x23: {  	s9 =	sor.u32 $0xD0000000, s2;
	s6 =	simm.s32 $0x108;
	_ =	swait.ge @!p0 [sflag:s8], $0x0  }
0x24: {  	s3 =	sadd.s32 $0x88, s3;
	s6 =	simm.s32 @!p1 $0x1082;
	[sflag:s4] =	ssyncset.s32 $0xFFFFF086  }
0x25: {  	[simem:s6], [sflag:s4] =	dma.local [hbm:s3], $0xF7A  }
0x26: {  	[smem:$0x3F8B] =	sst s1;
	(tag) =	ssettag s2;
	_ =	strace s9  }
0x27: {  	s1 =	sld [smem:$0x3F9B]  }
0x28: {  	s2 =	sld [smem:$0x3F9C]  }
0x29: {  	s4 =	sld [smem:$0x3F9E]  }
0x2a: {  	p0 =	seq.s32 s5, $0x0;
	s5 =	sld [smem:$0x3F9F]  }
0x2b: {  	s6 =	sld [smem:$0x3FA0]  }
0x2c: {  	s7 =	sld [smem:$0x3FA1]  }
0x2d: {  	s3 =	simm.s32 $0x108;
	s8 =	sld [smem:$0x3FA2]  }
0x2e: {  	s3 =	simm.s32 @!p0 $0x1082;
	s9 =	sld [smem:$0x3FA3]  }
0x2f: {  	lr =	sadd.s32 s0, s3;
	s0 =	sld [smem:$0x3F9A]  }
0x30: {  	s3 =	sld [smem:$0x3F9D]  }
0x31: {  	[smem:$0x3FA6] =	sst s10  }
0x32: {  	s10 =	sld [smem:$0x3FA4];
	_ =	sdelay $0x3  }
0x33: {  	p0 =	seq.s32 s10, $0x1;
	s10 =	sld [smem:$0x3FA6];
	_ =	sdelay $0x3  }
0x34: {  	[smem:$0x3FA6] =	sst s10  }
0x35: {  	s10 =	sld [smem:$0x3FA5];
	_ =	sdelay $0x3  }
0x36: {  	p1 =	seq.s32 s10, $0x1;
	s10 =	sld [smem:$0x3FA6];
	_ =	sdelay $0x3  }
0x37: {  	[smem:$0x3FA6] =	sst s10  }
0x38: {  	s10 =	sld [smem:$0x3FA7]  }
0x39: {  	_ = 	snop;
	(pc) =	sbr.ind lr, $3  }
0x3a: {  	_ = 	snop  }
0x3b: {  	_ = 	snop  }
0x3c: {  	p2 =	seq.s32 s10, $0x1;
	s10 =	sld [smem:$0x3FA6]  }
0x3d: {  	_ =	shalt  }
0x3e: {  	_ =	shalt  }
0x3f: {  	_ =	shalt  }
0x40: {  	_ =	shalt  }
0x41: {  	_ =	shalt  }
0x42: {  	_ =	shalt  }
0x43: {  	_ =	shalt  }
0x44: {  	_ =	shalt  }
0x45: {  	_ =	shalt  }
0x46: {  	_ =	shalt  }
0x47: {  	_ =	shalt  }
0x48: {  	_ =	shalt  }
0x49: {  	_ =	shalt  }
0x4a: {  	_ =	shalt  }
0x4b: {  	_ =	shalt  }
0x4c: {  	_ =	shalt  }
0x4d: {  	_ =	shalt  }
0x4e: {  	_ =	shalt  }
0x4f: {  	_ =	shalt  }
0x50: {  	_ =	shalt  }
0x51: {  	_ =	shalt  }
0x52: {  	_ =	shalt  }
0x53: {  	_ =	shalt  }
0x54: {  	_ =	shalt  }
0x55: {  	_ =	shalt  }
0x56: {  	_ =	shalt  }
0x57: {  	_ =	shalt  }
0x58: {  	_ =	shalt  }
0x59: {  	_ =	shalt  }
0x5a: {  	_ =	shalt  }
0x5b: {  	_ =	shalt  }
0x5c: {  	_ =	shalt  }
0x5d: {  	_ =	shalt  }
0x5e: {  	_ =	shalt  }
0x5f: {  	_ =	shalt  }
0x60: {  	_ =	shalt  }
0x61: {  	_ =	shalt  }
0x62: {  	_ =	shalt  }
0x63: {  	_ =	shalt  }
0x64: {  	_ =	shalt  }
0x65: {  	_ =	shalt  }
0x66: {  	_ =	shalt  }
0x67: {  	_ =	shalt  }
0x68: {  	_ =	shalt  }
0x69: {  	_ =	shalt  }
0x6a: {  	_ =	shalt  }
0x6b: {  	_ =	shalt  }
0x6c: {  	_ =	shalt  }
0x6d: {  	_ =	shalt  }
0x6e: {  	_ =	shalt  }
0x6f: {  	_ =	shalt  }
0x70: {  	_ =	shalt  }
0x71: {  	_ =	shalt  }
0x72: {  	_ =	shalt  }
0x73: {  	_ =	shalt  }
0x74: {  	_ =	shalt  }
0x75: {  	_ =	shalt  }
0x76: {  	_ =	shalt  }
0x77: {  	_ =	shalt  }
0x78: {  	_ =	shalt  }
0x79: {  	_ =	shalt  }
0x7a: {  	_ =	shalt  }
0x7b: {  	_ =	shalt  }
0x7c: {  	_ =	shalt  }
0x7d: {  	_ =	shalt  }
0x7e: {  	_ =	shalt  }
0x7f: {  	_ =	shalt  }
0x80: {  	_ =	shalt  }
0x81: {  	_ =	shalt  }
0x82: {  	_ =	shalt  }
0x83: {  	_ =	shalt  }
0x84: {  	_ =	shalt  }
0x85: {  	_ =	shalt  }
0x86: {  	_ =	shalt  }
0x87: {  	_ =	shalt  }
.Lfunc_end0:
.L_simem_size_0:
called_computation_lowered:
.L_overlay_start_0:
0x88: {  	s2 =	sld [smem:$0x3FD9]  }
0x89: {  	s3 =	sld [smem:$0x3FFE];
	_ =	sdelay $0x1  }
0x8a: {  	s1 =	srdreg.scid  }
0x8b: {  	s0 =	sand.u32 $0x1, s1  }
0x8c: {  	s17 =	sshll.u32 s0, $0xA;
	s2 =	sadd.s32 s3, s2  }
0x8d: {  	s2 =	sadd.s32 s2, s17  }
0x8e: {  	[smem:$0x3FB2] =	sst s2  }
0x8f: {  	_ = 	snop  }
0x90: {  	s2 =	sld [smem:$0x3FC7]  }
0x91: {  	s18 =	sld [smem:$0x3FC6];
	(tm) =	ssettm $0x1  }
0x92: {  	s4 =	sld [smem:$0x3FFB];
	_ =	sdelay $0x3  }
0x93: {  	_ =	strace s4  }
0x94: {  	s4 =	sld [smem:$0x3FFC];
	_ =	sdelay $0x3  }
0x95: {  	_ =	strace s4  }
0x96: {  	s4 =	sld [smem:$0x3FFD];
	_ =	sdelay $0x3  }
0x97: {  	_ =	strace s4  }
0x98: {  	_ =	strace $0x8FFFFFFF  }
0x99: {  	s19 =	sld [smem:$0x3FDB];
	_ =	sdelay $0x1  }
0x9a: {  	s5 =	simm.s32 $_scs_section_size  }
0x9b: {  	s6 =	simm.s32 $_size__tile_overlayer_lowered;
	s7 =	simm.s32 $_tile_overlayer_lowered  }
0x9c: {  	s22 =	simm.s32 $0x1BFF;
	s21 =	sshll.u32 s7, $0x1;
	s4 =	sadd.s32 s5, s19  }
0x9d: {  	s8 =	simm.s32 $0x0;
	s20 =	sshll.u32 s6, $0x1;
	s6 =	sadd.s32 s21, s4  }
0x9e: {  	[timem:s8], [sflag:s22] =	dma.local [hbm:s6], s20  }
0x9f: {  	_ =	swait.ge [sflag:s22], s20  }
0xa0: {  	s5 =	ssub.s32 $0x0, s20;
	[sflag:s22] =	ssyncset.done $0x0  }
0xa1: {  	[sflag:s22] =	ssyncadd.s32 s5;
	_ =	sdelay $0x1  }
0xa2: {  	s23 =	simm.s32 $0x1B8B  }
0xa3: {  	_ =	swait.ge [sflag:s23], $0x1  }
0xa4: {  	[sflag:s23] =	ssyncset.done $0x0  }
0xa5: {  	s25 =	simm.s32 $0x1B8E;
	s24 =	sld [smem:$0x3FFE];
	[sflag:s23] =	ssyncadd.s32 $0xFFFFFFFF  }
0xa6: {  	s26 =	simm.s32 $execute0_lowered;
	[smem:$0x3FD2] =	sst s25  }
0xa7: {  	s6 =	sshll.u32 s26, $0x1;
	_ =	strace $0x80000046;
	[dreg:$0x1] =	wrdreg $0xFFFFFFFF  }
0xa8: {  	s28 =	simm.s32 $_size_execute0_lowered;
	s4 =	sadd.s32 s4, s6;
	[dreg:$0x0] =	wrdreg $0x0  }
0xa9: {  	s6 =	sshll.u32 s28, $0x1;
	[dreg:$0x2] =	wrdreg s4  }
0xaa: {  	[dreg:$0x3] =	wrdreg s6  }
0xab: {  	[dreg:$0x4] =	wrdreg $0xC0  }
0xac: {  	_ =	task [dreg:s8], $0x5FFFF  }
0xad: {  	[dreg:$0x1] =	wrdreg $0xFFFFFFFF  }
0xae: {  	[dreg:$0x0] =	wrdreg $0x60  }
0xaf: {  	[dreg:$0x2] =	wrdreg s24  }
0xb0: {  	[dreg:$0x3] =	wrdreg s2  }
0xb1: {  	[dreg:$0x4] =	wrdreg s18  }
0xb2: {  	[dreg:$0x5] =	wrdreg $0x83000  }
0xb3: {  	[dreg:$0x6] =	wrdreg $0x9  }
0xb4: {  	_ =	task.clear_ibuf [dreg:s8], $0x7FFFF;
	_ =	strace $0x90000046  }
0xb5: {  	s29 =	simm.s32 $0x9;
	_ =	strace $0x80000048  }
0xb6: {  	_ =	swait.ge [sflag:s29], $0x1  }
0xb7: {  	[sflag:s29] =	ssyncadd.s32 $0xFFFFFFFF  }
0xb8: {  	_ =	strace $0x90000048  }
0xb9: {  	_ =	sfence  }
0xba: {  	s30 =	sld [smem:$0x0];
	_ =	sdelay $0x2  }
0xbb: {  	s31 =	sshll.u32 s1, $0xD;
	s1 =	sshrl.u32 s1, $0x2  }
0xbc: {  	s3 =	sand.u32 $0x4000, s31;
	s1 =	sadd.s32 s1, s30  }
0xbd: {  	s0 =	sor.u32 s3, s0;
	s1 =	sshll.u32 s1, $0x11  }
0xbe: {  	s0 =	sor.u32 s1, s0  }
0xbf: {  	s0 =	sadd.s32 $0x8F2B, s0  }
0xc0: {  	[sflag:s0] =	ssyncadd.remote.s32 $0x1  }
0xc1: {  	_ =	sfence.sel $0xFFFF  }
0xc2: {  	[dreg:$0x0] =	wrdreg $0xFFFFFFFF;
	(pc) =	sbr.abs _section_cstart, $3  }
0xc3: {  	[dreg:$0x1] =	wrdreg $0xFFFFFFFF  }
0xc4: {  	_ =	task.clear_ibuf [dreg:s8], $0x2FFFF;
	_ =	strace $0x9FFFFFFF  }
0xc5: {  	(tm) =	ssettm $0x7FFFFFFF  }
tec
execute0_lowered:
.L_overlay_start_1:
0x0: {  	(tag) =	ssettag $0x1  }
0x1: {  	s0 =	rddreg [dreg:$0x0]  }
0x2: {  	s17 =	rddreg [dreg:$0x1]  }
0x3: {  	s15 =	rddreg [dreg:$0x2]  }
0x4: {  	s16 =	rddreg [dreg:$0x3];
	s5 =	simm.s32 $0x0;
	s4 =	stileid.u32  }
0x5: {  	s1 =	srdreg.scid;
	s28 =	simm.s32 $0x4300;
	s29 =	simm.s32 $0x1  }
0x6: {  	s30 =	simm.s32 $0x3;
	s31 =	simm.s32 $0x5;
	[smem:$0x7FF] =	sst s5  }
0x7: {  	s2 =	smul.u32 $0x14000, s4;
	s1 =	sand.u32 $0x1, s1;
	s6 =	sadd.s32 $0x9CAC00, s0  }
0x8: {  	s7 =	sadd.s32 $0x1A600, s0;
	s8 =	sadd.s32 $0x41800, s0;
	s9 =	sadd.s32 $0x6C00, s0  }
0x9: {  	s12 =	sshll.u32 s4, $0x1;
	s13 =	smul.u32 $0x50000, s4;
	s26 =	smov.u32 s16  }
0xa: {  	s20 =	sshll.u32 s4, $0x6;
	_ =	strace $0x80000047;
	s3 =	smul.u32 $0x140000, s1  }
0xb: {  	s11 =	ssub.s32 $0x2, s1;
	s14 =	sor.u32 s1, s12;
	s4 =	sor.u32 $0x1C09, s20  }
0xc: {  	s10 =	sshrl.u32 s2, $0x3;
	s18 =	sshrl.u32 s11, $0x1;
	s19 =	sshrl.u32 s13, $0x2  }
0xd: {  	[dreg:$0x7] =	wrdreg s4;
	s2 =	sadd.s32 s2, s3;
	s25 =	sadd.s32 s10, s0  }
0xe: {  	s10 =	sadd.s32 $0x107C00, s0;
	s12 =	sadd.s32 s19, s16;
	s2 =	sshrl.u32 s2, $0x3  }
0xf: {  	[dreg:$0x5] =	wrdreg s12;
	s21 =	sadd.s32 $0x8FC00, s25;
	s25 =	smul.u32 $0x27100, s14  }
0x10: {  	s0 =	sadd.s32 s2, s0;
	s2 =	ssub.s32 s11, s18;
	s11 =	smul.u32 $0x2710, s14  }
0x11: {  	s12 =	smul.u32 $0x4E200, s1;
	[dreg:$0x6] =	wrdreg s21;
	s19 =	sadd.s32 s6, s25  }
0x12: {  	s0 =	sadd.s32 $0xB7C00, s0;
	s22 =	sshrl.u32 s11, $0x3;
	[dreg:$0xc] =	wrdreg s19  }
0x13: {  	s24 =	sadd.s32 s12, s11;
	s18 =	sadd.s32 $0x80, s11;
	[dreg:$0x1b] =	wrdreg s0  }
0x14: {  	s0 =	simm.s32 $0x7;
	s23 =	sadd.s32 s17, s22;
	s1 =	sadd.s32 s15, s22  }
0x15: {  	s16 =	sshrl.u32 s24, $0x3;
	s20 =	sshrl.u32 s18, $0x3;
	[dreg:$0xa] =	wrdreg s18  }
0x16: {  	s22 =	smul.u32 $0x138800, s14;
	s25 =	sshll.u32 s18, $0x4;
	[dreg:$0x8] =	wrdreg s23  }
0x17: {  	s14 =	sadd.s32 $0x100, s11;
	[dreg:$0x9] =	wrdreg s1;
	s1 =	sadd.s32 s9, s16  }
0x18: {  	s21 =	sadd.s32 s17, s20;
	s23 =	sadd.s32 s12, s18;
	[dreg:$0x12] =	wrdreg s14  }
0x19: {  	s3 =	sadd.s32 s6, s25;
	s16 =	sadd.s32 $0x2700, s11;
	[dreg:$0xb] =	wrdreg s1  }
0x1a: {  	s11 =	sadd.s32 $0x180, s11;
	s25 =	smov.u32 s15;
	[dreg:$0xd] =	wrdreg s21  }
0x1b: {  	s14 =	simm.s32 $0x9;
	s1 =	sadd.s32 s15, s20;
	[dreg:$0x11] =	wrdreg s3  }
0x1c: {  	s24 =	sshrl.u32 s23, $0x3;
	[dreg:$0xe] =	wrdreg s22;
	s13 =	sshrl.u32 s22, $0x3  }
0x1d: {  	[dreg:$0x13] =	wrdreg s11;
	s19 =	sshrl.u32 s16, $0x3;
	s21 =	sadd.s32 s12, s16  }
0x1e: {  	s3 =	sshll.u32 s16, $0x4;
	[dreg:$0xf] =	wrdreg s1;
	s1 =	sadd.s32 s9, s24  }
0x1f: {  	s20 =	sadd.s32 s17, s19;
	s11 =	sadd.s32 s15, s19;
	[dreg:$0x10] =	wrdreg s1  }
0x20: {  	s22 =	sadd.s32 s6, s3;
	s23 =	sadd.s32 s10, s3;
	[dreg:$0x16] =	wrdreg s20  }
0x21: {  	s24 =	smax.u32 s2, $0x1;
	s19 =	simm.s32 $0x200;
	[dreg:$0x17] =	wrdreg s11  }
0x22: {  	s2 =	simm.s32 $0x2;
	s15 =	simm.s32 $0x8;
	[dreg:$0x19] =	wrdreg s22  }
0x23: {  	s3 =	simm.s32 $0x0;
	s1 =	sadd.s32 s10, s13;
	[dreg:$0x1a] =	wrdreg s23  }
0x24: {  	[dreg:$0x1c] =	wrdreg s24;
	s20 =	simm.s32 $0x300;
	s22 =	simm.s32 $0x100  }
0x25: {  	s23 =	simm.s32 $0x180;
	s18 =	sadd.s32 $0x26000, s1;
	s1 =	sadd.s32 $0x26800, s1  }
0x26: {  	s24 =	simm.s32 $0x280;
	[dreg:$0x15] =	wrdreg s1;
	s1 =	sshrl.u32 s21, $0x3  }
0x27: {  	s11 =	simm.s32 $0x4;
	[dreg:$0x14] =	wrdreg s18;
	s1 =	sadd.s32 s9, s1  }
0x28: {  	s13 =	simm.s32 $0x6;
	s18 =	simm.s32 $0x80;
	[dreg:$0x18] =	wrdreg s1  }
.LBB2_1:
0x29: {  	[dreg:$0x1d] =	wrdreg s3  }
0x2a: {  	s1 =	rddreg [dreg:$0x5]  }
0x2b: {  	s21 =	rddreg [dreg:$0x6];
	s16 =	sshrl.u32 s1, $0x3  }
0x2c: {  	[dreg:$0x1e] =	wrdreg s16  }
0x2d: {  	[spmem:s16], [sflag:s4] =	dma.local [hbm:s21], $0x2800  }
0x2e: {  	_ =	swait.ge [sflag:s14], $0x2800  }
0x2f: {  	[sflag:s14] =	ssyncset.done $0x0  }
0x30: {  	[sflag:s14] =	ssyncadd.s32 $0xFFFFD800  }
0x31: {  	[bflag:$0x0] =	sbarrier.arrive $0xFFFF  }
0x32: {  	s14 =	rddreg [dreg:$0x8]  }
0x33: {  	[tilespmem:s5], [sflag:$0x1] =	stream.linear.gather [hbm4b:s14+s5], $0x80, $0x38;
	[tilespmem:$0x1C380] =	vst v63  }
0x34: {  	s16 =	rddreg [dreg:$0x9]  }
0x35: {  	[tilespmem:s18], [sflag:$0x1] =	stream.linear.gather [hbm4b:s16+s5], $0x80, $0x38;
	[tilespmem:$0x1C380] =	vst v63  }
0x36: {  	s21 =	rddreg [dreg:$0xb]  }
0x37: {  	[tilespmem:s19], [sflag:$0x1] =	stream.linear.gather [hbm4b:s21+s5], $0x80, $0x38;
	[tilespmem:$0x1C380] =	vst v63  }
0x38: {  	s3 =	rddreg [dreg:$0xc]  }
0x39: {  	[tilespmem:s20], [sflag:$0x1] =	stream.linear.gather [hbm4b:s3+s5], $0x4000, $0x38;
	[tilespmem:$0x1C380] =	vst v63  }
0x3a: {  	s4 =	rddreg [dreg:$0xd]  }
0x3b: {  	[tilespmem:s22], [sflag:$0x2] =	stream.linear.gather [hbm4b:s4+s5], $0x80, $0x38;
	[tilespmem:$0x1C380] =	vst v63  }
0x3c: {  	s14 =	rddreg [dreg:$0xf]  }
0x3d: {  	[tilespmem:s23], [sflag:$0x2] =	stream.linear.gather [hbm4b:s14+s5], $0x80, $0x38;
	[tilespmem:$0x1C380] =	vst v63  }
0x3e: {  	s16 =	rddreg [dreg:$0x10]  }
0x3f: {  	[tilespmem:s24], [sflag:$0x2] =	stream.linear.gather [hbm4b:s16+s5], $0x80, $0x38;
	[tilespmem:$0x1C380] =	vst v63  }
0x40: {  	s21 =	rddreg [dreg:$0x11];
	s14 =	simm.s32 $0x0  }
0x41: {  	[tilespmem:s28], [sflag:$0x2] =	stream.linear.gather [hbm4b:s21+s5], $0x4000, $0x38;
	[tilespmem:$0x1C380] =	vst v63  }
.LBB2_2:
0x42: {  	_ =	swait.ge [sflag:s29], $0x80  }
0x43: {  	[sflag:s29] =	ssyncset.done $0x0  }
0x44: {  	[sflag:s29] =	ssyncadd.s32 $0xFFFFFF80  }
0x45: {  	_ =	swait.ge [sflag:s29], $0x80  }
0x46: {  	[sflag:s29] =	ssyncset.done $0x0  }
0x47: {  	[sflag:s29] =	ssyncadd.s32 $0xFFFFFF80  }
0x48: {  	_ =	swait.ge [sflag:s29], $0x80  }
0x49: {  	[sflag:s29] =	ssyncset.done $0x0  }
0x4a: {  	[sflag:s29] =	ssyncadd.s32 $0xFFFFFF80  }
0x4b: {  	_ =	swait.ge [sflag:s29], $0x4000  }
0x4c: {  	[sflag:s29] =	ssyncset.done $0x0  }
0x4d: {  	s1 =	simm.s32 $0x0;
	[sflag:s29] =	ssyncadd.s32 $0xFFFFC000  }
0x4e: {  	[tilespmem:s20], [sflag:$0x3] =	stream.indirect.gather.add.f32 [hbm:s7], $0x80, s1, s18, $0xb8;
	[tilespmem:$0x1C380] =	vst v63  }
0x4f: {  	_ = 	snop  }
0x50: {  	[tilespmem:s20], [sflag:$0x3] =	stream.indirect.gather.add.f32 [hbm:s8], $0x80, s18, s18, $0xb8;
	[tilespmem:$0x1C380] =	vst v63  }
0x51: {  	_ =	swait.ge [sflag:s30], $0x4000  }
0x52: {  	[sflag:s30] =	ssyncset.done $0x0  }
0x53: {  	[sflag:s30] =	ssyncadd.s32 $0xFFFFC000  }
0x54: {  	_ =	swait.ge [sflag:s30], $0x4000  }
0x55: {  	[sflag:s30] =	ssyncset.done $0x0  }
0x56: {  	s16 =	simm.s32 $0x0;
	[sflag:s30] =	ssyncadd.s32 $0xFFFFC000  }
0x57: {  	v2 =	vld [tilespmem:s16+$0x300]  }
0x58: {  	v3 =	vld [tilespmem:s16+$0x310]  }
0x59: {  	v4 =	vld [tilespmem:s16+$0x320]  }
0x5a: {  	v1 =	vld [tilespmem:s16+$0x330]  }
0x5b: {  	v0 =	vld [tilespmem:s16+$0x340]  }
0x5c: {  	v5 =	vmax.f32 v2, $0.0e+00;
	v2 =	vld [tilespmem:s16+$0x350]  }
0x5d: {  	s1 =	simm.s32 $0x200;
	[tilespmem:s16+$0x300] =	vst v5;
	v5 =	vmax.f32 v3, $0.0e+00;
	v3 =	vld [tilespmem:s16+$0x360]  }
.LBB2_3:
0x5e: {  	s3 =	sshra.s32 s1, $0x2;
	p0 =	sne.s32 s1, $0xFE00;
	[tilespmem:s16+$0x310] =	vst v5;
	v4 =	vmax.f32 v4, $0.0e+00;
	v5 =	vld [tilespmem:s16+$0x370]  }
0x5f: {  	v6 =	vld [tilespmem:s3+$0x300];
	[tilespmem:s16+$0x320] =	vst v4;
	v1 =	vmax.f32 v1, $0.0e+00  }
0x60: {  	v7 =	vld [tilespmem:s3+$0x310];
	[tilespmem:s16+$0x330] =	vst v1;
	v0 =	vmax.f32 v0, $0.0e+00  }
.Ltmp0:
0x61: {  	v4 =	vld [tilespmem:s3+$0x320];
	[tilespmem:s16+$0x340] =	vst v0;
	v0 =	vmax.f32 v2, $0.0e+00;
	(pc) =	sbr.rel @p0 .LBB2_3-.Ltmp0, $4  }
0x62: {  	v1 =	vld [tilespmem:s3+$0x330];
	[tilespmem:s16+$0x350] =	vst v0;
	v2 =	vmax.f32 v3, $0.0e+00  }
0x63: {  	v0 =	vld [tilespmem:s3+$0x340];
	[tilespmem:s16+$0x360] =	vst v2;
	v3 =	vmax.f32 v5, $0.0e+00  }
0x64: {  	v5 =	vmax.f32 v6, $0.0e+00;
	v2 =	vld [tilespmem:s3+$0x350];
	[tilespmem:s16+$0x370] =	vst v3;
	s16 =	smov.u32 s3  }
0x65: {  	s1 =	sadd.s32 $0x200, s1;
	[tilespmem:s16+$0x300] =	vst v5;
	v5 =	vmax.f32 v7, $0.0e+00;
	v3 =	vld [tilespmem:s16+$0x360]  }
0x66: {  	[tilespmem:s16+$0x310] =	vst v5;
	v4 =	vmax.f32 v4, $0.0e+00;
	v5 =	vld [tilespmem:s16+$0x370]  }
0x67: {  	[tilespmem:s16+$0x320] =	vst v4;
	v1 =	vmax.f32 v1, $0.0e+00  }
0x68: {  	[tilespmem:s16+$0x330] =	vst v1;
	v0 =	vmax.f32 v0, $0.0e+00  }
0x69: {  	s1 =	sshll.u32 s14, $0xF;
	s3 =	rddreg [dreg:$0xe];
	[tilespmem:s16+$0x340] =	vst v0;
	v0 =	vmax.f32 v2, $0.0e+00  }
0x6a: {  	s1 =	sadd.s32 s3, s1;
	[tilespmem:s16+$0x350] =	vst v0;
	v0 =	vmax.f32 v3, $0.0e+00  }
0x6b: {  	s1 =	sshrl.u32 s1, $0x3;
	[tilespmem:s16+$0x360] =	vst v0;
	v0 =	vmax.f32 v5, $0.0e+00  }
0x6c: {  	s3 =	simm.s32 $0x0;
	s1 =	sadd.s32 s10, s1;
	[tilespmem:s16+$0x370] =	vst v0  }
0x6d: {  	[hbm4b:s1+s3] =	stream.linear.scatter [tilespmem:s20], [sflag:$0x5], $0x4000, $0x38;
	[tilespmem:$0x1C380] =	vst v63  }
0x6e: {  	_ = 	snop  }
0x6f: {  	[spmem:s26] =	stream.indirect.scatter.add.f32 [tilespmem:s20], [sflag:$0x7], $0x80, s19, s18, $0xb8;
	[tilespmem:$0x1C380] =	vst v63  }
0x70: {  	_ =	swait.ge [sflag:s31], $0x4000  }
0x71: {  	[sflag:s31] =	ssyncset.done $0x0  }
0x72: {  	[sflag:s31] =	ssyncadd.s32 $0xFFFFC000  }
0x73: {  	_ =	swait.ge [sflag:s0], $0x4000  }
0x74: {  	s16 =	sshll.u32 s14, $0x8;
	s4 =	rddreg [dreg:$0x12]  }
0x75: {  	s1 =	sadd.s32 s16, s4  }
0x76: {  	[sflag:s0] =	ssyncset.done $0x0;
	s4 =	sshrl.u32 s1, $0x3  }
0x77: {  	s21 =	smov.u32 s17;
	[sflag:s0] =	ssyncadd.s32 $0xFFFFC000;
	s17 =	sadd.s32 s17, s4  }
0x78: {  	[tilespmem:s3], [sflag:$0x1] =	stream.linear.gather [hbm4b:s17+s3], $0x80, $0x38;
	[tilespmem:$0x1C380] =	vst v63  }
0x79: {  	s4 =	sadd.s32 s25, s4;
	s17 =	sadd.s32 s12, s1  }
0x7a: {  	[tilespmem:s18], [sflag:$0x1] =	stream.linear.gather [hbm4b:s4+s3], $0x80, $0x38;
	[tilespmem:$0x1C380] =	vst v63  }
0x7b: {  	s4 =	sshrl.u32 s17, $0x3  }
0x7c: {  	s1 =	sshll.u32 s1, $0x4;
	s4 =	sadd.s32 s9, s4  }
0x7d: {  	[tilespmem:s19], [sflag:$0x1] =	stream.linear.gather [hbm4b:s4+s3], $0x80, $0x38;
	[tilespmem:$0x1C380] =	vst v63  }
0x7e: {  	s1 =	sadd.s32 s6, s1  }
0x7f: {  	[tilespmem:s20], [sflag:$0x1] =	stream.linear.gather [hbm4b:s1+s3], $0x4000, $0x38;
	[tilespmem:$0x1C380] =	vst v63  }
0x80: {  	_ =	swait.ge [sflag:s2], $0x80  }
0x81: {  	[sflag:s2] =	ssyncset.done $0x0  }
0x82: {  	[sflag:s2] =	ssyncadd.s32 $0xFFFFFF80  }
0x83: {  	_ =	swait.ge [sflag:s2], $0x80  }
0x84: {  	[sflag:s2] =	ssyncset.done $0x0  }
0x85: {  	[sflag:s2] =	ssyncadd.s32 $0xFFFFFF80  }
0x86: {  	_ =	swait.ge [sflag:s2], $0x80  }
0x87: {  	[sflag:s2] =	ssyncset.done $0x0  }
0x88: {  	[sflag:s2] =	ssyncadd.s32 $0xFFFFFF80  }
0x89: {  	_ =	swait.ge [sflag:s2], $0x4000  }
0x8a: {  	[sflag:s2] =	ssyncset.done $0x0  }
0x8b: {  	[sflag:s2] =	ssyncadd.s32 $0xFFFFC000  }
0x8c: {  	[tilespmem:s28], [sflag:$0x4] =	stream.indirect.gather.add.f32 [hbm:s7], $0x80, s22, s18, $0xb8;
	[tilespmem:$0x1C380] =	vst v63  }
0x8d: {  	_ = 	snop  }
0x8e: {  	[tilespmem:s28], [sflag:$0x4] =	stream.indirect.gather.add.f32 [hbm:s8], $0x80, s23, s18, $0xb8;
	[tilespmem:$0x1C380] =	vst v63  }
0x8f: {  	_ =	swait.ge [sflag:s11], $0x4000  }
0x90: {  	[sflag:s11] =	ssyncset.done $0x0  }
0x91: {  	[sflag:s11] =	ssyncadd.s32 $0xFFFFC000  }
0x92: {  	_ =	swait.ge [sflag:s11], $0x4000  }
0x93: {  	[sflag:s11] =	ssyncset.done $0x0  }
0x94: {  	s1 =	simm.s32 $0x0;
	[sflag:s11] =	ssyncadd.s32 $0xFFFFC000  }
0x95: {  	v2 =	vld [tilespmem:s1+$0x4300]  }
0x96: {  	v4 =	vld [tilespmem:s1+$0x4310]  }
0x97: {  	v3 =	vld [tilespmem:s1+$0x4320]  }
0x98: {  	v1 =	vld [tilespmem:s1+$0x4330]  }
0x99: {  	v0 =	vld [tilespmem:s1+$0x4340]  }
0x9a: {  	v5 =	vmax.f32 v2, $0.0e+00;
	v2 =	vld [tilespmem:s1+$0x4350]  }
0x9b: {  	s3 =	simm.s32 $0x200;
	[tilespmem:s1+$0x4300] =	vst v5;
	v5 =	vmax.f32 v4, $0.0e+00;
	v4 =	vld [tilespmem:s1+$0x4360]  }
.LBB2_5:
0x9c: {  	s4 =	sshra.s32 s3, $0x2;
	p0 =	sne.s32 s3, $0xFE00;
	[tilespmem:s1+$0x4310] =	vst v5;
	v3 =	vmax.f32 v3, $0.0e+00;
	v5 =	vld [tilespmem:s1+$0x4370]  }
0x9d: {  	v6 =	vld [tilespmem:s4+$0x4300];
	[tilespmem:s1+$0x4320] =	vst v3;
	v1 =	vmax.f32 v1, $0.0e+00  }
0x9e: {  	v7 =	vld [tilespmem:s4+$0x4310];
	[tilespmem:s1+$0x4330] =	vst v1;
	v0 =	vmax.f32 v0, $0.0e+00  }
.Ltmp1:
0x9f: {  	v3 =	vld [tilespmem:s4+$0x4320];
	[tilespmem:s1+$0x4340] =	vst v0;
	v0 =	vmax.f32 v2, $0.0e+00;
	(pc) =	sbr.rel @p0 .LBB2_5-.Ltmp1, $4  }
0xa0: {  	v1 =	vld [tilespmem:s4+$0x4330];
	[tilespmem:s1+$0x4350] =	vst v0;
	v2 =	vmax.f32 v4, $0.0e+00  }
0xa1: {  	v0 =	vld [tilespmem:s4+$0x4340];
	[tilespmem:s1+$0x4360] =	vst v2;
	v4 =	vmax.f32 v5, $0.0e+00  }
0xa2: {  	v5 =	vmax.f32 v6, $0.0e+00;
	v2 =	vld [tilespmem:s4+$0x4350];
	[tilespmem:s1+$0x4370] =	vst v4;
	s1 =	smov.u32 s4  }
0xa3: {  	s3 =	sadd.s32 $0x200, s3;
	[tilespmem:s1+$0x4300] =	vst v5;
	v5 =	vmax.f32 v7, $0.0e+00;
	v4 =	vld [tilespmem:s1+$0x4360]  }
0xa4: {  	[tilespmem:s1+$0x4310] =	vst v5;
	v3 =	vmax.f32 v3, $0.0e+00;
	v60 =	vld [tilespmem:s1+$0x4370]  }
0xa5: {  	[tilespmem:s1+$0x4320] =	vst v3;
	v1 =	vmax.f32 v1, $0.0e+00  }
0xa6: {  	[tilespmem:s1+$0x4330] =	vst v1;
	v0 =	vmax.f32 v0, $0.0e+00  }
0xa7: {  	s3 =	rddreg [dreg:$0xa];
	[tilespmem:s1+$0x4340] =	vst v0;
	v61 =	vmax.f32 v2, $0.0e+00  }
0xa8: {  	s3 =	sadd.s32 s16, s3;
	[tilespmem:s1+$0x4350] =	vst v61;
	v62 =	vmax.f32 v4, $0.0e+00  }
0xa9: {  	s3 =	sshll.u32 s3, $0x4;
	[tilespmem:s1+$0x4360] =	vst v62;
	v63 =	vmax.f32 v60, $0.0e+00  }
0xaa: {  	s3 =	sadd.s32 s10, s3;
	[tilespmem:s1+$0x4370] =	vst v63  }
0xab: {  	[hbm4b:s3+s5] =	stream.linear.scatter [tilespmem:s28], [sflag:$0x6], $0x4000, $0x38;
	[tilespmem:$0x1C380] =	vst v63  }
0xac: {  	_ = 	snop  }
0xad: {  	[spmem:s26] =	stream.indirect.scatter.add.f32 [tilespmem:s28], [sflag:$0x8], $0x80, s24, s18, $0xb8;
	[tilespmem:$0x1C380] =	vst v63  }
0xae: {  	_ =	swait.ge [sflag:s13], $0x4000  }
0xaf: {  	[sflag:s13] =	ssyncset.done $0x0  }
0xb0: {  	[sflag:s13] =	ssyncadd.s32 $0xFFFFC000  }
0xb1: {  	_ =	swait.ge [sflag:s15], $0x4000  }
0xb2: {  	s4 =	rddreg [dreg:$0x13]  }
0xb3: {  	s1 =	sadd.s32 s16, s4  }
0xb4: {  	s17 =	smov.u32 s21;
	[sflag:s15] =	ssyncset.done $0x0;
	s16 =	sshrl.u32 s1, $0x3  }
0xb5: {  	s14 =	sadd.s32 $0x1, s14;
	[sflag:s15] =	ssyncadd.s32 $0xFFFFC000;
	s4 =	sadd.s32 s21, s16  }
0xb6: {  	[tilespmem:s22], [sflag:$0x2] =	stream.linear.gather [hbm4b:s4+s5], $0x80, $0x38;
	[tilespmem:$0x1C380] =	vst v63  }
0xb7: {  	p0 =	sne.s32 s14, $0x26;
	s3 =	sadd.s32 s25, s16;
	s21 =	sadd.s32 s12, s1  }
0xb8: {  	[tilespmem:s23], [sflag:$0x2] =	stream.linear.gather [hbm4b:s3+s5], $0x80, $0x38;
	[tilespmem:$0x1C380] =	vst v63  }
.Ltmp2:
0xb9: {  	s3 =	sshrl.u32 s21, $0x3;
	(pc) =	sbr.rel @p0 .LBB2_2-.Ltmp2, $4  }
0xba: {  	s1 =	sshll.u32 s1, $0x4;
	s3 =	sadd.s32 s9, s3  }
0xbb: {  	[tilespmem:s24], [sflag:$0x2] =	stream.linear.gather [hbm4b:s3+s5], $0x80, $0x38;
	[tilespmem:$0x1C380] =	vst v63  }
0xbc: {  	s1 =	sadd.s32 s6, s1  }
0xbd: {  	[tilespmem:s28], [sflag:$0x2] =	stream.linear.gather [hbm4b:s1+s5], $0x4000, $0x38;
	[tilespmem:$0x1C380] =	vst v63  }
0xbe: {  	_ =	swait.ge [sflag:s29], $0x80  }
0xbf: {  	[sflag:s29] =	ssyncset.done $0x0  }
0xc0: {  	[sflag:s29] =	ssyncadd.s32 $0xFFFFFF80  }
0xc1: {  	_ =	swait.ge [sflag:s29], $0x80  }
0xc2: {  	[sflag:s29] =	ssyncset.done $0x0  }
0xc3: {  	[sflag:s29] =	ssyncadd.s32 $0xFFFFFF80  }
0xc4: {  	_ =	swait.ge [sflag:s29], $0x80  }
0xc5: {  	[sflag:s29] =	ssyncset.done $0x0  }
0xc6: {  	[sflag:s29] =	ssyncadd.s32 $0xFFFFFF80  }
0xc7: {  	_ =	swait.ge [sflag:s29], $0x4000  }
0xc8: {  	[sflag:s29] =	ssyncset.done $0x0  }
0xc9: {  	s1 =	simm.s32 $0x0;
	[sflag:s29] =	ssyncadd.s32 $0xFFFFC000  }
0xca: {  	[tilespmem:s20], [sflag:$0x3] =	stream.indirect.gather.add.f32 [hbm:s7], $0x80, s1, s18, $0xb8;
	[tilespmem:$0x1C380] =	vst v63  }
0xcb: {  	_ = 	snop  }
0xcc: {  	[tilespmem:s20], [sflag:$0x3] =	stream.indirect.gather.add.f32 [hbm:s8], $0x80, s18, s18, $0xb8;
	[tilespmem:$0x1C380] =	vst v63  }
0xcd: {  	_ =	swait.ge [sflag:s30], $0x4000  }
0xce: {  	[sflag:s30] =	ssyncset.done $0x0  }
0xcf: {  	[sflag:s30] =	ssyncadd.s32 $0xFFFFC000  }
0xd0: {  	_ =	swait.ge [sflag:s30], $0x4000  }
0xd1: {  	[sflag:s30] =	ssyncset.done $0x0  }
0xd2: {  	s1 =	simm.s32 $0x0;
	[sflag:s30] =	ssyncadd.s32 $0xFFFFC000  }
0xd3: {  	v2 =	vld [tilespmem:s1+$0x300]  }
0xd4: {  	v4 =	vld [tilespmem:s1+$0x310]  }
0xd5: {  	v3 =	vld [tilespmem:s1+$0x320]  }
0xd6: {  	v1 =	vld [tilespmem:s1+$0x330]  }
0xd7: {  	v0 =	vld [tilespmem:s1+$0x340]  }
0xd8: {  	v5 =	vmax.f32 v2, $0.0e+00;
	v2 =	vld [tilespmem:s1+$0x350]  }
0xd9: {  	s3 =	simm.s32 $0x200;
	[tilespmem:s1+$0x300] =	vst v5;
	v5 =	vmax.f32 v4, $0.0e+00;
	v4 =	vld [tilespmem:s1+$0x360]  }
.LBB2_8:
0xda: {  	s4 =	sshra.s32 s3, $0x2;
	p0 =	sne.s32 s3, $0xFE00;
	[tilespmem:s1+$0x310] =	vst v5;
	v3 =	vmax.f32 v3, $0.0e+00;
	v5 =	vld [tilespmem:s1+$0x370]  }
0xdb: {  	v6 =	vld [tilespmem:s4+$0x300];
	[tilespmem:s1+$0x320] =	vst v3;
	v1 =	vmax.f32 v1, $0.0e+00  }
0xdc: {  	v7 =	vld [tilespmem:s4+$0x310];
	[tilespmem:s1+$0x330] =	vst v1;
	v0 =	vmax.f32 v0, $0.0e+00  }
.Ltmp3:
0xdd: {  	v3 =	vld [tilespmem:s4+$0x320];
	[tilespmem:s1+$0x340] =	vst v0;
	v0 =	vmax.f32 v2, $0.0e+00;
	(pc) =	sbr.rel @p0 .LBB2_8-.Ltmp3, $4  }
0xde: {  	v1 =	vld [tilespmem:s4+$0x330];
	[tilespmem:s1+$0x350] =	vst v0;
	v2 =	vmax.f32 v4, $0.0e+00  }
0xdf: {  	v0 =	vld [tilespmem:s4+$0x340];
	[tilespmem:s1+$0x360] =	vst v2;
	v4 =	vmax.f32 v5, $0.0e+00  }
0xe0: {  	v5 =	vmax.f32 v6, $0.0e+00;
	v2 =	vld [tilespmem:s4+$0x350];
	[tilespmem:s1+$0x370] =	vst v4;
	s1 =	smov.u32 s4  }
0xe1: {  	s3 =	sadd.s32 $0x200, s3;
	[tilespmem:s1+$0x300] =	vst v5;
	v5 =	vmax.f32 v7, $0.0e+00;
	v4 =	vld [tilespmem:s1+$0x360]  }
0xe2: {  	[tilespmem:s1+$0x310] =	vst v5;
	v3 =	vmax.f32 v3, $0.0e+00;
	v5 =	vld [tilespmem:s1+$0x370]  }
0xe3: {  	[tilespmem:s1+$0x320] =	vst v3;
	v1 =	vmax.f32 v1, $0.0e+00  }
0xe4: {  	[tilespmem:s1+$0x330] =	vst v1;
	v0 =	vmax.f32 v0, $0.0e+00  }
0xe5: {  	[tilespmem:s1+$0x340] =	vst v0;
	v0 =	vmax.f32 v2, $0.0e+00  }
0xe6: {  	[tilespmem:s1+$0x350] =	vst v0;
	v0 =	vmax.f32 v4, $0.0e+00  }
0xe7: {  	[tilespmem:s1+$0x360] =	vst v0;
	v0 =	vmax.f32 v5, $0.0e+00  }
0xe8: {  	s21 =	simm.s32 $0x0;
	s3 =	rddreg [dreg:$0x14];
	[tilespmem:s1+$0x370] =	vst v0  }
0xe9: {  	[hbm4b:s3+s21] =	stream.linear.scatter [tilespmem:s20], [sflag:$0x5], $0x4000, $0x38;
	[tilespmem:$0x1C380] =	vst v63  }
0xea: {  	_ = 	snop  }
0xeb: {  	[spmem:s26] =	stream.indirect.scatter.add.f32 [tilespmem:s20], [sflag:$0x7], $0x80, s19, s18, $0xb8;
	[tilespmem:$0x1C380] =	vst v63  }
0xec: {  	_ =	swait.ge [sflag:s31], $0x4000  }
0xed: {  	[sflag:s31] =	ssyncset.done $0x0  }
0xee: {  	[sflag:s31] =	ssyncadd.s32 $0xFFFFC000  }
0xef: {  	_ =	swait.ge [sflag:s0], $0x4000  }
0xf0: {  	[sflag:s0] =	ssyncset.done $0x0  }
0xf1: {  	[sflag:s0] =	ssyncadd.s32 $0xFFFFC000  }
0xf2: {  	_ =	swait.ge [sflag:s2], $0x80  }
0xf3: {  	[sflag:s2] =	ssyncset.done $0x0  }
0xf4: {  	[sflag:s2] =	ssyncadd.s32 $0xFFFFFF80  }
0xf5: {  	_ =	swait.ge [sflag:s2], $0x80  }
0xf6: {  	[sflag:s2] =	ssyncset.done $0x0  }
0xf7: {  	[sflag:s2] =	ssyncadd.s32 $0xFFFFFF80  }
0xf8: {  	_ =	swait.ge [sflag:s2], $0x80  }
0xf9: {  	[sflag:s2] =	ssyncset.done $0x0  }
0xfa: {  	[sflag:s2] =	ssyncadd.s32 $0xFFFFFF80  }
0xfb: {  	_ =	swait.ge [sflag:s2], $0x4000  }
0xfc: {  	[sflag:s2] =	ssyncset.done $0x0  }
0xfd: {  	[sflag:s2] =	ssyncadd.s32 $0xFFFFC000  }
0xfe: {  	[tilespmem:s28], [sflag:$0x4] =	stream.indirect.gather.add.f32 [hbm:s7], $0x80, s22, s18, $0xb8;
	[tilespmem:$0x1C380] =	vst v63  }
0xff: {  	_ = 	snop  }
0x100: {  	[tilespmem:s28], [sflag:$0x4] =	stream.indirect.gather.add.f32 [hbm:s8], $0x80, s23, s18, $0xb8;
	[tilespmem:$0x1C380] =	vst v63  }
0x101: {  	_ =	swait.ge [sflag:s11], $0x4000  }
0x102: {  	[sflag:s11] =	ssyncset.done $0x0  }
0x103: {  	[sflag:s11] =	ssyncadd.s32 $0xFFFFC000  }
0x104: {  	_ =	swait.ge [sflag:s11], $0x4000  }
0x105: {  	[sflag:s11] =	ssyncset.done $0x0  }
0x106: {  	s1 =	simm.s32 $0x0;
	[sflag:s11] =	ssyncadd.s32 $0xFFFFC000  }
0x107: {  	v2 =	vld [tilespmem:s1+$0x4300]  }
0x108: {  	v4 =	vld [tilespmem:s1+$0x4310]  }
0x109: {  	v3 =	vld [tilespmem:s1+$0x4320]  }
0x10a: {  	v1 =	vld [tilespmem:s1+$0x4330]  }
0x10b: {  	v0 =	vld [tilespmem:s1+$0x4340]  }
0x10c: {  	s14 =	simm.s32 $0x9;
	v5 =	vmax.f32 v2, $0.0e+00;
	v2 =	vld [tilespmem:s1+$0x4350]  }
0x10d: {  	s16 =	simm.s32 $0x1C300;
	s3 =	simm.s32 $0x200;
	s21 =	simm.s32 $0x10;
	[tilespmem:s1+$0x4300] =	vst v5;
	v5 =	vmax.f32 v4, $0.0e+00;
	v4 =	vld [tilespmem:s1+$0x4360]  }
.LBB2_10:
0x10e: {  	s4 =	sshra.s32 s3, $0x2;
	p0 =	sne.s32 s3, $0xFE00;
	[tilespmem:s1+$0x4310] =	vst v5;
	v3 =	vmax.f32 v3, $0.0e+00;
	v5 =	vld [tilespmem:s1+$0x4370]  }
0x10f: {  	v6 =	vld [tilespmem:s4+$0x4300];
	[tilespmem:s1+$0x4320] =	vst v3;
	v1 =	vmax.f32 v1, $0.0e+00  }
0x110: {  	v7 =	vld [tilespmem:s4+$0x4310];
	[tilespmem:s1+$0x4330] =	vst v1;
	v0 =	vmax.f32 v0, $0.0e+00  }
.Ltmp4:
0x111: {  	v3 =	vld [tilespmem:s4+$0x4320];
	[tilespmem:s1+$0x4340] =	vst v0;
	v0 =	vmax.f32 v2, $0.0e+00;
	(pc) =	sbr.rel @p0 .LBB2_10-.Ltmp4, $4  }
0x112: {  	v1 =	vld [tilespmem:s4+$0x4330];
	[tilespmem:s1+$0x4350] =	vst v0;
	v2 =	vmax.f32 v4, $0.0e+00  }
0x113: {  	v0 =	vld [tilespmem:s4+$0x4340];
	[tilespmem:s1+$0x4360] =	vst v2;
	v4 =	vmax.f32 v5, $0.0e+00  }
0x114: {  	v5 =	vmax.f32 v6, $0.0e+00;
	v2 =	vld [tilespmem:s4+$0x4350];
	[tilespmem:s1+$0x4370] =	vst v4;
	s1 =	smov.u32 s4  }
0x115: {  	s3 =	sadd.s32 $0x200, s3;
	[tilespmem:s1+$0x4300] =	vst v5;
	v5 =	vmax.f32 v7, $0.0e+00;
	v4 =	vld [tilespmem:s1+$0x4360]  }
0x116: {  	[tilespmem:s1+$0x4310] =	vst v5;
	v3 =	vmax.f32 v3, $0.0e+00;
	v5 =	vld [tilespmem:s1+$0x4370]  }
0x117: {  	[tilespmem:s1+$0x4320] =	vst v3;
	v1 =	vmax.f32 v1, $0.0e+00  }
0x118: {  	[tilespmem:s1+$0x4330] =	vst v1;
	v0 =	vmax.f32 v0, $0.0e+00  }
0x119: {  	[tilespmem:s1+$0x4340] =	vst v0;
	v0 =	vmax.f32 v2, $0.0e+00  }
0x11a: {  	[tilespmem:s1+$0x4350] =	vst v0;
	v0 =	vmax.f32 v4, $0.0e+00  }
0x11b: {  	[tilespmem:s1+$0x4360] =	vst v0;
	v0 =	vmax.f32 v5, $0.0e+00  }
0x11c: {  	s3 =	rddreg [dreg:$0x15];
	[tilespmem:s1+$0x4370] =	vst v0;
	s1 =	simm.s32 $0x0  }
0x11d: {  	[hbm4b:s3+s1] =	stream.linear.scatter [tilespmem:s28], [sflag:$0x6], $0x4000, $0x38;
	[tilespmem:$0x1C380] =	vst v63  }
0x11e: {  	_ = 	snop  }
0x11f: {  	[spmem:s26] =	stream.indirect.scatter.add.f32 [tilespmem:s28], [sflag:$0x8], $0x80, s24, s18, $0xb8;
	[tilespmem:$0x1C380] =	vst v63  }
0x120: {  	_ =	swait.ge [sflag:s13], $0x4000  }
0x121: {  	[sflag:s13] =	ssyncset.done $0x0  }
0x122: {  	[sflag:s13] =	ssyncadd.s32 $0xFFFFC000  }
0x123: {  	_ =	swait.ge [sflag:s15], $0x4000  }
0x124: {  	[sflag:s15] =	ssyncset.done $0x0  }
0x125: {  	s4 =	rddreg [dreg:$0x16];
	[sflag:s15] =	ssyncadd.s32 $0xFFFFC000  }
0x126: {  	[tilespmem:s1], [sflag:$0x9] =	stream.linear.gather [hbm4b:s4+s1], $0x10, $0x38;
	[tilespmem:$0x1C380] =	vst v63  }
0x127: {  	_ =	swait.ge [sflag:s14], $0x10  }
0x128: {  	[sflag:s14] =	ssyncset.done $0x0  }
0x129: {  	s4 =	rddreg [dreg:$0x17];
	[sflag:s14] =	ssyncadd.s32 $0xFFFFFFF0  }
0x12a: {  	[tilespmem:s18], [sflag:$0x9] =	stream.linear.gather [hbm4b:s4+s1], $0x10, $0x38;
	[tilespmem:$0x1C380] =	vst v63  }
0x12b: {  	_ =	swait.ge [sflag:s14], $0x10  }
0x12c: {  	[sflag:s14] =	ssyncset.done $0x0  }
0x12d: {  	s4 =	rddreg [dreg:$0x18];
	[sflag:s14] =	ssyncadd.s32 $0xFFFFFFF0  }
0x12e: {  	[tilespmem:s16], [sflag:$0x9] =	stream.linear.gather [hbm4b:s4+s1], $0x10, $0x38;
	[tilespmem:$0x1C380] =	vst v63  }
0x12f: {  	_ =	swait.ge [sflag:s14], $0x10  }
0x130: {  	[sflag:s14] =	ssyncset.done $0x0  }
0x131: {  	s4 =	rddreg [dreg:$0x19];
	[sflag:s14] =	ssyncadd.s32 $0xFFFFFFF0  }
0x132: {  	[tilespmem:s20], [sflag:$0x9] =	stream.linear.gather [hbm4b:s4+s1], $0x800, $0x38;
	[tilespmem:$0x1C380] =	vst v63  }
0x133: {  	_ =	swait.ge [sflag:s14], $0x800  }
0x134: {  	[sflag:s14] =	ssyncset.done $0x0  }
0x135: {  	[sflag:s14] =	ssyncadd.s32 $0xFFFFF800  }
0x136: {  	[tilespmem:s20], [sflag:$0x1] =	stream.indirect.gather.add.f32 [hbm:s7], $0x80, s1, s21, $0xb8;
	[tilespmem:$0x1C380] =	vst v63  }
0x137: {  	_ =	swait.ge [sflag:s29], $0x800  }
0x138: {  	[sflag:s29] =	ssyncset.done $0x0  }
0x139: {  	[sflag:s29] =	ssyncadd.s32 $0xFFFFF800  }
0x13a: {  	[tilespmem:s20], [sflag:$0x3] =	stream.indirect.gather.add.f32 [hbm:s8], $0x80, s18, s21, $0xb8;
	[tilespmem:$0x1C380] =	vst v63  }
0x13b: {  	_ =	swait.ge [sflag:s30], $0x800  }
0x13c: {  	[sflag:s30] =	ssyncset.done $0x0  }
0x13d: {  	s1 =	simm.s32 $0x0;
	[sflag:s30] =	ssyncadd.s32 $0xFFFFF800  }
0x13e: {  	v2 =	vld [tilespmem:s1+$0x300]  }
0x13f: {  	v4 =	vld [tilespmem:s1+$0x310]  }
0x140: {  	v3 =	vld [tilespmem:s1+$0x320]  }
0x141: {  	v1 =	vld [tilespmem:s1+$0x330]  }
0x142: {  	v0 =	vld [tilespmem:s1+$0x340]  }
0x143: {  	v5 =	vmax.f32 v2, $0.0e+00;
	v2 =	vld [tilespmem:s1+$0x350]  }
0x144: {  	s3 =	simm.s32 $0x200;
	[tilespmem:s1+$0x300] =	vst v5;
	v5 =	vmax.f32 v4, $0.0e+00;
	v4 =	vld [tilespmem:s1+$0x360]  }
.LBB2_12:
0x145: {  	s4 =	sshra.s32 s3, $0x2;
	p0 =	sne.s32 s3, $0x1E00;
	[tilespmem:s1+$0x310] =	vst v5;
	v3 =	vmax.f32 v3, $0.0e+00;
	v5 =	vld [tilespmem:s1+$0x370]  }
0x146: {  	v6 =	vld [tilespmem:s4+$0x300];
	[tilespmem:s1+$0x320] =	vst v3;
	v1 =	vmax.f32 v1, $0.0e+00  }
0x147: {  	v7 =	vld [tilespmem:s4+$0x310];
	[tilespmem:s1+$0x330] =	vst v1;
	v0 =	vmax.f32 v0, $0.0e+00  }
.Ltmp5:
0x148: {  	v3 =	vld [tilespmem:s4+$0x320];
	[tilespmem:s1+$0x340] =	vst v0;
	v0 =	vmax.f32 v2, $0.0e+00;
	(pc) =	sbr.rel @p0 .LBB2_12-.Ltmp5, $4  }
0x149: {  	v1 =	vld [tilespmem:s4+$0x330];
	[tilespmem:s1+$0x350] =	vst v0;
	v2 =	vmax.f32 v4, $0.0e+00  }
0x14a: {  	v0 =	vld [tilespmem:s4+$0x340];
	[tilespmem:s1+$0x360] =	vst v2;
	v4 =	vmax.f32 v5, $0.0e+00  }
0x14b: {  	v5 =	vmax.f32 v6, $0.0e+00;
	v2 =	vld [tilespmem:s4+$0x350];
	[tilespmem:s1+$0x370] =	vst v4;
	s1 =	smov.u32 s4  }
0x14c: {  	s3 =	sadd.s32 $0x200, s3;
	[tilespmem:s1+$0x300] =	vst v5;
	v5 =	vmax.f32 v7, $0.0e+00;
	v4 =	vld [tilespmem:s1+$0x360]  }
0x14d: {  	[tilespmem:s1+$0x310] =	vst v5;
	v3 =	vmax.f32 v3, $0.0e+00;
	v60 =	vld [tilespmem:s1+$0x370]  }
0x14e: {  	[tilespmem:s1+$0x320] =	vst v3;
	v1 =	vmax.f32 v1, $0.0e+00  }
0x14f: {  	[tilespmem:s1+$0x330] =	vst v1;
	v0 =	vmax.f32 v0, $0.0e+00  }
0x150: {  	[tilespmem:s1+$0x340] =	vst v0;
	v61 =	vmax.f32 v2, $0.0e+00  }
0x151: {  	[tilespmem:s1+$0x350] =	vst v61;
	v62 =	vmax.f32 v4, $0.0e+00  }
0x152: {  	[tilespmem:s1+$0x360] =	vst v62;
	v63 =	vmax.f32 v60, $0.0e+00  }
0x153: {  	s4 =	rddreg [dreg:$0x1a];
	[tilespmem:s1+$0x370] =	vst v63  }
0x154: {  	[hbm4b:s4+s5] =	stream.linear.scatter [tilespmem:s20], [sflag:$0x9], $0x800, $0x38;
	[tilespmem:$0x1C380] =	vst v63  }
0x155: {  	_ =	swait.ge [sflag:s14], $0x800  }
0x156: {  	[sflag:s14] =	ssyncset.done $0x0  }
0x157: {  	[sflag:s14] =	ssyncadd.s32 $0xFFFFF800  }
0x158: {  	[spmem:s26] =	stream.indirect.scatter.add.f32 [tilespmem:s20], [sflag:$0x7], $0x80, s16, s21, $0xb8;
	[tilespmem:$0x1C380] =	vst v63  }
0x159: {  	_ =	swait.ge [sflag:s0], $0x800  }
0x15a: {  	[sflag:s0] =	ssyncset.done $0x0  }
0x15b: {  	[sflag:s0] =	ssyncadd.s32 $0xFFFFF800  }
0x15c: {  	[bflag:$0x0] =	sbarrier.arrive $0xFFFF  }
0x15d: {  	s4 =	rddreg [dreg:$0x7]  }
0x15e: {  	s21 =	rddreg [dreg:$0x1b]  }
0x15f: {  	s3 =	rddreg [dreg:$0x1e]  }
0x160: {  	[hbm:s21], [sflag:s4] =	dma.local [spmem:s3], $0x2800  }
0x161: {  	_ =	swait.ge [sflag:s14], $0x2800  }
0x162: {  	s16 =	rddreg [dreg:$0x1d]  }
0x163: {  	s21 =	rddreg [dreg:$0x1c];
	s3 =	sadd.s32 $0x1, s16  }
0x164: {  	p0 =	sne.s32 s3, s21  }
.Ltmp6:
0x165: {  	_ = 	snop;
	(pc) =	sbr.rel @p0 .LBB2_1-.Ltmp6, $3  }
0x166: {  	_ =	sdelay $0x1  }
0x167: {  	[sflag:s14] =	ssyncset.done $0x0  }
0x168: {  	[sflag:s14] =	ssyncadd.s32 $0xFFFFD800  }
0x169: {  	_ =	sfence.sel $0x180000  }
0x16a: {  	[bflag:$0x0] =	sbarrier.arrive $0xFFFF  }
0x16b: {  	_ =	strace $0x90000047  }
0x16c: {  	s0 =	stileid.u32;
	[bflag:$0x2] =	sbarrier.arrive $0xFFFF  }
0x16d: {  	p0 =	sne.s32 s0, $0x0;
	s0 =	rddreg [dreg:$0x4]  }
0x16e: {  	s0 =	sadd.s32 @!p0 $0x100000, s0  }
0x16f: {  	[sflag:s0] =	ssyncadd.tile.s32 @!p0 $0x1;
	_ =	shalt  }
.Lfunc_end2:
_tile_overlayer_lowered:
.L_overlay_start_2:
0x170: {  	(tag) =	ssettag $0x2  }
0x171: {  	s0 =	rddreg [dreg:$0x0];
	s2 =	stileid.u32  }
0x172: {  	s1 =	rddreg [dreg:$0x1];
	p0 =	sne.s32 s2, $0x0  }
0x173: {  	s3 =	rddreg [dreg:$0x2];
	[bflag:$0x3] =	sbarrier.arrive $0xFFFF;
	s2 =	simm.s32 @!p0 $0x1C09  }
0x174: {  	[timem:s3], [sflag:s2] =	dma.local @!p0 [hbm:s0], s1  }
0x175: {  	s0 =	simm.s32 @!p0 $0x9  }
0x176: {  	_ =	swait.ge @!p0 [sflag:s0], s1  }
0x177: {  	s1 =	ssub.s32 @!p0 $0x0, s1;
	[sflag:s0] =	ssyncset.done @!p0 $0x0  }
0x178: {  	[sflag:s0] =	ssyncadd.s32 @!p0 s1  }
0x179: {  	[bflag:$0x3] =	sbarrier.arrive $0xFFFF  }
0x17a: {  	_ =	shalt  }

// kernel: kernel.16.cloned.1.call-start
scs
__scs_entry_jumppad:
0x0: {  	(pc) =	sbr.rel $0x88, $3  }
0x1: {  	(tag) =	ssettag $0x0;
	lr =	simm.s32 $0x1  }
0x2: {  	[smem:$0x3F8B] =	sst lr;
	_ =	strace $0xD0000000  }
0x3: {  	_ = 	snop  }
0x4: {  	_ = 	snop  }
0x5: {  	_ = 	snop  }
0x6: {  	_ = 	snop  }
0x7: {  	_ = 	snop  }
__scs_overlays_trampoline_lowered:
0x8: {  	[smem:$0x3F9A] =	sst s0  }
0x9: {  	[smem:$0x3F9B] =	sst s1  }
0xa: {  	[smem:$0x3F9C] =	sst s2  }
0xb: {  	[smem:$0x3F9D] =	sst s3  }
0xc: {  	[smem:$0x3F9E] =	sst s4  }
0xd: {  	[smem:$0x3F9F] =	sst s5  }
0xe: {  	[smem:$0x3FA0] =	sst s6  }
0xf: {  	[smem:$0x3FA1] =	sst s7  }
0x10: {  	[smem:$0x3FA2] =	sst s8  }
0x11: {  	[smem:$0x3FA3] =	sst s9;
	s0 =	simm.s32 @!p0 $0x0  }
0x12: {  	s1 =	sld [smem:$0x3F89];
	s0 =	simm.s32 @p0 $0x1  }
0x13: {  	[smem:$0x3FA4] =	sst s0;
	s0 =	simm.s32 @!p1 $0x0  }
0x14: {  	s2 =	sld [smem:$0x3F88];
	s0 =	simm.s32 @p1 $0x1  }
0x15: {  	[smem:$0x3FA5] =	sst s0;
	s0 =	simm.s32 @!p2 $0x0  }
0x16: {  	s3 =	sld [smem:$0x3FDB];
	s0 =	simm.s32 @p2 $0x1  }
0x17: {  	s4 =	simm.s32 $0x1BF5;
	[smem:$0x3FA7] =	sst s0  }
0x18: {  	s0 =	sld [smem:$0x3F8A];
	_ =	swait.ge [sflag:s4], $0x0  }
0x19: {  	s7 =	sld [smem:$0x3F8B]  }
0x1a: {  	s8 =	sadd.s32 $0xFFFFE003, lr  }
0x1b: {  	s9 =	sadd.s32 $0xFFFFFEF7, lr;
	s5 =	simm.s32 $0xFFFFFFFF;
	p2 =	slt.u32 s8, $0xFFFFF086  }
0x1c: {  	p1 =	slt.u32 s9, $0xF7A;
	s5 =	simm.s32 @!p2 $0x0  }
0x1d: {  	s5 =	simm.s32 @p1 $0x1;
	p0 =	seq.s32 s7, s2  }
0x1e: {  	s7 =	smul.u32 @!p0 $0xF7A, s2;
	p2 =	seq.s32 @!p0 s5, $0x0  }
0x1f: {  	s9 =	smul.u32 $0xF7A, s1;
	s8 =	simm.s32 @!p0 $0x1BF5;
	p2 =	por !p2, p0  }
0x20: {  	[sflag:s8] =	ssyncset.s32 @!p0 $0xFFFFF086;
	s6 =	sadd.s32 @!p0 s3, s7;
	s7 =	simm.s32 @!p0 $0x108  }
0x21: {  	s3 =	sadd.s32 s3, s9;
	s6 =	sadd.s32 @!p0 $0x88, s6;
	s7 =	simm.s32 @p2 $0x1082  }
0x22: {  	[simem:s7], [sflag:s8] =	dma.local @!p0 [hbm:s6], $0xF7A  }
0x23: {  	s9 =	sor.u32 $0xD0000000, s2;
	s6 =	simm.s32 $0x108;
	_ =	swait.ge @!p0 [sflag:s8], $0x0  }
0x24: {  	s3 =	sadd.s32 $0x88, s3;
	s6 =	simm.s32 @!p1 $0x1082;
	[sflag:s4] =	ssyncset.s32 $0xFFFFF086  }
0x25: {  	[simem:s6], [sflag:s4] =	dma.local [hbm:s3], $0xF7A  }
0x26: {  	[smem:$0x3F8B] =	sst s1;
	(tag) =	ssettag s2;
	_ =	strace s9  }
0x27: {  	s1 =	sld [smem:$0x3F9B]  }
0x28: {  	s2 =	sld [smem:$0x3F9C]  }
0x29: {  	s4 =	sld [smem:$0x3F9E]  }
0x2a: {  	p0 =	seq.s32 s5, $0x0;
	s5 =	sld [smem:$0x3F9F]  }
0x2b: {  	s6 =	sld [smem:$0x3FA0]  }
0x2c: {  	s7 =	sld [smem:$0x3FA1]  }
0x2d: {  	s3 =	simm.s32 $0x108;
	s8 =	sld [smem:$0x3FA2]  }
0x2e: {  	s3 =	simm.s32 @!p0 $0x1082;
	s9 =	sld [smem:$0x3FA3]  }
0x2f: {  	lr =	sadd.s32 s0, s3;
	s0 =	sld [smem:$0x3F9A]  }
0x30: {  	s3 =	sld [smem:$0x3F9D]  }
0x31: {  	[smem:$0x3FA6] =	sst s10  }
0x32: {  	s10 =	sld [smem:$0x3FA4];
	_ =	sdelay $0x3  }
0x33: {  	p0 =	seq.s32 s10, $0x1;
	s10 =	sld [smem:$0x3FA6];
	_ =	sdelay $0x3  }
0x34: {  	[smem:$0x3FA6] =	sst s10  }
0x35: {  	s10 =	sld [smem:$0x3FA5];
	_ =	sdelay $0x3  }
0x36: {  	p1 =	seq.s32 s10, $0x1;
	s10 =	sld [smem:$0x3FA6];
	_ =	sdelay $0x3  }
0x37: {  	[smem:$0x3FA6] =	sst s10  }
0x38: {  	s10 =	sld [smem:$0x3FA7]  }
0x39: {  	_ = 	snop;
	(pc) =	sbr.ind lr, $3  }
0x3a: {  	_ = 	snop  }
0x3b: {  	_ = 	snop  }
0x3c: {  	p2 =	seq.s32 s10, $0x1;
	s10 =	sld [smem:$0x3FA6]  }
0x3d: {  	_ =	shalt  }
0x3e: {  	_ =	shalt  }
0x3f: {  	_ =	shalt  }
0x40: {  	_ =	shalt  }
0x41: {  	_ =	shalt  }
0x42: {  	_ =	shalt  }
0x43: {  	_ =	shalt  }
0x44: {  	_ =	shalt  }
0x45: {  	_ =	shalt  }
0x46: {  	_ =	shalt  }
0x47: {  	_ =	shalt  }
0x48: {  	_ =	shalt  }
0x49: {  	_ =	shalt  }
0x4a: {  	_ =	shalt  }
0x4b: {  	_ =	shalt  }
0x4c: {  	_ =	shalt  }
0x4d: {  	_ =	shalt  }
0x4e: {  	_ =	shalt  }
0x4f: {  	_ =	shalt  }
0x50: {  	_ =	shalt  }
0x51: {  	_ =	shalt  }
0x52: {  	_ =	shalt  }
0x53: {  	_ =	shalt  }
0x54: {  	_ =	shalt  }
0x55: {  	_ =	shalt  }
0x56: {  	_ =	shalt  }
0x57: {  	_ =	shalt  }
0x58: {  	_ =	shalt  }
0x59: {  	_ =	shalt  }
0x5a: {  	_ =	shalt  }
0x5b: {  	_ =	shalt  }
0x5c: {  	_ =	shalt  }
0x5d: {  	_ =	shalt  }
0x5e: {  	_ =	shalt  }
0x5f: {  	_ =	shalt  }
0x60: {  	_ =	shalt  }
0x61: {  	_ =	shalt  }
0x62: {  	_ =	shalt  }
0x63: {  	_ =	shalt  }
0x64: {  	_ =	shalt  }
0x65: {  	_ =	shalt  }
0x66: {  	_ =	shalt  }
0x67: {  	_ =	shalt  }
0x68: {  	_ =	shalt  }
0x69: {  	_ =	shalt  }
0x6a: {  	_ =	shalt  }
0x6b: {  	_ =	shalt  }
0x6c: {  	_ =	shalt  }
0x6d: {  	_ =	shalt  }
0x6e: {  	_ =	shalt  }
0x6f: {  	_ =	shalt  }
0x70: {  	_ =	shalt  }
0x71: {  	_ =	shalt  }
0x72: {  	_ =	shalt  }
0x73: {  	_ =	shalt  }
0x74: {  	_ =	shalt  }
0x75: {  	_ =	shalt  }
0x76: {  	_ =	shalt  }
0x77: {  	_ =	shalt  }
0x78: {  	_ =	shalt  }
0x79: {  	_ =	shalt  }
0x7a: {  	_ =	shalt  }
0x7b: {  	_ =	shalt  }
0x7c: {  	_ =	shalt  }
0x7d: {  	_ =	shalt  }
0x7e: {  	_ =	shalt  }
0x7f: {  	_ =	shalt  }
0x80: {  	_ =	shalt  }
0x81: {  	_ =	shalt  }
0x82: {  	_ =	shalt  }
0x83: {  	_ =	shalt  }
0x84: {  	_ =	shalt  }
0x85: {  	_ =	shalt  }
0x86: {  	_ =	shalt  }
0x87: {  	_ =	shalt  }
.Lfunc_end0:
.L_simem_size_0:
called_computation.1_lowered:
.L_overlay_start_0:
0x88: {  	s2 =	sld [smem:$0x3FD9]  }
0x89: {  	s3 =	sld [smem:$0x3FFE];
	_ =	sdelay $0x1  }
0x8a: {  	s1 =	srdreg.scid  }
0x8b: {  	s0 =	sand.u32 $0x1, s1  }
0x8c: {  	s16 =	sshll.u32 s0, $0xA;
	s2 =	sadd.s32 s3, s2  }
0x8d: {  	s2 =	sadd.s32 s2, s16  }
0x8e: {  	[smem:$0x3FB2] =	sst s2  }
0x8f: {  	_ = 	snop  }
0x90: {  	(tm) =	ssettm $0x1  }
0x91: {  	s17 =	sld [smem:$0x3FFB];
	_ =	sdelay $0x3  }
0x92: {  	_ =	strace s17  }
0x93: {  	s2 =	sld [smem:$0x3FFC];
	_ =	sdelay $0x3  }
0x94: {  	_ =	strace s2  }
0x95: {  	s2 =	sld [smem:$0x3FFD];
	_ =	sdelay $0x3  }
0x96: {  	_ =	strace s2  }
0x97: {  	_ =	strace $0x8FFFFFFF  }
0x98: {  	s18 =	sld [smem:$0x3FDB];
	_ =	sdelay $0x1  }
0x99: {  	s19 =	simm.s32 $_scs_section_size  }
0x9a: {  	s4 =	simm.s32 $_size__tile_overlayer_lowered;
	s5 =	simm.s32 $_tile_overlayer_lowered  }
0x9b: {  	s22 =	simm.s32 $0x1BFF;
	s21 =	sshll.u32 s5, $0x1;
	s2 =	sadd.s32 s19, s18  }
0x9c: {  	s6 =	simm.s32 $0x0;
	s20 =	sshll.u32 s4, $0x1;
	s4 =	sadd.s32 s21, s2  }
0x9d: {  	[timem:s6], [sflag:s22] =	dma.local [hbm:s4], s20  }
0x9e: {  	_ =	swait.ge [sflag:s22], s20  }
0x9f: {  	s3 =	ssub.s32 $0x0, s20;
	[sflag:s22] =	ssyncset.done $0x0  }
0xa0: {  	[sflag:s22] =	ssyncadd.s32 s3;
	_ =	sdelay $0x1  }
0xa1: {  	s23 =	simm.s32 $0x1B8B  }
0xa2: {  	_ =	swait.ge [sflag:s23], $0x1  }
0xa3: {  	[sflag:s23] =	ssyncset.done $0x0  }
0xa4: {  	s25 =	simm.s32 $0x1B8E;
	s24 =	sld [smem:$0x3FFE];
	[sflag:s23] =	ssyncadd.s32 $0xFFFFFFFF  }
0xa5: {  	s26 =	simm.s32 $execute0_lowered;
	[smem:$0x3FD2] =	sst s25  }
0xa6: {  	s4 =	sshll.u32 s26, $0x1;
	_ =	strace $0x80000049;
	[dreg:$0x1] =	wrdreg $0xFFFFFFFF  }
0xa7: {  	s28 =	simm.s32 $_size_execute0_lowered;
	s2 =	sadd.s32 s2, s4;
	[dreg:$0x0] =	wrdreg $0x0  }
0xa8: {  	s4 =	sshll.u32 s28, $0x1;
	[dreg:$0x2] =	wrdreg s2  }
0xa9: {  	[dreg:$0x3] =	wrdreg s4  }
0xaa: {  	[dreg:$0x4] =	wrdreg $0xC0  }
0xab: {  	_ =	task [dreg:s6], $0x5FFFF  }
0xac: {  	[dreg:$0x1] =	wrdreg $0xFFFFFFFF  }
0xad: {  	[dreg:$0x0] =	wrdreg $0x60  }
0xae: {  	[dreg:$0x2] =	wrdreg s24  }
0xaf: {  	[dreg:$0x3] =	wrdreg $0x81000  }
0xb0: {  	[dreg:$0x4] =	wrdreg $0x9  }
0xb1: {  	_ =	task.clear_ibuf [dreg:s6], $0x5FFFF;
	_ =	strace $0x90000049  }
0xb2: {  	s29 =	simm.s32 $0x9;
	_ =	strace $0x8000004B  }
0xb3: {  	_ =	swait.ge [sflag:s29], $0x1  }
0xb4: {  	[sflag:s29] =	ssyncadd.s32 $0xFFFFFFFF  }
0xb5: {  	_ =	strace $0x9000004B  }
0xb6: {  	_ =	sfence  }
0xb7: {  	s30 =	sld [smem:$0x0];
	_ =	sdelay $0x2  }
0xb8: {  	s31 =	sshll.u32 s1, $0xD;
	s1 =	sshrl.u32 s1, $0x2  }
0xb9: {  	s3 =	sand.u32 $0x4000, s31;
	s1 =	sadd.s32 s1, s30  }
0xba: {  	s0 =	sor.u32 s3, s0;
	s1 =	sshll.u32 s1, $0x11  }
0xbb: {  	s0 =	sor.u32 s1, s0  }
0xbc: {  	s0 =	sadd.s32 $0x8F2B, s0  }
0xbd: {  	[sflag:s0] =	ssyncadd.remote.s32 $0x1  }
0xbe: {  	_ =	sfence.sel $0xFFFF  }
0xbf: {  	[dreg:$0x0] =	wrdreg $0xFFFFFFFF;
	(pc) =	sbr.abs _section_cstart, $3  }
0xc0: {  	[dreg:$0x1] =	wrdreg $0xFFFFFFFF  }
0xc1: {  	_ =	task.clear_ibuf [dreg:s6], $0x2FFFF;
	_ =	strace $0x9FFFFFFF  }
0xc2: {  	(tm) =	ssettm $0x7FFFFFFF  }
0xc3: {  	_ =	shalt  }
tec
execute0_lowered:
.L_overlay_start_1:
0x0: {  	(tag) =	ssettag $0x1  }
0x1: {  	s0 =	rddreg [dreg:$0x0]  }
0x2: {  	s1 =	srdreg.scid;
	s2 =	rddreg [dreg:$0x1]  }
0x3: {  	s19 =	stileid.u32;
	s3 =	simm.s32 $0x0;
	s28 =	simm.s32 $0x1C180  }
0x4: {  	s30 =	simm.s32 $0x0;
	s1 =	sand.u32 $0x1, s1;
	s5 =	smul.u32 $0x14000, s19  }
0x5: {  	[smem:$0x7FF] =	sst s3;
	s14 =	sadd.s32 $0x107C00, s0;
	s16 =	sadd.s32 $0x6C00, s0  }
0x6: {  	s10 =	sshll.u32 s19, $0x1;
	s7 =	smul.u32 $0x50000, s19;
	s20 =	sshll.u32 s19, $0x6  }
0x7: {  	s4 =	smul.u32 $0x140000, s1;
	_ =	strace $0x8000004A;
	s6 =	ssub.s32 $0x2, s1  }
0x8: {  	s24 =	smul.u32 $0x27100, s1;
	s11 =	sshrl.u32 s6, $0x1;
	s12 =	sshrl.u32 s7, $0x2  }
0x9: {  	s4 =	sadd.s32 s5, s4;
	s5 =	ssub.s32 s10, s1;
	s13 =	ssub.s32 s6, s11  }
0xa: {  	s10 =	smul.u32 $0x4E200, s1;
	s17 =	sadd.s32 s12, s2;
	s4 =	sshrl.u32 s4, $0x3  }
0xb: {  	s9 =	smul.u32 $0x2710, s5;
	s5 =	sor.u32 $0x1C05, s20;
	s13 =	smax.u32 s13, $0x1  }
0xc: {  	s17 =	sshrl.u32 s17, $0x3;
	s20 =	simm.s32 $0x80;
	s0 =	sadd.s32 s4, s0  }
0xd: {  	s15 =	sadd.s32 $0xB7C00, s0;
	s18 =	sadd.s32 $0x2710, s9;
	s11 =	sadd.s32 $0x2790, s9  }
0xe: {  	s12 =	sadd.s32 $0x4E10, s9;
	[dreg:$0x3] =	wrdreg s15;
	s21 =	sadd.s32 s10, s18  }
0xf: {  	s8 =	sadd.s32 s10, s11;
	s7 =	sshll.u32 s18, $0x4;
	s15 =	smul.u32 $0x4E200, s19  }
0x10: {  	s22 =	sshll.u32 s11, $0x4;
	s10 =	sadd.s32 s10, s12;
	s18 =	smul.u32 $0x4BAF0, s1  }
0x11: {  	s23 =	sshll.u32 s12, $0x4;
	s19 =	smul.u32 $0x4E20, s19;
	s12 =	sadd.s32 $0x5E9C00, s0  }
0x12: {  	s6 =	sshrl.u32 s21, $0x3;
	s8 =	sshrl.u32 s8, $0x3;
	s7 =	sadd.s32 s14, s7  }
0x13: {  	s9 =	sadd.s32 s14, s22;
	s10 =	sshrl.u32 s10, $0x3;
	s11 =	sadd.s32 s14, s23  }
0x14: {  	s21 =	simm.s32 $0x4100;
	s22 =	simm.s32 $0x1;
	s23 =	simm.s32 $0x3  }
0x15: {  	s6 =	sadd.s32 s16, s6;
	s8 =	sadd.s32 s16, s8;
	s10 =	sadd.s32 s16, s10  }
0x16: {  	s25 =	sadd.s32 s15, s14;
	s26 =	sadd.s32 s19, s18;
	s18 =	simm.s32 $0x5  }
0x17: {  	s19 =	simm.s32 $0x100;
	s0 =	ssub.s32 s25, s24;
	s29 =	sadd.s32 $0x2890, s26  }
0x18: {  	s14 =	sadd.s32 $0x2810, s26;
	s24 =	simm.s32 $0x2;
	s25 =	simm.s32 $0x4  }
0x19: {  	s26 =	simm.s32 $0x1C100;
	s31 =	sshrl.u32 s29, $0x3;
	s14 =	sshrl.u32 s14, $0x3  }
0x1a: {  	s1 =	sadd.s32 $0x28900, s0;
	s15 =	sadd.s32 s31, s16;
	s16 =	sadd.s32 s14, s16  }
.LBB2_1:
0x1b: {  	s0 =	rddreg [dreg:$0x3]  }
0x1c: {  	[spmem:s17], [sflag:s5] =	dma.local [hbm:s0], $0x2800  }
0x1d: {  	_ =	swait.ge [sflag:s18], $0x2800  }
0x1e: {  	[sflag:s18] =	ssyncset.done $0x0  }
0x1f: {  	[sflag:s18] =	ssyncadd.s32 $0xFFFFD800  }
0x20: {  	[bflag:$0x0] =	sbarrier.arrive $0xFFFF  }
0x21: {  	[tilespmem:s3], [sflag:$0x1] =	stream.linear.gather [hbm4b:s6+s3], $0x80, $0x38;
	[tilespmem:$0x1C980] =	vst v63  }
0x22: {  	_ = 	snop  }
0x23: {  	[tilespmem:s19], [sflag:$0x1] =	stream.linear.gather [hbm4b:s7+s3], $0x4000, $0x38;
	[tilespmem:$0x1C980] =	vst v63  }
0x24: {  	_ = 	snop  }
0x25: {  	[tilespmem:s20], [sflag:$0x2] =	stream.linear.gather [hbm4b:s8+s3], $0x80, $0x38;
	[tilespmem:$0x1C980] =	vst v63  }
0x26: {  	_ = 	snop  }
0x27: {  	[tilespmem:s21], [sflag:$0x2] =	stream.linear.gather [hbm4b:s9+s3], $0x4000, $0x38;
	[tilespmem:$0x1C980] =	vst v63  }
0x28: {  	_ =	swait.ge [sflag:s22], $0x80  }
0x29: {  	[sflag:s22] =	ssyncset.done $0x0  }
0x2a: {  	[sflag:s22] =	ssyncadd.s32 $0xFFFFFF80  }
0x2b: {  	_ =	swait.ge [sflag:s22], $0x4000  }
0x2c: {  	[sflag:s22] =	ssyncset.done $0x0  }
0x2d: {  	[sflag:s22] =	ssyncadd.s32 $0xFFFFC000  }
0x2e: {  	[spmem:s2] =	stream.indirect.scatter.add.f32 [tilespmem:s19], [sflag:$0x3], $0x80, s3, s20, $0xb8;
	[tilespmem:$0x1C980] =	vst v63  }
0x2f: {  	_ =	swait.ge [sflag:s23], $0x4000  }
0x30: {  	[sflag:s23] =	ssyncset.done $0x0  }
0x31: {  	s4 =	sadd.s32 $0x0, s16;
	[sflag:s23] =	ssyncadd.s32 $0xFFFFC000  }
0x32: {  	[tilespmem:s3], [sflag:$0x1] =	stream.linear.gather [hbm4b:s4+s3], $0x80, $0x38;
	[tilespmem:$0x1C980] =	vst v63  }
0x33: {  	s14 =	sadd.s32 $0xFFFFF800, s1  }
0x34: {  	[tilespmem:s19], [sflag:$0x1] =	stream.linear.gather [hbm4b:s14+s3], $0x4000, $0x38;
	[tilespmem:$0x1C980] =	vst v63  }
0x35: {  	_ =	swait.ge [sflag:s24], $0x80  }
0x36: {  	[sflag:s24] =	ssyncset.done $0x0  }
0x37: {  	[sflag:s24] =	ssyncadd.s32 $0xFFFFFF80  }
0x38: {  	_ =	swait.ge [sflag:s24], $0x4000  }
0x39: {  	[sflag:s24] =	ssyncset.done $0x0  }
0x3a: {  	[sflag:s24] =	ssyncadd.s32 $0xFFFFC000  }
0x3b: {  	[spmem:s2] =	stream.indirect.scatter.add.f32 [tilespmem:s21], [sflag:$0x4], $0x80, s20, s20, $0xb8;
	[tilespmem:$0x1C980] =	vst v63  }
0x3c: {  	_ =	swait.ge [sflag:s25], $0x4000  }
0x3d: {  	s29 =	sadd.s32 $0x0, s15;
	s31 =	simm.s32 $0x20;
	[sflag:s25] =	ssyncset.done $0x0  }
0x3e: {  	s0 =	sadd.s32 $0x1000, s1;
	s14 =	smov.u32 s1;
	[sflag:s25] =	ssyncadd.s32 $0xFFFFC000  }
0x3f: {  	[tilespmem:s20], [sflag:$0x2] =	stream.linear.gather [hbm4b:s29+s3], $0x80, $0x38;
	[tilespmem:$0x1C980] =	vst v63  }
.LBB2_2:
0x40: {  	[tilespmem:s21], [sflag:$0x2] =	stream.linear.gather [hbm4b:s14+s3], $0x4000, $0x38;
	[tilespmem:$0x1C980] =	vst v63  }
0x41: {  	s29 =	smov.u32 s31;
	s14 =	smov.u32 s0  }
0x42: {  	p0 =	sne.s32 s31, $0x4A0;
	s31 =	sadd.s32 $0x20, s31;
	_ =	swait.ge [sflag:s22], $0x80  }
0x43: {  	[sflag:s22] =	ssyncset.done $0x0  }
0x44: {  	[sflag:s22] =	ssyncadd.s32 $0xFFFFFF80  }
0x45: {  	_ =	swait.ge [sflag:s22], $0x4000  }
0x46: {  	[sflag:s22] =	ssyncset.done $0x0  }
0x47: {  	[sflag:s22] =	ssyncadd.s32 $0xFFFFC000  }
0x48: {  	[spmem:s2] =	stream.indirect.scatter.add.f32 [tilespmem:s19], [sflag:$0x3], $0x80, s3, s20, $0xb8;
	[tilespmem:$0x1C980] =	vst v63  }
0x49: {  	_ =	swait.ge [sflag:s23], $0x4000  }
0x4a: {  	[sflag:s23] =	ssyncset.done $0x0  }
0x4b: {  	s4 =	sadd.s32 s29, s16;
	[sflag:s23] =	ssyncadd.s32 $0xFFFFC000  }
0x4c: {  	[tilespmem:s3], [sflag:$0x1] =	stream.linear.gather [hbm4b:s4+s3], $0x80, $0x38;
	[tilespmem:$0x1C980] =	vst v63  }
0x4d: {  	s4 =	sadd.s32 $0xFFFFF800, s0  }
0x4e: {  	[tilespmem:s19], [sflag:$0x1] =	stream.linear.gather [hbm4b:s4+s3], $0x4000, $0x38;
	[tilespmem:$0x1C980] =	vst v63  }
0x4f: {  	_ =	swait.ge [sflag:s24], $0x80  }
0x50: {  	[sflag:s24] =	ssyncset.done $0x0  }
0x51: {  	[sflag:s24] =	ssyncadd.s32 $0xFFFFFF80  }
0x52: {  	_ =	swait.ge [sflag:s24], $0x4000  }
0x53: {  	[sflag:s24] =	ssyncset.done $0x0  }
0x54: {  	[sflag:s24] =	ssyncadd.s32 $0xFFFFC000  }
0x55: {  	[spmem:s2] =	stream.indirect.scatter.add.f32 [tilespmem:s21], [sflag:$0x4], $0x80, s20, s20, $0xb8;
	[tilespmem:$0x1C980] =	vst v63  }
.Ltmp0:
0x56: {  	_ =	swait.ge [sflag:s25], $0x4000;
	(pc) =	sbr.rel @p0 .LBB2_2-.Ltmp0, $4  }
0x57: {  	[sflag:s25] =	ssyncset.done $0x0  }
0x58: {  	s4 =	sadd.s32 s29, s15;
	[sflag:s25] =	ssyncadd.s32 $0xFFFFC000  }
0x59: {  	[tilespmem:s20], [sflag:$0x2] =	stream.linear.gather [hbm4b:s4+s3], $0x80, $0x38;
	[tilespmem:$0x1C980] =	vst v63  }
0x5a: {  	s0 =	sadd.s32 $0x1000, s0  }
0x5b: {  	[tilespmem:s21], [sflag:$0x2] =	stream.linear.gather [hbm4b:s14+s3], $0x4000, $0x38;
	[tilespmem:$0x1C980] =	vst v63  }
0x5c: {  	_ =	swait.ge [sflag:s22], $0x80  }
0x5d: {  	[sflag:s22] =	ssyncset.done $0x0  }
0x5e: {  	[sflag:s22] =	ssyncadd.s32 $0xFFFFFF80  }
0x5f: {  	_ =	swait.ge [sflag:s22], $0x4000  }
0x60: {  	[sflag:s22] =	ssyncset.done $0x0  }
0x61: {  	[sflag:s22] =	ssyncadd.s32 $0xFFFFC000  }
0x62: {  	[spmem:s2] =	stream.indirect.scatter.add.f32 [tilespmem:s19], [sflag:$0x3], $0x80, s3, s20, $0xb8;
	[tilespmem:$0x1C980] =	vst v63  }
0x63: {  	_ =	swait.ge [sflag:s23], $0x4000  }
0x64: {  	[sflag:s23] =	ssyncset.done $0x0  }
0x65: {  	[sflag:s23] =	ssyncadd.s32 $0xFFFFC000  }
0x66: {  	_ =	swait.ge [sflag:s24], $0x80  }
0x67: {  	[sflag:s24] =	ssyncset.done $0x0  }
0x68: {  	[sflag:s24] =	ssyncadd.s32 $0xFFFFFF80  }
0x69: {  	_ =	swait.ge [sflag:s24], $0x4000  }
0x6a: {  	[sflag:s24] =	ssyncset.done $0x0  }
0x6b: {  	[sflag:s24] =	ssyncadd.s32 $0xFFFFC000  }
0x6c: {  	[spmem:s2] =	stream.indirect.scatter.add.f32 [tilespmem:s21], [sflag:$0x4], $0x80, s20, s20, $0xb8;
	[tilespmem:$0x1C980] =	vst v63  }
0x6d: {  	_ =	swait.ge [sflag:s25], $0x4000  }
0x6e: {  	[sflag:s25] =	ssyncset.done $0x0  }
0x6f: {  	[sflag:s25] =	ssyncadd.s32 $0xFFFFC000  }
0x70: {  	[tilespmem:s26], [sflag:$0x5] =	stream.linear.gather [hbm4b:s10+s3], $0x10, $0x38;
	[tilespmem:$0x1C980] =	vst v63  }
0x71: {  	_ =	swait.ge [sflag:s18], $0x10  }
0x72: {  	[sflag:s18] =	ssyncset.done $0x0  }
0x73: {  	[sflag:s18] =	ssyncadd.s32 $0xFFFFFFF0  }
0x74: {  	[tilespmem:s28], [sflag:$0x5] =	stream.linear.gather [hbm4b:s11+s3], $0x800, $0x38;
	[tilespmem:$0x1C980] =	vst v63  }
0x75: {  	_ =	swait.ge [sflag:s18], $0x800  }
0x76: {  	[sflag:s18] =	ssyncset.done $0x0  }
0x77: {  	s0 =	simm.s32 $0x10;
	[sflag:s18] =	ssyncadd.s32 $0xFFFFF800  }
0x78: {  	[spmem:s2] =	stream.indirect.scatter.add.f32 [tilespmem:s28], [sflag:$0x3], $0x80, s26, s0, $0xb8;
	[tilespmem:$0x1C980] =	vst v63  }
0x79: {  	_ =	swait.ge [sflag:s23], $0x800  }
0x7a: {  	s30 =	sadd.s32 $0x1, s30;
	[sflag:s23] =	ssyncset.done $0x0  }
0x7b: {  	p0 =	sne.s32 s30, s13;
	[sflag:s23] =	ssyncadd.s32 $0xFFFFF800  }
.Ltmp1:
0x7c: {  	[bflag:$0x0] =	sbarrier.arrive $0xFFFF;
	(pc) =	sbr.rel @p0 .LBB2_1-.Ltmp1, $4  }
0x7d: {  	[hbm:s12], [sflag:s5] =	dma.local [spmem:s17], $0x2800  }
0x7e: {  	_ =	swait.ge [sflag:s18], $0x2800  }
0x7f: {  	[sflag:s18] =	ssyncset.done $0x0  }
0x80: {  	[sflag:s18] =	ssyncadd.s32 $0xFFFFD800  }
0x81: {  	_ =	sfence.sel $0x180000  }
0x82: {  	[bflag:$0x0] =	sbarrier.arrive $0xFFFF  }
0x83: {  	_ =	strace $0x9000004A  }
0x84: {  	s0 =	stileid.u32;
	[bflag:$0x2] =	sbarrier.arrive $0xFFFF  }
0x85: {  	p0 =	sne.s32 s0, $0x0;
	s0 =	rddreg [dreg:$0x2]  }
0x86: {  	s0 =	sadd.s32 @!p0 $0x100000, s0  }
0x87: {  	[sflag:s0] =	ssyncadd.tile.s32 @!p0 $0x1;
	_ =	shalt  }
.Lfunc_end2:
_tile_overlayer_lowered:
.L_overlay_start_2:
0x88: {  	(tag) =	ssettag $0x2  }
0x89: {  	s0 =	rddreg [dreg:$0x0];
	s2 =	stileid.u32  }
0x8a: {  	s1 =	rddreg [dreg:$0x1];
	p0 =	sne.s32 s2, $0x0  }
0x8b: {  	s3 =	rddreg [dreg:$0x2];
	[bflag:$0x3] =	sbarrier.arrive $0xFFFF;
	s2 =	simm.s32 @!p0 $0x1C05  }
0x8c: {  	[timem:s3], [sflag:s2] =	dma.local @!p0 [hbm:s0], s1  }
0x8d: {  	s0 =	simm.s32 @!p0 $0x5  }
0x8e: {  	_ =	swait.ge @!p0 [sflag:s0], s1  }
0x8f: {  	s1 =	ssub.s32 @!p0 $0x0, s1;
	[sflag:s0] =	ssyncset.done @!p0 $0x0  }
0x90: {  	[sflag:s0] =	ssyncadd.s32 @!p0 s1  }
0x91: {  	[bflag:$0x3] =	sbarrier.arrive $0xFFFF  }
0x92: {  	_ =	shalt  }

// kernel: kernel.19.cloned.1.call-start
scs
__scs_entry_jumppad:
0x0: {  	(pc) =	sbr.rel $0x88, $3  }
0x1: {  	(tag) =	ssettag $0x0;
	lr =	simm.s32 $0x1  }
0x2: {  	[smem:$0x3F8B] =	sst lr;
	_ =	strace $0xD0000000  }
0x3: {  	_ = 	snop  }
0x4: {  	_ = 	snop  }
0x5: {  	_ = 	snop  }
0x6: {  	_ = 	snop  }
0x7: {  	_ = 	snop  }
__scs_overlays_trampoline_lowered:
0x8: {  	[smem:$0x3F9A] =	sst s0  }
0x9: {  	[smem:$0x3F9B] =	sst s1  }
0xa: {  	[smem:$0x3F9C] =	sst s2  }
0xb: {  	[smem:$0x3F9D] =	sst s3  }
0xc: {  	[smem:$0x3F9E] =	sst s4  }
0xd: {  	[smem:$0x3F9F] =	sst s5  }
0xe: {  	[smem:$0x3FA0] =	sst s6  }
0xf: {  	[smem:$0x3FA1] =	sst s7  }
0x10: {  	[smem:$0x3FA2] =	sst s8  }
0x11: {  	[smem:$0x3FA3] =	sst s9;
	s0 =	simm.s32 @!p0 $0x0  }
0x12: {  	s1 =	sld [smem:$0x3F89];
	s0 =	simm.s32 @p0 $0x1  }
0x13: {  	[smem:$0x3FA4] =	sst s0;
	s0 =	simm.s32 @!p1 $0x0  }
0x14: {  	s2 =	sld [smem:$0x3F88];
	s0 =	simm.s32 @p1 $0x1  }
0x15: {  	[smem:$0x3FA5] =	sst s0;
	s0 =	simm.s32 @!p2 $0x0  }
0x16: {  	s3 =	sld [smem:$0x3FDB];
	s0 =	simm.s32 @p2 $0x1  }
0x17: {  	s4 =	simm.s32 $0x1BF5;
	[smem:$0x3FA7] =	sst s0  }
0x18: {  	s0 =	sld [smem:$0x3F8A];
	_ =	swait.ge [sflag:s4], $0x0  }
0x19: {  	s7 =	sld [smem:$0x3F8B]  }
0x1a: {  	s8 =	sadd.s32 $0xFFFFE003, lr  }
0x1b: {  	s9 =	sadd.s32 $0xFFFFFEF7, lr;
	s5 =	simm.s32 $0xFFFFFFFF;
	p2 =	slt.u32 s8, $0xFFFFF086  }
0x1c: {  	p1 =	slt.u32 s9, $0xF7A;
	s5 =	simm.s32 @!p2 $0x0  }
0x1d: {  	s5 =	simm.s32 @p1 $0x1;
	p0 =	seq.s32 s7, s2  }
0x1e: {  	s7 =	smul.u32 @!p0 $0xF7A, s2;
	p2 =	seq.s32 @!p0 s5, $0x0  }
0x1f: {  	s9 =	smul.u32 $0xF7A, s1;
	s8 =	simm.s32 @!p0 $0x1BF5;
	p2 =	por !p2, p0  }
0x20: {  	[sflag:s8] =	ssyncset.s32 @!p0 $0xFFFFF086;
	s6 =	sadd.s32 @!p0 s3, s7;
	s7 =	simm.s32 @!p0 $0x108  }
0x21: {  	s3 =	sadd.s32 s3, s9;
	s6 =	sadd.s32 @!p0 $0x88, s6;
	s7 =	simm.s32 @p2 $0x1082  }
0x22: {  	[simem:s7], [sflag:s8] =	dma.local @!p0 [hbm:s6], $0xF7A  }
0x23: {  	s9 =	sor.u32 $0xD0000000, s2;
	s6 =	simm.s32 $0x108;
	_ =	swait.ge @!p0 [sflag:s8], $0x0  }
0x24: {  	s3 =	sadd.s32 $0x88, s3;
	s6 =	simm.s32 @!p1 $0x1082;
	[sflag:s4] =	ssyncset.s32 $0xFFFFF086  }
0x25: {  	[simem:s6], [sflag:s4] =	dma.local [hbm:s3], $0xF7A  }
0x26: {  	[smem:$0x3F8B] =	sst s1;
	(tag) =	ssettag s2;
	_ =	strace s9  }
0x27: {  	s1 =	sld [smem:$0x3F9B]  }
0x28: {  	s2 =	sld [smem:$0x3F9C]  }
0x29: {  	s4 =	sld [smem:$0x3F9E]  }
0x2a: {  	p0 =	seq.s32 s5, $0x0;
	s5 =	sld [smem:$0x3F9F]  }
0x2b: {  	s6 =	sld [smem:$0x3FA0]  }
0x2c: {  	s7 =	sld [smem:$0x3FA1]  }
0x2d: {  	s3 =	simm.s32 $0x108;
	s8 =	sld [smem:$0x3FA2]  }
0x2e: {  	s3 =	simm.s32 @!p0 $0x1082;
	s9 =	sld [smem:$0x3FA3]  }
0x2f: {  	lr =	sadd.s32 s0, s3;
	s0 =	sld [smem:$0x3F9A]  }
0x30: {  	s3 =	sld [smem:$0x3F9D]  }
0x31: {  	[smem:$0x3FA6] =	sst s10  }
0x32: {  	s10 =	sld [smem:$0x3FA4];
	_ =	sdelay $0x3  }
0x33: {  	p0 =	seq.s32 s10, $0x1;
	s10 =	sld [smem:$0x3FA6];
	_ =	sdelay $0x3  }
0x34: {  	[smem:$0x3FA6] =	sst s10  }
0x35: {  	s10 =	sld [smem:$0x3FA5];
	_ =	sdelay $0x3  }
0x36: {  	p1 =	seq.s32 s10, $0x1;
	s10 =	sld [smem:$0x3FA6];
	_ =	sdelay $0x3  }
0x37: {  	[smem:$0x3FA6] =	sst s10  }
0x38: {  	s10 =	sld [smem:$0x3FA7]  }
0x39: {  	_ = 	snop;
	(pc) =	sbr.ind lr, $3  }
0x3a: {  	_ = 	snop  }
0x3b: {  	_ = 	snop  }
0x3c: {  	p2 =	seq.s32 s10, $0x1;
	s10 =	sld [smem:$0x3FA6]  }
0x3d: {  	_ =	shalt  }
0x3e: {  	_ =	shalt  }
0x3f: {  	_ =	shalt  }
0x40: {  	_ =	shalt  }
0x41: {  	_ =	shalt  }
0x42: {  	_ =	shalt  }
0x43: {  	_ =	shalt  }
0x44: {  	_ =	shalt  }
0x45: {  	_ =	shalt  }
0x46: {  	_ =	shalt  }
0x47: {  	_ =	shalt  }
0x48: {  	_ =	shalt  }
0x49: {  	_ =	shalt  }
0x4a: {  	_ =	shalt  }
0x4b: {  	_ =	shalt  }
0x4c: {  	_ =	shalt  }
0x4d: {  	_ =	shalt  }
0x4e: {  	_ =	shalt  }
0x4f: {  	_ =	shalt  }
0x50: {  	_ =	shalt  }
0x51: {  	_ =	shalt  }
0x52: {  	_ =	shalt  }
0x53: {  	_ =	shalt  }
0x54: {  	_ =	shalt  }
0x55: {  	_ =	shalt  }
0x56: {  	_ =	shalt  }
0x57: {  	_ =	shalt  }
0x58: {  	_ =	shalt  }
0x59: {  	_ =	shalt  }
0x5a: {  	_ =	shalt  }
0x5b: {  	_ =	shalt  }
0x5c: {  	_ =	shalt  }
0x5d: {  	_ =	shalt  }
0x5e: {  	_ =	shalt  }
0x5f: {  	_ =	shalt  }
0x60: {  	_ =	shalt  }
0x61: {  	_ =	shalt  }
0x62: {  	_ =	shalt  }
0x63: {  	_ =	shalt  }
0x64: {  	_ =	shalt  }
0x65: {  	_ =	shalt  }
0x66: {  	_ =	shalt  }
0x67: {  	_ =	shalt  }
0x68: {  	_ =	shalt  }
0x69: {  	_ =	shalt  }
0x6a: {  	_ =	shalt  }
0x6b: {  	_ =	shalt  }
0x6c: {  	_ =	shalt  }
0x6d: {  	_ =	shalt  }
0x6e: {  	_ =	shalt  }
0x6f: {  	_ =	shalt  }
0x70: {  	_ =	shalt  }
0x71: {  	_ =	shalt  }
0x72: {  	_ =	shalt  }
0x73: {  	_ =	shalt  }
0x74: {  	_ =	shalt  }
0x75: {  	_ =	shalt  }
0x76: {  	_ =	shalt  }
0x77: {  	_ =	shalt  }
0x78: {  	_ =	shalt  }
0x79: {  	_ =	shalt  }
0x7a: {  	_ =	shalt  }
0x7b: {  	_ =	shalt  }
0x7c: {  	_ =	shalt  }
0x7d: {  	_ =	shalt  }
0x7e: {  	_ =	shalt  }
0x7f: {  	_ =	shalt  }
0x80: {  	_ =	shalt  }
0x81: {  	_ =	shalt  }
0x82: {  	_ =	shalt  }
0x83: {  	_ =	shalt  }
0x84: {  	_ =	shalt  }
0x85: {  	_ =	shalt  }
0x86: {  	_ =	shalt  }
0x87: {  	_ =	shalt  }
.Lfunc_end0:
.L_simem_size_0:
called_computation.2_lowered:
.L_overlay_start_0:
0x88: {  	s2 =	sld [smem:$0x3FD9]  }
0x89: {  	s3 =	sld [smem:$0x3FFE];
	_ =	sdelay $0x1  }
0x8a: {  	s1 =	srdreg.scid  }
0x8b: {  	s0 =	sand.u32 $0x1, s1  }
0x8c: {  	s17 =	sshll.u32 s0, $0xA;
	s2 =	sadd.s32 s3, s2  }
0x8d: {  	s2 =	sadd.s32 s2, s17  }
0x8e: {  	[smem:$0x3FB2] =	sst s2  }
0x8f: {  	_ = 	snop  }
0x90: {  	s2 =	sld [smem:$0x3FC7]  }
0x91: {  	s18 =	sld [smem:$0x3FC6];
	(tm) =	ssettm $0x1  }
0x92: {  	s4 =	sld [smem:$0x3FFB];
	_ =	sdelay $0x3  }
0x93: {  	_ =	strace s4  }
0x94: {  	s4 =	sld [smem:$0x3FFC];
	_ =	sdelay $0x3  }
0x95: {  	_ =	strace s4  }
0x96: {  	s4 =	sld [smem:$0x3FFD];
	_ =	sdelay $0x3  }
0x97: {  	_ =	strace s4  }
0x98: {  	_ =	strace $0x8FFFFFFF  }
0x99: {  	s19 =	sld [smem:$0x3FDB];
	_ =	sdelay $0x1  }
0x9a: {  	s5 =	simm.s32 $_scs_section_size  }
0x9b: {  	s6 =	simm.s32 $_size__tile_overlayer_lowered;
	s7 =	simm.s32 $_tile_overlayer_lowered  }
0x9c: {  	s22 =	simm.s32 $0x1BFF;
	s21 =	sshll.u32 s7, $0x1;
	s4 =	sadd.s32 s5, s19  }
0x9d: {  	s8 =	simm.s32 $0x0;
	s20 =	sshll.u32 s6, $0x1;
	s6 =	sadd.s32 s21, s4  }
0x9e: {  	[timem:s8], [sflag:s22] =	dma.local [hbm:s6], s20  }
0x9f: {  	_ =	swait.ge [sflag:s22], s20  }
0xa0: {  	s5 =	ssub.s32 $0x0, s20;
	[sflag:s22] =	ssyncset.done $0x0  }
0xa1: {  	[sflag:s22] =	ssyncadd.s32 s5;
	_ =	sdelay $0x1  }
0xa2: {  	s23 =	simm.s32 $0x1B8B  }
0xa3: {  	_ =	swait.ge [sflag:s23], $0x1  }
0xa4: {  	[sflag:s23] =	ssyncset.done $0x0  }
0xa5: {  	s25 =	simm.s32 $0x1B8E;
	s24 =	sld [smem:$0x3FFE];
	[sflag:s23] =	ssyncadd.s32 $0xFFFFFFFF  }
0xa6: {  	s26 =	simm.s32 $execute0_lowered;
	[smem:$0x3FD2] =	sst s25  }
0xa7: {  	s6 =	sshll.u32 s26, $0x1;
	_ =	strace $0x8000004C;
	[dreg:$0x1] =	wrdreg $0xFFFFFFFF  }
0xa8: {  	s28 =	simm.s32 $_size_execute0_lowered;
	s4 =	sadd.s32 s4, s6;
	[dreg:$0x0] =	wrdreg $0x0  }
0xa9: {  	s6 =	sshll.u32 s28, $0x1;
	[dreg:$0x2] =	wrdreg s4  }
0xaa: {  	[dreg:$0x3] =	wrdreg s6  }
0xab: {  	[dreg:$0x4] =	wrdreg $0xC0  }
0xac: {  	_ =	task [dreg:s8], $0x5FFFF  }
0xad: {  	[dreg:$0x1] =	wrdreg $0xFFFFFFFF  }
0xae: {  	[dreg:$0x0] =	wrdreg $0x60  }
0xaf: {  	[dreg:$0x2] =	wrdreg s24  }
0xb0: {  	[dreg:$0x3] =	wrdreg s2  }
0xb1: {  	[dreg:$0x4] =	wrdreg s18  }
0xb2: {  	[dreg:$0x5] =	wrdreg $0x83000  }
0xb3: {  	[dreg:$0x6] =	wrdreg $0x9  }
0xb4: {  	_ =	task.clear_ibuf [dreg:s8], $0x7FFFF;
	_ =	strace $0x9000004C  }
0xb5: {  	s29 =	simm.s32 $0x9;
	_ =	strace $0x8000004E  }
0xb6: {  	_ =	swait.ge [sflag:s29], $0x1  }
0xb7: {  	[sflag:s29] =	ssyncadd.s32 $0xFFFFFFFF  }
0xb8: {  	_ =	strace $0x9000004E  }
0xb9: {  	_ =	sfence  }
0xba: {  	s30 =	sld [smem:$0x0];
	_ =	sdelay $0x2  }
0xbb: {  	s31 =	sshll.u32 s1, $0xD;
	s1 =	sshrl.u32 s1, $0x2  }
0xbc: {  	s3 =	sand.u32 $0x4000, s31;
	s1 =	sadd.s32 s1, s30  }
0xbd: {  	s0 =	sor.u32 s3, s0;
	s1 =	sshll.u32 s1, $0x11  }
0xbe: {  	s0 =	sor.u32 s1, s0  }
0xbf: {  	s0 =	sadd.s32 $0x8F2B, s0  }
0xc0: {  	[sflag:s0] =	ssyncadd.remote.s32 $0x1  }
0xc1: {  	_ =	sfence.sel $0xFFFF  }
0xc2: {  	[dreg:$0x0] =	wrdreg $0xFFFFFFFF;
	(pc) =	sbr.abs _section_cstart, $3  }
0xc3: {  	[dreg:$0x1] =	wrdreg $0xFFFFFFFF  }
0xc4: {  	_ =	task.clear_ibuf [dreg:s8], $0x2FFFF;
	_ =	strace $0x9FFFFFFF  }
0xc5: {  	(tm) =	ssettm $0x7FFFFFFF  }
tec
execute0_lowered:
.L_overlay_start_1:
0x0: {  	(tag) =	ssettag $0x1  }
0x1: {  	s0 =	rddreg [dreg:$0x0]  }
0x2: {  	s17 =	rddreg [dreg:$0x1]  }
0x3: {  	s15 =	rddreg [dreg:$0x2]  }
0x4: {  	s16 =	rddreg [dreg:$0x3];
	s5 =	simm.s32 $0x0;
	s4 =	stileid.u32  }
0x5: {  	s1 =	srdreg.scid;
	s28 =	simm.s32 $0x4300;
	s29 =	simm.s32 $0x1  }
0x6: {  	s30 =	simm.s32 $0x3;
	s31 =	simm.s32 $0x5;
	[smem:$0x7FF] =	sst s5  }
0x7: {  	s2 =	smul.u32 $0x14000, s4;
	s1 =	sand.u32 $0x1, s1;
	s6 =	sadd.s32 $0x5E9C00, s0  }
0x8: {  	s7 =	sadd.s32 $0xB7C00, s0;
	s8 =	sadd.s32 $0xDEE00, s0;
	s9 =	sadd.s32 $0x6C00, s0  }
0x9: {  	s12 =	sshll.u32 s4, $0x1;
	s13 =	smul.u32 $0x50000, s4;
	s26 =	smov.u32 s16  }
0xa: {  	s20 =	sshll.u32 s4, $0x6;
	_ =	strace $0x8000004D;
	s3 =	smul.u32 $0x140000, s1  }
0xb: {  	s11 =	ssub.s32 $0x2, s1;
	s14 =	sor.u32 s1, s12;
	s4 =	sor.u32 $0x1C09, s20  }
0xc: {  	s10 =	sshrl.u32 s2, $0x3;
	s18 =	sshrl.u32 s11, $0x1;
	s19 =	sshrl.u32 s13, $0x2  }
0xd: {  	[dreg:$0x7] =	wrdreg s4;
	s2 =	sadd.s32 s2, s3;
	s25 =	sadd.s32 s10, s0  }
0xe: {  	s10 =	sadd.s32 $0x106000, s0;
	s12 =	sadd.s32 s19, s16;
	s2 =	sshrl.u32 s2, $0x3  }
0xf: {  	[dreg:$0x5] =	wrdreg s12;
	s21 =	sadd.s32 $0x8FC00, s25;
	s25 =	smul.u32 $0x27100, s14  }
0x10: {  	s0 =	sadd.s32 s2, s0;
	s2 =	ssub.s32 s11, s18;
	s11 =	smul.u32 $0x2710, s14  }
0x11: {  	s12 =	smul.u32 $0x4E200, s1;
	[dreg:$0x6] =	wrdreg s21;
	s19 =	sadd.s32 s6, s25  }
0x12: {  	s0 =	sadd.s32 $0xACBC00, s0;
	s22 =	sshrl.u32 s11, $0x3;
	[dreg:$0xc] =	wrdreg s19  }
0x13: {  	s24 =	sadd.s32 s12, s11;
	s18 =	sadd.s32 $0x80, s11;
	[dreg:$0x1b] =	wrdreg s0  }
0x14: {  	s0 =	simm.s32 $0x7;
	s23 =	sadd.s32 s17, s22;
	s1 =	sadd.s32 s15, s22  }
0x15: {  	s16 =	sshrl.u32 s24, $0x3;
	s20 =	sshrl.u32 s18, $0x3;
	[dreg:$0xa] =	wrdreg s18  }
0x16: {  	s22 =	smul.u32 $0x138800, s14;
	s25 =	sshll.u32 s18, $0x4;
	[dreg:$0x8] =	wrdreg s23  }
0x17: {  	s14 =	sadd.s32 $0x100, s11;
	[dreg:$0x9] =	wrdreg s1;
	s1 =	sadd.s32 s9, s16  }
0x18: {  	s21 =	sadd.s32 s17, s20;
	s23 =	sadd.s32 s12, s18;
	[dreg:$0x12] =	wrdreg s14  }
0x19: {  	s3 =	sadd.s32 s6, s25;
	s16 =	sadd.s32 $0x2700, s11;
	[dreg:$0xb] =	wrdreg s1  }
0x1a: {  	s11 =	sadd.s32 $0x180, s11;
	s25 =	smov.u32 s15;
	[dreg:$0xd] =	wrdreg s21  }
0x1b: {  	s14 =	simm.s32 $0x9;
	s1 =	sadd.s32 s15, s20;
	[dreg:$0x11] =	wrdreg s3  }
0x1c: {  	s24 =	sshrl.u32 s23, $0x3;
	[dreg:$0xe] =	wrdreg s22;
	s13 =	sshrl.u32 s22, $0x3  }
0x1d: {  	[dreg:$0x13] =	wrdreg s11;
	s19 =	sshrl.u32 s16, $0x3;
	s21 =	sadd.s32 s12, s16  }
0x1e: {  	s3 =	sshll.u32 s16, $0x4;
	[dreg:$0xf] =	wrdreg s1;
	s1 =	sadd.s32 s9, s24  }
0x1f: {  	s20 =	sadd.s32 s17, s19;
	s11 =	sadd.s32 s15, s19;
	[dreg:$0x10] =	wrdreg s1  }
0x20: {  	s22 =	sadd.s32 s6, s3;
	s23 =	sadd.s32 s10, s3;
	[dreg:$0x16] =	wrdreg s20  }
0x21: {  	s24 =	smax.u32 s2, $0x1;
	s19 =	simm.s32 $0x200;
	[dreg:$0x17] =	wrdreg s11  }
0x22: {  	s2 =	simm.s32 $0x2;
	s15 =	simm.s32 $0x8;
	[dreg:$0x19] =	wrdreg s22  }
0x23: {  	s3 =	simm.s32 $0x0;
	s1 =	sadd.s32 s10, s13;
	[dreg:$0x1a] =	wrdreg s23  }
0x24: {  	[dreg:$0x1c] =	wrdreg s24;
	s20 =	simm.s32 $0x300;
	s22 =	simm.s32 $0x100  }
0x25: {  	s23 =	simm.s32 $0x180;
	s18 =	sadd.s32 $0x26000, s1;
	s1 =	sadd.s32 $0x26800, s1  }
0x26: {  	s24 =	simm.s32 $0x280;
	[dreg:$0x15] =	wrdreg s1;
	s1 =	sshrl.u32 s21, $0x3  }
0x27: {  	s11 =	simm.s32 $0x4;
	[dreg:$0x14] =	wrdreg s18;
	s1 =	sadd.s32 s9, s1  }
0x28: {  	s13 =	simm.s32 $0x6;
	s18 =	simm.s32 $0x80;
	[dreg:$0x18] =	wrdreg s1  }
.LBB2_1:
0x29: {  	[dreg:$0x1d] =	wrdreg s3  }
0x2a: {  	s1 =	rddreg [dreg:$0x5]  }
0x2b: {  	s21 =	rddreg [dreg:$0x6];
	s16 =	sshrl.u32 s1, $0x3  }
0x2c: {  	[dreg:$0x1e] =	wrdreg s16  }
0x2d: {  	[spmem:s16], [sflag:s4] =	dma.local [hbm:s21], $0x2800  }
0x2e: {  	_ =	swait.ge [sflag:s14], $0x2800  }
0x2f: {  	[sflag:s14] =	ssyncset.done $0x0  }
0x30: {  	[sflag:s14] =	ssyncadd.s32 $0xFFFFD800  }
0x31: {  	[bflag:$0x0] =	sbarrier.arrive $0xFFFF  }
0x32: {  	s14 =	rddreg [dreg:$0x8]  }
0x33: {  	[tilespmem:s5], [sflag:$0x1] =	stream.linear.gather [hbm4b:s14+s5], $0x80, $0x38;
	[tilespmem:$0x1C380] =	vst v63  }
0x34: {  	s16 =	rddreg [dreg:$0x9]  }
0x35: {  	[tilespmem:s18], [sflag:$0x1] =	stream.linear.gather [hbm4b:s16+s5], $0x80, $0x38;
	[tilespmem:$0x1C380] =	vst v63  }
0x36: {  	s21 =	rddreg [dreg:$0xb]  }
0x37: {  	[tilespmem:s19], [sflag:$0x1] =	stream.linear.gather [hbm4b:s21+s5], $0x80, $0x38;
	[tilespmem:$0x1C380] =	vst v63  }
0x38: {  	s3 =	rddreg [dreg:$0xc]  }
0x39: {  	[tilespmem:s20], [sflag:$0x1] =	stream.linear.gather [hbm4b:s3+s5], $0x4000, $0x38;
	[tilespmem:$0x1C380] =	vst v63  }
0x3a: {  	s4 =	rddreg [dreg:$0xd]  }
0x3b: {  	[tilespmem:s22], [sflag:$0x2] =	stream.linear.gather [hbm4b:s4+s5], $0x80, $0x38;
	[tilespmem:$0x1C380] =	vst v63  }
0x3c: {  	s14 =	rddreg [dreg:$0xf]  }
0x3d: {  	[tilespmem:s23], [sflag:$0x2] =	stream.linear.gather [hbm4b:s14+s5], $0x80, $0x38;
	[tilespmem:$0x1C380] =	vst v63  }
0x3e: {  	s16 =	rddreg [dreg:$0x10]  }
0x3f: {  	[tilespmem:s24], [sflag:$0x2] =	stream.linear.gather [hbm4b:s16+s5], $0x80, $0x38;
	[tilespmem:$0x1C380] =	vst v63  }
0x40: {  	s21 =	rddreg [dreg:$0x11];
	s14 =	simm.s32 $0x0  }
0x41: {  	[tilespmem:s28], [sflag:$0x2] =	stream.linear.gather [hbm4b:s21+s5], $0x4000, $0x38;
	[tilespmem:$0x1C380] =	vst v63  }
.LBB2_2:
0x42: {  	_ =	swait.ge [sflag:s29], $0x80  }
0x43: {  	[sflag:s29] =	ssyncset.done $0x0  }
0x44: {  	[sflag:s29] =	ssyncadd.s32 $0xFFFFFF80  }
0x45: {  	_ =	swait.ge [sflag:s29], $0x80  }
0x46: {  	[sflag:s29] =	ssyncset.done $0x0  }
0x47: {  	[sflag:s29] =	ssyncadd.s32 $0xFFFFFF80  }
0x48: {  	_ =	swait.ge [sflag:s29], $0x80  }
0x49: {  	[sflag:s29] =	ssyncset.done $0x0  }
0x4a: {  	[sflag:s29] =	ssyncadd.s32 $0xFFFFFF80  }
0x4b: {  	_ =	swait.ge [sflag:s29], $0x4000  }
0x4c: {  	[sflag:s29] =	ssyncset.done $0x0  }
0x4d: {  	s1 =	simm.s32 $0x0;
	[sflag:s29] =	ssyncadd.s32 $0xFFFFC000  }
0x4e: {  	[tilespmem:s20], [sflag:$0x3] =	stream.indirect.gather.add.f32 [hbm:s7], $0x80, s1, s18, $0xb8;
	[tilespmem:$0x1C380] =	vst v63  }
0x4f: {  	_ = 	snop  }
0x50: {  	[tilespmem:s20], [sflag:$0x3] =	stream.indirect.gather.add.f32 [hbm:s8], $0x80, s18, s18, $0xb8;
	[tilespmem:$0x1C380] =	vst v63  }
0x51: {  	_ =	swait.ge [sflag:s30], $0x4000  }
0x52: {  	[sflag:s30] =	ssyncset.done $0x0  }
0x53: {  	[sflag:s30] =	ssyncadd.s32 $0xFFFFC000  }
0x54: {  	_ =	swait.ge [sflag:s30], $0x4000  }
0x55: {  	[sflag:s30] =	ssyncset.done $0x0  }
0x56: {  	s16 =	simm.s32 $0x0;
	[sflag:s30] =	ssyncadd.s32 $0xFFFFC000  }
0x57: {  	v2 =	vld [tilespmem:s16+$0x300]  }
0x58: {  	v3 =	vld [tilespmem:s16+$0x310]  }
0x59: {  	v4 =	vld [tilespmem:s16+$0x320]  }
0x5a: {  	v1 =	vld [tilespmem:s16+$0x330]  }
0x5b: {  	v0 =	vld [tilespmem:s16+$0x340]  }
0x5c: {  	v5 =	vmax.f32 v2, $0.0e+00;
	v2 =	vld [tilespmem:s16+$0x350]  }
0x5d: {  	s1 =	simm.s32 $0x200;
	[tilespmem:s16+$0x300] =	vst v5;
	v5 =	vmax.f32 v3, $0.0e+00;
	v3 =	vld [tilespmem:s16+$0x360]  }
.LBB2_3:
0x5e: {  	s3 =	sshra.s32 s1, $0x2;
	p0 =	sne.s32 s1, $0xFE00;
	[tilespmem:s16+$0x310] =	vst v5;
	v4 =	vmax.f32 v4, $0.0e+00;
	v5 =	vld [tilespmem:s16+$0x370]  }
0x5f: {  	v6 =	vld [tilespmem:s3+$0x300];
	[tilespmem:s16+$0x320] =	vst v4;
	v1 =	vmax.f32 v1, $0.0e+00  }
0x60: {  	v7 =	vld [tilespmem:s3+$0x310];
	[tilespmem:s16+$0x330] =	vst v1;
	v0 =	vmax.f32 v0, $0.0e+00  }
.Ltmp0:
0x61: {  	v4 =	vld [tilespmem:s3+$0x320];
	[tilespmem:s16+$0x340] =	vst v0;
	v0 =	vmax.f32 v2, $0.0e+00;
	(pc) =	sbr.rel @p0 .LBB2_3-.Ltmp0, $4  }
0x62: {  	v1 =	vld [tilespmem:s3+$0x330];
	[tilespmem:s16+$0x350] =	vst v0;
	v2 =	vmax.f32 v3, $0.0e+00  }
0x63: {  	v0 =	vld [tilespmem:s3+$0x340];
	[tilespmem:s16+$0x360] =	vst v2;
	v3 =	vmax.f32 v5, $0.0e+00  }
0x64: {  	v5 =	vmax.f32 v6, $0.0e+00;
	v2 =	vld [tilespmem:s3+$0x350];
	[tilespmem:s16+$0x370] =	vst v3;
	s16 =	smov.u32 s3  }
0x65: {  	s1 =	sadd.s32 $0x200, s1;
	[tilespmem:s16+$0x300] =	vst v5;
	v5 =	vmax.f32 v7, $0.0e+00;
	v3 =	vld [tilespmem:s16+$0x360]  }
0x66: {  	[tilespmem:s16+$0x310] =	vst v5;
	v4 =	vmax.f32 v4, $0.0e+00;
	v5 =	vld [tilespmem:s16+$0x370]  }
0x67: {  	[tilespmem:s16+$0x320] =	vst v4;
	v1 =	vmax.f32 v1, $0.0e+00  }
0x68: {  	[tilespmem:s16+$0x330] =	vst v1;
	v0 =	vmax.f32 v0, $0.0e+00  }
0x69: {  	s1 =	sshll.u32 s14, $0xF;
	s3 =	rddreg [dreg:$0xe];
	[tilespmem:s16+$0x340] =	vst v0;
	v0 =	vmax.f32 v2, $0.0e+00  }
0x6a: {  	s1 =	sadd.s32 s3, s1;
	[tilespmem:s16+$0x350] =	vst v0;
	v0 =	vmax.f32 v3, $0.0e+00  }
0x6b: {  	s1 =	sshrl.u32 s1, $0x3;
	[tilespmem:s16+$0x360] =	vst v0;
	v0 =	vmax.f32 v5, $0.0e+00  }
0x6c: {  	s3 =	simm.s32 $0x0;
	s1 =	sadd.s32 s10, s1;
	[tilespmem:s16+$0x370] =	vst v0  }
0x6d: {  	[hbm4b:s1+s3] =	stream.linear.scatter [tilespmem:s20], [sflag:$0x5], $0x4000, $0x38;
	[tilespmem:$0x1C380] =	vst v63  }
0x6e: {  	_ = 	snop  }
0x6f: {  	[spmem:s26] =	stream.indirect.scatter.add.f32 [tilespmem:s20], [sflag:$0x7], $0x80, s19, s18, $0xb8;
	[tilespmem:$0x1C380] =	vst v63  }
0x70: {  	_ =	swait.ge [sflag:s31], $0x4000  }
0x71: {  	[sflag:s31] =	ssyncset.done $0x0  }
0x72: {  	[sflag:s31] =	ssyncadd.s32 $0xFFFFC000  }
0x73: {  	_ =	swait.ge [sflag:s0], $0x4000  }
0x74: {  	s16 =	sshll.u32 s14, $0x8;
	s4 =	rddreg [dreg:$0x12]  }
0x75: {  	s1 =	sadd.s32 s16, s4  }
0x76: {  	[sflag:s0] =	ssyncset.done $0x0;
	s4 =	sshrl.u32 s1, $0x3  }
0x77: {  	s21 =	smov.u32 s17;
	[sflag:s0] =	ssyncadd.s32 $0xFFFFC000;
	s17 =	sadd.s32 s17, s4  }
0x78: {  	[tilespmem:s3], [sflag:$0x1] =	stream.linear.gather [hbm4b:s17+s3], $0x80, $0x38;
	[tilespmem:$0x1C380] =	vst v63  }
0x79: {  	s4 =	sadd.s32 s25, s4;
	s17 =	sadd.s32 s12, s1  }
0x7a: {  	[tilespmem:s18], [sflag:$0x1] =	stream.linear.gather [hbm4b:s4+s3], $0x80, $0x38;
	[tilespmem:$0x1C380] =	vst v63  }
0x7b: {  	s4 =	sshrl.u32 s17, $0x3  }
0x7c: {  	s1 =	sshll.u32 s1, $0x4;
	s4 =	sadd.s32 s9, s4  }
0x7d: {  	[tilespmem:s19], [sflag:$0x1] =	stream.linear.gather [hbm4b:s4+s3], $0x80, $0x38;
	[tilespmem:$0x1C380] =	vst v63  }
0x7e: {  	s1 =	sadd.s32 s6, s1  }
0x7f: {  	[tilespmem:s20], [sflag:$0x1] =	stream.linear.gather [hbm4b:s1+s3], $0x4000, $0x38;
	[tilespmem:$0x1C380] =	vst v63  }
0x80: {  	_ =	swait.ge [sflag:s2], $0x80  }
0x81: {  	[sflag:s2] =	ssyncset.done $0x0  }
0x82: {  	[sflag:s2] =	ssyncadd.s32 $0xFFFFFF80  }
0x83: {  	_ =	swait.ge [sflag:s2], $0x80  }
0x84: {  	[sflag:s2] =	ssyncset.done $0x0  }
0x85: {  	[sflag:s2] =	ssyncadd.s32 $0xFFFFFF80  }
0x86: {  	_ =	swait.ge [sflag:s2], $0x80  }
0x87: {  	[sflag:s2] =	ssyncset.done $0x0  }
0x88: {  	[sflag:s2] =	ssyncadd.s32 $0xFFFFFF80  }
0x89: {  	_ =	swait.ge [sflag:s2], $0x4000  }
0x8a: {  	[sflag:s2] =	ssyncset.done $0x0  }
0x8b: {  	[sflag:s2] =	ssyncadd.s32 $0xFFFFC000  }
0x8c: {  	[tilespmem:s28], [sflag:$0x4] =	stream.indirect.gather.add.f32 [hbm:s7], $0x80, s22, s18, $0xb8;
	[tilespmem:$0x1C380] =	vst v63  }
0x8d: {  	_ = 	snop  }
0x8e: {  	[tilespmem:s28], [sflag:$0x4] =	stream.indirect.gather.add.f32 [hbm:s8], $0x80, s23, s18, $0xb8;
	[tilespmem:$0x1C380] =	vst v63  }
0x8f: {  	_ =	swait.ge [sflag:s11], $0x4000  }
0x90: {  	[sflag:s11] =	ssyncset.done $0x0  }
0x91: {  	[sflag:s11] =	ssyncadd.s32 $0xFFFFC000  }
0x92: {  	_ =	swait.ge [sflag:s11], $0x4000  }
0x93: {  	[sflag:s11] =	ssyncset.done $0x0  }
0x94: {  	s1 =	simm.s32 $0x0;
	[sflag:s11] =	ssyncadd.s32 $0xFFFFC000  }
0x95: {  	v2 =	vld [tilespmem:s1+$0x4300]  }
0x96: {  	v4 =	vld [tilespmem:s1+$0x4310]  }
0x97: {  	v3 =	vld [tilespmem:s1+$0x4320]  }
0x98: {  	v1 =	vld [tilespmem:s1+$0x4330]  }
0x99: {  	v0 =	vld [tilespmem:s1+$0x4340]  }
0x9a: {  	v5 =	vmax.f32 v2, $0.0e+00;
	v2 =	vld [tilespmem:s1+$0x4350]  }
0x9b: {  	s3 =	simm.s32 $0x200;
	[tilespmem:s1+$0x4300] =	vst v5;
	v5 =	vmax.f32 v4, $0.0e+00;
	v4 =	vld [tilespmem:s1+$0x4360]  }
.LBB2_5:
0x9c: {  	s4 =	sshra.s32 s3, $0x2;
	p0 =	sne.s32 s3, $0xFE00;
	[tilespmem:s1+$0x4310] =	vst v5;
	v3 =	vmax.f32 v3, $0.0e+00;
	v5 =	vld [tilespmem:s1+$0x4370]  }
0x9d: {  	v6 =	vld [tilespmem:s4+$0x4300];
	[tilespmem:s1+$0x4320] =	vst v3;
	v1 =	vmax.f32 v1, $0.0e+00  }
0x9e: {  	v7 =	vld [tilespmem:s4+$0x4310];
	[tilespmem:s1+$0x4330] =	vst v1;
	v0 =	vmax.f32 v0, $0.0e+00  }
.Ltmp1:
0x9f: {  	v3 =	vld [tilespmem:s4+$0x4320];
	[tilespmem:s1+$0x4340] =	vst v0;
	v0 =	vmax.f32 v2, $0.0e+00;
	(pc) =	sbr.rel @p0 .LBB2_5-.Ltmp1, $4  }
0xa0: {  	v1 =	vld [tilespmem:s4+$0x4330];
	[tilespmem:s1+$0x4350] =	vst v0;
	v2 =	vmax.f32 v4, $0.0e+00  }
0xa1: {  	v0 =	vld [tilespmem:s4+$0x4340];
	[tilespmem:s1+$0x4360] =	vst v2;
	v4 =	vmax.f32 v5, $0.0e+00  }
0xa2: {  	v5 =	vmax.f32 v6, $0.0e+00;
	v2 =	vld [tilespmem:s4+$0x4350];
	[tilespmem:s1+$0x4370] =	vst v4;
	s1 =	smov.u32 s4  }
0xa3: {  	s3 =	sadd.s32 $0x200, s3;
	[tilespmem:s1+$0x4300] =	vst v5;
	v5 =	vmax.f32 v7, $0.0e+00;
	v4 =	vld [tilespmem:s1+$0x4360]  }
0xa4: {  	[tilespmem:s1+$0x4310] =	vst v5;
	v3 =	vmax.f32 v3, $0.0e+00;
	v60 =	vld [tilespmem:s1+$0x4370]  }
0xa5: {  	[tilespmem:s1+$0x4320] =	vst v3;
	v1 =	vmax.f32 v1, $0.0e+00  }
0xa6: {  	[tilespmem:s1+$0x4330] =	vst v1;
	v0 =	vmax.f32 v0, $0.0e+00  }
0xa7: {  	s3 =	rddreg [dreg:$0xa];
	[tilespmem:s1+$0x4340] =	vst v0;
	v61 =	vmax.f32 v2, $0.0e+00  }
0xa8: {  	s3 =	sadd.s32 s16, s3;
	[tilespmem:s1+$0x4350] =	vst v61;
	v62 =	vmax.f32 v4, $0.0e+00  }
0xa9: {  	s3 =	sshll.u32 s3, $0x4;
	[tilespmem:s1+$0x4360] =	vst v62;
	v63 =	vmax.f32 v60, $0.0e+00  }
0xaa: {  	s3 =	sadd.s32 s10, s3;
	[tilespmem:s1+$0x4370] =	vst v63  }
0xab: {  	[hbm4b:s3+s5] =	stream.linear.scatter [tilespmem:s28], [sflag:$0x6], $0x4000, $0x38;
	[tilespmem:$0x1C380] =	vst v63  }
0xac: {  	_ = 	snop  }
0xad: {  	[spmem:s26] =	stream.indirect.scatter.add.f32 [tilespmem:s28], [sflag:$0x8], $0x80, s24, s18, $0xb8;
	[tilespmem:$0x1C380] =	vst v63  }
0xae: {  	_ =	swait.ge [sflag:s13], $0x4000  }
0xaf: {  	[sflag:s13] =	ssyncset.done $0x0  }
0xb0: {  	[sflag:s13] =	ssyncadd.s32 $0xFFFFC000  }
0xb1: {  	_ =	swait.ge [sflag:s15], $0x4000  }
0xb2: {  	s4 =	rddreg [dreg:$0x13]  }
0xb3: {  	s1 =	sadd.s32 s16, s4  }
0xb4: {  	s17 =	smov.u32 s21;
	[sflag:s15] =	ssyncset.done $0x0;
	s16 =	sshrl.u32 s1, $0x3  }
0xb5: {  	s14 =	sadd.s32 $0x1, s14;
	[sflag:s15] =	ssyncadd.s32 $0xFFFFC000;
	s4 =	sadd.s32 s21, s16  }
0xb6: {  	[tilespmem:s22], [sflag:$0x2] =	stream.linear.gather [hbm4b:s4+s5], $0x80, $0x38;
	[tilespmem:$0x1C380] =	vst v63  }
0xb7: {  	p0 =	sne.s32 s14, $0x26;
	s3 =	sadd.s32 s25, s16;
	s21 =	sadd.s32 s12, s1  }
0xb8: {  	[tilespmem:s23], [sflag:$0x2] =	stream.linear.gather [hbm4b:s3+s5], $0x80, $0x38;
	[tilespmem:$0x1C380] =	vst v63  }
.Ltmp2:
0xb9: {  	s3 =	sshrl.u32 s21, $0x3;
	(pc) =	sbr.rel @p0 .LBB2_2-.Ltmp2, $4  }
0xba: {  	s1 =	sshll.u32 s1, $0x4;
	s3 =	sadd.s32 s9, s3  }
0xbb: {  	[tilespmem:s24], [sflag:$0x2] =	stream.linear.gather [hbm4b:s3+s5], $0x80, $0x38;
	[tilespmem:$0x1C380] =	vst v63  }
0xbc: {  	s1 =	sadd.s32 s6, s1  }
0xbd: {  	[tilespmem:s28], [sflag:$0x2] =	stream.linear.gather [hbm4b:s1+s5], $0x4000, $0x38;
	[tilespmem:$0x1C380] =	vst v63  }
0xbe: {  	_ =	swait.ge [sflag:s29], $0x80  }
0xbf: {  	[sflag:s29] =	ssyncset.done $0x0  }
0xc0: {  	[sflag:s29] =	ssyncadd.s32 $0xFFFFFF80  }
0xc1: {  	_ =	swait.ge [sflag:s29], $0x80  }
0xc2: {  	[sflag:s29] =	ssyncset.done $0x0  }
0xc3: {  	[sflag:s29] =	ssyncadd.s32 $0xFFFFFF80  }
0xc4: {  	_ =	swait.ge [sflag:s29], $0x80  }
0xc5: {  	[sflag:s29] =	ssyncset.done $0x0  }
0xc6: {  	[sflag:s29] =	ssyncadd.s32 $0xFFFFFF80  }
0xc7: {  	_ =	swait.ge [sflag:s29], $0x4000  }
0xc8: {  	[sflag:s29] =	ssyncset.done $0x0  }
0xc9: {  	s1 =	simm.s32 $0x0;
	[sflag:s29] =	ssyncadd.s32 $0xFFFFC000  }
0xca: {  	[tilespmem:s20], [sflag:$0x3] =	stream.indirect.gather.add.f32 [hbm:s7], $0x80, s1, s18, $0xb8;
	[tilespmem:$0x1C380] =	vst v63  }
0xcb: {  	_ = 	snop  }
0xcc: {  	[tilespmem:s20], [sflag:$0x3] =	stream.indirect.gather.add.f32 [hbm:s8], $0x80, s18, s18, $0xb8;
	[tilespmem:$0x1C380] =	vst v63  }
0xcd: {  	_ =	swait.ge [sflag:s30], $0x4000  }
0xce: {  	[sflag:s30] =	ssyncset.done $0x0  }
0xcf: {  	[sflag:s30] =	ssyncadd.s32 $0xFFFFC000  }
0xd0: {  	_ =	swait.ge [sflag:s30], $0x4000  }
0xd1: {  	[sflag:s30] =	ssyncset.done $0x0  }
0xd2: {  	s1 =	simm.s32 $0x0;
	[sflag:s30] =	ssyncadd.s32 $0xFFFFC000  }
0xd3: {  	v2 =	vld [tilespmem:s1+$0x300]  }
0xd4: {  	v4 =	vld [tilespmem:s1+$0x310]  }
0xd5: {  	v3 =	vld [tilespmem:s1+$0x320]  }
0xd6: {  	v1 =	vld [tilespmem:s1+$0x330]  }
0xd7: {  	v0 =	vld [tilespmem:s1+$0x340]  }
0xd8: {  	v5 =	vmax.f32 v2, $0.0e+00;
	v2 =	vld [tilespmem:s1+$0x350]  }
0xd9: {  	s3 =	simm.s32 $0x200;
	[tilespmem:s1+$0x300] =	vst v5;
	v5 =	vmax.f32 v4, $0.0e+00;
	v4 =	vld [tilespmem:s1+$0x360]  }
.LBB2_8:
0xda: {  	s4 =	sshra.s32 s3, $0x2;
	p0 =	sne.s32 s3, $0xFE00;
	[tilespmem:s1+$0x310] =	vst v5;
	v3 =	vmax.f32 v3, $0.0e+00;
	v5 =	vld [tilespmem:s1+$0x370]  }
0xdb: {  	v6 =	vld [tilespmem:s4+$0x300];
	[tilespmem:s1+$0x320] =	vst v3;
	v1 =	vmax.f32 v1, $0.0e+00  }
0xdc: {  	v7 =	vld [tilespmem:s4+$0x310];
	[tilespmem:s1+$0x330] =	vst v1;
	v0 =	vmax.f32 v0, $0.0e+00  }
.Ltmp3:
0xdd: {  	v3 =	vld [tilespmem:s4+$0x320];
	[tilespmem:s1+$0x340] =	vst v0;
	v0 =	vmax.f32 v2, $0.0e+00;
	(pc) =	sbr.rel @p0 .LBB2_8-.Ltmp3, $4  }
0xde: {  	v1 =	vld [tilespmem:s4+$0x330];
	[tilespmem:s1+$0x350] =	vst v0;
	v2 =	vmax.f32 v4, $0.0e+00  }
0xdf: {  	v0 =	vld [tilespmem:s4+$0x340];
	[tilespmem:s1+$0x360] =	vst v2;
	v4 =	vmax.f32 v5, $0.0e+00  }
0xe0: {  	v5 =	vmax.f32 v6, $0.0e+00;
	v2 =	vld [tilespmem:s4+$0x350];
	[tilespmem:s1+$0x370] =	vst v4;
	s1 =	smov.u32 s4  }
0xe1: {  	s3 =	sadd.s32 $0x200, s3;
	[tilespmem:s1+$0x300] =	vst v5;
	v5 =	vmax.f32 v7, $0.0e+00;
	v4 =	vld [tilespmem:s1+$0x360]  }
0xe2: {  	[tilespmem:s1+$0x310] =	vst v5;
	v3 =	vmax.f32 v3, $0.0e+00;
	v5 =	vld [tilespmem:s1+$0x370]  }
0xe3: {  	[tilespmem:s1+$0x320] =	vst v3;
	v1 =	vmax.f32 v1, $0.0e+00  }
0xe4: {  	[tilespmem:s1+$0x330] =	vst v1;
	v0 =	vmax.f32 v0, $0.0e+00  }
0xe5: {  	[tilespmem:s1+$0x340] =	vst v0;
	v0 =	vmax.f32 v2, $0.0e+00  }
0xe6: {  	[tilespmem:s1+$0x350] =	vst v0;
	v0 =	vmax.f32 v4, $0.0e+00  }
0xe7: {  	[tilespmem:s1+$0x360] =	vst v0;
	v0 =	vmax.f32 v5, $0.0e+00  }
0xe8: {  	s21 =	simm.s32 $0x0;
	s3 =	rddreg [dreg:$0x14];
	[tilespmem:s1+$0x370] =	vst v0  }
0xe9: {  	[hbm4b:s3+s21] =	stream.linear.scatter [tilespmem:s20], [sflag:$0x5], $0x4000, $0x38;
	[tilespmem:$0x1C380] =	vst v63  }
0xea: {  	_ = 	snop  }
0xeb: {  	[spmem:s26] =	stream.indirect.scatter.add.f32 [tilespmem:s20], [sflag:$0x7], $0x80, s19, s18, $0xb8;
	[tilespmem:$0x1C380] =	vst v63  }
0xec: {  	_ =	swait.ge [sflag:s31], $0x4000  }
0xed: {  	[sflag:s31] =	ssyncset.done $0x0  }
0xee: {  	[sflag:s31] =	ssyncadd.s32 $0xFFFFC000  }
0xef: {  	_ =	swait.ge [sflag:s0], $0x4000  }
0xf0: {  	[sflag:s0] =	ssyncset.done $0x0  }
0xf1: {  	[sflag:s0] =	ssyncadd.s32 $0xFFFFC000  }
0xf2: {  	_ =	swait.ge [sflag:s2], $0x80  }
0xf3: {  	[sflag:s2] =	ssyncset.done $0x0  }
0xf4: {  	[sflag:s2] =	ssyncadd.s32 $0xFFFFFF80  }
0xf5: {  	_ =	swait.ge [sflag:s2], $0x80  }
0xf6: {  	[sflag:s2] =	ssyncset.done $0x0  }
0xf7: {  	[sflag:s2] =	ssyncadd.s32 $0xFFFFFF80  }
0xf8: {  	_ =	swait.ge [sflag:s2], $0x80  }
0xf9: {  	[sflag:s2] =	ssyncset.done $0x0  }
0xfa: {  	[sflag:s2] =	ssyncadd.s32 $0xFFFFFF80  }
0xfb: {  	_ =	swait.ge [sflag:s2], $0x4000  }
0xfc: {  	[sflag:s2] =	ssyncset.done $0x0  }
0xfd: {  	[sflag:s2] =	ssyncadd.s32 $0xFFFFC000  }
0xfe: {  	[tilespmem:s28], [sflag:$0x4] =	stream.indirect.gather.add.f32 [hbm:s7], $0x80, s22, s18, $0xb8;
	[tilespmem:$0x1C380] =	vst v63  }
0xff: {  	_ = 	snop  }
0x100: {  	[tilespmem:s28], [sflag:$0x4] =	stream.indirect.gather.add.f32 [hbm:s8], $0x80, s23, s18, $0xb8;
	[tilespmem:$0x1C380] =	vst v63  }
0x101: {  	_ =	swait.ge [sflag:s11], $0x4000  }
0x102: {  	[sflag:s11] =	ssyncset.done $0x0  }
0x103: {  	[sflag:s11] =	ssyncadd.s32 $0xFFFFC000  }
0x104: {  	_ =	swait.ge [sflag:s11], $0x4000  }
0x105: {  	[sflag:s11] =	ssyncset.done $0x0  }
0x106: {  	s1 =	simm.s32 $0x0;
	[sflag:s11] =	ssyncadd.s32 $0xFFFFC000  }
0x107: {  	v2 =	vld [tilespmem:s1+$0x4300]  }
0x108: {  	v4 =	vld [tilespmem:s1+$0x4310]  }
0x109: {  	v3 =	vld [tilespmem:s1+$0x4320]  }
0x10a: {  	v1 =	vld [tilespmem:s1+$0x4330]  }
0x10b: {  	v0 =	vld [tilespmem:s1+$0x4340]  }
0x10c: {  	s14 =	simm.s32 $0x9;
	v5 =	vmax.f32 v2, $0.0e+00;
	v2 =	vld [tilespmem:s1+$0x4350]  }
0x10d: {  	s16 =	simm.s32 $0x1C300;
	s3 =	simm.s32 $0x200;
	s21 =	simm.s32 $0x10;
	[tilespmem:s1+$0x4300] =	vst v5;
	v5 =	vmax.f32 v4, $0.0e+00;
	v4 =	vld [tilespmem:s1+$0x4360]  }
.LBB2_10:
0x10e: {  	s4 =	sshra.s32 s3, $0x2;
	p0 =	sne.s32 s3, $0xFE00;
	[tilespmem:s1+$0x4310] =	vst v5;
	v3 =	vmax.f32 v3, $0.0e+00;
	v5 =	vld [tilespmem:s1+$0x4370]  }
0x10f: {  	v6 =	vld [tilespmem:s4+$0x4300];
	[tilespmem:s1+$0x4320] =	vst v3;
	v1 =	vmax.f32 v1, $0.0e+00  }
0x110: {  	v7 =	vld [tilespmem:s4+$0x4310];
	[tilespmem:s1+$0x4330] =	vst v1;
	v0 =	vmax.f32 v0, $0.0e+00  }
.Ltmp4:
0x111: {  	v3 =	vld [tilespmem:s4+$0x4320];
	[tilespmem:s1+$0x4340] =	vst v0;
	v0 =	vmax.f32 v2, $0.0e+00;
	(pc) =	sbr.rel @p0 .LBB2_10-.Ltmp4, $4  }
0x112: {  	v1 =	vld [tilespmem:s4+$0x4330];
	[tilespmem:s1+$0x4350] =	vst v0;
	v2 =	vmax.f32 v4, $0.0e+00  }
0x113: {  	v0 =	vld [tilespmem:s4+$0x4340];
	[tilespmem:s1+$0x4360] =	vst v2;
	v4 =	vmax.f32 v5, $0.0e+00  }
0x114: {  	v5 =	vmax.f32 v6, $0.0e+00;
	v2 =	vld [tilespmem:s4+$0x4350];
	[tilespmem:s1+$0x4370] =	vst v4;
	s1 =	smov.u32 s4  }
0x115: {  	s3 =	sadd.s32 $0x200, s3;
	[tilespmem:s1+$0x4300] =	vst v5;
	v5 =	vmax.f32 v7, $0.0e+00;
	v4 =	vld [tilespmem:s1+$0x4360]  }
0x116: {  	[tilespmem:s1+$0x4310] =	vst v5;
	v3 =	vmax.f32 v3, $0.0e+00;
	v5 =	vld [tilespmem:s1+$0x4370]  }
0x117: {  	[tilespmem:s1+$0x4320] =	vst v3;
	v1 =	vmax.f32 v1, $0.0e+00  }
0x118: {  	[tilespmem:s1+$0x4330] =	vst v1;
	v0 =	vmax.f32 v0, $0.0e+00  }
0x119: {  	[tilespmem:s1+$0x4340] =	vst v0;
	v0 =	vmax.f32 v2, $0.0e+00  }
0x11a: {  	[tilespmem:s1+$0x4350] =	vst v0;
	v0 =	vmax.f32 v4, $0.0e+00  }
0x11b: {  	[tilespmem:s1+$0x4360] =	vst v0;
	v0 =	vmax.f32 v5, $0.0e+00  }
0x11c: {  	s3 =	rddreg [dreg:$0x15];
	[tilespmem:s1+$0x4370] =	vst v0;
	s1 =	simm.s32 $0x0  }
0x11d: {  	[hbm4b:s3+s1] =	stream.linear.scatter [tilespmem:s28], [sflag:$0x6], $0x4000, $0x38;
	[tilespmem:$0x1C380] =	vst v63  }
0x11e: {  	_ = 	snop  }
0x11f: {  	[spmem:s26] =	stream.indirect.scatter.add.f32 [tilespmem:s28], [sflag:$0x8], $0x80, s24, s18, $0xb8;
	[tilespmem:$0x1C380] =	vst v63  }
0x120: {  	_ =	swait.ge [sflag:s13], $0x4000  }
0x121: {  	[sflag:s13] =	ssyncset.done $0x0  }
0x122: {  	[sflag:s13] =	ssyncadd.s32 $0xFFFFC000  }
0x123: {  	_ =	swait.ge [sflag:s15], $0x4000  }
0x124: {  	[sflag:s15] =	ssyncset.done $0x0  }
0x125: {  	s4 =	rddreg [dreg:$0x16];
	[sflag:s15] =	ssyncadd.s32 $0xFFFFC000  }
0x126: {  	[tilespmem:s1], [sflag:$0x9] =	stream.linear.gather [hbm4b:s4+s1], $0x10, $0x38;
	[tilespmem:$0x1C380] =	vst v63  }
0x127: {  	_ =	swait.ge [sflag:s14], $0x10  }
0x128: {  	[sflag:s14] =	ssyncset.done $0x0  }
0x129: {  	s4 =	rddreg [dreg:$0x17];
	[sflag:s14] =	ssyncadd.s32 $0xFFFFFFF0  }
0x12a: {  	[tilespmem:s18], [sflag:$0x9] =	stream.linear.gather [hbm4b:s4+s1], $0x10, $0x38;
	[tilespmem:$0x1C380] =	vst v63  }
0x12b: {  	_ =	swait.ge [sflag:s14], $0x10  }
0x12c: {  	[sflag:s14] =	ssyncset.done $0x0  }
0x12d: {  	s4 =	rddreg [dreg:$0x18];
	[sflag:s14] =	ssyncadd.s32 $0xFFFFFFF0  }
0x12e: {  	[tilespmem:s16], [sflag:$0x9] =	stream.linear.gather [hbm4b:s4+s1], $0x10, $0x38;
	[tilespmem:$0x1C380] =	vst v63  }
0x12f: {  	_ =	swait.ge [sflag:s14], $0x10  }
0x130: {  	[sflag:s14] =	ssyncset.done $0x0  }
0x131: {  	s4 =	rddreg [dreg:$0x19];
	[sflag:s14] =	ssyncadd.s32 $0xFFFFFFF0  }
0x132: {  	[tilespmem:s20], [sflag:$0x9] =	stream.linear.gather [hbm4b:s4+s1], $0x800, $0x38;
	[tilespmem:$0x1C380] =	vst v63  }
0x133: {  	_ =	swait.ge [sflag:s14], $0x800  }
0x134: {  	[sflag:s14] =	ssyncset.done $0x0  }
0x135: {  	[sflag:s14] =	ssyncadd.s32 $0xFFFFF800  }
0x136: {  	[tilespmem:s20], [sflag:$0x1] =	stream.indirect.gather.add.f32 [hbm:s7], $0x80, s1, s21, $0xb8;
	[tilespmem:$0x1C380] =	vst v63  }
0x137: {  	_ =	swait.ge [sflag:s29], $0x800  }
0x138: {  	[sflag:s29] =	ssyncset.done $0x0  }
0x139: {  	[sflag:s29] =	ssyncadd.s32 $0xFFFFF800  }
0x13a: {  	[tilespmem:s20], [sflag:$0x3] =	stream.indirect.gather.add.f32 [hbm:s8], $0x80, s18, s21, $0xb8;
	[tilespmem:$0x1C380] =	vst v63  }
0x13b: {  	_ =	swait.ge [sflag:s30], $0x800  }
0x13c: {  	[sflag:s30] =	ssyncset.done $0x0  }
0x13d: {  	s1 =	simm.s32 $0x0;
	[sflag:s30] =	ssyncadd.s32 $0xFFFFF800  }
0x13e: {  	v2 =	vld [tilespmem:s1+$0x300]  }
0x13f: {  	v4 =	vld [tilespmem:s1+$0x310]  }
0x140: {  	v3 =	vld [tilespmem:s1+$0x320]  }
0x141: {  	v1 =	vld [tilespmem:s1+$0x330]  }
0x142: {  	v0 =	vld [tilespmem:s1+$0x340]  }
0x143: {  	v5 =	vmax.f32 v2, $0.0e+00;
	v2 =	vld [tilespmem:s1+$0x350]  }
0x144: {  	s3 =	simm.s32 $0x200;
	[tilespmem:s1+$0x300] =	vst v5;
	v5 =	vmax.f32 v4, $0.0e+00;
	v4 =	vld [tilespmem:s1+$0x360]  }
.LBB2_12:
0x145: {  	s4 =	sshra.s32 s3, $0x2;
	p0 =	sne.s32 s3, $0x1E00;
	[tilespmem:s1+$0x310] =	vst v5;
	v3 =	vmax.f32 v3, $0.0e+00;
	v5 =	vld [tilespmem:s1+$0x370]  }
0x146: {  	v6 =	vld [tilespmem:s4+$0x300];
	[tilespmem:s1+$0x320] =	vst v3;
	v1 =	vmax.f32 v1, $0.0e+00  }
0x147: {  	v7 =	vld [tilespmem:s4+$0x310];
	[tilespmem:s1+$0x330] =	vst v1;
	v0 =	vmax.f32 v0, $0.0e+00  }
.Ltmp5:
0x148: {  	v3 =	vld [tilespmem:s4+$0x320];
	[tilespmem:s1+$0x340] =	vst v0;
	v0 =	vmax.f32 v2, $0.0e+00;
	(pc) =	sbr.rel @p0 .LBB2_12-.Ltmp5, $4  }
0x149: {  	v1 =	vld [tilespmem:s4+$0x330];
	[tilespmem:s1+$0x350] =	vst v0;
	v2 =	vmax.f32 v4, $0.0e+00  }
0x14a: {  	v0 =	vld [tilespmem:s4+$0x340];
	[tilespmem:s1+$0x360] =	vst v2;
	v4 =	vmax.f32 v5, $0.0e+00  }
0x14b: {  	v5 =	vmax.f32 v6, $0.0e+00;
	v2 =	vld [tilespmem:s4+$0x350];
	[tilespmem:s1+$0x370] =	vst v4;
	s1 =	smov.u32 s4  }
0x14c: {  	s3 =	sadd.s32 $0x200, s3;
	[tilespmem:s1+$0x300] =	vst v5;
	v5 =	vmax.f32 v7, $0.0e+00;
	v4 =	vld [tilespmem:s1+$0x360]  }
0x14d: {  	[tilespmem:s1+$0x310] =	vst v5;
	v3 =	vmax.f32 v3, $0.0e+00;
	v60 =	vld [tilespmem:s1+$0x370]  }
0x14e: {  	[tilespmem:s1+$0x320] =	vst v3;
	v1 =	vmax.f32 v1, $0.0e+00  }
0x14f: {  	[tilespmem:s1+$0x330] =	vst v1;
	v0 =	vmax.f32 v0, $0.0e+00  }
0x150: {  	[tilespmem:s1+$0x340] =	vst v0;
	v61 =	vmax.f32 v2, $0.0e+00  }
0x151: {  	[tilespmem:s1+$0x350] =	vst v61;
	v62 =	vmax.f32 v4, $0.0e+00  }
0x152: {  	[tilespmem:s1+$0x360] =	vst v62;
	v63 =	vmax.f32 v60, $0.0e+00  }
0x153: {  	s4 =	rddreg [dreg:$0x1a];
	[tilespmem:s1+$0x370] =	vst v63  }
0x154: {  	[hbm4b:s4+s5] =	stream.linear.scatter [tilespmem:s20], [sflag:$0x9], $0x800, $0x38;
	[tilespmem:$0x1C380] =	vst v63  }
0x155: {  	_ =	swait.ge [sflag:s14], $0x800  }
0x156: {  	[sflag:s14] =	ssyncset.done $0x0  }
0x157: {  	[sflag:s14] =	ssyncadd.s32 $0xFFFFF800  }
0x158: {  	[spmem:s26] =	stream.indirect.scatter.add.f32 [tilespmem:s20], [sflag:$0x7], $0x80, s16, s21, $0xb8;
	[tilespmem:$0x1C380] =	vst v63  }
0x159: {  	_ =	swait.ge [sflag:s0], $0x800  }
0x15a: {  	[sflag:s0] =	ssyncset.done $0x0  }
0x15b: {  	[sflag:s0] =	ssyncadd.s32 $0xFFFFF800  }
0x15c: {  	[bflag:$0x0] =	sbarrier.arrive $0xFFFF  }
0x15d: {  	s4 =	rddreg [dreg:$0x7]  }
0x15e: {  	s21 =	rddreg [dreg:$0x1b]  }
0x15f: {  	s3 =	rddreg [dreg:$0x1e]  }
0x160: {  	[hbm:s21], [sflag:s4] =	dma.local [spmem:s3], $0x2800  }
0x161: {  	_ =	swait.ge [sflag:s14], $0x2800  }
0x162: {  	s16 =	rddreg [dreg:$0x1d]  }
0x163: {  	s21 =	rddreg [dreg:$0x1c];
	s3 =	sadd.s32 $0x1, s16  }
0x164: {  	p0 =	sne.s32 s3, s21  }
.Ltmp6:
0x165: {  	_ = 	snop;
	(pc) =	sbr.rel @p0 .LBB2_1-.Ltmp6, $3  }
0x166: {  	_ =	sdelay $0x1  }
0x167: {  	[sflag:s14] =	ssyncset.done $0x0  }
0x168: {  	[sflag:s14] =	ssyncadd.s32 $0xFFFFD800  }
0x169: {  	_ =	sfence.sel $0x180000  }
0x16a: {  	[bflag:$0x0] =	sbarrier.arrive $0xFFFF  }
0x16b: {  	_ =	strace $0x9000004D  }
0x16c: {  	s0 =	stileid.u32;
	[bflag:$0x2] =	sbarrier.arrive $0xFFFF  }
0x16d: {  	p0 =	sne.s32 s0, $0x0;
	s0 =	rddreg [dreg:$0x4]  }
0x16e: {  	s0 =	sadd.s32 @!p0 $0x100000, s0  }
0x16f: {  	[sflag:s0] =	ssyncadd.tile.s32 @!p0 $0x1;
	_ =	shalt  }
.Lfunc_end2:
_tile_overlayer_lowered:
.L_overlay_start_2:
0x170: {  	(tag) =	ssettag $0x2  }
0x171: {  	s0 =	rddreg [dreg:$0x0];
	s2 =	stileid.u32  }
0x172: {  	s1 =	rddreg [dreg:$0x1];
	p0 =	sne.s32 s2, $0x0  }
0x173: {  	s3 =	rddreg [dreg:$0x2];
	[bflag:$0x3] =	sbarrier.arrive $0xFFFF;
	s2 =	simm.s32 @!p0 $0x1C09  }
0x174: {  	[timem:s3], [sflag:s2] =	dma.local @!p0 [hbm:s0], s1  }
0x175: {  	s0 =	simm.s32 @!p0 $0x9  }
0x176: {  	_ =	swait.ge @!p0 [sflag:s0], s1  }
0x177: {  	s1 =	ssub.s32 @!p0 $0x0, s1;
	[sflag:s0] =	ssyncset.done @!p0 $0x0  }
0x178: {  	[sflag:s0] =	ssyncadd.s32 @!p0 s1  }
0x179: {  	[bflag:$0x3] =	sbarrier.arrive $0xFFFF  }
0x17a: {  	_ =	shalt  }

// kernel: kernel.22.cloned.1.call-start
scs
__scs_entry_jumppad:
0x0: {  	(pc) =	sbr.rel $0x88, $3  }
0x1: {  	(tag) =	ssettag $0x0;
	lr =	simm.s32 $0x1  }
0x2: {  	[smem:$0x3F8B] =	sst lr;
	_ =	strace $0xD0000000  }
0x3: {  	_ = 	snop  }
0x4: {  	_ = 	snop  }
0x5: {  	_ = 	snop  }
0x6: {  	_ = 	snop  }
0x7: {  	_ = 	snop  }
__scs_overlays_trampoline_lowered:
0x8: {  	[smem:$0x3F9A] =	sst s0  }
0x9: {  	[smem:$0x3F9B] =	sst s1  }
0xa: {  	[smem:$0x3F9C] =	sst s2  }
0xb: {  	[smem:$0x3F9D] =	sst s3  }
0xc: {  	[smem:$0x3F9E] =	sst s4  }
0xd: {  	[smem:$0x3F9F] =	sst s5  }
0xe: {  	[smem:$0x3FA0] =	sst s6  }
0xf: {  	[smem:$0x3FA1] =	sst s7  }
0x10: {  	[smem:$0x3FA2] =	sst s8  }
0x11: {  	[smem:$0x3FA3] =	sst s9;
	s0 =	simm.s32 @!p0 $0x0  }
0x12: {  	s1 =	sld [smem:$0x3F89];
	s0 =	simm.s32 @p0 $0x1  }
0x13: {  	[smem:$0x3FA4] =	sst s0;
	s0 =	simm.s32 @!p1 $0x0  }
0x14: {  	s2 =	sld [smem:$0x3F88];
	s0 =	simm.s32 @p1 $0x1  }
0x15: {  	[smem:$0x3FA5] =	sst s0;
	s0 =	simm.s32 @!p2 $0x0  }
0x16: {  	s3 =	sld [smem:$0x3FDB];
	s0 =	simm.s32 @p2 $0x1  }
0x17: {  	s4 =	simm.s32 $0x1BF5;
	[smem:$0x3FA7] =	sst s0  }
0x18: {  	s0 =	sld [smem:$0x3F8A];
	_ =	swait.ge [sflag:s4], $0x0  }
0x19: {  	s7 =	sld [smem:$0x3F8B]  }
0x1a: {  	s8 =	sadd.s32 $0xFFFFE003, lr  }
0x1b: {  	s9 =	sadd.s32 $0xFFFFFEF7, lr;
	s5 =	simm.s32 $0xFFFFFFFF;
	p2 =	slt.u32 s8, $0xFFFFF086  }
0x1c: {  	p1 =	slt.u32 s9, $0xF7A;
	s5 =	simm.s32 @!p2 $0x0  }
0x1d: {  	s5 =	simm.s32 @p1 $0x1;
	p0 =	seq.s32 s7, s2  }
0x1e: {  	s7 =	smul.u32 @!p0 $0xF7A, s2;
	p2 =	seq.s32 @!p0 s5, $0x0  }
0x1f: {  	s9 =	smul.u32 $0xF7A, s1;
	s8 =	simm.s32 @!p0 $0x1BF5;
	p2 =	por !p2, p0  }
0x20: {  	[sflag:s8] =	ssyncset.s32 @!p0 $0xFFFFF086;
	s6 =	sadd.s32 @!p0 s3, s7;
	s7 =	simm.s32 @!p0 $0x108  }
0x21: {  	s3 =	sadd.s32 s3, s9;
	s6 =	sadd.s32 @!p0 $0x88, s6;
	s7 =	simm.s32 @p2 $0x1082  }
0x22: {  	[simem:s7], [sflag:s8] =	dma.local @!p0 [hbm:s6], $0xF7A  }
0x23: {  	s9 =	sor.u32 $0xD0000000, s2;
	s6 =	simm.s32 $0x108;
	_ =	swait.ge @!p0 [sflag:s8], $0x0  }
0x24: {  	s3 =	sadd.s32 $0x88, s3;
	s6 =	simm.s32 @!p1 $0x1082;
	[sflag:s4] =	ssyncset.s32 $0xFFFFF086  }
0x25: {  	[simem:s6], [sflag:s4] =	dma.local [hbm:s3], $0xF7A  }
0x26: {  	[smem:$0x3F8B] =	sst s1;
	(tag) =	ssettag s2;
	_ =	strace s9  }
0x27: {  	s1 =	sld [smem:$0x3F9B]  }
0x28: {  	s2 =	sld [smem:$0x3F9C]  }
0x29: {  	s4 =	sld [smem:$0x3F9E]  }
0x2a: {  	p0 =	seq.s32 s5, $0x0;
	s5 =	sld [smem:$0x3F9F]  }
0x2b: {  	s6 =	sld [smem:$0x3FA0]  }
0x2c: {  	s7 =	sld [smem:$0x3FA1]  }
0x2d: {  	s3 =	simm.s32 $0x108;
	s8 =	sld [smem:$0x3FA2]  }
0x2e: {  	s3 =	simm.s32 @!p0 $0x1082;
	s9 =	sld [smem:$0x3FA3]  }
0x2f: {  	lr =	sadd.s32 s0, s3;
	s0 =	sld [smem:$0x3F9A]  }
0x30: {  	s3 =	sld [smem:$0x3F9D]  }
0x31: {  	[smem:$0x3FA6] =	sst s10  }
0x32: {  	s10 =	sld [smem:$0x3FA4];
	_ =	sdelay $0x3  }
0x33: {  	p0 =	seq.s32 s10, $0x1;
	s10 =	sld [smem:$0x3FA6];
	_ =	sdelay $0x3  }
0x34: {  	[smem:$0x3FA6] =	sst s10  }
0x35: {  	s10 =	sld [smem:$0x3FA5];
	_ =	sdelay $0x3  }
0x36: {  	p1 =	seq.s32 s10, $0x1;
	s10 =	sld [smem:$0x3FA6];
	_ =	sdelay $0x3  }
0x37: {  	[smem:$0x3FA6] =	sst s10  }
0x38: {  	s10 =	sld [smem:$0x3FA7]  }
0x39: {  	_ = 	snop;
	(pc) =	sbr.ind lr, $3  }
0x3a: {  	_ = 	snop  }
0x3b: {  	_ = 	snop  }
0x3c: {  	p2 =	seq.s32 s10, $0x1;
	s10 =	sld [smem:$0x3FA6]  }
0x3d: {  	_ =	shalt  }
0x3e: {  	_ =	shalt  }
0x3f: {  	_ =	shalt  }
0x40: {  	_ =	shalt  }
0x41: {  	_ =	shalt  }
0x42: {  	_ =	shalt  }
0x43: {  	_ =	shalt  }
0x44: {  	_ =	shalt  }
0x45: {  	_ =	shalt  }
0x46: {  	_ =	shalt  }
0x47: {  	_ =	shalt  }
0x48: {  	_ =	shalt  }
0x49: {  	_ =	shalt  }
0x4a: {  	_ =	shalt  }
0x4b: {  	_ =	shalt  }
0x4c: {  	_ =	shalt  }
0x4d: {  	_ =	shalt  }
0x4e: {  	_ =	shalt  }
0x4f: {  	_ =	shalt  }
0x50: {  	_ =	shalt  }
0x51: {  	_ =	shalt  }
0x52: {  	_ =	shalt  }
0x53: {  	_ =	shalt  }
0x54: {  	_ =	shalt  }
0x55: {  	_ =	shalt  }
0x56: {  	_ =	shalt  }
0x57: {  	_ =	shalt  }
0x58: {  	_ =	shalt  }
0x59: {  	_ =	shalt  }
0x5a: {  	_ =	shalt  }
0x5b: {  	_ =	shalt  }
0x5c: {  	_ =	shalt  }
0x5d: {  	_ =	shalt  }
0x5e: {  	_ =	shalt  }
0x5f: {  	_ =	shalt  }
0x60: {  	_ =	shalt  }
0x61: {  	_ =	shalt  }
0x62: {  	_ =	shalt  }
0x63: {  	_ =	shalt  }
0x64: {  	_ =	shalt  }
0x65: {  	_ =	shalt  }
0x66: {  	_ =	shalt  }
0x67: {  	_ =	shalt  }
0x68: {  	_ =	shalt  }
0x69: {  	_ =	shalt  }
0x6a: {  	_ =	shalt  }
0x6b: {  	_ =	shalt  }
0x6c: {  	_ =	shalt  }
0x6d: {  	_ =	shalt  }
0x6e: {  	_ =	shalt  }
0x6f: {  	_ =	shalt  }
0x70: {  	_ =	shalt  }
0x71: {  	_ =	shalt  }
0x72: {  	_ =	shalt  }
0x73: {  	_ =	shalt  }
0x74: {  	_ =	shalt  }
0x75: {  	_ =	shalt  }
0x76: {  	_ =	shalt  }
0x77: {  	_ =	shalt  }
0x78: {  	_ =	shalt  }
0x79: {  	_ =	shalt  }
0x7a: {  	_ =	shalt  }
0x7b: {  	_ =	shalt  }
0x7c: {  	_ =	shalt  }
0x7d: {  	_ =	shalt  }
0x7e: {  	_ =	shalt  }
0x7f: {  	_ =	shalt  }
0x80: {  	_ =	shalt  }
0x81: {  	_ =	shalt  }
0x82: {  	_ =	shalt  }
0x83: {  	_ =	shalt  }
0x84: {  	_ =	shalt  }
0x85: {  	_ =	shalt  }
0x86: {  	_ =	shalt  }
0x87: {  	_ =	shalt  }
.Lfunc_end0:
.L_simem_size_0:
called_computation.3_lowered:
.L_overlay_start_0:
0x88: {  	s2 =	sld [smem:$0x3FD9]  }
0x89: {  	s3 =	sld [smem:$0x3FFE];
	_ =	sdelay $0x1  }
0x8a: {  	s1 =	srdreg.scid  }
0x8b: {  	s0 =	sand.u32 $0x1, s1  }
0x8c: {  	s16 =	sshll.u32 s0, $0xA;
	s2 =	sadd.s32 s3, s2  }
0x8d: {  	s2 =	sadd.s32 s2, s16  }
0x8e: {  	[smem:$0x3FB2] =	sst s2  }
0x8f: {  	_ = 	snop  }
0x90: {  	(tm) =	ssettm $0x1  }
0x91: {  	s17 =	sld [smem:$0x3FFB];
	_ =	sdelay $0x3  }
0x92: {  	_ =	strace s17  }
0x93: {  	s2 =	sld [smem:$0x3FFC];
	_ =	sdelay $0x3  }
0x94: {  	_ =	strace s2  }
0x95: {  	s2 =	sld [smem:$0x3FFD];
	_ =	sdelay $0x3  }
0x96: {  	_ =	strace s2  }
0x97: {  	_ =	strace $0x8FFFFFFF  }
0x98: {  	s18 =	sld [smem:$0x3FDB];
	_ =	sdelay $0x1  }
0x99: {  	s19 =	simm.s32 $_scs_section_size  }
0x9a: {  	s4 =	simm.s32 $_size__tile_overlayer_lowered;
	s5 =	simm.s32 $_tile_overlayer_lowered  }
0x9b: {  	s22 =	simm.s32 $0x1BFF;
	s21 =	sshll.u32 s5, $0x1;
	s2 =	sadd.s32 s19, s18  }
0x9c: {  	s6 =	simm.s32 $0x0;
	s20 =	sshll.u32 s4, $0x1;
	s4 =	sadd.s32 s21, s2  }
0x9d: {  	[timem:s6], [sflag:s22] =	dma.local [hbm:s4], s20  }
0x9e: {  	_ =	swait.ge [sflag:s22], s20  }
0x9f: {  	s3 =	ssub.s32 $0x0, s20;
	[sflag:s22] =	ssyncset.done $0x0  }
0xa0: {  	[sflag:s22] =	ssyncadd.s32 s3;
	_ =	sdelay $0x1  }
0xa1: {  	s23 =	simm.s32 $0x1B8B  }
0xa2: {  	_ =	swait.ge [sflag:s23], $0x1  }
0xa3: {  	[sflag:s23] =	ssyncset.done $0x0  }
0xa4: {  	s25 =	simm.s32 $0x1B8E;
	s24 =	sld [smem:$0x3FFE];
	[sflag:s23] =	ssyncadd.s32 $0xFFFFFFFF  }
0xa5: {  	s26 =	simm.s32 $execute0_lowered;
	[smem:$0x3FD2] =	sst s25  }
0xa6: {  	s4 =	sshll.u32 s26, $0x1;
	_ =	strace $0x8000004F;
	[dreg:$0x1] =	wrdreg $0xFFFFFFFF  }
0xa7: {  	s28 =	simm.s32 $_size_execute0_lowered;
	s2 =	sadd.s32 s2, s4;
	[dreg:$0x0] =	wrdreg $0x0  }
0xa8: {  	s4 =	sshll.u32 s28, $0x1;
	[dreg:$0x2] =	wrdreg s2  }
0xa9: {  	[dreg:$0x3] =	wrdreg s4  }
0xaa: {  	[dreg:$0x4] =	wrdreg $0xC0  }
0xab: {  	_ =	task [dreg:s6], $0x5FFFF  }
0xac: {  	[dreg:$0x1] =	wrdreg $0xFFFFFFFF  }
0xad: {  	[dreg:$0x0] =	wrdreg $0x60  }
0xae: {  	[dreg:$0x2] =	wrdreg s24  }
0xaf: {  	[dreg:$0x3] =	wrdreg $0x81000  }
0xb0: {  	[dreg:$0x4] =	wrdreg $0x9  }
0xb1: {  	_ =	task.clear_ibuf [dreg:s6], $0x5FFFF;
	_ =	strace $0x9000004F  }
0xb2: {  	s29 =	simm.s32 $0x9;
	_ =	strace $0x80000051  }
0xb3: {  	_ =	swait.ge [sflag:s29], $0x1  }
0xb4: {  	[sflag:s29] =	ssyncadd.s32 $0xFFFFFFFF  }
0xb5: {  	_ =	strace $0x90000051  }
0xb6: {  	_ =	sfence  }
0xb7: {  	s30 =	sld [smem:$0x0];
	_ =	sdelay $0x2  }
0xb8: {  	s31 =	sshll.u32 s1, $0xD;
	s1 =	sshrl.u32 s1, $0x2  }
0xb9: {  	s3 =	sand.u32 $0x4000, s31;
	s1 =	sadd.s32 s1, s30  }
0xba: {  	s0 =	sor.u32 s3, s0;
	s1 =	sshll.u32 s1, $0x11  }
0xbb: {  	s0 =	sor.u32 s1, s0  }
0xbc: {  	s0 =	sadd.s32 $0x8F2B, s0  }
0xbd: {  	[sflag:s0] =	ssyncadd.remote.s32 $0x1  }
0xbe: {  	_ =	sfence.sel $0xFFFF  }
0xbf: {  	[dreg:$0x0] =	wrdreg $0xFFFFFFFF;
	(pc) =	sbr.abs _section_cstart, $3  }
0xc0: {  	[dreg:$0x1] =	wrdreg $0xFFFFFFFF  }
0xc1: {  	_ =	task.clear_ibuf [dreg:s6], $0x2FFFF;
	_ =	strace $0x9FFFFFFF  }
0xc2: {  	(tm) =	ssettm $0x7FFFFFFF  }
0xc3: {  	_ =	shalt  }
tec
execute0_lowered:
.L_overlay_start_1:
0x0: {  	(tag) =	ssettag $0x1  }
0x1: {  	s0 =	rddreg [dreg:$0x0]  }
0x2: {  	s1 =	srdreg.scid;
	s2 =	rddreg [dreg:$0x1]  }
0x3: {  	s19 =	stileid.u32;
	s3 =	simm.s32 $0x0;
	s28 =	simm.s32 $0x1C180  }
0x4: {  	s30 =	simm.s32 $0x0;
	s1 =	sand.u32 $0x1, s1;
	s5 =	smul.u32 $0x14000, s19  }
0x5: {  	[smem:$0x7FF] =	sst s3;
	s14 =	sadd.s32 $0x106000, s0;
	s16 =	sadd.s32 $0x6C00, s0  }
0x6: {  	s10 =	sshll.u32 s19, $0x1;
	s7 =	smul.u32 $0x50000, s19;
	s20 =	sshll.u32 s19, $0x6  }
0x7: {  	s4 =	smul.u32 $0x140000, s1;
	_ =	strace $0x80000050;
	s6 =	ssub.s32 $0x2, s1  }
0x8: {  	s24 =	smul.u32 $0x27100, s1;
	s11 =	sshrl.u32 s6, $0x1;
	s12 =	sshrl.u32 s7, $0x2  }
0x9: {  	s4 =	sadd.s32 s5, s4;
	s5 =	ssub.s32 s10, s1;
	s13 =	ssub.s32 s6, s11  }
0xa: {  	s10 =	smul.u32 $0x4E200, s1;
	s17 =	sadd.s32 s12, s2;
	s4 =	sshrl.u32 s4, $0x3  }
0xb: {  	s9 =	smul.u32 $0x2710, s5;
	s5 =	sor.u32 $0x1C05, s20;
	s13 =	smax.u32 s13, $0x1  }
0xc: {  	s17 =	sshrl.u32 s17, $0x3;
	s20 =	simm.s32 $0x80;
	s0 =	sadd.s32 s4, s0  }
0xd: {  	s15 =	sadd.s32 $0xACBC00, s0;
	s18 =	sadd.s32 $0x2710, s9;
	s11 =	sadd.s32 $0x2790, s9  }
0xe: {  	s12 =	sadd.s32 $0x4E10, s9;
	[dreg:$0x3] =	wrdreg s15;
	s21 =	sadd.s32 s10, s18  }
0xf: {  	s8 =	sadd.s32 s10, s11;
	s7 =	sshll.u32 s18, $0x4;
	s15 =	smul.u32 $0x4E200, s19  }
0x10: {  	s22 =	sshll.u32 s11, $0x4;
	s10 =	sadd.s32 s10, s12;
	s18 =	smul.u32 $0x4BAF0, s1  }
0x11: {  	s23 =	sshll.u32 s12, $0x4;
	s19 =	smul.u32 $0x4E20, s19;
	s12 =	sadd.s32 $0x41800, s0  }
0x12: {  	s6 =	sshrl.u32 s21, $0x3;
	s8 =	sshrl.u32 s8, $0x3;
	s7 =	sadd.s32 s14, s7  }
0x13: {  	s9 =	sadd.s32 s14, s22;
	s10 =	sshrl.u32 s10, $0x3;
	s11 =	sadd.s32 s14, s23  }
0x14: {  	s21 =	simm.s32 $0x4100;
	s22 =	simm.s32 $0x1;
	s23 =	simm.s32 $0x3  }
0x15: {  	s6 =	sadd.s32 s16, s6;
	s8 =	sadd.s32 s16, s8;
	s10 =	sadd.s32 s16, s10  }
0x16: {  	s25 =	sadd.s32 s15, s14;
	s26 =	sadd.s32 s19, s18;
	s18 =	simm.s32 $0x5  }
0x17: {  	s19 =	simm.s32 $0x100;
	s0 =	ssub.s32 s25, s24;
	s29 =	sadd.s32 $0x2890, s26  }
0x18: {  	s14 =	sadd.s32 $0x2810, s26;
	s24 =	simm.s32 $0x2;
	s25 =	simm.s32 $0x4  }
0x19: {  	s26 =	simm.s32 $0x1C100;
	s31 =	sshrl.u32 s29, $0x3;
	s14 =	sshrl.u32 s14, $0x3  }
0x1a: {  	s1 =	sadd.s32 $0x28900, s0;
	s15 =	sadd.s32 s31, s16;
	s16 =	sadd.s32 s14, s16  }
.LBB2_1:
0x1b: {  	s0 =	rddreg [dreg:$0x3]  }
0x1c: {  	[spmem:s17], [sflag:s5] =	dma.local [hbm:s0], $0x2800  }
0x1d: {  	_ =	swait.ge [sflag:s18], $0x2800  }
0x1e: {  	[sflag:s18] =	ssyncset.done $0x0  }
0x1f: {  	[sflag:s18] =	ssyncadd.s32 $0xFFFFD800  }
0x20: {  	[bflag:$0x0] =	sbarrier.arrive $0xFFFF  }
0x21: {  	[tilespmem:s3], [sflag:$0x1] =	stream.linear.gather [hbm4b:s6+s3], $0x80, $0x38;
	[tilespmem:$0x1C980] =	vst v63  }
0x22: {  	_ = 	snop  }
0x23: {  	[tilespmem:s19], [sflag:$0x1] =	stream.linear.gather [hbm4b:s7+s3], $0x4000, $0x38;
	[tilespmem:$0x1C980] =	vst v63  }
0x24: {  	_ = 	snop  }
0x25: {  	[tilespmem:s20], [sflag:$0x2] =	stream.linear.gather [hbm4b:s8+s3], $0x80, $0x38;
	[tilespmem:$0x1C980] =	vst v63  }
0x26: {  	_ = 	snop  }
0x27: {  	[tilespmem:s21], [sflag:$0x2] =	stream.linear.gather [hbm4b:s9+s3], $0x4000, $0x38;
	[tilespmem:$0x1C980] =	vst v63  }
0x28: {  	_ =	swait.ge [sflag:s22], $0x80  }
0x29: {  	[sflag:s22] =	ssyncset.done $0x0  }
0x2a: {  	[sflag:s22] =	ssyncadd.s32 $0xFFFFFF80  }
0x2b: {  	_ =	swait.ge [sflag:s22], $0x4000  }
0x2c: {  	[sflag:s22] =	ssyncset.done $0x0  }
0x2d: {  	[sflag:s22] =	ssyncadd.s32 $0xFFFFC000  }
0x2e: {  	[spmem:s2] =	stream.indirect.scatter.add.f32 [tilespmem:s19], [sflag:$0x3], $0x80, s3, s20, $0xb8;
	[tilespmem:$0x1C980] =	vst v63  }
0x2f: {  	_ =	swait.ge [sflag:s23], $0x4000  }
0x30: {  	[sflag:s23] =	ssyncset.done $0x0  }
0x31: {  	s4 =	sadd.s32 $0x0, s16;
	[sflag:s23] =	ssyncadd.s32 $0xFFFFC000  }
0x32: {  	[tilespmem:s3], [sflag:$0x1] =	stream.linear.gather [hbm4b:s4+s3], $0x80, $0x38;
	[tilespmem:$0x1C980] =	vst v63  }
0x33: {  	s14 =	sadd.s32 $0xFFFFF800, s1  }
0x34: {  	[tilespmem:s19], [sflag:$0x1] =	stream.linear.gather [hbm4b:s14+s3], $0x4000, $0x38;
	[tilespmem:$0x1C980] =	vst v63  }
0x35: {  	_ =	swait.ge [sflag:s24], $0x80  }
0x36: {  	[sflag:s24] =	ssyncset.done $0x0  }
0x37: {  	[sflag:s24] =	ssyncadd.s32 $0xFFFFFF80  }
0x38: {  	_ =	swait.ge [sflag:s24], $0x4000  }
0x39: {  	[sflag:s24] =	ssyncset.done $0x0  }
0x3a: {  	[sflag:s24] =	ssyncadd.s32 $0xFFFFC000  }
0x3b: {  	[spmem:s2] =	stream.indirect.scatter.add.f32 [tilespmem:s21], [sflag:$0x4], $0x80, s20, s20, $0xb8;
	[tilespmem:$0x1C980] =	vst v63  }
0x3c: {  	_ =	swait.ge [sflag:s25], $0x4000  }
0x3d: {  	s29 =	sadd.s32 $0x0, s15;
	s31 =	simm.s32 $0x20;
	[sflag:s25] =	ssyncset.done $0x0  }
0x3e: {  	s0 =	sadd.s32 $0x1000, s1;
	s14 =	smov.u32 s1;
	[sflag:s25] =	ssyncadd.s32 $0xFFFFC000  }
0x3f: {  	[tilespmem:s20], [sflag:$0x2] =	stream.linear.gather [hbm4b:s29+s3], $0x80, $0x38;
	[tilespmem:$0x1C980] =	vst v63  }
.LBB2_2:
0x40: {  	[tilespmem:s21], [sflag:$0x2] =	stream.linear.gather [hbm4b:s14+s3], $0x4000, $0x38;
	[tilespmem:$0x1C980] =	vst v63  }
0x41: {  	s29 =	smov.u32 s31;
	s14 =	smov.u32 s0  }
0x42: {  	p0 =	sne.s32 s31, $0x4A0;
	s31 =	sadd.s32 $0x20, s31;
	_ =	swait.ge [sflag:s22], $0x80  }
0x43: {  	[sflag:s22] =	ssyncset.done $0x0  }
0x44: {  	[sflag:s22] =	ssyncadd.s32 $0xFFFFFF80  }
0x45: {  	_ =	swait.ge [sflag:s22], $0x4000  }
0x46: {  	[sflag:s22] =	ssyncset.done $0x0  }
0x47: {  	[sflag:s22] =	ssyncadd.s32 $0xFFFFC000  }
0x48: {  	[spmem:s2] =	stream.indirect.scatter.add.f32 [tilespmem:s19], [sflag:$0x3], $0x80, s3, s20, $0xb8;
	[tilespmem:$0x1C980] =	vst v63  }
0x49: {  	_ =	swait.ge [sflag:s23], $0x4000  }
0x4a: {  	[sflag:s23] =	ssyncset.done $0x0  }
0x4b: {  	s4 =	sadd.s32 s29, s16;
	[sflag:s23] =	ssyncadd.s32 $0xFFFFC000  }
0x4c: {  	[tilespmem:s3], [sflag:$0x1] =	stream.linear.gather [hbm4b:s4+s3], $0x80, $0x38;
	[tilespmem:$0x1C980] =	vst v63  }
0x4d: {  	s4 =	sadd.s32 $0xFFFFF800, s0  }
0x4e: {  	[tilespmem:s19], [sflag:$0x1] =	stream.linear.gather [hbm4b:s4+s3], $0x4000, $0x38;
	[tilespmem:$0x1C980] =	vst v63  }
0x4f: {  	_ =	swait.ge [sflag:s24], $0x80  }
0x50: {  	[sflag:s24] =	ssyncset.done $0x0  }
0x51: {  	[sflag:s24] =	ssyncadd.s32 $0xFFFFFF80  }
0x52: {  	_ =	swait.ge [sflag:s24], $0x4000  }
0x53: {  	[sflag:s24] =	ssyncset.done $0x0  }
0x54: {  	[sflag:s24] =	ssyncadd.s32 $0xFFFFC000  }
0x55: {  	[spmem:s2] =	stream.indirect.scatter.add.f32 [tilespmem:s21], [sflag:$0x4], $0x80, s20, s20, $0xb8;
	[tilespmem:$0x1C980] =	vst v63  }
.Ltmp0:
0x56: {  	_ =	swait.ge [sflag:s25], $0x4000;
	(pc) =	sbr.rel @p0 .LBB2_2-.Ltmp0, $4  }
0x57: {  	[sflag:s25] =	ssyncset.done $0x0  }
0x58: {  	s4 =	sadd.s32 s29, s15;
	[sflag:s25] =	ssyncadd.s32 $0xFFFFC000  }
0x59: {  	[tilespmem:s20], [sflag:$0x2] =	stream.linear.gather [hbm4b:s4+s3], $0x80, $0x38;
	[tilespmem:$0x1C980] =	vst v63  }
0x5a: {  	s0 =	sadd.s32 $0x1000, s0  }
0x5b: {  	[tilespmem:s21], [sflag:$0x2] =	stream.linear.gather [hbm4b:s14+s3], $0x4000, $0x38;
	[tilespmem:$0x1C980] =	vst v63  }
0x5c: {  	_ =	swait.ge [sflag:s22], $0x80  }
0x5d: {  	[sflag:s22] =	ssyncset.done $0x0  }
0x5e: {  	[sflag:s22] =	ssyncadd.s32 $0xFFFFFF80  }
0x5f: {  	_ =	swait.ge [sflag:s22], $0x4000  }
0x60: {  	[sflag:s22] =	ssyncset.done $0x0  }
0x61: {  	[sflag:s22] =	ssyncadd.s32 $0xFFFFC000  }
0x62: {  	[spmem:s2] =	stream.indirect.scatter.add.f32 [tilespmem:s19], [sflag:$0x3], $0x80, s3, s20, $0xb8;
	[tilespmem:$0x1C980] =	vst v63  }
0x63: {  	_ =	swait.ge [sflag:s23], $0x4000  }
0x64: {  	[sflag:s23] =	ssyncset.done $0x0  }
0x65: {  	[sflag:s23] =	ssyncadd.s32 $0xFFFFC000  }
0x66: {  	_ =	swait.ge [sflag:s24], $0x80  }
0x67: {  	[sflag:s24] =	ssyncset.done $0x0  }
0x68: {  	[sflag:s24] =	ssyncadd.s32 $0xFFFFFF80  }
0x69: {  	_ =	swait.ge [sflag:s24], $0x4000  }
0x6a: {  	[sflag:s24] =	ssyncset.done $0x0  }
0x6b: {  	[sflag:s24] =	ssyncadd.s32 $0xFFFFC000  }
0x6c: {  	[spmem:s2] =	stream.indirect.scatter.add.f32 [tilespmem:s21], [sflag:$0x4], $0x80, s20, s20, $0xb8;
	[tilespmem:$0x1C980] =	vst v63  }
0x6d: {  	_ =	swait.ge [sflag:s25], $0x4000  }
0x6e: {  	[sflag:s25] =	ssyncset.done $0x0  }
0x6f: {  	[sflag:s25] =	ssyncadd.s32 $0xFFFFC000  }
0x70: {  	[tilespmem:s26], [sflag:$0x5] =	stream.linear.gather [hbm4b:s10+s3], $0x10, $0x38;
	[tilespmem:$0x1C980] =	vst v63  }
0x71: {  	_ =	swait.ge [sflag:s18], $0x10  }
0x72: {  	[sflag:s18] =	ssyncset.done $0x0  }
0x73: {  	[sflag:s18] =	ssyncadd.s32 $0xFFFFFFF0  }
0x74: {  	[tilespmem:s28], [sflag:$0x5] =	stream.linear.gather [hbm4b:s11+s3], $0x800, $0x38;
	[tilespmem:$0x1C980] =	vst v63  }
0x75: {  	_ =	swait.ge [sflag:s18], $0x800  }
0x76: {  	[sflag:s18] =	ssyncset.done $0x0  }
0x77: {  	s0 =	simm.s32 $0x10;
	[sflag:s18] =	ssyncadd.s32 $0xFFFFF800  }
0x78: {  	[spmem:s2] =	stream.indirect.scatter.add.f32 [tilespmem:s28], [sflag:$0x3], $0x80, s26, s0, $0xb8;
	[tilespmem:$0x1C980] =	vst v63  }
0x79: {  	_ =	swait.ge [sflag:s23], $0x800  }
0x7a: {  	s30 =	sadd.s32 $0x1, s30;
	[sflag:s23] =	ssyncset.done $0x0  }
0x7b: {  	p0 =	sne.s32 s30, s13;
	[sflag:s23] =	ssyncadd.s32 $0xFFFFF800  }
.Ltmp1:
0x7c: {  	[bflag:$0x0] =	sbarrier.arrive $0xFFFF;
	(pc) =	sbr.rel @p0 .LBB2_1-.Ltmp1, $4  }
0x7d: {  	[hbm:s12], [sflag:s5] =	dma.local [spmem:s17], $0x2800  }
0x7e: {  	_ =	swait.ge [sflag:s18], $0x2800  }
0x7f: {  	[sflag:s18] =	ssyncset.done $0x0  }
0x80: {  	[sflag:s18] =	ssyncadd.s32 $0xFFFFD800  }
0x81: {  	_ =	sfence.sel $0x180000  }
0x82: {  	[bflag:$0x0] =	sbarrier.arrive $0xFFFF  }
0x83: {  	_ =	strace $0x90000050  }
0x84: {  	s0 =	stileid.u32;
	[bflag:$0x2] =	sbarrier.arrive $0xFFFF  }
0x85: {  	p0 =	sne.s32 s0, $0x0;
	s0 =	rddreg [dreg:$0x2]  }
0x86: {  	s0 =	sadd.s32 @!p0 $0x100000, s0  }
0x87: {  	[sflag:s0] =	ssyncadd.tile.s32 @!p0 $0x1;
	_ =	shalt  }
.Lfunc_end2:
_tile_overlayer_lowered:
.L_overlay_start_2:
0x88: {  	(tag) =	ssettag $0x2  }
0x89: {  	s0 =	rddreg [dreg:$0x0];
	s2 =	stileid.u32  }
0x8a: {  	s1 =	rddreg [dreg:$0x1];
	p0 =	sne.s32 s2, $0x0  }
0x8b: {  	s3 =	rddreg [dreg:$0x2];
	[bflag:$0x3] =	sbarrier.arrive $0xFFFF;
	s2 =	simm.s32 @!p0 $0x1C05  }
0x8c: {  	[timem:s3], [sflag:s2] =	dma.local @!p0 [hbm:s0], s1  }
0x8d: {  	s0 =	simm.s32 @!p0 $0x5  }
0x8e: {  	_ =	swait.ge @!p0 [sflag:s0], s1  }
0x8f: {  	s1 =	ssub.s32 @!p0 $0x0, s1;
	[sflag:s0] =	ssyncset.done @!p0 $0x0  }
0x90: {  	[sflag:s0] =	ssyncadd.s32 @!p0 s1  }
0x91: {  	[bflag:$0x3] =	sbarrier.arrive $0xFFFF  }
0x92: {  	_ =	shalt  }

</sc_bundles>
